<compile_context>
chip_gen: v7x
topology: tpu7x:2x2x1
jax: 0.10.2.dev20260603
libtpu: 0.0.44.dev20260713+nightly
codegen_flags: <defaults>
</compile_context>

<pallas_src>
import functools

import jax
import jax.numpy as jnp
from jax import lax
from jax.experimental import pallas as pl
from jax.experimental.pallas import tpu as pltpu
from jax.experimental.pallas import tpu_sc as plsc

_N = 10000
_E = 320000
_D = 128

_NC = 2
_NS = 16
_NW = _NC * _NS
_EPW = _E // _NW
_CH = 40
_NCHUNK = _EPW // _CH
_ROUNDS = ((0, 128), (128, 122))
_RMAX = 128
_EROUNDS = ((0, 64), (64, 64), (128, 64), (192, 58))
_ERMAX = 64
_NBUF = 6
_ROWS_PER_TILE = _N // _NS
_DEGW = 128


def _deg_body(dst_hbm, out_hbm, idx_v, ones_v, zbuf_v, deg_sh,
              sem_a, sem_b, sem_c, sem_d):
  c = lax.axis_index("c")
  s = lax.axis_index("s")
  wid = c * _NS + s

  def fill(i, _):
    ones_v[i, :] = jnp.ones((_DEGW,), jnp.float32)
    return 0

  lax.fori_loop(0, _CH, fill, 0, unroll=4)

  def zfill(i, _):
    zbuf_v[i, :] = jnp.zeros((_DEGW,), jnp.float32)
    return 0

  lax.fori_loop(0, 25, zfill, 0, unroll=4)

  def zcopy(q, _):
    pltpu.sync_copy(
        zbuf_v, deg_sh.at[pl.ds(s * _ROWS_PER_TILE + q * 25, 25)])
    return 0

  lax.fori_loop(0, _ROWS_PER_TILE // 25, zcopy, 0)
  plsc.subcore_barrier()

  sems = (sem_a, sem_b, sem_c, sem_d)

  def start(j, b):
    pltpu.async_copy(ones_v, deg_sh.at[idx_v.at[j]], sems[b], add=True)

  def wait(j, b):
    pltpu.make_async_copy(ones_v, deg_sh.at[idx_v.at[j]], sems[b]).wait()

  for off, nch in _EROUNDS:
    pltpu.sync_copy(dst_hbm.at[wid, pl.ds(off, nch)],
                    idx_v.at[pl.ds(0, nch)])
    nquad = nch // 4
    tail = nch % 4
    for b in range(4):
      start(b, b)

    def body(k, _):
      j = 4 * k
      for b in range(4):
        wait(j + b, b)

        @pl.when(j + 4 + b < nch)
        def _():
          start(j + 4 + b, b)

      return 0

    lax.fori_loop(0, nquad, body, 0)
    for b in range(tail):
      wait(nquad * 4 + b, b)

  plsc.subcore_barrier()
  pltpu.sync_copy(
      deg_sh.at[pl.ds(s * _ROWS_PER_TILE, _ROWS_PER_TILE)],
      out_hbm.at[c, s],
  )


@functools.lru_cache(maxsize=None)
def _deg_kernel():
  return pl.kernel(
      _deg_body,
      out_type=jax.ShapeDtypeStruct(
          (_NC, _NS, _ROWS_PER_TILE, _DEGW), jnp.float32),
      mesh=plsc.VectorSubcoreMesh(
          core_axis_name="c", subcore_axis_name="s",
          num_cores=_NC, num_subcores=_NS),
      scratch_types=[
          pltpu.VMEM((_ERMAX, _CH), jnp.int32),
          pltpu.VMEM((_CH, _DEGW), jnp.float32),
          pltpu.VMEM((25, _DEGW), jnp.float32),
          pltpu.VMEM_SHARED((_N, _DEGW), jnp.float32),
          pltpu.SemaphoreType.DMA,
          pltpu.SemaphoreType.DMA,
          pltpu.SemaphoreType.DMA,
          pltpu.SemaphoreType.DMA,
      ],
  )


def _edge_body(sup_hbm, src_hbm, dst_hbm, out_hbm, sidx_v, didx_v,
               rows0, rows1, rows2, rows3, rows4, rows5, acc_sh,
               gs0, gs1, gs2, gs3, gs4, gs5, ss0, ss1, ss2, ss3, ss4, ss5):
  c = lax.axis_index("c")
  s = lax.axis_index("s")
  wid = c * _NS + s
  rows = (rows0, rows1, rows2, rows3, rows4, rows5)
  gsem = (gs0, gs1, gs2, gs3, gs4, gs5)
  ssem = (ss0, ss1, ss2, ss3, ss4, ss5)

  def zfill(i, _):
    for q in range(_D // 16):
      rows0[i, pl.ds(q * 16, 16)] = jnp.zeros((16,), jnp.float32)
    return 0

  lax.fori_loop(0, _CH, zfill, 0, unroll=4)
  base = s * _ROWS_PER_TILE

  def zcopy(q, _):
    pltpu.sync_copy(rows0, acc_sh.at[pl.ds(base + q * _CH, _CH)])
    return 0

  lax.fori_loop(0, _ROWS_PER_TILE // _CH, zcopy, 0)
  tail_rows = _ROWS_PER_TILE % _CH
  pltpu.sync_copy(
      rows0.at[pl.ds(0, tail_rows)],
      acc_sh.at[pl.ds(base + _ROWS_PER_TILE - tail_rows, tail_rows)])
  plsc.subcore_barrier()

  def gstart(j, b):
    pltpu.async_copy(sup_hbm.at[sidx_v.at[j]], rows[b], gsem[b])

  def gwait(j, b):
    pltpu.make_async_copy(sup_hbm.at[sidx_v.at[j]], rows[b], gsem[b]).wait()

  def sstart(j, b):
    pltpu.async_copy(rows[b], acc_sh.at[didx_v.at[j]], ssem[b], add=True)

  def swait(j, b):
    pltpu.make_async_copy(rows[b], acc_sh.at[didx_v.at[j]], ssem[b]).wait()

  for off, nch in _EROUNDS:
    pltpu.sync_copy(src_hbm.at[wid, pl.ds(off, nch)],
                    sidx_v.at[pl.ds(0, nch)])
    pltpu.sync_copy(dst_hbm.at[wid, pl.ds(off, nch)],
                    didx_v.at[pl.ds(0, nch)])
    nquad = nch // _NBUF
    tail = nch % _NBUF
    for b in range(_NBUF):
      gstart(b, b)

    def body(k, _):
      j = _NBUF * k
      for b in range(_NBUF):
        gwait(j + b, b)
        sstart(j + b, b)
      for b in range(_NBUF):
        swait(j + b, b)

        @pl.when(j + _NBUF + b < nch)
        def _():
          gstart(j + _NBUF + b, b)

      return 0

    lax.fori_loop(0, nquad, body, 0)
    for b in range(tail):
      j = nquad * _NBUF + b
      gwait(j, b)
      sstart(j, b)
      swait(j, b)

  plsc.subcore_barrier()
  pltpu.sync_copy(
      acc_sh.at[pl.ds(s * _ROWS_PER_TILE, _ROWS_PER_TILE)],
      out_hbm.at[c, s],
  )


@functools.lru_cache(maxsize=None)
def _edge_kernel():
  return pl.kernel(
      _edge_body,
      out_type=jax.ShapeDtypeStruct(
          (_NC, _NS, _ROWS_PER_TILE, _D), jnp.float32),
      mesh=plsc.VectorSubcoreMesh(
          core_axis_name="c", subcore_axis_name="s",
          num_cores=_NC, num_subcores=_NS),
      scratch_types=(
          [pltpu.VMEM((_ERMAX, _CH), jnp.int32)] * 2
          + [pltpu.VMEM((_CH, _D), jnp.float32)] * _NBUF
          + [pltpu.VMEM_SHARED((_N, _D), jnp.float32)]
          + [pltpu.SemaphoreType.DMA] * (2 * _NBUF)
      ),
  )


def _dis_from_parts(degp):
  deg = degp[0, :, 0] + degp[1, :, 0]
  return jnp.where(deg > 0, lax.rsqrt(deg), 0.0)


def _support_body(x_ref, w_ref, degp_ref, o_ref):
  sup = jnp.dot(x_ref[...], w_ref[...], preferred_element_type=jnp.float32)
  dis = _dis_from_parts(degp_ref[...])
  o_ref[...] = sup * dis[:, None]


def _support_kernel(x, w, degp):
  return pl.pallas_call(
      _support_body,
      out_shape=jax.ShapeDtypeStruct((_N, _D), jnp.float32),
  )(x, w, degp)


def _finish_body(accp_ref, degp_ref, b_ref, o_ref):
  acc = accp_ref[0] + accp_ref[1]
  dis = _dis_from_parts(degp_ref[...])
  o_ref[...] = jnp.maximum(acc * dis[:, None] + b_ref[...], 0.0)


def _finish_kernel(accp, degp, b2d):
  return pl.pallas_call(
      _finish_body,
      out_shape=jax.ShapeDtypeStruct((_N, _D), jnp.float32),
  )(accp, degp, b2d)


@jax.jit
def kernel(x, edge_index, W, b):
  src = edge_index[0].reshape(_NW, _NCHUNK, _CH)
  dst = edge_index[1].reshape(_NW, _NCHUNK, _CH)
  degp = _deg_kernel()(dst).reshape(_NC, _N, _DEGW)
  sup2 = _support_kernel(x, W, degp)
  accp = _edge_kernel()(sup2, src, dst).reshape(_NC, _N, _D)
  return _finish_kernel(accp, degp, b.reshape(1, _D))

# --- scband reference (transcript-rebuilt; emitter-appended) ---
"""Pipeline reference for scband-go-ltrans-block-89163521065545 (READ-ONLY COPY).

The authoritative reference and input builder live on the scoring server;
editing this copy changes nothing except your own understanding.
"""

import jax, jax.numpy as jnp
import numpy as np

N = 10000
E = 320000
D_IN = 128
D_OUT = 128


def setup_inputs(seed: int = 0) -> dict:
    key = jax.random.key(seed)
    k1, k2, k3, k4 = jax.random.split(key, 4)
    x = jax.random.normal(k1, (N, D_IN), dtype=jnp.float32)
    edge_index = jax.random.randint(k2, (2, E), 0, N, dtype=jnp.int32)
    stdv = 1.0 / np.sqrt(D_OUT)
    W = jax.random.uniform(k3, (D_IN, D_OUT), minval=-stdv, maxval=stdv, dtype=jnp.float32)
    b = jax.random.uniform(k4, (D_OUT,), minval=-stdv, maxval=stdv, dtype=jnp.float32)
    return {"x": x, "edge_index": edge_index, "W": W, "b": b}


def reference(x, edge_index, W, b):
    # Faithful translation of the GCNConv message-passing kernel inside
    # GoLTransBlock / GCNExtractor: out = D^{-1/2} A D^{-1/2} (X W) + b, then ReLU.
    # The sparse adjacency (from build_knn_adj) is represented in COO form via
    # edge_index; spmm becomes a gather + scatter-add over edges.
    src = edge_index[0]
    dst = edge_index[1]
    support = x @ W                                  # (N, D_OUT)
    ones = jnp.ones((src.shape[0],), dtype=x.dtype)
    deg = jax.ops.segment_sum(ones, dst, num_segments=N)
    deg_inv_sqrt = jnp.where(deg > 0, 1.0 / jnp.sqrt(deg), 0.0)
    norm = deg_inv_sqrt[dst] * deg_inv_sqrt[src]     # (E,)
    msgs = jnp.take(support, src, axis=0) * norm[:, None]
    out = jax.ops.segment_sum(msgs, dst, num_segments=N)
    out = out + b
    return jax.nn.relu(out)

if __name__ == "__main__":
    import jax
    _d = setup_inputs()
    print(jax.jit(kernel)(*tuple(_d.values())))

</pallas_src>

<mosaic_0001>
#map = affine_map<(d0, d1) -> (0, 0, 0)>
#map1 = affine_map<(d0, d1) -> (0, 0, 0, 0)>
module attributes {stable_mosaic.version = 14 : i64} {
  func.func @_deg_body(%arg0: i32, %arg1: i32, %arg2: memref<32x250x40xi32, #tpu.memory_space<hbm>>, %arg3: memref<2x16x625x128xf32, #tpu.memory_space<hbm>>, %arg4: memref<64x40xi32, #tpu.memory_space<vmem>>, %arg5: memref<40x128xf32, #tpu.memory_space<vmem>>, %arg6: memref<25x128xf32, #tpu.memory_space<vmem>>, %arg7: memref<10000x128xf32, #tpu.memory_space<vmem_shared>>, %arg8: memref<!tpu.dma_semaphore, #tpu.memory_space<semaphore_mem>>, %arg9: memref<!tpu.dma_semaphore, #tpu.memory_space<semaphore_mem>>, %arg10: memref<!tpu.dma_semaphore, #tpu.memory_space<semaphore_mem>>, %arg11: memref<!tpu.dma_semaphore, #tpu.memory_space<semaphore_mem>>) attributes {dimension_semantics = [#tpu.dimension_semantics<core_parallel>, #tpu.dimension_semantics<subcore_parallel>], iteration_bounds = array<i64: 2, 16>, scalar_prefetch = 0 : i64, scratch_operands = 8 : i64, tpu.core_type = #tpu.core_type<sc_vector_subcore>, window_params = [{transform_indices = #map}, {transform_indices = #map1}]} {
    %mul3A = arith.constant 16 : i32
    %mul3A_0 = arith.muli %arg0, %mul3A : i32
    %add3A = arith.addi %mul3A_0, %arg1 : i32
    %scan3A = arith.constant 0 : i32
    %scan3A_1 = arith.constant 0 : i32
    %scan3A_2 = arith.constant 40 : i32
    %scan3A_3 = arith.addi %scan3A_1, %scan3A_2 : i32
    %scan3A_4 = arith.constant 4 : i32
    %scan3A_5 = scf.for %scan3A_184 = %scan3A_1 to %scan3A_3 step %scan3A_4 iter_args(%scan3A_185 = %scan3A) -> (i32)  : i32 {
      %broadcast_in_dim3A_186 = arith.constant 1.000000e+00 : f32
      %broadcast_in_dim3A_187 = vector.broadcast %broadcast_in_dim3A_186 : f32 to vector<128xf32>
      %swap3A_188 = arith.index_cast %scan3A_184 : i32 to index
      %swap3A_189 = arith.constant 0 : index
      %swap3A_190 = tpu.vector_load %arg5[%swap3A_188, %swap3A_189] {strides = array<i32>} : memref<40x128xf32, #tpu.memory_space<vmem>>, vector<1x128xf32>,
      %swap3A_191 = vector.shape_cast %swap3A_190 : vector<1x128xf32> to vector<128xf32>
      %swap3A_192 = vector.shape_cast %broadcast_in_dim3A_187 : vector<128xf32> to vector<1x128xf32>
      tpu.vector_store %arg5[%swap3A_188, %swap3A_189], %swap3A_192 {strides = array<i32>} : memref<40x128xf32, #tpu.memory_space<vmem>>, vector<1x128xf32>,
      %scan3A_193 = arith.constant 0 : i32
      %scan3A_194 = arith.constant 1 : i32
      %scan3A_195 = arith.addi %scan3A_184, %scan3A_194 : i32
      %broadcast_in_dim3A_196 = arith.constant 1.000000e+00 : f32
      %broadcast_in_dim3A_197 = vector.broadcast %broadcast_in_dim3A_196 : f32 to vector<128xf32>
      %swap3A_198 = arith.index_cast %scan3A_195 : i32 to index
      %swap3A_199 = arith.constant 0 : index
      %swap3A_200 = tpu.vector_load %arg5[%swap3A_198, %swap3A_199] {strides = array<i32>} : memref<40x128xf32, #tpu.memory_space<vmem>>, vector<1x128xf32>,
      %swap3A_201 = vector.shape_cast %swap3A_200 : vector<1x128xf32> to vector<128xf32>
      %swap3A_202 = vector.shape_cast %broadcast_in_dim3A_197 : vector<128xf32> to vector<1x128xf32>
      tpu.vector_store %arg5[%swap3A_198, %swap3A_199], %swap3A_202 {strides = array<i32>} : memref<40x128xf32, #tpu.memory_space<vmem>>, vector<1x128xf32>,
      %scan3A_203 = arith.constant 0 : i32
      %scan3A_204 = arith.constant 2 : i32
      %scan3A_205 = arith.addi %scan3A_184, %scan3A_204 : i32
      %broadcast_in_dim3A_206 = arith.constant 1.000000e+00 : f32
      %broadcast_in_dim3A_207 = vector.broadcast %broadcast_in_dim3A_206 : f32 to vector<128xf32>
      %swap3A_208 = arith.index_cast %scan3A_205 : i32 to index
      %swap3A_209 = arith.constant 0 : index
      %swap3A_210 = tpu.vector_load %arg5[%swap3A_208, %swap3A_209] {strides = array<i32>} : memref<40x128xf32, #tpu.memory_space<vmem>>, vector<1x128xf32>,
      %swap3A_211 = vector.shape_cast %swap3A_210 : vector<1x128xf32> to vector<128xf32>
      %swap3A_212 = vector.shape_cast %broadcast_in_dim3A_207 : vector<128xf32> to vector<1x128xf32>
      tpu.vector_store %arg5[%swap3A_208, %swap3A_209], %swap3A_212 {strides = array<i32>} : memref<40x128xf32, #tpu.memory_space<vmem>>, vector<1x128xf32>,
      %scan3A_213 = arith.constant 0 : i32
      %scan3A_214 = arith.constant 3 : i32
      %scan3A_215 = arith.addi %scan3A_184, %scan3A_214 : i32
      %broadcast_in_dim3A_216 = arith.constant 1.000000e+00 : f32
      %broadcast_in_dim3A_217 = vector.broadcast %broadcast_in_dim3A_216 : f32 to vector<128xf32>
      %swap3A_218 = arith.index_cast %scan3A_215 : i32 to index
      %swap3A_219 = arith.constant 0 : index
      %swap3A_220 = tpu.vector_load %arg5[%swap3A_218, %swap3A_219] {strides = array<i32>} : memref<40x128xf32, #tpu.memory_space<vmem>>, vector<1x128xf32>,
      %swap3A_221 = vector.shape_cast %swap3A_220 : vector<1x128xf32> to vector<128xf32>
      %swap3A_222 = vector.shape_cast %broadcast_in_dim3A_217 : vector<128xf32> to vector<1x128xf32>
      tpu.vector_store %arg5[%swap3A_218, %swap3A_219], %swap3A_222 {strides = array<i32>} : memref<40x128xf32, #tpu.memory_space<vmem>>, vector<1x128xf32>,
      %scan3A_223 = arith.constant 0 : i32
      scf.yield %scan3A_223 : i32
    }
    %scan3A_6 = arith.constant 40 : i32
    %scan3A_7 = arith.constant 0 : i32
    %scan3A_8 = arith.constant 0 : i32
    %scan3A_9 = arith.constant 24 : i32
    %scan3A_10 = arith.addi %scan3A_8, %scan3A_9 : i32
    %scan3A_11 = arith.constant 4 : i32
    %scan3A_12 = scf.for %scan3A_184 = %scan3A_8 to %scan3A_10 step %scan3A_11 iter_args(%scan3A_185 = %scan3A_7) -> (i32)  : i32 {
      %broadcast_in_dim3A_186 = arith.constant 0.000000e+00 : f32
      %broadcast_in_dim3A_187 = vector.broadcast %broadcast_in_dim3A_186 : f32 to vector<128xf32>
      %swap3A_188 = arith.index_cast %scan3A_184 : i32 to index
      %swap3A_189 = arith.constant 0 : index
      %swap3A_190 = tpu.vector_load %arg6[%swap3A_188, %swap3A_189] {strides = array<i32>} : memref<25x128xf32, #tpu.memory_space<vmem>>, vector<1x128xf32>,
      %swap3A_191 = vector.shape_cast %swap3A_190 : vector<1x128xf32> to vector<128xf32>
      %swap3A_192 = vector.shape_cast %broadcast_in_dim3A_187 : vector<128xf32> to vector<1x128xf32>
      tpu.vector_store %arg6[%swap3A_188, %swap3A_189], %swap3A_192 {strides = array<i32>} : memref<25x128xf32, #tpu.memory_space<vmem>>, vector<1x128xf32>,
      %scan3A_193 = arith.constant 0 : i32
      %scan3A_194 = arith.constant 1 : i32
      %scan3A_195 = arith.addi %scan3A_184, %scan3A_194 : i32
      %broadcast_in_dim3A_196 = arith.constant 0.000000e+00 : f32
      %broadcast_in_dim3A_197 = vector.broadcast %broadcast_in_dim3A_196 : f32 to vector<128xf32>
      %swap3A_198 = arith.index_cast %scan3A_195 : i32 to index
      %swap3A_199 = arith.constant 0 : index
      %swap3A_200 = tpu.vector_load %arg6[%swap3A_198, %swap3A_199] {strides = array<i32>} : memref<25x128xf32, #tpu.memory_space<vmem>>, vector<1x128xf32>,
      %swap3A_201 = vector.shape_cast %swap3A_200 : vector<1x128xf32> to vector<128xf32>
      %swap3A_202 = vector.shape_cast %broadcast_in_dim3A_197 : vector<128xf32> to vector<1x128xf32>
      tpu.vector_store %arg6[%swap3A_198, %swap3A_199], %swap3A_202 {strides = array<i32>} : memref<25x128xf32, #tpu.memory_space<vmem>>, vector<1x128xf32>,
      %scan3A_203 = arith.constant 0 : i32
      %scan3A_204 = arith.constant 2 : i32
      %scan3A_205 = arith.addi %scan3A_184, %scan3A_204 : i32
      %broadcast_in_dim3A_206 = arith.constant 0.000000e+00 : f32
      %broadcast_in_dim3A_207 = vector.broadcast %broadcast_in_dim3A_206 : f32 to vector<128xf32>
      %swap3A_208 = arith.index_cast %scan3A_205 : i32 to index
      %swap3A_209 = arith.constant 0 : index
      %swap3A_210 = tpu.vector_load %arg6[%swap3A_208, %swap3A_209] {strides = array<i32>} : memref<25x128xf32, #tpu.memory_space<vmem>>, vector<1x128xf32>,
      %swap3A_211 = vector.shape_cast %swap3A_210 : vector<1x128xf32> to vector<128xf32>
      %swap3A_212 = vector.shape_cast %broadcast_in_dim3A_207 : vector<128xf32> to vector<1x128xf32>
      tpu.vector_store %arg6[%swap3A_208, %swap3A_209], %swap3A_212 {strides = array<i32>} : memref<25x128xf32, #tpu.memory_space<vmem>>, vector<1x128xf32>,
      %scan3A_213 = arith.constant 0 : i32
      %scan3A_214 = arith.constant 3 : i32
      %scan3A_215 = arith.addi %scan3A_184, %scan3A_214 : i32
      %broadcast_in_dim3A_216 = arith.constant 0.000000e+00 : f32
      %broadcast_in_dim3A_217 = vector.broadcast %broadcast_in_dim3A_216 : f32 to vector<128xf32>
      %swap3A_218 = arith.index_cast %scan3A_215 : i32 to index
      %swap3A_219 = arith.constant 0 : index
      %swap3A_220 = tpu.vector_load %arg6[%swap3A_218, %swap3A_219] {strides = array<i32>} : memref<25x128xf32, #tpu.memory_space<vmem>>, vector<1x128xf32>,
      %swap3A_221 = vector.shape_cast %swap3A_220 : vector<1x128xf32> to vector<128xf32>
      %swap3A_222 = vector.shape_cast %broadcast_in_dim3A_217 : vector<128xf32> to vector<1x128xf32>
      tpu.vector_store %arg6[%swap3A_218, %swap3A_219], %swap3A_222 {strides = array<i32>} : memref<25x128xf32, #tpu.memory_space<vmem>>, vector<1x128xf32>,
      %scan3A_223 = arith.constant 0 : i32
      scf.yield %scan3A_223 : i32
    }
    %scan3A_13 = arith.constant 24 : i32
    %scan3A_14 = arith.addi %scan3A_8, %scan3A_13 : i32
    %broadcast_in_dim3A = arith.constant 0.000000e+00 : f32
    %broadcast_in_dim3A_15 = vector.broadcast %broadcast_in_dim3A : f32 to vector<128xf32>
    %swap3A = arith.index_cast %scan3A_14 : i32 to index
    %swap3A_16 = arith.constant 0 : index
    %swap3A_17 = tpu.vector_load %arg6[%swap3A, %swap3A_16] {strides = array<i32>} : memref<25x128xf32, #tpu.memory_space<vmem>>, vector<1x128xf32>,
    %swap3A_18 = vector.shape_cast %swap3A_17 : vector<1x128xf32> to vector<128xf32>
    %swap3A_19 = vector.shape_cast %broadcast_in_dim3A_15 : vector<128xf32> to vector<1x128xf32>
    tpu.vector_store %arg6[%swap3A, %swap3A_16], %swap3A_19 {strides = array<i32>} : memref<25x128xf32, #tpu.memory_space<vmem>>, vector<1x128xf32>,
    %scan3A_20 = arith.constant 0 : i32
    %scan3A_21 = arith.constant 25 : i32
    %scan3A_22 = arith.constant 0 : i32
    %scan3A_23 = arith.constant 0 : i32
    %scan3A_24 = arith.constant 25 : i32
    %scan3A_25 = arith.addi %scan3A_23, %scan3A_24 : i32
    %scan3A_26 = arith.constant 1 : i32
    %scan3A_27 = scf.for %scan3A_184 = %scan3A_23 to %scan3A_25 step %scan3A_26 iter_args(%scan3A_185 = %scan3A_22) -> (i32)  : i32 {
      %mul3A_186 = arith.constant 625 : i32
      %mul3A_187 = arith.muli %arg1, %mul3A_186 : i32
      %mul3A_188 = arith.constant 25 : i32
      %mul3A_189 = arith.muli %scan3A_184, %mul3A_188 : i32
      %add3A_190 = arith.addi %mul3A_187, %mul3A_189 : i32
      "tpu.region"() ({
        %run_scoped3A = tpu.sem_alloc : memref<!tpu.dma_semaphore, #tpu.memory_space<semaphore_mem>>
        %dma_start3A_192 = arith.constant 0 : i32
        %dma_start3A_193 = tpu.memref_slice %arg7[%add3A_190, %dma_start3A_192] : memref<10000x128xf32, #tpu.memory_space<vmem_shared>> -> memref<25x128xf32, #tpu.memory_space<vmem_shared>>
        %dma_start3A_194 = arith.constant 0 : i32
        %dma_start3A_195 = tpu.memref_slice %arg7[%add3A_190, %dma_start3A_194] : memref<10000x128xf32, #tpu.memory_space<vmem_shared>> -> memref<25x128xf32, #tpu.memory_space<vmem_shared>>
        tpu.enqueue_dma source(%arg6 : memref<25x128xf32, #tpu.memory_space<vmem>>) target(%dma_start3A_195 : memref<25x128xf32, #tpu.memory_space<vmem_shared>>) target_semaphore(%run_scoped3A : memref<!tpu.dma_semaphore, #tpu.memory_space<semaphore_mem>>)
        %dma_wait3A_196 = arith.constant 0 : i32
        %dma_wait3A_197 = tpu.memref_slice %arg7[%add3A_190, %dma_wait3A_196] : memref<10000x128xf32, #tpu.memory_space<vmem_shared>> -> memref<25x128xf32, #tpu.memory_space<vmem_shared>>
        %dma_wait3A_198 = arith.constant 0 : i32
        %dma_wait3A_199 = tpu.memref_slice %arg7[%add3A_190, %dma_wait3A_198] : memref<10000x128xf32, #tpu.memory_space<vmem_shared>> -> memref<25x128xf32, #tpu.memory_space<vmem_shared>>
        tpu.wait_dma2 semaphore(%run_scoped3A : memref<!tpu.dma_semaphore, #tpu.memory_space<semaphore_mem>>) src(%arg6 : memref<25x128xf32, #tpu.memory_space<vmem>>) dst(%dma_wait3A_199 : memref<25x128xf32, #tpu.memory_space<vmem_shared>>)
        tpu.yield
      }) : () -> ()
      %scan3A_191 = arith.constant 0 : i32
      scf.yield %scan3A_191 : i32
    }
    %scan3A_28 = arith.constant 25 : i32
    %barrier3A = arith.constant 0 : index
    tpu.barrier barrier_id(%barrier3A)
    "tpu.region"() ({
      %run_scoped3A = tpu.sem_alloc : memref<!tpu.dma_semaphore, #tpu.memory_space<semaphore_mem>>
      %dma_start3A_184 = arith.constant 0 : i32
      %dma_start3A_185 = arith.constant 0 : i32
      %dma_start3A_186 = tpu.memref_slice %arg4[%dma_start3A_184, %dma_start3A_185] : memref<64x40xi32, #tpu.memory_space<vmem>> -> memref<64x40xi32, #tpu.memory_space<vmem>>
      %dma_start3A_187 = arith.constant 0 : i32
      %dma_start3A_188 = arith.constant 0 : i32
      %dma_start3A_189 = tpu.memref_slice %arg2[%add3A, %dma_start3A_187, %dma_start3A_188] : memref<32x250x40xi32, #tpu.memory_space<hbm>> -> memref<1x64x40xi32, #tpu.memory_space<hbm>>
      %dma_start3A_190 = tpu.memref_squeeze %dma_start3A_189 : memref<1x64x40xi32, #tpu.memory_space<hbm>> -> memref<64x40xi32, #tpu.memory_space<hbm>>
      %dma_start3A_191 = arith.constant 0 : i32
      %dma_start3A_192 = arith.constant 0 : i32
      %dma_start3A_193 = tpu.memref_slice %arg4[%dma_start3A_191, %dma_start3A_192] : memref<64x40xi32, #tpu.memory_space<vmem>> -> memref<64x40xi32, #tpu.memory_space<vmem>>
      %dma_start3A_194 = arith.constant 0 : i32
      %dma_start3A_195 = arith.constant 0 : i32
      %dma_start3A_196 = tpu.memref_slice %arg2[%add3A, %dma_start3A_194, %dma_start3A_195] : memref<32x250x40xi32, #tpu.memory_space<hbm>> -> memref<1x64x40xi32, #tpu.memory_space<hbm>>
      %dma_start3A_197 = tpu.memref_squeeze %dma_start3A_196 : memref<1x64x40xi32, #tpu.memory_space<hbm>> -> memref<64x40xi32, #tpu.memory_space<hbm>>
      tpu.enqueue_dma source(%dma_start3A_197 : memref<64x40xi32, #tpu.memory_space<hbm>>) target(%dma_start3A_193 : memref<64x40xi32, #tpu.memory_space<vmem>>) target_semaphore(%run_scoped3A : memref<!tpu.dma_semaphore, #tpu.memory_space<semaphore_mem>>)
      %dma_wait3A_198 = arith.constant 0 : i32
      %dma_wait3A_199 = arith.constant 0 : i32
      %dma_wait3A_200 = tpu.memref_slice %arg4[%dma_wait3A_198, %dma_wait3A_199] : memref<64x40xi32, #tpu.memory_space<vmem>> -> memref<64x40xi32, #tpu.memory_space<vmem>>
      %dma_wait3A_201 = arith.constant 0 : i32
      %dma_wait3A_202 = arith.constant 0 : i32
      %dma_wait3A_203 = tpu.memref_slice %arg2[%add3A, %dma_wait3A_201, %dma_wait3A_202] : memref<32x250x40xi32, #tpu.memory_space<hbm>> -> memref<1x64x40xi32, #tpu.memory_space<hbm>>
      %dma_wait3A_204 = tpu.memref_squeeze %dma_wait3A_203 : memref<1x64x40xi32, #tpu.memory_space<hbm>> -> memref<64x40xi32, #tpu.memory_space<hbm>>
      %dma_wait3A_205 = arith.constant 0 : i32
      %dma_wait3A_206 = arith.constant 0 : i32
      %dma_wait3A_207 = tpu.memref_slice %arg4[%dma_wait3A_205, %dma_wait3A_206] : memref<64x40xi32, #tpu.memory_space<vmem>> -> memref<64x40xi32, #tpu.memory_space<vmem>>
      %dma_wait3A_208 = arith.constant 0 : i32
      %dma_wait3A_209 = arith.constant 0 : i32
      %dma_wait3A_210 = tpu.memref_slice %arg2[%add3A, %dma_wait3A_208, %dma_wait3A_209] : memref<32x250x40xi32, #tpu.memory_space<hbm>> -> memref<1x64x40xi32, #tpu.memory_space<hbm>>
      %dma_wait3A_211 = tpu.memref_squeeze %dma_wait3A_210 : memref<1x64x40xi32, #tpu.memory_space<hbm>> -> memref<64x40xi32, #tpu.memory_space<hbm>>
      tpu.wait_dma2 semaphore(%run_scoped3A : memref<!tpu.dma_semaphore, #tpu.memory_space<semaphore_mem>>) src(%dma_wait3A_211 : memref<64x40xi32, #tpu.memory_space<hbm>>) dst(%dma_wait3A_207 : memref<64x40xi32, #tpu.memory_space<vmem>>)
      tpu.yield
    }) : () -> ()
    %dma_start3A = arith.constant 0 : i32
    %dma_start3A_29 = arith.constant 0 : i32
    %dma_start3A_30 = tpu.memref_slice %arg4[%dma_start3A, %dma_start3A_29] : memref<64x40xi32, #tpu.memory_space<vmem>> -> memref<1x40xi32, #tpu.memory_space<vmem>>
    %dma_start3A_31 = tpu.memref_squeeze %dma_start3A_30 : memref<1x40xi32, #tpu.memory_space<vmem>> -> memref<40xi32, #tpu.memory_space<vmem>>
    %dma_start3A_32 = arith.constant 0 : i32
    %dma_start3A_33 = arith.constant 0 : i32
    %dma_start3A_34 = tpu.memref_slice %arg7[%dma_start3A_32, %dma_start3A_33] : memref<10000x128xf32, #tpu.memory_space<vmem_shared>> -> memref<10000x128xf32, #tpu.memory_space<vmem_shared>>
    tpu.enqueue_indirect_dma source(%arg5 : memref<40x128xf32, #tpu.memory_space<vmem>>) target(%dma_start3A_34 : memref<10000x128xf32, #tpu.memory_space<vmem_shared>>) offsets(%dma_start3A_31 : memref<40xi32, #tpu.memory_space<vmem>>) semaphore(%arg8 : memref<!tpu.dma_semaphore, #tpu.memory_space<semaphore_mem>>) {add = true}
    %dma_start3A_35 = arith.constant 1 : i32
    %dma_start3A_36 = arith.constant 0 : i32
    %dma_start3A_37 = tpu.memref_slice %arg4[%dma_start3A_35, %dma_start3A_36] : memref<64x40xi32, #tpu.memory_space<vmem>> -> memref<1x40xi32, #tpu.memory_space<vmem>>
    %dma_start3A_38 = tpu.memref_squeeze %dma_start3A_37 : memref<1x40xi32, #tpu.memory_space<vmem>> -> memref<40xi32, #tpu.memory_space<vmem>>
    %dma_start3A_39 = arith.constant 0 : i32
    %dma_start3A_40 = arith.constant 0 : i32
    %dma_start3A_41 = tpu.memref_slice %arg7[%dma_start3A_39, %dma_start3A_40] : memref<10000x128xf32, #tpu.memory_space<vmem_shared>> -> memref<10000x128xf32, #tpu.memory_space<vmem_shared>>
    tpu.enqueue_indirect_dma source(%arg5 : memref<40x128xf32, #tpu.memory_space<vmem>>) target(%dma_start3A_41 : memref<10000x128xf32, #tpu.memory_space<vmem_shared>>) offsets(%dma_start3A_38 : memref<40xi32, #tpu.memory_space<vmem>>) semaphore(%arg9 : memref<!tpu.dma_semaphore, #tpu.memory_space<semaphore_mem>>) {add = true}
    %dma_start3A_42 = arith.constant 2 : i32
    %dma_start3A_43 = arith.constant 0 : i32
    %dma_start3A_44 = tpu.memref_slice %arg4[%dma_start3A_42, %dma_start3A_43] : memref<64x40xi32, #tpu.memory_space<vmem>> -> memref<1x40xi32, #tpu.memory_space<vmem>>
    %dma_start3A_45 = tpu.memref_squeeze %dma_start3A_44 : memref<1x40xi32, #tpu.memory_space<vmem>> -> memref<40xi32, #tpu.memory_space<vmem>>
    %dma_start3A_46 = arith.constant 0 : i32
    %dma_start3A_47 = arith.constant 0 : i32
    %dma_start3A_48 = tpu.memref_slice %arg7[%dma_start3A_46, %dma_start3A_47] : memref<10000x128xf32, #tpu.memory_space<vmem_shared>> -> memref<10000x128xf32, #tpu.memory_space<vmem_shared>>
    tpu.enqueue_indirect_dma source(%arg5 : memref<40x128xf32, #tpu.memory_space<vmem>>) target(%dma_start3A_48 : memref<10000x128xf32, #tpu.memory_space<vmem_shared>>) offsets(%dma_start3A_45 : memref<40xi32, #tpu.memory_space<vmem>>) semaphore(%arg10 : memref<!tpu.dma_semaphore, #tpu.memory_space<semaphore_mem>>) {add = true}
    %dma_start3A_49 = arith.constant 3 : i32
    %dma_start3A_50 = arith.constant 0 : i32
    %dma_start3A_51 = tpu.memref_slice %arg4[%dma_start3A_49, %dma_start3A_50] : memref<64x40xi32, #tpu.memory_space<vmem>> -> memref<1x40xi32, #tpu.memory_space<vmem>>
    %dma_start3A_52 = tpu.memref_squeeze %dma_start3A_51 : memref<1x40xi32, #tpu.memory_space<vmem>> -> memref<40xi32, #tpu.memory_space<vmem>>
    %dma_start3A_53 = arith.constant 0 : i32
    %dma_start3A_54 = arith.constant 0 : i32
    %dma_start3A_55 = tpu.memref_slice %arg7[%dma_start3A_53, %dma_start3A_54] : memref<10000x128xf32, #tpu.memory_space<vmem_shared>> -> memref<10000x128xf32, #tpu.memory_space<vmem_shared>>
    tpu.enqueue_indirect_dma source(%arg5 : memref<40x128xf32, #tpu.memory_space<vmem>>) target(%dma_start3A_55 : memref<10000x128xf32, #tpu.memory_space<vmem_shared>>) offsets(%dma_start3A_52 : memref<40xi32, #tpu.memory_space<vmem>>) semaphore(%arg11 : memref<!tpu.dma_semaphore, #tpu.memory_space<semaphore_mem>>) {add = true}
    %scan3A_56 = arith.constant 0 : i32
    %scan3A_57 = arith.constant 0 : i32
    %scan3A_58 = arith.constant 16 : i32
    %scan3A_59 = arith.addi %scan3A_57, %scan3A_58 : i32
    %scan3A_60 = arith.constant 1 : i32
    %scan3A_61 = scf.for %scan3A_184 = %scan3A_57 to %scan3A_59 step %scan3A_60 iter_args(%scan3A_185 = %scan3A_56) -> (i32)  : i32 {
      %mul3A_186 = arith.constant 4 : i32
      %mul3A_187 = arith.muli %mul3A_186, %scan3A_184 : i32
      %add3A_188 = arith.constant 0 : i32
      %add3A_189 = arith.addi %mul3A_187, %add3A_188 : i32
      %dma_wait3A_190 = arith.constant 0 : i32
      %dma_wait3A_191 = tpu.memref_slice %arg4[%add3A_189, %dma_wait3A_190] : memref<64x40xi32, #tpu.memory_space<vmem>> -> memref<1x40xi32, #tpu.memory_space<vmem>>
      %dma_wait3A_192 = tpu.memref_squeeze %dma_wait3A_191 : memref<1x40xi32, #tpu.memory_space<vmem>> -> memref<40xi32, #tpu.memory_space<vmem>>
      %dma_wait3A_193 = arith.constant 0 : i32
      %dma_wait3A_194 = arith.constant 0 : i32
      %dma_wait3A_195 = tpu.memref_slice %arg7[%dma_wait3A_193, %dma_wait3A_194] : memref<10000x128xf32, #tpu.memory_space<vmem_shared>> -> memref<10000x128xf32, #tpu.memory_space<vmem_shared>>
      tpu.wait_indirect_dma semaphore(%arg8 : memref<!tpu.dma_semaphore, #tpu.memory_space<semaphore_mem>>) src(%arg5 : memref<40x128xf32, #tpu.memory_space<vmem>>) dst(%dma_wait3A_195 : memref<10000x128xf32, #tpu.memory_space<vmem_shared>>)
      %add3A_196 = arith.constant 4 : i32
      %add3A_197 = arith.addi %mul3A_187, %add3A_196 : i32
      %add3A_198 = arith.constant 0 : i32
      %add3A_199 = arith.addi %add3A_197, %add3A_198 : i32
      %lt3A = arith.constant 64 : i32
      %lt3A_200 = arith.cmpi slt, %add3A_199, %lt3A : i32
      %convert_element_type3A = arith.extui %lt3A_200 : i1 to i32
      %cond3A = arith.constant 0 : i32
      %cond3A_201 = arith.cmpi ne, %convert_element_type3A, %cond3A : i32
      scf.if %cond3A_201 {
        %add3A_254 = arith.constant 4 : i32
        %add3A_255 = arith.addi %mul3A_187, %add3A_254 : i32
        %add3A_256 = arith.constant 0 : i32
        %add3A_257 = arith.addi %add3A_255, %add3A_256 : i32
        %dma_start3A_258 = arith.constant 0 : i32
        %dma_start3A_259 = tpu.memref_slice %arg4[%add3A_257, %dma_start3A_258] : memref<64x40xi32, #tpu.memory_space<vmem>> -> memref<1x40xi32, #tpu.memory_space<vmem>>
        %dma_start3A_260 = tpu.memref_squeeze %dma_start3A_259 : memref<1x40xi32, #tpu.memory_space<vmem>> -> memref<40xi32, #tpu.memory_space<vmem>>
        %dma_start3A_261 = arith.constant 0 : i32
        %dma_start3A_262 = arith.constant 0 : i32
        %dma_start3A_263 = tpu.memref_slice %arg7[%dma_start3A_261, %dma_start3A_262] : memref<10000x128xf32, #tpu.memory_space<vmem_shared>> -> memref<10000x128xf32, #tpu.memory_space<vmem_shared>>
        tpu.enqueue_indirect_dma source(%arg5 : memref<40x128xf32, #tpu.memory_space<vmem>>) target(%dma_start3A_263 : memref<10000x128xf32, #tpu.memory_space<vmem_shared>>) offsets(%dma_start3A_260 : memref<40xi32, #tpu.memory_space<vmem>>) semaphore(%arg8 : memref<!tpu.dma_semaphore, #tpu.memory_space<semaphore_mem>>) {add = true}
      } else {
      }
      %add3A_202 = arith.constant 1 : i32
      %add3A_203 = arith.addi %mul3A_187, %add3A_202 : i32
      %dma_wait3A_204 = arith.constant 0 : i32
      %dma_wait3A_205 = tpu.memref_slice %arg4[%add3A_203, %dma_wait3A_204] : memref<64x40xi32, #tpu.memory_space<vmem>> -> memref<1x40xi32, #tpu.memory_space<vmem>>
      %dma_wait3A_206 = tpu.memref_squeeze %dma_wait3A_205 : memref<1x40xi32, #tpu.memory_space<vmem>> -> memref<40xi32, #tpu.memory_space<vmem>>
      %dma_wait3A_207 = arith.constant 0 : i32
      %dma_wait3A_208 = arith.constant 0 : i32
      %dma_wait3A_209 = tpu.memref_slice %arg7[%dma_wait3A_207, %dma_wait3A_208] : memref<10000x128xf32, #tpu.memory_space<vmem_shared>> -> memref<10000x128xf32, #tpu.memory_space<vmem_shared>>
      tpu.wait_indirect_dma semaphore(%arg9 : memref<!tpu.dma_semaphore, #tpu.memory_space<semaphore_mem>>) src(%arg5 : memref<40x128xf32, #tpu.memory_space<vmem>>) dst(%dma_wait3A_209 : memref<10000x128xf32, #tpu.memory_space<vmem_shared>>)
      %add3A_210 = arith.constant 4 : i32
      %add3A_211 = arith.addi %mul3A_187, %add3A_210 : i32
      %add3A_212 = arith.constant 1 : i32
      %add3A_213 = arith.addi %add3A_211, %add3A_212 : i32
      %lt3A_214 = arith.constant 64 : i32
      %lt3A_215 = arith.cmpi slt, %add3A_213, %lt3A_214 : i32
      %convert_element_type3A_216 = arith.extui %lt3A_215 : i1 to i32
      %cond3A_217 = arith.constant 0 : i32
      %cond3A_218 = arith.cmpi ne, %convert_element_type3A_216, %cond3A_217 : i32
      scf.if %cond3A_218 {
        %add3A_254 = arith.constant 4 : i32
        %add3A_255 = arith.addi %mul3A_187, %add3A_254 : i32
        %add3A_256 = arith.constant 1 : i32
        %add3A_257 = arith.addi %add3A_255, %add3A_256 : i32
        %dma_start3A_258 = arith.constant 0 : i32
        %dma_start3A_259 = tpu.memref_slice %arg4[%add3A_257, %dma_start3A_258] : memref<64x40xi32, #tpu.memory_space<vmem>> -> memref<1x40xi32, #tpu.memory_space<vmem>>
        %dma_start3A_260 = tpu.memref_squeeze %dma_start3A_259 : memref<1x40xi32, #tpu.memory_space<vmem>> -> memref<40xi32, #tpu.memory_space<vmem>>
        %dma_start3A_261 = arith.constant 0 : i32
        %dma_start3A_262 = arith.constant 0 : i32
        %dma_start3A_263 = tpu.memref_slice %arg7[%dma_start3A_261, %dma_start3A_262] : memref<10000x128xf32, #tpu.memory_space<vmem_shared>> -> memref<10000x128xf32, #tpu.memory_space<vmem_shared>>
        tpu.enqueue_indirect_dma source(%arg5 : memref<40x128xf32, #tpu.memory_space<vmem>>) target(%dma_start3A_263 : memref<10000x128xf32, #tpu.memory_space<vmem_shared>>) offsets(%dma_start3A_260 : memref<40xi32, #tpu.memory_space<vmem>>) semaphore(%arg9 : memref<!tpu.dma_semaphore, #tpu.memory_space<semaphore_mem>>) {add = true}
      } else {
      }
      %add3A_219 = arith.constant 2 : i32
      %add3A_220 = arith.addi %mul3A_187, %add3A_219 : i32
      %dma_wait3A_221 = arith.constant 0 : i32
      %dma_wait3A_222 = tpu.memref_slice %arg4[%add3A_220, %dma_wait3A_221] : memref<64x40xi32, #tpu.memory_space<vmem>> -> memref<1x40xi32, #tpu.memory_space<vmem>>
      %dma_wait3A_223 = tpu.memref_squeeze %dma_wait3A_222 : memref<1x40xi32, #tpu.memory_space<vmem>> -> memref<40xi32, #tpu.memory_space<vmem>>
      %dma_wait3A_224 = arith.constant 0 : i32
      %dma_wait3A_225 = arith.constant 0 : i32
      %dma_wait3A_226 = tpu.memref_slice %arg7[%dma_wait3A_224, %dma_wait3A_225] : memref<10000x128xf32, #tpu.memory_space<vmem_shared>> -> memref<10000x128xf32, #tpu.memory_space<vmem_shared>>
      tpu.wait_indirect_dma semaphore(%arg10 : memref<!tpu.dma_semaphore, #tpu.memory_space<semaphore_mem>>) src(%arg5 : memref<40x128xf32, #tpu.memory_space<vmem>>) dst(%dma_wait3A_226 : memref<10000x128xf32, #tpu.memory_space<vmem_shared>>)
      %add3A_227 = arith.constant 4 : i32
      %add3A_228 = arith.addi %mul3A_187, %add3A_227 : i32
      %add3A_229 = arith.constant 2 : i32
      %add3A_230 = arith.addi %add3A_228, %add3A_229 : i32
      %lt3A_231 = arith.constant 64 : i32
      %lt3A_232 = arith.cmpi slt, %add3A_230, %lt3A_231 : i32
      %convert_element_type3A_233 = arith.extui %lt3A_232 : i1 to i32
      %cond3A_234 = arith.constant 0 : i32
      %cond3A_235 = arith.cmpi ne, %convert_element_type3A_233, %cond3A_234 : i32
      scf.if %cond3A_235 {
        %add3A_254 = arith.constant 4 : i32
        %add3A_255 = arith.addi %mul3A_187, %add3A_254 : i32
        %add3A_256 = arith.constant 2 : i32
        %add3A_257 = arith.addi %add3A_255, %add3A_256 : i32
        %dma_start3A_258 = arith.constant 0 : i32
        %dma_start3A_259 = tpu.memref_slice %arg4[%add3A_257, %dma_start3A_258] : memref<64x40xi32, #tpu.memory_space<vmem>> -> memref<1x40xi32, #tpu.memory_space<vmem>>
        %dma_start3A_260 = tpu.memref_squeeze %dma_start3A_259 : memref<1x40xi32, #tpu.memory_space<vmem>> -> memref<40xi32, #tpu.memory_space<vmem>>
        %dma_start3A_261 = arith.constant 0 : i32
        %dma_start3A_262 = arith.constant 0 : i32
        %dma_start3A_263 = tpu.memref_slice %arg7[%dma_start3A_261, %dma_start3A_262] : memref<10000x128xf32, #tpu.memory_space<vmem_shared>> -> memref<10000x128xf32, #tpu.memory_space<vmem_shared>>
        tpu.enqueue_indirect_dma source(%arg5 : memref<40x128xf32, #tpu.memory_space<vmem>>) target(%dma_start3A_263 : memref<10000x128xf32, #tpu.memory_space<vmem_shared>>) offsets(%dma_start3A_260 : memref<40xi32, #tpu.memory_space<vmem>>) semaphore(%arg10 : memref<!tpu.dma_semaphore, #tpu.memory_space<semaphore_mem>>) {add = true}
      } else {
      }
      %add3A_236 = arith.constant 3 : i32
      %add3A_237 = arith.addi %mul3A_187, %add3A_236 : i32
      %dma_wait3A_238 = arith.constant 0 : i32
      %dma_wait3A_239 = tpu.memref_slice %arg4[%add3A_237, %dma_wait3A_238] : memref<64x40xi32, #tpu.memory_space<vmem>> -> memref<1x40xi32, #tpu.memory_space<vmem>>
      %dma_wait3A_240 = tpu.memref_squeeze %dma_wait3A_239 : memref<1x40xi32, #tpu.memory_space<vmem>> -> memref<40xi32, #tpu.memory_space<vmem>>
      %dma_wait3A_241 = arith.constant 0 : i32
      %dma_wait3A_242 = arith.constant 0 : i32
      %dma_wait3A_243 = tpu.memref_slice %arg7[%dma_wait3A_241, %dma_wait3A_242] : memref<10000x128xf32, #tpu.memory_space<vmem_shared>> -> memref<10000x128xf32, #tpu.memory_space<vmem_shared>>
      tpu.wait_indirect_dma semaphore(%arg11 : memref<!tpu.dma_semaphore, #tpu.memory_space<semaphore_mem>>) src(%arg5 : memref<40x128xf32, #tpu.memory_space<vmem>>) dst(%dma_wait3A_243 : memref<10000x128xf32, #tpu.memory_space<vmem_shared>>)
      %add3A_244 = arith.constant 4 : i32
      %add3A_245 = arith.addi %mul3A_187, %add3A_244 : i32
      %add3A_246 = arith.constant 3 : i32
      %add3A_247 = arith.addi %add3A_245, %add3A_246 : i32
      %lt3A_248 = arith.constant 64 : i32
      %lt3A_249 = arith.cmpi slt, %add3A_247, %lt3A_248 : i32
      %convert_element_type3A_250 = arith.extui %lt3A_249 : i1 to i32
      %cond3A_251 = arith.constant 0 : i32
      %cond3A_252 = arith.cmpi ne, %convert_element_type3A_250, %cond3A_251 : i32
      scf.if %cond3A_252 {
        %add3A_254 = arith.constant 4 : i32
        %add3A_255 = arith.addi %mul3A_187, %add3A_254 : i32
        %add3A_256 = arith.constant 3 : i32
        %add3A_257 = arith.addi %add3A_255, %add3A_256 : i32
        %dma_start3A_258 = arith.constant 0 : i32
        %dma_start3A_259 = tpu.memref_slice %arg4[%add3A_257, %dma_start3A_258] : memref<64x40xi32, #tpu.memory_space<vmem>> -> memref<1x40xi32, #tpu.memory_space<vmem>>
        %dma_start3A_260 = tpu.memref_squeeze %dma_start3A_259 : memref<1x40xi32, #tpu.memory_space<vmem>> -> memref<40xi32, #tpu.memory_space<vmem>>
        %dma_start3A_261 = arith.constant 0 : i32
        %dma_start3A_262 = arith.constant 0 : i32
        %dma_start3A_263 = tpu.memref_slice %arg7[%dma_start3A_261, %dma_start3A_262] : memref<10000x128xf32, #tpu.memory_space<vmem_shared>> -> memref<10000x128xf32, #tpu.memory_space<vmem_shared>>
        tpu.enqueue_indirect_dma source(%arg5 : memref<40x128xf32, #tpu.memory_space<vmem>>) target(%dma_start3A_263 : memref<10000x128xf32, #tpu.memory_space<vmem_shared>>) offsets(%dma_start3A_260 : memref<40xi32, #tpu.memory_space<vmem>>) semaphore(%arg11 : memref<!tpu.dma_semaphore, #tpu.memory_space<semaphore_mem>>) {add = true}
      } else {
      }
      %scan3A_253 = arith.constant 0 : i32
      scf.yield %scan3A_253 : i32
    }
    %scan3A_62 = arith.constant 16 : i32
    "tpu.region"() ({
      %run_scoped3A = tpu.sem_alloc : memref<!tpu.dma_semaphore, #tpu.memory_space<semaphore_mem>>
      %dma_start3A_184 = arith.constant 0 : i32
      %dma_start3A_185 = arith.constant 0 : i32
      %dma_start3A_186 = tpu.memref_slice %arg4[%dma_start3A_184, %dma_start3A_185] : memref<64x40xi32, #tpu.memory_space<vmem>> -> memref<64x40xi32, #tpu.memory_space<vmem>>
      %dma_start3A_187 = arith.constant 64 : i32
      %dma_start3A_188 = arith.constant 0 : i32
      %dma_start3A_189 = tpu.memref_slice %arg2[%add3A, %dma_start3A_187, %dma_start3A_188] : memref<32x250x40xi32, #tpu.memory_space<hbm>> -> memref<1x64x40xi32, #tpu.memory_space<hbm>>
      %dma_start3A_190 = tpu.memref_squeeze %dma_start3A_189 : memref<1x64x40xi32, #tpu.memory_space<hbm>> -> memref<64x40xi32, #tpu.memory_space<hbm>>
      %dma_start3A_191 = arith.constant 0 : i32
      %dma_start3A_192 = arith.constant 0 : i32
      %dma_start3A_193 = tpu.memref_slice %arg4[%dma_start3A_191, %dma_start3A_192] : memref<64x40xi32, #tpu.memory_space<vmem>> -> memref<64x40xi32, #tpu.memory_space<vmem>>
      %dma_start3A_194 = arith.constant 64 : i32
      %dma_start3A_195 = arith.constant 0 : i32
      %dma_start3A_196 = tpu.memref_slice %arg2[%add3A, %dma_start3A_194, %dma_start3A_195] : memref<32x250x40xi32, #tpu.memory_space<hbm>> -> memref<1x64x40xi32, #tpu.memory_space<hbm>>
      %dma_start3A_197 = tpu.memref_squeeze %dma_start3A_196 : memref<1x64x40xi32, #tpu.memory_space<hbm>> -> memref<64x40xi32, #tpu.memory_space<hbm>>
      tpu.enqueue_dma source(%dma_start3A_197 : memref<64x40xi32, #tpu.memory_space<hbm>>) target(%dma_start3A_193 : memref<64x40xi32, #tpu.memory_space<vmem>>) target_semaphore(%run_scoped3A : memref<!tpu.dma_semaphore, #tpu.memory_space<semaphore_mem>>)
      %dma_wait3A_198 = arith.constant 0 : i32
      %dma_wait3A_199 = arith.constant 0 : i32
      %dma_wait3A_200 = tpu.memref_slice %arg4[%dma_wait3A_198, %dma_wait3A_199] : memref<64x40xi32, #tpu.memory_space<vmem>> -> memref<64x40xi32, #tpu.memory_space<vmem>>
      %dma_wait3A_201 = arith.constant 64 : i32
      %dma_wait3A_202 = arith.constant 0 : i32
      %dma_wait3A_203 = tpu.memref_slice %arg2[%add3A, %dma_wait3A_201, %dma_wait3A_202] : memref<32x250x40xi32, #tpu.memory_space<hbm>> -> memref<1x64x40xi32, #tpu.memory_space<hbm>>
      %dma_wait3A_204 = tpu.memref_squeeze %dma_wait3A_203 : memref<1x64x40xi32, #tpu.memory_space<hbm>> -> memref<64x40xi32, #tpu.memory_space<hbm>>
      %dma_wait3A_205 = arith.constant 0 : i32
      %dma_wait3A_206 = arith.constant 0 : i32
      %dma_wait3A_207 = tpu.memref_slice %arg4[%dma_wait3A_205, %dma_wait3A_206] : memref<64x40xi32, #tpu.memory_space<vmem>> -> memref<64x40xi32, #tpu.memory_space<vmem>>
      %dma_wait3A_208 = arith.constant 64 : i32
      %dma_wait3A_209 = arith.constant 0 : i32
      %dma_wait3A_210 = tpu.memref_slice %arg2[%add3A, %dma_wait3A_208, %dma_wait3A_209] : memref<32x250x40xi32, #tpu.memory_space<hbm>> -> memref<1x64x40xi32, #tpu.memory_space<hbm>>
      %dma_wait3A_211 = tpu.memref_squeeze %dma_wait3A_210 : memref<1x64x40xi32, #tpu.memory_space<hbm>> -> memref<64x40xi32, #tpu.memory_space<hbm>>
      tpu.wait_dma2 semaphore(%run_scoped3A : memref<!tpu.dma_semaphore, #tpu.memory_space<semaphore_mem>>) src(%dma_wait3A_211 : memref<64x40xi32, #tpu.memory_space<hbm>>) dst(%dma_wait3A_207 : memref<64x40xi32, #tpu.memory_space<vmem>>)
      tpu.yield
    }) : () -> ()
    %dma_start3A_63 = arith.constant 0 : i32
    %dma_start3A_64 = arith.constant 0 : i32
    %dma_start3A_65 = tpu.memref_slice %arg4[%dma_start3A_63, %dma_start3A_64] : memref<64x40xi32, #tpu.memory_space<vmem>> -> memref<1x40xi32, #tpu.memory_space<vmem>>
    %dma_start3A_66 = tpu.memref_squeeze %dma_start3A_65 : memref<1x40xi32, #tpu.memory_space<vmem>> -> memref<40xi32, #tpu.memory_space<vmem>>
    %dma_start3A_67 = arith.constant 0 : i32
    %dma_start3A_68 = arith.constant 0 : i32
    %dma_start3A_69 = tpu.memref_slice %arg7[%dma_start3A_67, %dma_start3A_68] : memref<10000x128xf32, #tpu.memory_space<vmem_shared>> -> memref<10000x128xf32, #tpu.memory_space<vmem_shared>>
    tpu.enqueue_indirect_dma source(%arg5 : memref<40x128xf32, #tpu.memory_space<vmem>>) target(%dma_start3A_69 : memref<10000x128xf32, #tpu.memory_space<vmem_shared>>) offsets(%dma_start3A_66 : memref<40xi32, #tpu.memory_space<vmem>>) semaphore(%arg8 : memref<!tpu.dma_semaphore, #tpu.memory_space<semaphore_mem>>) {add = true}
    %dma_start3A_70 = arith.constant 1 : i32
    %dma_start3A_71 = arith.constant 0 : i32
    %dma_start3A_72 = tpu.memref_slice %arg4[%dma_start3A_70, %dma_start3A_71] : memref<64x40xi32, #tpu.memory_space<vmem>> -> memref<1x40xi32, #tpu.memory_space<vmem>>
    %dma_start3A_73 = tpu.memref_squeeze %dma_start3A_72 : memref<1x40xi32, #tpu.memory_space<vmem>> -> memref<40xi32, #tpu.memory_space<vmem>>
    %dma_start3A_74 = arith.constant 0 : i32
    %dma_start3A_75 = arith.constant 0 : i32
    %dma_start3A_76 = tpu.memref_slice %arg7[%dma_start3A_74, %dma_start3A_75] : memref<10000x128xf32, #tpu.memory_space<vmem_shared>> -> memref<10000x128xf32, #tpu.memory_space<vmem_shared>>
    tpu.enqueue_indirect_dma source(%arg5 : memref<40x128xf32, #tpu.memory_space<vmem>>) target(%dma_start3A_76 : memref<10000x128xf32, #tpu.memory_space<vmem_shared>>) offsets(%dma_start3A_73 : memref<40xi32, #tpu.memory_space<vmem>>) semaphore(%arg9 : memref<!tpu.dma_semaphore, #tpu.memory_space<semaphore_mem>>) {add = true}
    %dma_start3A_77 = arith.constant 2 : i32
    %dma_start3A_78 = arith.constant 0 : i32
    %dma_start3A_79 = tpu.memref_slice %arg4[%dma_start3A_77, %dma_start3A_78] : memref<64x40xi32, #tpu.memory_space<vmem>> -> memref<1x40xi32, #tpu.memory_space<vmem>>
    %dma_start3A_80 = tpu.memref_squeeze %dma_start3A_79 : memref<1x40xi32, #tpu.memory_space<vmem>> -> memref<40xi32, #tpu.memory_space<vmem>>
    %dma_start3A_81 = arith.constant 0 : i32
    %dma_start3A_82 = arith.constant 0 : i32
    %dma_start3A_83 = tpu.memref_slice %arg7[%dma_start3A_81, %dma_start3A_82] : memref<10000x128xf32, #tpu.memory_space<vmem_shared>> -> memref<10000x128xf32, #tpu.memory_space<vmem_shared>>
    tpu.enqueue_indirect_dma source(%arg5 : memref<40x128xf32, #tpu.memory_space<vmem>>) target(%dma_start3A_83 : memref<10000x128xf32, #tpu.memory_space<vmem_shared>>) offsets(%dma_start3A_80 : memref<40xi32, #tpu.memory_space<vmem>>) semaphore(%arg10 : memref<!tpu.dma_semaphore, #tpu.memory_space<semaphore_mem>>) {add = true}
    %dma_start3A_84 = arith.constant 3 : i32
    %dma_start3A_85 = arith.constant 0 : i32
    %dma_start3A_86 = tpu.memref_slice %arg4[%dma_start3A_84, %dma_start3A_85] : memref<64x40xi32, #tpu.memory_space<vmem>> -> memref<1x40xi32, #tpu.memory_space<vmem>>
    %dma_start3A_87 = tpu.memref_squeeze %dma_start3A_86 : memref<1x40xi32, #tpu.memory_space<vmem>> -> memref<40xi32, #tpu.memory_space<vmem>>
    %dma_start3A_88 = arith.constant 0 : i32
    %dma_start3A_89 = arith.constant 0 : i32
    %dma_start3A_90 = tpu.memref_slice %arg7[%dma_start3A_88, %dma_start3A_89] : memref<10000x128xf32, #tpu.memory_space<vmem_shared>> -> memref<10000x128xf32, #tpu.memory_space<vmem_shared>>
    tpu.enqueue_indirect_dma source(%arg5 : memref<40x128xf32, #tpu.memory_space<vmem>>) target(%dma_start3A_90 : memref<10000x128xf32, #tpu.memory_space<vmem_shared>>) offsets(%dma_start3A_87 : memref<40xi32, #tpu.memory_space<vmem>>) semaphore(%arg11 : memref<!tpu.dma_semaphore, #tpu.memory_space<semaphore_mem>>) {add = true}
    %scan3A_91 = arith.constant 0 : i32
    %scan3A_92 = arith.constant 0 : i32
    %scan3A_93 = arith.constant 16 : i32
    %scan3A_94 = arith.addi %scan3A_92, %scan3A_93 : i32
    %scan3A_95 = arith.constant 1 : i32
    %scan3A_96 = scf.for %scan3A_184 = %scan3A_92 to %scan3A_94 step %scan3A_95 iter_args(%scan3A_185 = %scan3A_91) -> (i32)  : i32 {
      %mul3A_186 = arith.constant 4 : i32
      %mul3A_187 = arith.muli %mul3A_186, %scan3A_184 : i32
      %add3A_188 = arith.constant 0 : i32
      %add3A_189 = arith.addi %mul3A_187, %add3A_188 : i32
      %dma_wait3A_190 = arith.constant 0 : i32
      %dma_wait3A_191 = tpu.memref_slice %arg4[%add3A_189, %dma_wait3A_190] : memref<64x40xi32, #tpu.memory_space<vmem>> -> memref<1x40xi32, #tpu.memory_space<vmem>>
      %dma_wait3A_192 = tpu.memref_squeeze %dma_wait3A_191 : memref<1x40xi32, #tpu.memory_space<vmem>> -> memref<40xi32, #tpu.memory_space<vmem>>
      %dma_wait3A_193 = arith.constant 0 : i32
      %dma_wait3A_194 = arith.constant 0 : i32
      %dma_wait3A_195 = tpu.memref_slice %arg7[%dma_wait3A_193, %dma_wait3A_194] : memref<10000x128xf32, #tpu.memory_space<vmem_shared>> -> memref<10000x128xf32, #tpu.memory_space<vmem_shared>>
      tpu.wait_indirect_dma semaphore(%arg8 : memref<!tpu.dma_semaphore, #tpu.memory_space<semaphore_mem>>) src(%arg5 : memref<40x128xf32, #tpu.memory_space<vmem>>) dst(%dma_wait3A_195 : memref<10000x128xf32, #tpu.memory_space<vmem_shared>>)
      %add3A_196 = arith.constant 4 : i32
      %add3A_197 = arith.addi %mul3A_187, %add3A_196 : i32
      %add3A_198 = arith.constant 0 : i32
      %add3A_199 = arith.addi %add3A_197, %add3A_198 : i32
      %lt3A = arith.constant 64 : i32
      %lt3A_200 = arith.cmpi slt, %add3A_199, %lt3A : i32
      %convert_element_type3A = arith.extui %lt3A_200 : i1 to i32
      %cond3A = arith.constant 0 : i32
      %cond3A_201 = arith.cmpi ne, %convert_element_type3A, %cond3A : i32
      scf.if %cond3A_201 {
        %add3A_254 = arith.constant 4 : i32
        %add3A_255 = arith.addi %mul3A_187, %add3A_254 : i32
        %add3A_256 = arith.constant 0 : i32
        %add3A_257 = arith.addi %add3A_255, %add3A_256 : i32
        %dma_start3A_258 = arith.constant 0 : i32
        %dma_start3A_259 = tpu.memref_slice %arg4[%add3A_257, %dma_start3A_258] : memref<64x40xi32, #tpu.memory_space<vmem>> -> memref<1x40xi32, #tpu.memory_space<vmem>>
        %dma_start3A_260 = tpu.memref_squeeze %dma_start3A_259 : memref<1x40xi32, #tpu.memory_space<vmem>> -> memref<40xi32, #tpu.memory_space<vmem>>
        %dma_start3A_261 = arith.constant 0 : i32
        %dma_start3A_262 = arith.constant 0 : i32
        %dma_start3A_263 = tpu.memref_slice %arg7[%dma_start3A_261, %dma_start3A_262] : memref<10000x128xf32, #tpu.memory_space<vmem_shared>> -> memref<10000x128xf32, #tpu.memory_space<vmem_shared>>
        tpu.enqueue_indirect_dma source(%arg5 : memref<40x128xf32, #tpu.memory_space<vmem>>) target(%dma_start3A_263 : memref<10000x128xf32, #tpu.memory_space<vmem_shared>>) offsets(%dma_start3A_260 : memref<40xi32, #tpu.memory_space<vmem>>) semaphore(%arg8 : memref<!tpu.dma_semaphore, #tpu.memory_space<semaphore_mem>>) {add = true}
      } else {
      }
      %add3A_202 = arith.constant 1 : i32
      %add3A_203 = arith.addi %mul3A_187, %add3A_202 : i32
      %dma_wait3A_204 = arith.constant 0 : i32
      %dma_wait3A_205 = tpu.memref_slice %arg4[%add3A_203, %dma_wait3A_204] : memref<64x40xi32, #tpu.memory_space<vmem>> -> memref<1x40xi32, #tpu.memory_space<vmem>>
      %dma_wait3A_206 = tpu.memref_squeeze %dma_wait3A_205 : memref<1x40xi32, #tpu.memory_space<vmem>> -> memref<40xi32, #tpu.memory_space<vmem>>
      %dma_wait3A_207 = arith.constant 0 : i32
      %dma_wait3A_208 = arith.constant 0 : i32
      %dma_wait3A_209 = tpu.memref_slice %arg7[%dma_wait3A_207, %dma_wait3A_208] : memref<10000x128xf32, #tpu.memory_space<vmem_shared>> -> memref<10000x128xf32, #tpu.memory_space<vmem_shared>>
      tpu.wait_indirect_dma semaphore(%arg9 : memref<!tpu.dma_semaphore, #tpu.memory_space<semaphore_mem>>) src(%arg5 : memref<40x128xf32, #tpu.memory_space<vmem>>) dst(%dma_wait3A_209 : memref<10000x128xf32, #tpu.memory_space<vmem_shared>>)
      %add3A_210 = arith.constant 4 : i32
      %add3A_211 = arith.addi %mul3A_187, %add3A_210 : i32
      %add3A_212 = arith.constant 1 : i32
      %add3A_213 = arith.addi %add3A_211, %add3A_212 : i32
      %lt3A_214 = arith.constant 64 : i32
      %lt3A_215 = arith.cmpi slt, %add3A_213, %lt3A_214 : i32
      %convert_element_type3A_216 = arith.extui %lt3A_215 : i1 to i32
      %cond3A_217 = arith.constant 0 : i32
      %cond3A_218 = arith.cmpi ne, %convert_element_type3A_216, %cond3A_217 : i32
      scf.if %cond3A_218 {
        %add3A_254 = arith.constant 4 : i32
        %add3A_255 = arith.addi %mul3A_187, %add3A_254 : i32
        %add3A_256 = arith.constant 1 : i32
        %add3A_257 = arith.addi %add3A_255, %add3A_256 : i32
        %dma_start3A_258 = arith.constant 0 : i32
        %dma_start3A_259 = tpu.memref_slice %arg4[%add3A_257, %dma_start3A_258] : memref<64x40xi32, #tpu.memory_space<vmem>> -> memref<1x40xi32, #tpu.memory_space<vmem>>
        %dma_start3A_260 = tpu.memref_squeeze %dma_start3A_259 : memref<1x40xi32, #tpu.memory_space<vmem>> -> memref<40xi32, #tpu.memory_space<vmem>>
        %dma_start3A_261 = arith.constant 0 : i32
        %dma_start3A_262 = arith.constant 0 : i32
        %dma_start3A_263 = tpu.memref_slice %arg7[%dma_start3A_261, %dma_start3A_262] : memref<10000x128xf32, #tpu.memory_space<vmem_shared>> -> memref<10000x128xf32, #tpu.memory_space<vmem_shared>>
        tpu.enqueue_indirect_dma source(%arg5 : memref<40x128xf32, #tpu.memory_space<vmem>>) target(%dma_start3A_263 : memref<10000x128xf32, #tpu.memory_space<vmem_shared>>) offsets(%dma_start3A_260 : memref<40xi32, #tpu.memory_space<vmem>>) semaphore(%arg9 : memref<!tpu.dma_semaphore, #tpu.memory_space<semaphore_mem>>) {add = true}
      } else {
      }
      %add3A_219 = arith.constant 2 : i32
      %add3A_220 = arith.addi %mul3A_187, %add3A_219 : i32
      %dma_wait3A_221 = arith.constant 0 : i32
      %dma_wait3A_222 = tpu.memref_slice %arg4[%add3A_220, %dma_wait3A_221] : memref<64x40xi32, #tpu.memory_space<vmem>> -> memref<1x40xi32, #tpu.memory_space<vmem>>
      %dma_wait3A_223 = tpu.memref_squeeze %dma_wait3A_222 : memref<1x40xi32, #tpu.memory_space<vmem>> -> memref<40xi32, #tpu.memory_space<vmem>>
      %dma_wait3A_224 = arith.constant 0 : i32
      %dma_wait3A_225 = arith.constant 0 : i32
      %dma_wait3A_226 = tpu.memref_slice %arg7[%dma_wait3A_224, %dma_wait3A_225] : memref<10000x128xf32, #tpu.memory_space<vmem_shared>> -> memref<10000x128xf32, #tpu.memory_space<vmem_shared>>
      tpu.wait_indirect_dma semaphore(%arg10 : memref<!tpu.dma_semaphore, #tpu.memory_space<semaphore_mem>>) src(%arg5 : memref<40x128xf32, #tpu.memory_space<vmem>>) dst(%dma_wait3A_226 : memref<10000x128xf32, #tpu.memory_space<vmem_shared>>)
      %add3A_227 = arith.constant 4 : i32
      %add3A_228 = arith.addi %mul3A_187, %add3A_227 : i32
      %add3A_229 = arith.constant 2 : i32
      %add3A_230 = arith.addi %add3A_228, %add3A_229 : i32
      %lt3A_231 = arith.constant 64 : i32
      %lt3A_232 = arith.cmpi slt, %add3A_230, %lt3A_231 : i32
      %convert_element_type3A_233 = arith.extui %lt3A_232 : i1 to i32
      %cond3A_234 = arith.constant 0 : i32
      %cond3A_235 = arith.cmpi ne, %convert_element_type3A_233, %cond3A_234 : i32
      scf.if %cond3A_235 {
        %add3A_254 = arith.constant 4 : i32
        %add3A_255 = arith.addi %mul3A_187, %add3A_254 : i32
        %add3A_256 = arith.constant 2 : i32
        %add3A_257 = arith.addi %add3A_255, %add3A_256 : i32
        %dma_start3A_258 = arith.constant 0 : i32
        %dma_start3A_259 = tpu.memref_slice %arg4[%add3A_257, %dma_start3A_258] : memref<64x40xi32, #tpu.memory_space<vmem>> -> memref<1x40xi32, #tpu.memory_space<vmem>>
        %dma_start3A_260 = tpu.memref_squeeze %dma_start3A_259 : memref<1x40xi32, #tpu.memory_space<vmem>> -> memref<40xi32, #tpu.memory_space<vmem>>
        %dma_start3A_261 = arith.constant 0 : i32
        %dma_start3A_262 = arith.constant 0 : i32
        %dma_start3A_263 = tpu.memref_slice %arg7[%dma_start3A_261, %dma_start3A_262] : memref<10000x128xf32, #tpu.memory_space<vmem_shared>> -> memref<10000x128xf32, #tpu.memory_space<vmem_shared>>
        tpu.enqueue_indirect_dma source(%arg5 : memref<40x128xf32, #tpu.memory_space<vmem>>) target(%dma_start3A_263 : memref<10000x128xf32, #tpu.memory_space<vmem_shared>>) offsets(%dma_start3A_260 : memref<40xi32, #tpu.memory_space<vmem>>) semaphore(%arg10 : memref<!tpu.dma_semaphore, #tpu.memory_space<semaphore_mem>>) {add = true}
      } else {
      }
      %add3A_236 = arith.constant 3 : i32
      %add3A_237 = arith.addi %mul3A_187, %add3A_236 : i32
      %dma_wait3A_238 = arith.constant 0 : i32
      %dma_wait3A_239 = tpu.memref_slice %arg4[%add3A_237, %dma_wait3A_238] : memref<64x40xi32, #tpu.memory_space<vmem>> -> memref<1x40xi32, #tpu.memory_space<vmem>>
      %dma_wait3A_240 = tpu.memref_squeeze %dma_wait3A_239 : memref<1x40xi32, #tpu.memory_space<vmem>> -> memref<40xi32, #tpu.memory_space<vmem>>
      %dma_wait3A_241 = arith.constant 0 : i32
      %dma_wait3A_242 = arith.constant 0 : i32
      %dma_wait3A_243 = tpu.memref_slice %arg7[%dma_wait3A_241, %dma_wait3A_242] : memref<10000x128xf32, #tpu.memory_space<vmem_shared>> -> memref<10000x128xf32, #tpu.memory_space<vmem_shared>>
      tpu.wait_indirect_dma semaphore(%arg11 : memref<!tpu.dma_semaphore, #tpu.memory_space<semaphore_mem>>) src(%arg5 : memref<40x128xf32, #tpu.memory_space<vmem>>) dst(%dma_wait3A_243 : memref<10000x128xf32, #tpu.memory_space<vmem_shared>>)
      %add3A_244 = arith.constant 4 : i32
      %add3A_245 = arith.addi %mul3A_187, %add3A_244 : i32
      %add3A_246 = arith.constant 3 : i32
      %add3A_247 = arith.addi %add3A_245, %add3A_246 : i32
      %lt3A_248 = arith.constant 64 : i32
      %lt3A_249 = arith.cmpi slt, %add3A_247, %lt3A_248 : i32
      %convert_element_type3A_250 = arith.extui %lt3A_249 : i1 to i32
      %cond3A_251 = arith.constant 0 : i32
      %cond3A_252 = arith.cmpi ne, %convert_element_type3A_250, %cond3A_251 : i32
      scf.if %cond3A_252 {
        %add3A_254 = arith.constant 4 : i32
        %add3A_255 = arith.addi %mul3A_187, %add3A_254 : i32
        %add3A_256 = arith.constant 3 : i32
        %add3A_257 = arith.addi %add3A_255, %add3A_256 : i32
        %dma_start3A_258 = arith.constant 0 : i32
        %dma_start3A_259 = tpu.memref_slice %arg4[%add3A_257, %dma_start3A_258] : memref<64x40xi32, #tpu.memory_space<vmem>> -> memref<1x40xi32, #tpu.memory_space<vmem>>
        %dma_start3A_260 = tpu.memref_squeeze %dma_start3A_259 : memref<1x40xi32, #tpu.memory_space<vmem>> -> memref<40xi32, #tpu.memory_space<vmem>>
        %dma_start3A_261 = arith.constant 0 : i32
        %dma_start3A_262 = arith.constant 0 : i32
        %dma_start3A_263 = tpu.memref_slice %arg7[%dma_start3A_261, %dma_start3A_262] : memref<10000x128xf32, #tpu.memory_space<vmem_shared>> -> memref<10000x128xf32, #tpu.memory_space<vmem_shared>>
        tpu.enqueue_indirect_dma source(%arg5 : memref<40x128xf32, #tpu.memory_space<vmem>>) target(%dma_start3A_263 : memref<10000x128xf32, #tpu.memory_space<vmem_shared>>) offsets(%dma_start3A_260 : memref<40xi32, #tpu.memory_space<vmem>>) semaphore(%arg11 : memref<!tpu.dma_semaphore, #tpu.memory_space<semaphore_mem>>) {add = true}
      } else {
      }
      %scan3A_253 = arith.constant 0 : i32
      scf.yield %scan3A_253 : i32
    }
    %scan3A_97 = arith.constant 16 : i32
    "tpu.region"() ({
      %run_scoped3A = tpu.sem_alloc : memref<!tpu.dma_semaphore, #tpu.memory_space<semaphore_mem>>
      %dma_start3A_184 = arith.constant 0 : i32
      %dma_start3A_185 = arith.constant 0 : i32
      %dma_start3A_186 = tpu.memref_slice %arg4[%dma_start3A_184, %dma_start3A_185] : memref<64x40xi32, #tpu.memory_space<vmem>> -> memref<64x40xi32, #tpu.memory_space<vmem>>
      %dma_start3A_187 = arith.constant 128 : i32
      %dma_start3A_188 = arith.constant 0 : i32
      %dma_start3A_189 = tpu.memref_slice %arg2[%add3A, %dma_start3A_187, %dma_start3A_188] : memref<32x250x40xi32, #tpu.memory_space<hbm>> -> memref<1x64x40xi32, #tpu.memory_space<hbm>>
      %dma_start3A_190 = tpu.memref_squeeze %dma_start3A_189 : memref<1x64x40xi32, #tpu.memory_space<hbm>> -> memref<64x40xi32, #tpu.memory_space<hbm>>
      %dma_start3A_191 = arith.constant 0 : i32
      %dma_start3A_192 = arith.constant 0 : i32
      %dma_start3A_193 = tpu.memref_slice %arg4[%dma_start3A_191, %dma_start3A_192] : memref<64x40xi32, #tpu.memory_space<vmem>> -> memref<64x40xi32, #tpu.memory_space<vmem>>
      %dma_start3A_194 = arith.constant 128 : i32
      %dma_start3A_195 = arith.constant 0 : i32
      %dma_start3A_196 = tpu.memref_slice %arg2[%add3A, %dma_start3A_194, %dma_start3A_195] : memref<32x250x40xi32, #tpu.memory_space<hbm>> -> memref<1x64x40xi32, #tpu.memory_space<hbm>>
      %dma_start3A_197 = tpu.memref_squeeze %dma_start3A_196 : memref<1x64x40xi32, #tpu.memory_space<hbm>> -> memref<64x40xi32, #tpu.memory_space<hbm>>
      tpu.enqueue_dma source(%dma_start3A_197 : memref<64x40xi32, #tpu.memory_space<hbm>>) target(%dma_start3A_193 : memref<64x40xi32, #tpu.memory_space<vmem>>) target_semaphore(%run_scoped3A : memref<!tpu.dma_semaphore, #tpu.memory_space<semaphore_mem>>)
      %dma_wait3A_198 = arith.constant 0 : i32
      %dma_wait3A_199 = arith.constant 0 : i32
      %dma_wait3A_200 = tpu.memref_slice %arg4[%dma_wait3A_198, %dma_wait3A_199] : memref<64x40xi32, #tpu.memory_space<vmem>> -> memref<64x40xi32, #tpu.memory_space<vmem>>
      %dma_wait3A_201 = arith.constant 128 : i32
      %dma_wait3A_202 = arith.constant 0 : i32
      %dma_wait3A_203 = tpu.memref_slice %arg2[%add3A, %dma_wait3A_201, %dma_wait3A_202] : memref<32x250x40xi32, #tpu.memory_space<hbm>> -> memref<1x64x40xi32, #tpu.memory_space<hbm>>
      %dma_wait3A_204 = tpu.memref_squeeze %dma_wait3A_203 : memref<1x64x40xi32, #tpu.memory_space<hbm>> -> memref<64x40xi32, #tpu.memory_space<hbm>>
      %dma_wait3A_205 = arith.constant 0 : i32
      %dma_wait3A_206 = arith.constant 0 : i32
      %dma_wait3A_207 = tpu.memref_slice %arg4[%dma_wait3A_205, %dma_wait3A_206] : memref<64x40xi32, #tpu.memory_space<vmem>> -> memref<64x40xi32, #tpu.memory_space<vmem>>
      %dma_wait3A_208 = arith.constant 128 : i32
      %dma_wait3A_209 = arith.constant 0 : i32
      %dma_wait3A_210 = tpu.memref_slice %arg2[%add3A, %dma_wait3A_208, %dma_wait3A_209] : memref<32x250x40xi32, #tpu.memory_space<hbm>> -> memref<1x64x40xi32, #tpu.memory_space<hbm>>
      %dma_wait3A_211 = tpu.memref_squeeze %dma_wait3A_210 : memref<1x64x40xi32, #tpu.memory_space<hbm>> -> memref<64x40xi32, #tpu.memory_space<hbm>>
      tpu.wait_dma2 semaphore(%run_scoped3A : memref<!tpu.dma_semaphore, #tpu.memory_space<semaphore_mem>>) src(%dma_wait3A_211 : memref<64x40xi32, #tpu.memory_space<hbm>>) dst(%dma_wait3A_207 : memref<64x40xi32, #tpu.memory_space<vmem>>)
      tpu.yield
    }) : () -> ()
    %dma_start3A_98 = arith.constant 0 : i32
    %dma_start3A_99 = arith.constant 0 : i32
    %dma_start3A_100 = tpu.memref_slice %arg4[%dma_start3A_98, %dma_start3A_99] : memref<64x40xi32, #tpu.memory_space<vmem>> -> memref<1x40xi32, #tpu.memory_space<vmem>>
    %dma_start3A_101 = tpu.memref_squeeze %dma_start3A_100 : memref<1x40xi32, #tpu.memory_space<vmem>> -> memref<40xi32, #tpu.memory_space<vmem>>
    %dma_start3A_102 = arith.constant 0 : i32
    %dma_start3A_103 = arith.constant 0 : i32
    %dma_start3A_104 = tpu.memref_slice %arg7[%dma_start3A_102, %dma_start3A_103] : memref<10000x128xf32, #tpu.memory_space<vmem_shared>> -> memref<10000x128xf32, #tpu.memory_space<vmem_shared>>
    tpu.enqueue_indirect_dma source(%arg5 : memref<40x128xf32, #tpu.memory_space<vmem>>) target(%dma_start3A_104 : memref<10000x128xf32, #tpu.memory_space<vmem_shared>>) offsets(%dma_start3A_101 : memref<40xi32, #tpu.memory_space<vmem>>) semaphore(%arg8 : memref<!tpu.dma_semaphore, #tpu.memory_space<semaphore_mem>>) {add = true}
    %dma_start3A_105 = arith.constant 1 : i32
    %dma_start3A_106 = arith.constant 0 : i32
    %dma_start3A_107 = tpu.memref_slice %arg4[%dma_start3A_105, %dma_start3A_106] : memref<64x40xi32, #tpu.memory_space<vmem>> -> memref<1x40xi32, #tpu.memory_space<vmem>>
    %dma_start3A_108 = tpu.memref_squeeze %dma_start3A_107 : memref<1x40xi32, #tpu.memory_space<vmem>> -> memref<40xi32, #tpu.memory_space<vmem>>
    %dma_start3A_109 = arith.constant 0 : i32
    %dma_start3A_110 = arith.constant 0 : i32
    %dma_start3A_111 = tpu.memref_slice %arg7[%dma_start3A_109, %dma_start3A_110] : memref<10000x128xf32, #tpu.memory_space<vmem_shared>> -> memref<10000x128xf32, #tpu.memory_space<vmem_shared>>
    tpu.enqueue_indirect_dma source(%arg5 : memref<40x128xf32, #tpu.memory_space<vmem>>) target(%dma_start3A_111 : memref<10000x128xf32, #tpu.memory_space<vmem_shared>>) offsets(%dma_start3A_108 : memref<40xi32, #tpu.memory_space<vmem>>) semaphore(%arg9 : memref<!tpu.dma_semaphore, #tpu.memory_space<semaphore_mem>>) {add = true}
    %dma_start3A_112 = arith.constant 2 : i32
    %dma_start3A_113 = arith.constant 0 : i32
    %dma_start3A_114 = tpu.memref_slice %arg4[%dma_start3A_112, %dma_start3A_113] : memref<64x40xi32, #tpu.memory_space<vmem>> -> memref<1x40xi32, #tpu.memory_space<vmem>>
    %dma_start3A_115 = tpu.memref_squeeze %dma_start3A_114 : memref<1x40xi32, #tpu.memory_space<vmem>> -> memref<40xi32, #tpu.memory_space<vmem>>
    %dma_start3A_116 = arith.constant 0 : i32
    %dma_start3A_117 = arith.constant 0 : i32
    %dma_start3A_118 = tpu.memref_slice %arg7[%dma_start3A_116, %dma_start3A_117] : memref<10000x128xf32, #tpu.memory_space<vmem_shared>> -> memref<10000x128xf32, #tpu.memory_space<vmem_shared>>
    tpu.enqueue_indirect_dma source(%arg5 : memref<40x128xf32, #tpu.memory_space<vmem>>) target(%dma_start3A_118 : memref<10000x128xf32, #tpu.memory_space<vmem_shared>>) offsets(%dma_start3A_115 : memref<40xi32, #tpu.memory_space<vmem>>) semaphore(%arg10 : memref<!tpu.dma_semaphore, #tpu.memory_space<semaphore_mem>>) {add = true}
    %dma_start3A_119 = arith.constant 3 : i32
    %dma_start3A_120 = arith.constant 0 : i32
    %dma_start3A_121 = tpu.memref_slice %arg4[%dma_start3A_119, %dma_start3A_120] : memref<64x40xi32, #tpu.memory_space<vmem>> -> memref<1x40xi32, #tpu.memory_space<vmem>>
    %dma_start3A_122 = tpu.memref_squeeze %dma_start3A_121 : memref<1x40xi32, #tpu.memory_space<vmem>> -> memref<40xi32, #tpu.memory_space<vmem>>
    %dma_start3A_123 = arith.constant 0 : i32
    %dma_start3A_124 = arith.constant 0 : i32
    %dma_start3A_125 = tpu.memref_slice %arg7[%dma_start3A_123, %dma_start3A_124] : memref<10000x128xf32, #tpu.memory_space<vmem_shared>> -> memref<10000x128xf32, #tpu.memory_space<vmem_shared>>
    tpu.enqueue_indirect_dma source(%arg5 : memref<40x128xf32, #tpu.memory_space<vmem>>) target(%dma_start3A_125 : memref<10000x128xf32, #tpu.memory_space<vmem_shared>>) offsets(%dma_start3A_122 : memref<40xi32, #tpu.memory_space<vmem>>) semaphore(%arg11 : memref<!tpu.dma_semaphore, #tpu.memory_space<semaphore_mem>>) {add = true}
    %scan3A_126 = arith.constant 0 : i32
    %scan3A_127 = arith.constant 0 : i32
    %scan3A_128 = arith.constant 16 : i32
    %scan3A_129 = arith.addi %scan3A_127, %scan3A_128 : i32
    %scan3A_130 = arith.constant 1 : i32
    %scan3A_131 = scf.for %scan3A_184 = %scan3A_127 to %scan3A_129 step %scan3A_130 iter_args(%scan3A_185 = %scan3A_126) -> (i32)  : i32 {
      %mul3A_186 = arith.constant 4 : i32
      %mul3A_187 = arith.muli %mul3A_186, %scan3A_184 : i32
      %add3A_188 = arith.constant 0 : i32
      %add3A_189 = arith.addi %mul3A_187, %add3A_188 : i32
      %dma_wait3A_190 = arith.constant 0 : i32
      %dma_wait3A_191 = tpu.memref_slice %arg4[%add3A_189, %dma_wait3A_190] : memref<64x40xi32, #tpu.memory_space<vmem>> -> memref<1x40xi32, #tpu.memory_space<vmem>>
      %dma_wait3A_192 = tpu.memref_squeeze %dma_wait3A_191 : memref<1x40xi32, #tpu.memory_space<vmem>> -> memref<40xi32, #tpu.memory_space<vmem>>
      %dma_wait3A_193 = arith.constant 0 : i32
      %dma_wait3A_194 = arith.constant 0 : i32
      %dma_wait3A_195 = tpu.memref_slice %arg7[%dma_wait3A_193, %dma_wait3A_194] : memref<10000x128xf32, #tpu.memory_space<vmem_shared>> -> memref<10000x128xf32, #tpu.memory_space<vmem_shared>>
      tpu.wait_indirect_dma semaphore(%arg8 : memref<!tpu.dma_semaphore, #tpu.memory_space<semaphore_mem>>) src(%arg5 : memref<40x128xf32, #tpu.memory_space<vmem>>) dst(%dma_wait3A_195 : memref<10000x128xf32, #tpu.memory_space<vmem_shared>>)
      %add3A_196 = arith.constant 4 : i32
      %add3A_197 = arith.addi %mul3A_187, %add3A_196 : i32
      %add3A_198 = arith.constant 0 : i32
      %add3A_199 = arith.addi %add3A_197, %add3A_198 : i32
      %lt3A = arith.constant 64 : i32
      %lt3A_200 = arith.cmpi slt, %add3A_199, %lt3A : i32
      %convert_element_type3A = arith.extui %lt3A_200 : i1 to i32
      %cond3A = arith.constant 0 : i32
      %cond3A_201 = arith.cmpi ne, %convert_element_type3A, %cond3A : i32
      scf.if %cond3A_201 {
        %add3A_254 = arith.constant 4 : i32
        %add3A_255 = arith.addi %mul3A_187, %add3A_254 : i32
        %add3A_256 = arith.constant 0 : i32
        %add3A_257 = arith.addi %add3A_255, %add3A_256 : i32
        %dma_start3A_258 = arith.constant 0 : i32
        %dma_start3A_259 = tpu.memref_slice %arg4[%add3A_257, %dma_start3A_258] : memref<64x40xi32, #tpu.memory_space<vmem>> -> memref<1x40xi32, #tpu.memory_space<vmem>>
        %dma_start3A_260 = tpu.memref_squeeze %dma_start3A_259 : memref<1x40xi32, #tpu.memory_space<vmem>> -> memref<40xi32, #tpu.memory_space<vmem>>
        %dma_start3A_261 = arith.constant 0 : i32
        %dma_start3A_262 = arith.constant 0 : i32
        %dma_start3A_263 = tpu.memref_slice %arg7[%dma_start3A_261, %dma_start3A_262] : memref<10000x128xf32, #tpu.memory_space<vmem_shared>> -> memref<10000x128xf32, #tpu.memory_space<vmem_shared>>
        tpu.enqueue_indirect_dma source(%arg5 : memref<40x128xf32, #tpu.memory_space<vmem>>) target(%dma_start3A_263 : memref<10000x128xf32, #tpu.memory_space<vmem_shared>>) offsets(%dma_start3A_260 : memref<40xi32, #tpu.memory_space<vmem>>) semaphore(%arg8 : memref<!tpu.dma_semaphore, #tpu.memory_space<semaphore_mem>>) {add = true}
      } else {
      }
      %add3A_202 = arith.constant 1 : i32
      %add3A_203 = arith.addi %mul3A_187, %add3A_202 : i32
      %dma_wait3A_204 = arith.constant 0 : i32
      %dma_wait3A_205 = tpu.memref_slice %arg4[%add3A_203, %dma_wait3A_204] : memref<64x40xi32, #tpu.memory_space<vmem>> -> memref<1x40xi32, #tpu.memory_space<vmem>>
      %dma_wait3A_206 = tpu.memref_squeeze %dma_wait3A_205 : memref<1x40xi32, #tpu.memory_space<vmem>> -> memref<40xi32, #tpu.memory_space<vmem>>
      %dma_wait3A_207 = arith.constant 0 : i32
      %dma_wait3A_208 = arith.constant 0 : i32
      %dma_wait3A_209 = tpu.memref_slice %arg7[%dma_wait3A_207, %dma_wait3A_208] : memref<10000x128xf32, #tpu.memory_space<vmem_shared>> -> memref<10000x128xf32, #tpu.memory_space<vmem_shared>>
      tpu.wait_indirect_dma semaphore(%arg9 : memref<!tpu.dma_semaphore, #tpu.memory_space<semaphore_mem>>) src(%arg5 : memref<40x128xf32, #tpu.memory_space<vmem>>) dst(%dma_wait3A_209 : memref<10000x128xf32, #tpu.memory_space<vmem_shared>>)
      %add3A_210 = arith.constant 4 : i32
      %add3A_211 = arith.addi %mul3A_187, %add3A_210 : i32
      %add3A_212 = arith.constant 1 : i32
      %add3A_213 = arith.addi %add3A_211, %add3A_212 : i32
      %lt3A_214 = arith.constant 64 : i32
      %lt3A_215 = arith.cmpi slt, %add3A_213, %lt3A_214 : i32
      %convert_element_type3A_216 = arith.extui %lt3A_215 : i1 to i32
      %cond3A_217 = arith.constant 0 : i32
      %cond3A_218 = arith.cmpi ne, %convert_element_type3A_216, %cond3A_217 : i32
      scf.if %cond3A_218 {
        %add3A_254 = arith.constant 4 : i32
        %add3A_255 = arith.addi %mul3A_187, %add3A_254 : i32
        %add3A_256 = arith.constant 1 : i32
        %add3A_257 = arith.addi %add3A_255, %add3A_256 : i32
        %dma_start3A_258 = arith.constant 0 : i32
        %dma_start3A_259 = tpu.memref_slice %arg4[%add3A_257, %dma_start3A_258] : memref<64x40xi32, #tpu.memory_space<vmem>> -> memref<1x40xi32, #tpu.memory_space<vmem>>
        %dma_start3A_260 = tpu.memref_squeeze %dma_start3A_259 : memref<1x40xi32, #tpu.memory_space<vmem>> -> memref<40xi32, #tpu.memory_space<vmem>>
        %dma_start3A_261 = arith.constant 0 : i32
        %dma_start3A_262 = arith.constant 0 : i32
        %dma_start3A_263 = tpu.memref_slice %arg7[%dma_start3A_261, %dma_start3A_262] : memref<10000x128xf32, #tpu.memory_space<vmem_shared>> -> memref<10000x128xf32, #tpu.memory_space<vmem_shared>>
        tpu.enqueue_indirect_dma source(%arg5 : memref<40x128xf32, #tpu.memory_space<vmem>>) target(%dma_start3A_263 : memref<10000x128xf32, #tpu.memory_space<vmem_shared>>) offsets(%dma_start3A_260 : memref<40xi32, #tpu.memory_space<vmem>>) semaphore(%arg9 : memref<!tpu.dma_semaphore, #tpu.memory_space<semaphore_mem>>) {add = true}
      } else {
      }
      %add3A_219 = arith.constant 2 : i32
      %add3A_220 = arith.addi %mul3A_187, %add3A_219 : i32
      %dma_wait3A_221 = arith.constant 0 : i32
      %dma_wait3A_222 = tpu.memref_slice %arg4[%add3A_220, %dma_wait3A_221] : memref<64x40xi32, #tpu.memory_space<vmem>> -> memref<1x40xi32, #tpu.memory_space<vmem>>
      %dma_wait3A_223 = tpu.memref_squeeze %dma_wait3A_222 : memref<1x40xi32, #tpu.memory_space<vmem>> -> memref<40xi32, #tpu.memory_space<vmem>>
      %dma_wait3A_224 = arith.constant 0 : i32
      %dma_wait3A_225 = arith.constant 0 : i32
      %dma_wait3A_226 = tpu.memref_slice %arg7[%dma_wait3A_224, %dma_wait3A_225] : memref<10000x128xf32, #tpu.memory_space<vmem_shared>> -> memref<10000x128xf32, #tpu.memory_space<vmem_shared>>
      tpu.wait_indirect_dma semaphore(%arg10 : memref<!tpu.dma_semaphore, #tpu.memory_space<semaphore_mem>>) src(%arg5 : memref<40x128xf32, #tpu.memory_space<vmem>>) dst(%dma_wait3A_226 : memref<10000x128xf32, #tpu.memory_space<vmem_shared>>)
      %add3A_227 = arith.constant 4 : i32
      %add3A_228 = arith.addi %mul3A_187, %add3A_227 : i32
      %add3A_229 = arith.constant 2 : i32
      %add3A_230 = arith.addi %add3A_228, %add3A_229 : i32
      %lt3A_231 = arith.constant 64 : i32
      %lt3A_232 = arith.cmpi slt, %add3A_230, %lt3A_231 : i32
      %convert_element_type3A_233 = arith.extui %lt3A_232 : i1 to i32
      %cond3A_234 = arith.constant 0 : i32
      %cond3A_235 = arith.cmpi ne, %convert_element_type3A_233, %cond3A_234 : i32
      scf.if %cond3A_235 {
        %add3A_254 = arith.constant 4 : i32
        %add3A_255 = arith.addi %mul3A_187, %add3A_254 : i32
        %add3A_256 = arith.constant 2 : i32
        %add3A_257 = arith.addi %add3A_255, %add3A_256 : i32
        %dma_start3A_258 = arith.constant 0 : i32
        %dma_start3A_259 = tpu.memref_slice %arg4[%add3A_257, %dma_start3A_258] : memref<64x40xi32, #tpu.memory_space<vmem>> -> memref<1x40xi32, #tpu.memory_space<vmem>>
        %dma_start3A_260 = tpu.memref_squeeze %dma_start3A_259 : memref<1x40xi32, #tpu.memory_space<vmem>> -> memref<40xi32, #tpu.memory_space<vmem>>
        %dma_start3A_261 = arith.constant 0 : i32
        %dma_start3A_262 = arith.constant 0 : i32
        %dma_start3A_263 = tpu.memref_slice %arg7[%dma_start3A_261, %dma_start3A_262] : memref<10000x128xf32, #tpu.memory_space<vmem_shared>> -> memref<10000x128xf32, #tpu.memory_space<vmem_shared>>
        tpu.enqueue_indirect_dma source(%arg5 : memref<40x128xf32, #tpu.memory_space<vmem>>) target(%dma_start3A_263 : memref<10000x128xf32, #tpu.memory_space<vmem_shared>>) offsets(%dma_start3A_260 : memref<40xi32, #tpu.memory_space<vmem>>) semaphore(%arg10 : memref<!tpu.dma_semaphore, #tpu.memory_space<semaphore_mem>>) {add = true}
      } else {
      }
      %add3A_236 = arith.constant 3 : i32
      %add3A_237 = arith.addi %mul3A_187, %add3A_236 : i32
      %dma_wait3A_238 = arith.constant 0 : i32
      %dma_wait3A_239 = tpu.memref_slice %arg4[%add3A_237, %dma_wait3A_238] : memref<64x40xi32, #tpu.memory_space<vmem>> -> memref<1x40xi32, #tpu.memory_space<vmem>>
      %dma_wait3A_240 = tpu.memref_squeeze %dma_wait3A_239 : memref<1x40xi32, #tpu.memory_space<vmem>> -> memref<40xi32, #tpu.memory_space<vmem>>
      %dma_wait3A_241 = arith.constant 0 : i32
      %dma_wait3A_242 = arith.constant 0 : i32
      %dma_wait3A_243 = tpu.memref_slice %arg7[%dma_wait3A_241, %dma_wait3A_242] : memref<10000x128xf32, #tpu.memory_space<vmem_shared>> -> memref<10000x128xf32, #tpu.memory_space<vmem_shared>>
      tpu.wait_indirect_dma semaphore(%arg11 : memref<!tpu.dma_semaphore, #tpu.memory_space<semaphore_mem>>) src(%arg5 : memref<40x128xf32, #tpu.memory_space<vmem>>) dst(%dma_wait3A_243 : memref<10000x128xf32, #tpu.memory_space<vmem_shared>>)
      %add3A_244 = arith.constant 4 : i32
      %add3A_245 = arith.addi %mul3A_187, %add3A_244 : i32
      %add3A_246 = arith.constant 3 : i32
      %add3A_247 = arith.addi %add3A_245, %add3A_246 : i32
      %lt3A_248 = arith.constant 64 : i32
      %lt3A_249 = arith.cmpi slt, %add3A_247, %lt3A_248 : i32
      %convert_element_type3A_250 = arith.extui %lt3A_249 : i1 to i32
      %cond3A_251 = arith.constant 0 : i32
      %cond3A_252 = arith.cmpi ne, %convert_element_type3A_250, %cond3A_251 : i32
      scf.if %cond3A_252 {
        %add3A_254 = arith.constant 4 : i32
        %add3A_255 = arith.addi %mul3A_187, %add3A_254 : i32
        %add3A_256 = arith.constant 3 : i32
        %add3A_257 = arith.addi %add3A_255, %add3A_256 : i32
        %dma_start3A_258 = arith.constant 0 : i32
        %dma_start3A_259 = tpu.memref_slice %arg4[%add3A_257, %dma_start3A_258] : memref<64x40xi32, #tpu.memory_space<vmem>> -> memref<1x40xi32, #tpu.memory_space<vmem>>
        %dma_start3A_260 = tpu.memref_squeeze %dma_start3A_259 : memref<1x40xi32, #tpu.memory_space<vmem>> -> memref<40xi32, #tpu.memory_space<vmem>>
        %dma_start3A_261 = arith.constant 0 : i32
        %dma_start3A_262 = arith.constant 0 : i32
        %dma_start3A_263 = tpu.memref_slice %arg7[%dma_start3A_261, %dma_start3A_262] : memref<10000x128xf32, #tpu.memory_space<vmem_shared>> -> memref<10000x128xf32, #tpu.memory_space<vmem_shared>>
        tpu.enqueue_indirect_dma source(%arg5 : memref<40x128xf32, #tpu.memory_space<vmem>>) target(%dma_start3A_263 : memref<10000x128xf32, #tpu.memory_space<vmem_shared>>) offsets(%dma_start3A_260 : memref<40xi32, #tpu.memory_space<vmem>>) semaphore(%arg11 : memref<!tpu.dma_semaphore, #tpu.memory_space<semaphore_mem>>) {add = true}
      } else {
      }
      %scan3A_253 = arith.constant 0 : i32
      scf.yield %scan3A_253 : i32
    }
    %scan3A_132 = arith.constant 16 : i32
    "tpu.region"() ({
      %run_scoped3A = tpu.sem_alloc : memref<!tpu.dma_semaphore, #tpu.memory_space<semaphore_mem>>
      %dma_start3A_184 = arith.constant 0 : i32
      %dma_start3A_185 = arith.constant 0 : i32
      %dma_start3A_186 = tpu.memref_slice %arg4[%dma_start3A_184, %dma_start3A_185] : memref<64x40xi32, #tpu.memory_space<vmem>> -> memref<58x40xi32, #tpu.memory_space<vmem>>
      %dma_start3A_187 = arith.constant 192 : i32
      %dma_start3A_188 = arith.constant 0 : i32
      %dma_start3A_189 = tpu.memref_slice %arg2[%add3A, %dma_start3A_187, %dma_start3A_188] : memref<32x250x40xi32, #tpu.memory_space<hbm>> -> memref<1x58x40xi32, #tpu.memory_space<hbm>>
      %dma_start3A_190 = tpu.memref_squeeze %dma_start3A_189 : memref<1x58x40xi32, #tpu.memory_space<hbm>> -> memref<58x40xi32, #tpu.memory_space<hbm>>
      %dma_start3A_191 = arith.constant 0 : i32
      %dma_start3A_192 = arith.constant 0 : i32
      %dma_start3A_193 = tpu.memref_slice %arg4[%dma_start3A_191, %dma_start3A_192] : memref<64x40xi32, #tpu.memory_space<vmem>> -> memref<58x40xi32, #tpu.memory_space<vmem>>
      %dma_start3A_194 = arith.constant 192 : i32
      %dma_start3A_195 = arith.constant 0 : i32
      %dma_start3A_196 = tpu.memref_slice %arg2[%add3A, %dma_start3A_194, %dma_start3A_195] : memref<32x250x40xi32, #tpu.memory_space<hbm>> -> memref<1x58x40xi32, #tpu.memory_space<hbm>>
      %dma_start3A_197 = tpu.memref_squeeze %dma_start3A_196 : memref<1x58x40xi32, #tpu.memory_space<hbm>> -> memref<58x40xi32, #tpu.memory_space<hbm>>
      tpu.enqueue_dma source(%dma_start3A_197 : memref<58x40xi32, #tpu.memory_space<hbm>>) target(%dma_start3A_193 : memref<58x40xi32, #tpu.memory_space<vmem>>) target_semaphore(%run_scoped3A : memref<!tpu.dma_semaphore, #tpu.memory_space<semaphore_mem>>)
      %dma_wait3A_198 = arith.constant 0 : i32
      %dma_wait3A_199 = arith.constant 0 : i32
      %dma_wait3A_200 = tpu.memref_slice %arg4[%dma_wait3A_198, %dma_wait3A_199] : memref<64x40xi32, #tpu.memory_space<vmem>> -> memref<58x40xi32, #tpu.memory_space<vmem>>
      %dma_wait3A_201 = arith.constant 192 : i32
      %dma_wait3A_202 = arith.constant 0 : i32
      %dma_wait3A_203 = tpu.memref_slice %arg2[%add3A, %dma_wait3A_201, %dma_wait3A_202] : memref<32x250x40xi32, #tpu.memory_space<hbm>> -> memref<1x58x40xi32, #tpu.memory_space<hbm>>
      %dma_wait3A_204 = tpu.memref_squeeze %dma_wait3A_203 : memref<1x58x40xi32, #tpu.memory_space<hbm>> -> memref<58x40xi32, #tpu.memory_space<hbm>>
      %dma_wait3A_205 = arith.constant 0 : i32
      %dma_wait3A_206 = arith.constant 0 : i32
      %dma_wait3A_207 = tpu.memref_slice %arg4[%dma_wait3A_205, %dma_wait3A_206] : memref<64x40xi32, #tpu.memory_space<vmem>> -> memref<58x40xi32, #tpu.memory_space<vmem>>
      %dma_wait3A_208 = arith.constant 192 : i32
      %dma_wait3A_209 = arith.constant 0 : i32
      %dma_wait3A_210 = tpu.memref_slice %arg2[%add3A, %dma_wait3A_208, %dma_wait3A_209] : memref<32x250x40xi32, #tpu.memory_space<hbm>> -> memref<1x58x40xi32, #tpu.memory_space<hbm>>
      %dma_wait3A_211 = tpu.memref_squeeze %dma_wait3A_210 : memref<1x58x40xi32, #tpu.memory_space<hbm>> -> memref<58x40xi32, #tpu.memory_space<hbm>>
      tpu.wait_dma2 semaphore(%run_scoped3A : memref<!tpu.dma_semaphore, #tpu.memory_space<semaphore_mem>>) src(%dma_wait3A_211 : memref<58x40xi32, #tpu.memory_space<hbm>>) dst(%dma_wait3A_207 : memref<58x40xi32, #tpu.memory_space<vmem>>)
      tpu.yield
    }) : () -> ()
    %dma_start3A_133 = arith.constant 0 : i32
    %dma_start3A_134 = arith.constant 0 : i32
    %dma_start3A_135 = tpu.memref_slice %arg4[%dma_start3A_133, %dma_start3A_134] : memref<64x40xi32, #tpu.memory_space<vmem>> -> memref<1x40xi32, #tpu.memory_space<vmem>>
    %dma_start3A_136 = tpu.memref_squeeze %dma_start3A_135 : memref<1x40xi32, #tpu.memory_space<vmem>> -> memref<40xi32, #tpu.memory_space<vmem>>
    %dma_start3A_137 = arith.constant 0 : i32
    %dma_start3A_138 = arith.constant 0 : i32
    %dma_start3A_139 = tpu.memref_slice %arg7[%dma_start3A_137, %dma_start3A_138] : memref<10000x128xf32, #tpu.memory_space<vmem_shared>> -> memref<10000x128xf32, #tpu.memory_space<vmem_shared>>
    tpu.enqueue_indirect_dma source(%arg5 : memref<40x128xf32, #tpu.memory_space<vmem>>) target(%dma_start3A_139 : memref<10000x128xf32, #tpu.memory_space<vmem_shared>>) offsets(%dma_start3A_136 : memref<40xi32, #tpu.memory_space<vmem>>) semaphore(%arg8 : memref<!tpu.dma_semaphore, #tpu.memory_space<semaphore_mem>>) {add = true}
    %dma_start3A_140 = arith.constant 1 : i32
    %dma_start3A_141 = arith.constant 0 : i32
    %dma_start3A_142 = tpu.memref_slice %arg4[%dma_start3A_140, %dma_start3A_141] : memref<64x40xi32, #tpu.memory_space<vmem>> -> memref<1x40xi32, #tpu.memory_space<vmem>>
    %dma_start3A_143 = tpu.memref_squeeze %dma_start3A_142 : memref<1x40xi32, #tpu.memory_space<vmem>> -> memref<40xi32, #tpu.memory_space<vmem>>
    %dma_start3A_144 = arith.constant 0 : i32
    %dma_start3A_145 = arith.constant 0 : i32
    %dma_start3A_146 = tpu.memref_slice %arg7[%dma_start3A_144, %dma_start3A_145] : memref<10000x128xf32, #tpu.memory_space<vmem_shared>> -> memref<10000x128xf32, #tpu.memory_space<vmem_shared>>
    tpu.enqueue_indirect_dma source(%arg5 : memref<40x128xf32, #tpu.memory_space<vmem>>) target(%dma_start3A_146 : memref<10000x128xf32, #tpu.memory_space<vmem_shared>>) offsets(%dma_start3A_143 : memref<40xi32, #tpu.memory_space<vmem>>) semaphore(%arg9 : memref<!tpu.dma_semaphore, #tpu.memory_space<semaphore_mem>>) {add = true}
    %dma_start3A_147 = arith.constant 2 : i32
    %dma_start3A_148 = arith.constant 0 : i32
    %dma_start3A_149 = tpu.memref_slice %arg4[%dma_start3A_147, %dma_start3A_148] : memref<64x40xi32, #tpu.memory_space<vmem>> -> memref<1x40xi32, #tpu.memory_space<vmem>>
    %dma_start3A_150 = tpu.memref_squeeze %dma_start3A_149 : memref<1x40xi32, #tpu.memory_space<vmem>> -> memref<40xi32, #tpu.memory_space<vmem>>
    %dma_start3A_151 = arith.constant 0 : i32
    %dma_start3A_152 = arith.constant 0 : i32
    %dma_start3A_153 = tpu.memref_slice %arg7[%dma_start3A_151, %dma_start3A_152] : memref<10000x128xf32, #tpu.memory_space<vmem_shared>> -> memref<10000x128xf32, #tpu.memory_space<vmem_shared>>
    tpu.enqueue_indirect_dma source(%arg5 : memref<40x128xf32, #tpu.memory_space<vmem>>) target(%dma_start3A_153 : memref<10000x128xf32, #tpu.memory_space<vmem_shared>>) offsets(%dma_start3A_150 : memref<40xi32, #tpu.memory_space<vmem>>) semaphore(%arg10 : memref<!tpu.dma_semaphore, #tpu.memory_space<semaphore_mem>>) {add = true}
    %dma_start3A_154 = arith.constant 3 : i32
    %dma_start3A_155 = arith.constant 0 : i32
    %dma_start3A_156 = tpu.memref_slice %arg4[%dma_start3A_154, %dma_start3A_155] : memref<64x40xi32, #tpu.memory_space<vmem>> -> memref<1x40xi32, #tpu.memory_space<vmem>>
    %dma_start3A_157 = tpu.memref_squeeze %dma_start3A_156 : memref<1x40xi32, #tpu.memory_space<vmem>> -> memref<40xi32, #tpu.memory_space<vmem>>
    %dma_start3A_158 = arith.constant 0 : i32
    %dma_start3A_159 = arith.constant 0 : i32
    %dma_start3A_160 = tpu.memref_slice %arg7[%dma_start3A_158, %dma_start3A_159] : memref<10000x128xf32, #tpu.memory_space<vmem_shared>> -> memref<10000x128xf32, #tpu.memory_space<vmem_shared>>
    tpu.enqueue_indirect_dma source(%arg5 : memref<40x128xf32, #tpu.memory_space<vmem>>) target(%dma_start3A_160 : memref<10000x128xf32, #tpu.memory_space<vmem_shared>>) offsets(%dma_start3A_157 : memref<40xi32, #tpu.memory_space<vmem>>) semaphore(%arg11 : memref<!tpu.dma_semaphore, #tpu.memory_space<semaphore_mem>>) {add = true}
    %scan3A_161 = arith.constant 0 : i32
    %scan3A_162 = arith.constant 0 : i32
    %scan3A_163 = arith.constant 14 : i32
    %scan3A_164 = arith.addi %scan3A_162, %scan3A_163 : i32
    %scan3A_165 = arith.constant 1 : i32
    %scan3A_166 = scf.for %scan3A_184 = %scan3A_162 to %scan3A_164 step %scan3A_165 iter_args(%scan3A_185 = %scan3A_161) -> (i32)  : i32 {
      %mul3A_186 = arith.constant 4 : i32
      %mul3A_187 = arith.muli %mul3A_186, %scan3A_184 : i32
      %add3A_188 = arith.constant 0 : i32
      %add3A_189 = arith.addi %mul3A_187, %add3A_188 : i32
      %dma_wait3A_190 = arith.constant 0 : i32
      %dma_wait3A_191 = tpu.memref_slice %arg4[%add3A_189, %dma_wait3A_190] : memref<64x40xi32, #tpu.memory_space<vmem>> -> memref<1x40xi32, #tpu.memory_space<vmem>>
      %dma_wait3A_192 = tpu.memref_squeeze %dma_wait3A_191 : memref<1x40xi32, #tpu.memory_space<vmem>> -> memref<40xi32, #tpu.memory_space<vmem>>
      %dma_wait3A_193 = arith.constant 0 : i32
      %dma_wait3A_194 = arith.constant 0 : i32
      %dma_wait3A_195 = tpu.memref_slice %arg7[%dma_wait3A_193, %dma_wait3A_194] : memref<10000x128xf32, #tpu.memory_space<vmem_shared>> -> memref<10000x128xf32, #tpu.memory_space<vmem_shared>>
      tpu.wait_indirect_dma semaphore(%arg8 : memref<!tpu.dma_semaphore, #tpu.memory_space<semaphore_mem>>) src(%arg5 : memref<40x128xf32, #tpu.memory_space<vmem>>) dst(%dma_wait3A_195 : memref<10000x128xf32, #tpu.memory_space<vmem_shared>>)
      %add3A_196 = arith.constant 4 : i32
      %add3A_197 = arith.addi %mul3A_187, %add3A_196 : i32
      %add3A_198 = arith.constant 0 : i32
      %add3A_199 = arith.addi %add3A_197, %add3A_198 : i32
      %lt3A = arith.constant 58 : i32
      %lt3A_200 = arith.cmpi slt, %add3A_199, %lt3A : i32
      %convert_element_type3A = arith.extui %lt3A_200 : i1 to i32
      %cond3A = arith.constant 0 : i32
      %cond3A_201 = arith.cmpi ne, %convert_element_type3A, %cond3A : i32
      scf.if %cond3A_201 {
        %add3A_254 = arith.constant 4 : i32
        %add3A_255 = arith.addi %mul3A_187, %add3A_254 : i32
        %add3A_256 = arith.constant 0 : i32
        %add3A_257 = arith.addi %add3A_255, %add3A_256 : i32
        %dma_start3A_258 = arith.constant 0 : i32
        %dma_start3A_259 = tpu.memref_slice %arg4[%add3A_257, %dma_start3A_258] : memref<64x40xi32, #tpu.memory_space<vmem>> -> memref<1x40xi32, #tpu.memory_space<vmem>>
        %dma_start3A_260 = tpu.memref_squeeze %dma_start3A_259 : memref<1x40xi32, #tpu.memory_space<vmem>> -> memref<40xi32, #tpu.memory_space<vmem>>
        %dma_start3A_261 = arith.constant 0 : i32
        %dma_start3A_262 = arith.constant 0 : i32
        %dma_start3A_263 = tpu.memref_slice %arg7[%dma_start3A_261, %dma_start3A_262] : memref<10000x128xf32, #tpu.memory_space<vmem_shared>> -> memref<10000x128xf32, #tpu.memory_space<vmem_shared>>
        tpu.enqueue_indirect_dma source(%arg5 : memref<40x128xf32, #tpu.memory_space<vmem>>) target(%dma_start3A_263 : memref<10000x128xf32, #tpu.memory_space<vmem_shared>>) offsets(%dma_start3A_260 : memref<40xi32, #tpu.memory_space<vmem>>) semaphore(%arg8 : memref<!tpu.dma_semaphore, #tpu.memory_space<semaphore_mem>>) {add = true}
      } else {
      }
      %add3A_202 = arith.constant 1 : i32
      %add3A_203 = arith.addi %mul3A_187, %add3A_202 : i32
      %dma_wait3A_204 = arith.constant 0 : i32
      %dma_wait3A_205 = tpu.memref_slice %arg4[%add3A_203, %dma_wait3A_204] : memref<64x40xi32, #tpu.memory_space<vmem>> -> memref<1x40xi32, #tpu.memory_space<vmem>>
      %dma_wait3A_206 = tpu.memref_squeeze %dma_wait3A_205 : memref<1x40xi32, #tpu.memory_space<vmem>> -> memref<40xi32, #tpu.memory_space<vmem>>
      %dma_wait3A_207 = arith.constant 0 : i32
      %dma_wait3A_208 = arith.constant 0 : i32
      %dma_wait3A_209 = tpu.memref_slice %arg7[%dma_wait3A_207, %dma_wait3A_208] : memref<10000x128xf32, #tpu.memory_space<vmem_shared>> -> memref<10000x128xf32, #tpu.memory_space<vmem_shared>>
      tpu.wait_indirect_dma semaphore(%arg9 : memref<!tpu.dma_semaphore, #tpu.memory_space<semaphore_mem>>) src(%arg5 : memref<40x128xf32, #tpu.memory_space<vmem>>) dst(%dma_wait3A_209 : memref<10000x128xf32, #tpu.memory_space<vmem_shared>>)
      %add3A_210 = arith.constant 4 : i32
      %add3A_211 = arith.addi %mul3A_187, %add3A_210 : i32
      %add3A_212 = arith.constant 1 : i32
      %add3A_213 = arith.addi %add3A_211, %add3A_212 : i32
      %lt3A_214 = arith.constant 58 : i32
      %lt3A_215 = arith.cmpi slt, %add3A_213, %lt3A_214 : i32
      %convert_element_type3A_216 = arith.extui %lt3A_215 : i1 to i32
      %cond3A_217 = arith.constant 0 : i32
      %cond3A_218 = arith.cmpi ne, %convert_element_type3A_216, %cond3A_217 : i32
      scf.if %cond3A_218 {
        %add3A_254 = arith.constant 4 : i32
        %add3A_255 = arith.addi %mul3A_187, %add3A_254 : i32
        %add3A_256 = arith.constant 1 : i32
        %add3A_257 = arith.addi %add3A_255, %add3A_256 : i32
        %dma_start3A_258 = arith.constant 0 : i32
        %dma_start3A_259 = tpu.memref_slice %arg4[%add3A_257, %dma_start3A_258] : memref<64x40xi32, #tpu.memory_space<vmem>> -> memref<1x40xi32, #tpu.memory_space<vmem>>
        %dma_start3A_260 = tpu.memref_squeeze %dma_start3A_259 : memref<1x40xi32, #tpu.memory_space<vmem>> -> memref<40xi32, #tpu.memory_space<vmem>>
        %dma_start3A_261 = arith.constant 0 : i32
        %dma_start3A_262 = arith.constant 0 : i32
        %dma_start3A_263 = tpu.memref_slice %arg7[%dma_start3A_261, %dma_start3A_262] : memref<10000x128xf32, #tpu.memory_space<vmem_shared>> -> memref<10000x128xf32, #tpu.memory_space<vmem_shared>>
        tpu.enqueue_indirect_dma source(%arg5 : memref<40x128xf32, #tpu.memory_space<vmem>>) target(%dma_start3A_263 : memref<10000x128xf32, #tpu.memory_space<vmem_shared>>) offsets(%dma_start3A_260 : memref<40xi32, #tpu.memory_space<vmem>>) semaphore(%arg9 : memref<!tpu.dma_semaphore, #tpu.memory_space<semaphore_mem>>) {add = true}
      } else {
      }
      %add3A_219 = arith.constant 2 : i32
      %add3A_220 = arith.addi %mul3A_187, %add3A_219 : i32
      %dma_wait3A_221 = arith.constant 0 : i32
      %dma_wait3A_222 = tpu.memref_slice %arg4[%add3A_220, %dma_wait3A_221] : memref<64x40xi32, #tpu.memory_space<vmem>> -> memref<1x40xi32, #tpu.memory_space<vmem>>
      %dma_wait3A_223 = tpu.memref_squeeze %dma_wait3A_222 : memref<1x40xi32, #tpu.memory_space<vmem>> -> memref<40xi32, #tpu.memory_space<vmem>>
      %dma_wait3A_224 = arith.constant 0 : i32
      %dma_wait3A_225 = arith.constant 0 : i32
      %dma_wait3A_226 = tpu.memref_slice %arg7[%dma_wait3A_224, %dma_wait3A_225] : memref<10000x128xf32, #tpu.memory_space<vmem_shared>> -> memref<10000x128xf32, #tpu.memory_space<vmem_shared>>
      tpu.wait_indirect_dma semaphore(%arg10 : memref<!tpu.dma_semaphore, #tpu.memory_space<semaphore_mem>>) src(%arg5 : memref<40x128xf32, #tpu.memory_space<vmem>>) dst(%dma_wait3A_226 : memref<10000x128xf32, #tpu.memory_space<vmem_shared>>)
      %add3A_227 = arith.constant 4 : i32
      %add3A_228 = arith.addi %mul3A_187, %add3A_227 : i32
      %add3A_229 = arith.constant 2 : i32
      %add3A_230 = arith.addi %add3A_228, %add3A_229 : i32
      %lt3A_231 = arith.constant 58 : i32
      %lt3A_232 = arith.cmpi slt, %add3A_230, %lt3A_231 : i32
      %convert_element_type3A_233 = arith.extui %lt3A_232 : i1 to i32
      %cond3A_234 = arith.constant 0 : i32
      %cond3A_235 = arith.cmpi ne, %convert_element_type3A_233, %cond3A_234 : i32
      scf.if %cond3A_235 {
        %add3A_254 = arith.constant 4 : i32
        %add3A_255 = arith.addi %mul3A_187, %add3A_254 : i32
        %add3A_256 = arith.constant 2 : i32
        %add3A_257 = arith.addi %add3A_255, %add3A_256 : i32
        %dma_start3A_258 = arith.constant 0 : i32
        %dma_start3A_259 = tpu.memref_slice %arg4[%add3A_257, %dma_start3A_258] : memref<64x40xi32, #tpu.memory_space<vmem>> -> memref<1x40xi32, #tpu.memory_space<vmem>>
        %dma_start3A_260 = tpu.memref_squeeze %dma_start3A_259 : memref<1x40xi32, #tpu.memory_space<vmem>> -> memref<40xi32, #tpu.memory_space<vmem>>
        %dma_start3A_261 = arith.constant 0 : i32
        %dma_start3A_262 = arith.constant 0 : i32
        %dma_start3A_263 = tpu.memref_slice %arg7[%dma_start3A_261, %dma_start3A_262] : memref<10000x128xf32, #tpu.memory_space<vmem_shared>> -> memref<10000x128xf32, #tpu.memory_space<vmem_shared>>
        tpu.enqueue_indirect_dma source(%arg5 : memref<40x128xf32, #tpu.memory_space<vmem>>) target(%dma_start3A_263 : memref<10000x128xf32, #tpu.memory_space<vmem_shared>>) offsets(%dma_start3A_260 : memref<40xi32, #tpu.memory_space<vmem>>) semaphore(%arg10 : memref<!tpu.dma_semaphore, #tpu.memory_space<semaphore_mem>>) {add = true}
      } else {
      }
      %add3A_236 = arith.constant 3 : i32
      %add3A_237 = arith.addi %mul3A_187, %add3A_236 : i32
      %dma_wait3A_238 = arith.constant 0 : i32
      %dma_wait3A_239 = tpu.memref_slice %arg4[%add3A_237, %dma_wait3A_238] : memref<64x40xi32, #tpu.memory_space<vmem>> -> memref<1x40xi32, #tpu.memory_space<vmem>>
      %dma_wait3A_240 = tpu.memref_squeeze %dma_wait3A_239 : memref<1x40xi32, #tpu.memory_space<vmem>> -> memref<40xi32, #tpu.memory_space<vmem>>
      %dma_wait3A_241 = arith.constant 0 : i32
      %dma_wait3A_242 = arith.constant 0 : i32
      %dma_wait3A_243 = tpu.memref_slice %arg7[%dma_wait3A_241, %dma_wait3A_242] : memref<10000x128xf32, #tpu.memory_space<vmem_shared>> -> memref<10000x128xf32, #tpu.memory_space<vmem_shared>>
      tpu.wait_indirect_dma semaphore(%arg11 : memref<!tpu.dma_semaphore, #tpu.memory_space<semaphore_mem>>) src(%arg5 : memref<40x128xf32, #tpu.memory_space<vmem>>) dst(%dma_wait3A_243 : memref<10000x128xf32, #tpu.memory_space<vmem_shared>>)
      %add3A_244 = arith.constant 4 : i32
      %add3A_245 = arith.addi %mul3A_187, %add3A_244 : i32
      %add3A_246 = arith.constant 3 : i32
      %add3A_247 = arith.addi %add3A_245, %add3A_246 : i32
      %lt3A_248 = arith.constant 58 : i32
      %lt3A_249 = arith.cmpi slt, %add3A_247, %lt3A_248 : i32
      %convert_element_type3A_250 = arith.extui %lt3A_249 : i1 to i32
      %cond3A_251 = arith.constant 0 : i32
      %cond3A_252 = arith.cmpi ne, %convert_element_type3A_250, %cond3A_251 : i32
      scf.if %cond3A_252 {
        %add3A_254 = arith.constant 4 : i32
        %add3A_255 = arith.addi %mul3A_187, %add3A_254 : i32
        %add3A_256 = arith.constant 3 : i32
        %add3A_257 = arith.addi %add3A_255, %add3A_256 : i32
        %dma_start3A_258 = arith.constant 0 : i32
        %dma_start3A_259 = tpu.memref_slice %arg4[%add3A_257, %dma_start3A_258] : memref<64x40xi32, #tpu.memory_space<vmem>> -> memref<1x40xi32, #tpu.memory_space<vmem>>
        %dma_start3A_260 = tpu.memref_squeeze %dma_start3A_259 : memref<1x40xi32, #tpu.memory_space<vmem>> -> memref<40xi32, #tpu.memory_space<vmem>>
        %dma_start3A_261 = arith.constant 0 : i32
        %dma_start3A_262 = arith.constant 0 : i32
        %dma_start3A_263 = tpu.memref_slice %arg7[%dma_start3A_261, %dma_start3A_262] : memref<10000x128xf32, #tpu.memory_space<vmem_shared>> -> memref<10000x128xf32, #tpu.memory_space<vmem_shared>>
        tpu.enqueue_indirect_dma source(%arg5 : memref<40x128xf32, #tpu.memory_space<vmem>>) target(%dma_start3A_263 : memref<10000x128xf32, #tpu.memory_space<vmem_shared>>) offsets(%dma_start3A_260 : memref<40xi32, #tpu.memory_space<vmem>>) semaphore(%arg11 : memref<!tpu.dma_semaphore, #tpu.memory_space<semaphore_mem>>) {add = true}
      } else {
      }
      %scan3A_253 = arith.constant 0 : i32
      scf.yield %scan3A_253 : i32
    }
    %scan3A_167 = arith.constant 14 : i32
    %dma_wait3A = arith.constant 56 : i32
    %dma_wait3A_168 = arith.constant 0 : i32
    %dma_wait3A_169 = tpu.memref_slice %arg4[%dma_wait3A, %dma_wait3A_168] : memref<64x40xi32, #tpu.memory_space<vmem>> -> memref<1x40xi32, #tpu.memory_space<vmem>>
    %dma_wait3A_170 = tpu.memref_squeeze %dma_wait3A_169 : memref<1x40xi32, #tpu.memory_space<vmem>> -> memref<40xi32, #tpu.memory_space<vmem>>
    %dma_wait3A_171 = arith.constant 0 : i32
    %dma_wait3A_172 = arith.constant 0 : i32
    %dma_wait3A_173 = tpu.memref_slice %arg7[%dma_wait3A_171, %dma_wait3A_172] : memref<10000x128xf32, #tpu.memory_space<vmem_shared>> -> memref<10000x128xf32, #tpu.memory_space<vmem_shared>>
    tpu.wait_indirect_dma semaphore(%arg8 : memref<!tpu.dma_semaphore, #tpu.memory_space<semaphore_mem>>) src(%arg5 : memref<40x128xf32, #tpu.memory_space<vmem>>) dst(%dma_wait3A_173 : memref<10000x128xf32, #tpu.memory_space<vmem_shared>>)
    %dma_wait3A_174 = arith.constant 57 : i32
    %dma_wait3A_175 = arith.constant 0 : i32
    %dma_wait3A_176 = tpu.memref_slice %arg4[%dma_wait3A_174, %dma_wait3A_175] : memref<64x40xi32, #tpu.memory_space<vmem>> -> memref<1x40xi32, #tpu.memory_space<vmem>>
    %dma_wait3A_177 = tpu.memref_squeeze %dma_wait3A_176 : memref<1x40xi32, #tpu.memory_space<vmem>> -> memref<40xi32, #tpu.memory_space<vmem>>
    %dma_wait3A_178 = arith.constant 0 : i32
    %dma_wait3A_179 = arith.constant 0 : i32
    %dma_wait3A_180 = tpu.memref_slice %arg7[%dma_wait3A_178, %dma_wait3A_179] : memref<10000x128xf32, #tpu.memory_space<vmem_shared>> -> memref<10000x128xf32, #tpu.memory_space<vmem_shared>>
    tpu.wait_indirect_dma semaphore(%arg9 : memref<!tpu.dma_semaphore, #tpu.memory_space<semaphore_mem>>) src(%arg5 : memref<40x128xf32, #tpu.memory_space<vmem>>) dst(%dma_wait3A_180 : memref<10000x128xf32, #tpu.memory_space<vmem_shared>>)
    %barrier3A_181 = arith.constant 0 : index
    tpu.barrier barrier_id(%barrier3A_181)
    %mul3A_182 = arith.constant 625 : i32
    %mul3A_183 = arith.muli %arg1, %mul3A_182 : i32
    "tpu.region"() ({
      %run_scoped3A = tpu.sem_alloc : memref<!tpu.dma_semaphore, #tpu.memory_space<semaphore_mem>>
      %dma_start3A_184 = arith.constant 0 : i32
      %dma_start3A_185 = arith.constant 0 : i32
      %dma_start3A_186 = tpu.memref_slice %arg3[%arg0, %arg1, %dma_start3A_184, %dma_start3A_185] : memref<2x16x625x128xf32, #tpu.memory_space<hbm>> -> memref<1x1x625x128xf32, #tpu.memory_space<hbm>>
      %dma_start3A_187 = tpu.memref_squeeze %dma_start3A_186 : memref<1x1x625x128xf32, #tpu.memory_space<hbm>> -> memref<625x128xf32, #tpu.memory_space<hbm>>
      %dma_start3A_188 = arith.constant 0 : i32
      %dma_start3A_189 = tpu.memref_slice %arg7[%mul3A_183, %dma_start3A_188] : memref<10000x128xf32, #tpu.memory_space<vmem_shared>> -> memref<625x128xf32, #tpu.memory_space<vmem_shared>>
      tpu.enqueue_dma source(%dma_start3A_189 : memref<625x128xf32, #tpu.memory_space<vmem_shared>>) target(%dma_start3A_187 : memref<625x128xf32, #tpu.memory_space<hbm>>) target_semaphore(%run_scoped3A : memref<!tpu.dma_semaphore, #tpu.memory_space<semaphore_mem>>)
      %dma_wait3A_190 = arith.constant 0 : i32
      %dma_wait3A_191 = arith.constant 0 : i32
      %dma_wait3A_192 = tpu.memref_slice %arg3[%arg0, %arg1, %dma_wait3A_190, %dma_wait3A_191] : memref<2x16x625x128xf32, #tpu.memory_space<hbm>> -> memref<1x1x625x128xf32, #tpu.memory_space<hbm>>
      %dma_wait3A_193 = tpu.memref_squeeze %dma_wait3A_192 : memref<1x1x625x128xf32, #tpu.memory_space<hbm>> -> memref<625x128xf32, #tpu.memory_space<hbm>>
      %dma_wait3A_194 = arith.constant 0 : i32
      %dma_wait3A_195 = tpu.memref_slice %arg7[%mul3A_183, %dma_wait3A_194] : memref<10000x128xf32, #tpu.memory_space<vmem_shared>> -> memref<625x128xf32, #tpu.memory_space<vmem_shared>>
      tpu.wait_dma2 semaphore(%run_scoped3A : memref<!tpu.dma_semaphore, #tpu.memory_space<semaphore_mem>>) src(%dma_wait3A_195 : memref<625x128xf32, #tpu.memory_space<vmem_shared>>) dst(%dma_wait3A_193 : memref<625x128xf32, #tpu.memory_space<hbm>>)
      tpu.yield
    }) : () -> ()
    return
  }
}

#map = affine_map<(d0, d1) -> (0, 0)>
#map1 = affine_map<(d0, d1) -> (0, 0, 0)>
#map2 = affine_map<(d0, d1) -> (0, 0, 0, 0)>
module attributes {stable_mosaic.version = 14 : i64} {
  func.func @_edge_body(%arg0: i32, %arg1: i32, %arg2: memref<10000x128xf32, #tpu.memory_space<hbm>>, %arg3: memref<32x250x40xi32, #tpu.memory_space<hbm>>, %arg4: memref<32x250x40xi32, #tpu.memory_space<hbm>>, %arg5: memref<2x16x625x128xf32, #tpu.memory_space<hbm>>, %arg6: memref<64x40xi32, #tpu.memory_space<vmem>>, %arg7: memref<64x40xi32, #tpu.memory_space<vmem>>, %arg8: memref<40x128xf32, #tpu.memory_space<vmem>>, %arg9: memref<40x128xf32, #tpu.memory_space<vmem>>, %arg10: memref<40x128xf32, #tpu.memory_space<vmem>>, %arg11: memref<40x128xf32, #tpu.memory_space<vmem>>, %arg12: memref<40x128xf32, #tpu.memory_space<vmem>>, %arg13: memref<40x128xf32, #tpu.memory_space<vmem>>, %arg14: memref<10000x128xf32, #tpu.memory_space<vmem_shared>>, %arg15: memref<!tpu.dma_semaphore, #tpu.memory_space<semaphore_mem>>, %arg16: memref<!tpu.dma_semaphore, #tpu.memory_space<semaphore_mem>>, %arg17: memref<!tpu.dma_semaphore, #tpu.memory_space<semaphore_mem>>, %arg18: memref<!tpu.dma_semaphore, #tpu.memory_space<semaphore_mem>>, %arg19: memref<!tpu.dma_semaphore, #tpu.memory_space<semaphore_mem>>, %arg20: memref<!tpu.dma_semaphore, #tpu.memory_space<semaphore_mem>>, %arg21: memref<!tpu.dma_semaphore, #tpu.memory_space<semaphore_mem>>, %arg22: memref<!tpu.dma_semaphore, #tpu.memory_space<semaphore_mem>>, %arg23: memref<!tpu.dma_semaphore, #tpu.memory_space<semaphore_mem>>, %arg24: memref<!tpu.dma_semaphore, #tpu.memory_space<semaphore_mem>>, %arg25: memref<!tpu.dma_semaphore, #tpu.memory_space<semaphore_mem>>, %arg26: memref<!tpu.dma_semaphore, #tpu.memory_space<semaphore_mem>>) attributes {dimension_semantics = [#tpu.dimension_semantics<core_parallel>, #tpu.dimension_semantics<subcore_parallel>], iteration_bounds = array<i64: 2, 16>, scalar_prefetch = 0 : i64, scratch_operands = 21 : i64, tpu.core_type = #tpu.core_type<sc_vector_subcore>, window_params = [{transform_indices = #map}, {transform_indices = #map1}, {transform_indices = #map1}, {transform_indices = #map2}]} {
    %mul3A = arith.constant 16 : i32
    %mul3A_0 = arith.muli %arg0, %mul3A : i32
    %add3A = arith.addi %mul3A_0, %arg1 : i32
    %scan3A = arith.constant 0 : i32
    %scan3A_1 = arith.constant 0 : i32
    %scan3A_2 = arith.constant 40 : i32
    %scan3A_3 = arith.addi %scan3A_1, %scan3A_2 : i32
    %scan3A_4 = arith.constant 4 : i32
    %scan3A_5 = scf.for %scan3A_552 = %scan3A_1 to %scan3A_3 step %scan3A_4 iter_args(%scan3A_553 = %scan3A) -> (i32)  : i32 {
      %broadcast_in_dim3A = arith.constant 0.000000e+00 : f32
      %broadcast_in_dim3A_554 = vector.broadcast %broadcast_in_dim3A : f32 to vector<16xf32>
      %swap3A = arith.index_cast %scan3A_552 : i32 to index
      %swap3A_555 = arith.constant 0 : index
      %swap3A_556 = tpu.vector_load %arg8[%swap3A, %swap3A_555] {strides = array<i32>} : memref<40x128xf32, #tpu.memory_space<vmem>>, vector<1x16xf32>,
      %swap3A_557 = vector.shape_cast %swap3A_556 : vector<1x16xf32> to vector<16xf32>
      %swap3A_558 = vector.shape_cast %broadcast_in_dim3A_554 : vector<16xf32> to vector<1x16xf32>
      tpu.vector_store %arg8[%swap3A, %swap3A_555], %swap3A_558 {strides = array<i32>} : memref<40x128xf32, #tpu.memory_space<vmem>>, vector<1x16xf32>,
      %broadcast_in_dim3A_559 = arith.constant 0.000000e+00 : f32
      %broadcast_in_dim3A_560 = vector.broadcast %broadcast_in_dim3A_559 : f32 to vector<16xf32>
      %swap3A_561 = arith.index_cast %scan3A_552 : i32 to index
      %swap3A_562 = arith.constant 16 : index
      %swap3A_563 = tpu.vector_load %arg8[%swap3A_561, %swap3A_562] {strides = array<i32>} : memref<40x128xf32, #tpu.memory_space<vmem>>, vector<1x16xf32>,
      %swap3A_564 = vector.shape_cast %swap3A_563 : vector<1x16xf32> to vector<16xf32>
      %swap3A_565 = vector.shape_cast %broadcast_in_dim3A_560 : vector<16xf32> to vector<1x16xf32>
      tpu.vector_store %arg8[%swap3A_561, %swap3A_562], %swap3A_565 {strides = array<i32>} : memref<40x128xf32, #tpu.memory_space<vmem>>, vector<1x16xf32>,
      %broadcast_in_dim3A_566 = arith.constant 0.000000e+00 : f32
      %broadcast_in_dim3A_567 = vector.broadcast %broadcast_in_dim3A_566 : f32 to vector<16xf32>
      %swap3A_568 = arith.index_cast %scan3A_552 : i32 to index
      %swap3A_569 = arith.constant 32 : index
      %swap3A_570 = tpu.vector_load %arg8[%swap3A_568, %swap3A_569] {strides = array<i32>} : memref<40x128xf32, #tpu.memory_space<vmem>>, vector<1x16xf32>,
      %swap3A_571 = vector.shape_cast %swap3A_570 : vector<1x16xf32> to vector<16xf32>
      %swap3A_572 = vector.shape_cast %broadcast_in_dim3A_567 : vector<16xf32> to vector<1x16xf32>
      tpu.vector_store %arg8[%swap3A_568, %swap3A_569], %swap3A_572 {strides = array<i32>} : memref<40x128xf32, #tpu.memory_space<vmem>>, vector<1x16xf32>,
      %broadcast_in_dim3A_573 = arith.constant 0.000000e+00 : f32
      %broadcast_in_dim3A_574 = vector.broadcast %broadcast_in_dim3A_573 : f32 to vector<16xf32>
      %swap3A_575 = arith.index_cast %scan3A_552 : i32 to index
      %swap3A_576 = arith.constant 48 : index
      %swap3A_577 = tpu.vector_load %arg8[%swap3A_575, %swap3A_576] {strides = array<i32>} : memref<40x128xf32, #tpu.memory_space<vmem>>, vector<1x16xf32>,
      %swap3A_578 = vector.shape_cast %swap3A_577 : vector<1x16xf32> to vector<16xf32>
      %swap3A_579 = vector.shape_cast %broadcast_in_dim3A_574 : vector<16xf32> to vector<1x16xf32>
      tpu.vector_store %arg8[%swap3A_575, %swap3A_576], %swap3A_579 {strides = array<i32>} : memref<40x128xf32, #tpu.memory_space<vmem>>, vector<1x16xf32>,
      %broadcast_in_dim3A_580 = arith.constant 0.000000e+00 : f32
      %broadcast_in_dim3A_581 = vector.broadcast %broadcast_in_dim3A_580 : f32 to vector<16xf32>
      %swap3A_582 = arith.index_cast %scan3A_552 : i32 to index
      %swap3A_583 = arith.constant 64 : index
      %swap3A_584 = tpu.vector_load %arg8[%swap3A_582, %swap3A_583] {strides = array<i32>} : memref<40x128xf32, #tpu.memory_space<vmem>>, vector<1x16xf32>,
      %swap3A_585 = vector.shape_cast %swap3A_584 : vector<1x16xf32> to vector<16xf32>
      %swap3A_586 = vector.shape_cast %broadcast_in_dim3A_581 : vector<16xf32> to vector<1x16xf32>
      tpu.vector_store %arg8[%swap3A_582, %swap3A_583], %swap3A_586 {strides = array<i32>} : memref<40x128xf32, #tpu.memory_space<vmem>>, vector<1x16xf32>,
      %broadcast_in_dim3A_587 = arith.constant 0.000000e+00 : f32
      %broadcast_in_dim3A_588 = vector.broadcast %broadcast_in_dim3A_587 : f32 to vector<16xf32>
      %swap3A_589 = arith.index_cast %scan3A_552 : i32 to index
      %swap3A_590 = arith.constant 80 : index
      %swap3A_591 = tpu.vector_load %arg8[%swap3A_589, %swap3A_590] {strides = array<i32>} : memref<40x128xf32, #tpu.memory_space<vmem>>, vector<1x16xf32>,
      %swap3A_592 = vector.shape_cast %swap3A_591 : vector<1x16xf32> to vector<16xf32>
      %swap3A_593 = vector.shape_cast %broadcast_in_dim3A_588 : vector<16xf32> to vector<1x16xf32>
      tpu.vector_store %arg8[%swap3A_589, %swap3A_590], %swap3A_593 {strides = array<i32>} : memref<40x128xf32, #tpu.memory_space<vmem>>, vector<1x16xf32>,
      %broadcast_in_dim3A_594 = arith.constant 0.000000e+00 : f32
      %broadcast_in_dim3A_595 = vector.broadcast %broadcast_in_dim3A_594 : f32 to vector<16xf32>
      %swap3A_596 = arith.index_cast %scan3A_552 : i32 to index
      %swap3A_597 = arith.constant 96 : index
      %swap3A_598 = tpu.vector_load %arg8[%swap3A_596, %swap3A_597] {strides = array<i32>} : memref<40x128xf32, #tpu.memory_space<vmem>>, vector<1x16xf32>,
      %swap3A_599 = vector.shape_cast %swap3A_598 : vector<1x16xf32> to vector<16xf32>
      %swap3A_600 = vector.shape_cast %broadcast_in_dim3A_595 : vector<16xf32> to vector<1x16xf32>
      tpu.vector_store %arg8[%swap3A_596, %swap3A_597], %swap3A_600 {strides = array<i32>} : memref<40x128xf32, #tpu.memory_space<vmem>>, vector<1x16xf32>,
      %broadcast_in_dim3A_601 = arith.constant 0.000000e+00 : f32
      %broadcast_in_dim3A_602 = vector.broadcast %broadcast_in_dim3A_601 : f32 to vector<16xf32>
      %swap3A_603 = arith.index_cast %scan3A_552 : i32 to index
      %swap3A_604 = arith.constant 112 : index
      %swap3A_605 = tpu.vector_load %arg8[%swap3A_603, %swap3A_604] {strides = array<i32>} : memref<40x128xf32, #tpu.memory_space<vmem>>, vector<1x16xf32>,
      %swap3A_606 = vector.shape_cast %swap3A_605 : vector<1x16xf32> to vector<16xf32>
      %swap3A_607 = vector.shape_cast %broadcast_in_dim3A_602 : vector<16xf32> to vector<1x16xf32>
      tpu.vector_store %arg8[%swap3A_603, %swap3A_604], %swap3A_607 {strides = array<i32>} : memref<40x128xf32, #tpu.memory_space<vmem>>, vector<1x16xf32>,
      %scan3A_608 = arith.constant 0 : i32
      %scan3A_609 = arith.constant 1 : i32
      %scan3A_610 = arith.addi %scan3A_552, %scan3A_609 : i32
      %broadcast_in_dim3A_611 = arith.constant 0.000000e+00 : f32
      %broadcast_in_dim3A_612 = vector.broadcast %broadcast_in_dim3A_611 : f32 to vector<16xf32>
      %swap3A_613 = arith.index_cast %scan3A_610 : i32 to index
      %swap3A_614 = arith.constant 0 : index
      %swap3A_615 = tpu.vector_load %arg8[%swap3A_613, %swap3A_614] {strides = array<i32>} : memref<40x128xf32, #tpu.memory_space<vmem>>, vector<1x16xf32>,
      %swap3A_616 = vector.shape_cast %swap3A_615 : vector<1x16xf32> to vector<16xf32>
      %swap3A_617 = vector.shape_cast %broadcast_in_dim3A_612 : vector<16xf32> to vector<1x16xf32>
      tpu.vector_store %arg8[%swap3A_613, %swap3A_614], %swap3A_617 {strides = array<i32>} : memref<40x128xf32, #tpu.memory_space<vmem>>, vector<1x16xf32>,
      %broadcast_in_dim3A_618 = arith.constant 0.000000e+00 : f32
      %broadcast_in_dim3A_619 = vector.broadcast %broadcast_in_dim3A_618 : f32 to vector<16xf32>
      %swap3A_620 = arith.index_cast %scan3A_610 : i32 to index
      %swap3A_621 = arith.constant 16 : index
      %swap3A_622 = tpu.vector_load %arg8[%swap3A_620, %swap3A_621] {strides = array<i32>} : memref<40x128xf32, #tpu.memory_space<vmem>>, vector<1x16xf32>,
      %swap3A_623 = vector.shape_cast %swap3A_622 : vector<1x16xf32> to vector<16xf32>
      %swap3A_624 = vector.shape_cast %broadcast_in_dim3A_619 : vector<16xf32> to vector<1x16xf32>
      tpu.vector_store %arg8[%swap3A_620, %swap3A_621], %swap3A_624 {strides = array<i32>} : memref<40x128xf32, #tpu.memory_space<vmem>>, vector<1x16xf32>,
      %broadcast_in_dim3A_625 = arith.constant 0.000000e+00 : f32
      %broadcast_in_dim3A_626 = vector.broadcast %broadcast_in_dim3A_625 : f32 to vector<16xf32>
      %swap3A_627 = arith.index_cast %scan3A_610 : i32 to index
      %swap3A_628 = arith.constant 32 : index
      %swap3A_629 = tpu.vector_load %arg8[%swap3A_627, %swap3A_628] {strides = array<i32>} : memref<40x128xf32, #tpu.memory_space<vmem>>, vector<1x16xf32>,
      %swap3A_630 = vector.shape_cast %swap3A_629 : vector<1x16xf32> to vector<16xf32>
      %swap3A_631 = vector.shape_cast %broadcast_in_dim3A_626 : vector<16xf32> to vector<1x16xf32>
      tpu.vector_store %arg8[%swap3A_627, %swap3A_628], %swap3A_631 {strides = array<i32>} : memref<40x128xf32, #tpu.memory_space<vmem>>, vector<1x16xf32>,
      %broadcast_in_dim3A_632 = arith.constant 0.000000e+00 : f32
      %broadcast_in_dim3A_633 = vector.broadcast %broadcast_in_dim3A_632 : f32 to vector<16xf32>
      %swap3A_634 = arith.index_cast %scan3A_610 : i32 to index
      %swap3A_635 = arith.constant 48 : index
      %swap3A_636 = tpu.vector_load %arg8[%swap3A_634, %swap3A_635] {strides = array<i32>} : memref<40x128xf32, #tpu.memory_space<vmem>>, vector<1x16xf32>,
      %swap3A_637 = vector.shape_cast %swap3A_636 : vector<1x16xf32> to vector<16xf32>
      %swap3A_638 = vector.shape_cast %broadcast_in_dim3A_633 : vector<16xf32> to vector<1x16xf32>
      tpu.vector_store %arg8[%swap3A_634, %swap3A_635], %swap3A_638 {strides = array<i32>} : memref<40x128xf32, #tpu.memory_space<vmem>>, vector<1x16xf32>,
      %broadcast_in_dim3A_639 = arith.constant 0.000000e+00 : f32
      %broadcast_in_dim3A_640 = vector.broadcast %broadcast_in_dim3A_639 : f32 to vector<16xf32>
      %swap3A_641 = arith.index_cast %scan3A_610 : i32 to index
      %swap3A_642 = arith.constant 64 : index
      %swap3A_643 = tpu.vector_load %arg8[%swap3A_641, %swap3A_642] {strides = array<i32>} : memref<40x128xf32, #tpu.memory_space<vmem>>, vector<1x16xf32>,
      %swap3A_644 = vector.shape_cast %swap3A_643 : vector<1x16xf32> to vector<16xf32>
      %swap3A_645 = vector.shape_cast %broadcast_in_dim3A_640 : vector<16xf32> to vector<1x16xf32>
      tpu.vector_store %arg8[%swap3A_641, %swap3A_642], %swap3A_645 {strides = array<i32>} : memref<40x128xf32, #tpu.memory_space<vmem>>, vector<1x16xf32>,
      %broadcast_in_dim3A_646 = arith.constant 0.000000e+00 : f32
      %broadcast_in_dim3A_647 = vector.broadcast %broadcast_in_dim3A_646 : f32 to vector<16xf32>
      %swap3A_648 = arith.index_cast %scan3A_610 : i32 to index
      %swap3A_649 = arith.constant 80 : index
      %swap3A_650 = tpu.vector_load %arg8[%swap3A_648, %swap3A_649] {strides = array<i32>} : memref<40x128xf32, #tpu.memory_space<vmem>>, vector<1x16xf32>,
      %swap3A_651 = vector.shape_cast %swap3A_650 : vector<1x16xf32> to vector<16xf32>
      %swap3A_652 = vector.shape_cast %broadcast_in_dim3A_647 : vector<16xf32> to vector<1x16xf32>
      tpu.vector_store %arg8[%swap3A_648, %swap3A_649], %swap3A_652 {strides = array<i32>} : memref<40x128xf32, #tpu.memory_space<vmem>>, vector<1x16xf32>,
      %broadcast_in_dim3A_653 = arith.constant 0.000000e+00 : f32
      %broadcast_in_dim3A_654 = vector.broadcast %broadcast_in_dim3A_653 : f32 to vector<16xf32>
      %swap3A_655 = arith.index_cast %scan3A_610 : i32 to index
      %swap3A_656 = arith.constant 96 : index
      %swap3A_657 = tpu.vector_load %arg8[%swap3A_655, %swap3A_656] {strides = array<i32>} : memref<40x128xf32, #tpu.memory_space<vmem>>, vector<1x16xf32>,
      %swap3A_658 = vector.shape_cast %swap3A_657 : vector<1x16xf32> to vector<16xf32>
      %swap3A_659 = vector.shape_cast %broadcast_in_dim3A_654 : vector<16xf32> to vector<1x16xf32>
      tpu.vector_store %arg8[%swap3A_655, %swap3A_656], %swap3A_659 {strides = array<i32>} : memref<40x128xf32, #tpu.memory_space<vmem>>, vector<1x16xf32>,
      %broadcast_in_dim3A_660 = arith.constant 0.000000e+00 : f32
      %broadcast_in_dim3A_661 = vector.broadcast %broadcast_in_dim3A_660 : f32 to vector<16xf32>
      %swap3A_662 = arith.index_cast %scan3A_610 : i32 to index
      %swap3A_663 = arith.constant 112 : index
      %swap3A_664 = tpu.vector_load %arg8[%swap3A_662, %swap3A_663] {strides = array<i32>} : memref<40x128xf32, #tpu.memory_space<vmem>>, vector<1x16xf32>,
      %swap3A_665 = vector.shape_cast %swap3A_664 : vector<1x16xf32> to vector<16xf32>
      %swap3A_666 = vector.shape_cast %broadcast_in_dim3A_661 : vector<16xf32> to vector<1x16xf32>
      tpu.vector_store %arg8[%swap3A_662, %swap3A_663], %swap3A_666 {strides = array<i32>} : memref<40x128xf32, #tpu.memory_space<vmem>>, vector<1x16xf32>,
      %scan3A_667 = arith.constant 0 : i32
      %scan3A_668 = arith.constant 2 : i32
      %scan3A_669 = arith.addi %scan3A_552, %scan3A_668 : i32
      %broadcast_in_dim3A_670 = arith.constant 0.000000e+00 : f32
      %broadcast_in_dim3A_671 = vector.broadcast %broadcast_in_dim3A_670 : f32 to vector<16xf32>
      %swap3A_672 = arith.index_cast %scan3A_669 : i32 to index
      %swap3A_673 = arith.constant 0 : index
      %swap3A_674 = tpu.vector_load %arg8[%swap3A_672, %swap3A_673] {strides = array<i32>} : memref<40x128xf32, #tpu.memory_space<vmem>>, vector<1x16xf32>,
      %swap3A_675 = vector.shape_cast %swap3A_674 : vector<1x16xf32> to vector<16xf32>
      %swap3A_676 = vector.shape_cast %broadcast_in_dim3A_671 : vector<16xf32> to vector<1x16xf32>
      tpu.vector_store %arg8[%swap3A_672, %swap3A_673], %swap3A_676 {strides = array<i32>} : memref<40x128xf32, #tpu.memory_space<vmem>>, vector<1x16xf32>,
      %broadcast_in_dim3A_677 = arith.constant 0.000000e+00 : f32
      %broadcast_in_dim3A_678 = vector.broadcast %broadcast_in_dim3A_677 : f32 to vector<16xf32>
      %swap3A_679 = arith.index_cast %scan3A_669 : i32 to index
      %swap3A_680 = arith.constant 16 : index
      %swap3A_681 = tpu.vector_load %arg8[%swap3A_679, %swap3A_680] {strides = array<i32>} : memref<40x128xf32, #tpu.memory_space<vmem>>, vector<1x16xf32>,
      %swap3A_682 = vector.shape_cast %swap3A_681 : vector<1x16xf32> to vector<16xf32>
      %swap3A_683 = vector.shape_cast %broadcast_in_dim3A_678 : vector<16xf32> to vector<1x16xf32>
      tpu.vector_store %arg8[%swap3A_679, %swap3A_680], %swap3A_683 {strides = array<i32>} : memref<40x128xf32, #tpu.memory_space<vmem>>, vector<1x16xf32>,
      %broadcast_in_dim3A_684 = arith.constant 0.000000e+00 : f32
      %broadcast_in_dim3A_685 = vector.broadcast %broadcast_in_dim3A_684 : f32 to vector<16xf32>
      %swap3A_686 = arith.index_cast %scan3A_669 : i32 to index
      %swap3A_687 = arith.constant 32 : index
      %swap3A_688 = tpu.vector_load %arg8[%swap3A_686, %swap3A_687] {strides = array<i32>} : memref<40x128xf32, #tpu.memory_space<vmem>>, vector<1x16xf32>,
      %swap3A_689 = vector.shape_cast %swap3A_688 : vector<1x16xf32> to vector<16xf32>
      %swap3A_690 = vector.shape_cast %broadcast_in_dim3A_685 : vector<16xf32> to vector<1x16xf32>
      tpu.vector_store %arg8[%swap3A_686, %swap3A_687], %swap3A_690 {strides = array<i32>} : memref<40x128xf32, #tpu.memory_space<vmem>>, vector<1x16xf32>,
      %broadcast_in_dim3A_691 = arith.constant 0.000000e+00 : f32
      %broadcast_in_dim3A_692 = vector.broadcast %broadcast_in_dim3A_691 : f32 to vector<16xf32>
      %swap3A_693 = arith.index_cast %scan3A_669 : i32 to index
      %swap3A_694 = arith.constant 48 : index
      %swap3A_695 = tpu.vector_load %arg8[%swap3A_693, %swap3A_694] {strides = array<i32>} : memref<40x128xf32, #tpu.memory_space<vmem>>, vector<1x16xf32>,
      %swap3A_696 = vector.shape_cast %swap3A_695 : vector<1x16xf32> to vector<16xf32>
      %swap3A_697 = vector.shape_cast %broadcast_in_dim3A_692 : vector<16xf32> to vector<1x16xf32>
      tpu.vector_store %arg8[%swap3A_693, %swap3A_694], %swap3A_697 {strides = array<i32>} : memref<40x128xf32, #tpu.memory_space<vmem>>, vector<1x16xf32>,
      %broadcast_in_dim3A_698 = arith.constant 0.000000e+00 : f32
      %broadcast_in_dim3A_699 = vector.broadcast %broadcast_in_dim3A_698 : f32 to vector<16xf32>
      %swap3A_700 = arith.index_cast %scan3A_669 : i32 to index
      %swap3A_701 = arith.constant 64 : index
      %swap3A_702 = tpu.vector_load %arg8[%swap3A_700, %swap3A_701] {strides = array<i32>} : memref<40x128xf32, #tpu.memory_space<vmem>>, vector<1x16xf32>,
      %swap3A_703 = vector.shape_cast %swap3A_702 : vector<1x16xf32> to vector<16xf32>
      %swap3A_704 = vector.shape_cast %broadcast_in_dim3A_699 : vector<16xf32> to vector<1x16xf32>
      tpu.vector_store %arg8[%swap3A_700, %swap3A_701], %swap3A_704 {strides = array<i32>} : memref<40x128xf32, #tpu.memory_space<vmem>>, vector<1x16xf32>,
      %broadcast_in_dim3A_705 = arith.constant 0.000000e+00 : f32
      %broadcast_in_dim3A_706 = vector.broadcast %broadcast_in_dim3A_705 : f32 to vector<16xf32>
      %swap3A_707 = arith.index_cast %scan3A_669 : i32 to index
      %swap3A_708 = arith.constant 80 : index
      %swap3A_709 = tpu.vector_load %arg8[%swap3A_707, %swap3A_708] {strides = array<i32>} : memref<40x128xf32, #tpu.memory_space<vmem>>, vector<1x16xf32>,
      %swap3A_710 = vector.shape_cast %swap3A_709 : vector<1x16xf32> to vector<16xf32>
      %swap3A_711 = vector.shape_cast %broadcast_in_dim3A_706 : vector<16xf32> to vector<1x16xf32>
      tpu.vector_store %arg8[%swap3A_707, %swap3A_708], %swap3A_711 {strides = array<i32>} : memref<40x128xf32, #tpu.memory_space<vmem>>, vector<1x16xf32>,
      %broadcast_in_dim3A_712 = arith.constant 0.000000e+00 : f32
      %broadcast_in_dim3A_713 = vector.broadcast %broadcast_in_dim3A_712 : f32 to vector<16xf32>
      %swap3A_714 = arith.index_cast %scan3A_669 : i32 to index
      %swap3A_715 = arith.constant 96 : index
      %swap3A_716 = tpu.vector_load %arg8[%swap3A_714, %swap3A_715] {strides = array<i32>} : memref<40x128xf32, #tpu.memory_space<vmem>>, vector<1x16xf32>,
      %swap3A_717 = vector.shape_cast %swap3A_716 : vector<1x16xf32> to vector<16xf32>
      %swap3A_718 = vector.shape_cast %broadcast_in_dim3A_713 : vector<16xf32> to vector<1x16xf32>
      tpu.vector_store %arg8[%swap3A_714, %swap3A_715], %swap3A_718 {strides = array<i32>} : memref<40x128xf32, #tpu.memory_space<vmem>>, vector<1x16xf32>,
      %broadcast_in_dim3A_719 = arith.constant 0.000000e+00 : f32
      %broadcast_in_dim3A_720 = vector.broadcast %broadcast_in_dim3A_719 : f32 to vector<16xf32>
      %swap3A_721 = arith.index_cast %scan3A_669 : i32 to index
      %swap3A_722 = arith.constant 112 : index
      %swap3A_723 = tpu.vector_load %arg8[%swap3A_721, %swap3A_722] {strides = array<i32>} : memref<40x128xf32, #tpu.memory_space<vmem>>, vector<1x16xf32>,
      %swap3A_724 = vector.shape_cast %swap3A_723 : vector<1x16xf32> to vector<16xf32>
      %swap3A_725 = vector.shape_cast %broadcast_in_dim3A_720 : vector<16xf32> to vector<1x16xf32>
      tpu.vector_store %arg8[%swap3A_721, %swap3A_722], %swap3A_725 {strides = array<i32>} : memref<40x128xf32, #tpu.memory_space<vmem>>, vector<1x16xf32>,
      %scan3A_726 = arith.constant 0 : i32
      %scan3A_727 = arith.constant 3 : i32
      %scan3A_728 = arith.addi %scan3A_552, %scan3A_727 : i32
      %broadcast_in_dim3A_729 = arith.constant 0.000000e+00 : f32
      %broadcast_in_dim3A_730 = vector.broadcast %broadcast_in_dim3A_729 : f32 to vector<16xf32>
      %swap3A_731 = arith.index_cast %scan3A_728 : i32 to index
      %swap3A_732 = arith.constant 0 : index
      %swap3A_733 = tpu.vector_load %arg8[%swap3A_731, %swap3A_732] {strides = array<i32>} : memref<40x128xf32, #tpu.memory_space<vmem>>, vector<1x16xf32>,
      %swap3A_734 = vector.shape_cast %swap3A_733 : vector<1x16xf32> to vector<16xf32>
      %swap3A_735 = vector.shape_cast %broadcast_in_dim3A_730 : vector<16xf32> to vector<1x16xf32>
      tpu.vector_store %arg8[%swap3A_731, %swap3A_732], %swap3A_735 {strides = array<i32>} : memref<40x128xf32, #tpu.memory_space<vmem>>, vector<1x16xf32>,
      %broadcast_in_dim3A_736 = arith.constant 0.000000e+00 : f32
      %broadcast_in_dim3A_737 = vector.broadcast %broadcast_in_dim3A_736 : f32 to vector<16xf32>
      %swap3A_738 = arith.index_cast %scan3A_728 : i32 to index
      %swap3A_739 = arith.constant 16 : index
      %swap3A_740 = tpu.vector_load %arg8[%swap3A_738, %swap3A_739] {strides = array<i32>} : memref<40x128xf32, #tpu.memory_space<vmem>>, vector<1x16xf32>,
      %swap3A_741 = vector.shape_cast %swap3A_740 : vector<1x16xf32> to vector<16xf32>
      %swap3A_742 = vector.shape_cast %broadcast_in_dim3A_737 : vector<16xf32> to vector<1x16xf32>
      tpu.vector_store %arg8[%swap3A_738, %swap3A_739], %swap3A_742 {strides = array<i32>} : memref<40x128xf32, #tpu.memory_space<vmem>>, vector<1x16xf32>,
      %broadcast_in_dim3A_743 = arith.constant 0.000000e+00 : f32
      %broadcast_in_dim3A_744 = vector.broadcast %broadcast_in_dim3A_743 : f32 to vector<16xf32>
      %swap3A_745 = arith.index_cast %scan3A_728 : i32 to index
      %swap3A_746 = arith.constant 32 : index
      %swap3A_747 = tpu.vector_load %arg8[%swap3A_745, %swap3A_746] {strides = array<i32>} : memref<40x128xf32, #tpu.memory_space<vmem>>, vector<1x16xf32>,
      %swap3A_748 = vector.shape_cast %swap3A_747 : vector<1x16xf32> to vector<16xf32>
      %swap3A_749 = vector.shape_cast %broadcast_in_dim3A_744 : vector<16xf32> to vector<1x16xf32>
      tpu.vector_store %arg8[%swap3A_745, %swap3A_746], %swap3A_749 {strides = array<i32>} : memref<40x128xf32, #tpu.memory_space<vmem>>, vector<1x16xf32>,
      %broadcast_in_dim3A_750 = arith.constant 0.000000e+00 : f32
      %broadcast_in_dim3A_751 = vector.broadcast %broadcast_in_dim3A_750 : f32 to vector<16xf32>
      %swap3A_752 = arith.index_cast %scan3A_728 : i32 to index
      %swap3A_753 = arith.constant 48 : index
      %swap3A_754 = tpu.vector_load %arg8[%swap3A_752, %swap3A_753] {strides = array<i32>} : memref<40x128xf32, #tpu.memory_space<vmem>>, vector<1x16xf32>,
      %swap3A_755 = vector.shape_cast %swap3A_754 : vector<1x16xf32> to vector<16xf32>
      %swap3A_756 = vector.shape_cast %broadcast_in_dim3A_751 : vector<16xf32> to vector<1x16xf32>
      tpu.vector_store %arg8[%swap3A_752, %swap3A_753], %swap3A_756 {strides = array<i32>} : memref<40x128xf32, #tpu.memory_space<vmem>>, vector<1x16xf32>,
      %broadcast_in_dim3A_757 = arith.constant 0.000000e+00 : f32
      %broadcast_in_dim3A_758 = vector.broadcast %broadcast_in_dim3A_757 : f32 to vector<16xf32>
      %swap3A_759 = arith.index_cast %scan3A_728 : i32 to index
      %swap3A_760 = arith.constant 64 : index
      %swap3A_761 = tpu.vector_load %arg8[%swap3A_759, %swap3A_760] {strides = array<i32>} : memref<40x128xf32, #tpu.memory_space<vmem>>, vector<1x16xf32>,
      %swap3A_762 = vector.shape_cast %swap3A_761 : vector<1x16xf32> to vector<16xf32>
      %swap3A_763 = vector.shape_cast %broadcast_in_dim3A_758 : vector<16xf32> to vector<1x16xf32>
      tpu.vector_store %arg8[%swap3A_759, %swap3A_760], %swap3A_763 {strides = array<i32>} : memref<40x128xf32, #tpu.memory_space<vmem>>, vector<1x16xf32>,
      %broadcast_in_dim3A_764 = arith.constant 0.000000e+00 : f32
      %broadcast_in_dim3A_765 = vector.broadcast %broadcast_in_dim3A_764 : f32 to vector<16xf32>
      %swap3A_766 = arith.index_cast %scan3A_728 : i32 to index
      %swap3A_767 = arith.constant 80 : index
      %swap3A_768 = tpu.vector_load %arg8[%swap3A_766, %swap3A_767] {strides = array<i32>} : memref<40x128xf32, #tpu.memory_space<vmem>>, vector<1x16xf32>,
      %swap3A_769 = vector.shape_cast %swap3A_768 : vector<1x16xf32> to vector<16xf32>
      %swap3A_770 = vector.shape_cast %broadcast_in_dim3A_765 : vector<16xf32> to vector<1x16xf32>
      tpu.vector_store %arg8[%swap3A_766, %swap3A_767], %swap3A_770 {strides = array<i32>} : memref<40x128xf32, #tpu.memory_space<vmem>>, vector<1x16xf32>,
      %broadcast_in_dim3A_771 = arith.constant 0.000000e+00 : f32
      %broadcast_in_dim3A_772 = vector.broadcast %broadcast_in_dim3A_771 : f32 to vector<16xf32>
      %swap3A_773 = arith.index_cast %scan3A_728 : i32 to index
      %swap3A_774 = arith.constant 96 : index
      %swap3A_775 = tpu.vector_load %arg8[%swap3A_773, %swap3A_774] {strides = array<i32>} : memref<40x128xf32, #tpu.memory_space<vmem>>, vector<1x16xf32>,
      %swap3A_776 = vector.shape_cast %swap3A_775 : vector<1x16xf32> to vector<16xf32>
      %swap3A_777 = vector.shape_cast %broadcast_in_dim3A_772 : vector<16xf32> to vector<1x16xf32>
      tpu.vector_store %arg8[%swap3A_773, %swap3A_774], %swap3A_777 {strides = array<i32>} : memref<40x128xf32, #tpu.memory_space<vmem>>, vector<1x16xf32>,
      %broadcast_in_dim3A_778 = arith.constant 0.000000e+00 : f32
      %broadcast_in_dim3A_779 = vector.broadcast %broadcast_in_dim3A_778 : f32 to vector<16xf32>
      %swap3A_780 = arith.index_cast %scan3A_728 : i32 to index
      %swap3A_781 = arith.constant 112 : index
      %swap3A_782 = tpu.vector_load %arg8[%swap3A_780, %swap3A_781] {strides = array<i32>} : memref<40x128xf32, #tpu.memory_space<vmem>>, vector<1x16xf32>,
      %swap3A_783 = vector.shape_cast %swap3A_782 : vector<1x16xf32> to vector<16xf32>
      %swap3A_784 = vector.shape_cast %broadcast_in_dim3A_779 : vector<16xf32> to vector<1x16xf32>
      tpu.vector_store %arg8[%swap3A_780, %swap3A_781], %swap3A_784 {strides = array<i32>} : memref<40x128xf32, #tpu.memory_space<vmem>>, vector<1x16xf32>,
      %scan3A_785 = arith.constant 0 : i32
      scf.yield %scan3A_785 : i32
    }
    %scan3A_6 = arith.constant 40 : i32
    %mul3A_7 = arith.constant 625 : i32
    %mul3A_8 = arith.muli %arg1, %mul3A_7 : i32
    %scan3A_9 = arith.constant 0 : i32
    %scan3A_10 = arith.constant 0 : i32
    %scan3A_11 = arith.constant 15 : i32
    %scan3A_12 = arith.addi %scan3A_10, %scan3A_11 : i32
    %scan3A_13 = arith.constant 1 : i32
    %scan3A_14 = scf.for %scan3A_552 = %scan3A_10 to %scan3A_12 step %scan3A_13 iter_args(%scan3A_553 = %scan3A_9) -> (i32)  : i32 {
      %mul3A_554 = arith.constant 40 : i32
      %mul3A_555 = arith.muli %scan3A_552, %mul3A_554 : i32
      %add3A_556 = arith.addi %mul3A_8, %mul3A_555 : i32
      "tpu.region"() ({
        %run_scoped3A = tpu.sem_alloc : memref<!tpu.dma_semaphore, #tpu.memory_space<semaphore_mem>>
        %dma_start3A_558 = arith.constant 0 : i32
        %dma_start3A_559 = tpu.memref_slice %arg14[%add3A_556, %dma_start3A_558] : memref<10000x128xf32, #tpu.memory_space<vmem_shared>> -> memref<40x128xf32, #tpu.memory_space<vmem_shared>>
        %dma_start3A_560 = arith.constant 0 : i32
        %dma_start3A_561 = tpu.memref_slice %arg14[%add3A_556, %dma_start3A_560] : memref<10000x128xf32, #tpu.memory_space<vmem_shared>> -> memref<40x128xf32, #tpu.memory_space<vmem_shared>>
        tpu.enqueue_dma source(%arg8 : memref<40x128xf32, #tpu.memory_space<vmem>>) target(%dma_start3A_561 : memref<40x128xf32, #tpu.memory_space<vmem_shared>>) target_semaphore(%run_scoped3A : memref<!tpu.dma_semaphore, #tpu.memory_space<semaphore_mem>>)
        %dma_wait3A_562 = arith.constant 0 : i32
        %dma_wait3A_563 = tpu.memref_slice %arg14[%add3A_556, %dma_wait3A_562] : memref<10000x128xf32, #tpu.memory_space<vmem_shared>> -> memref<40x128xf32, #tpu.memory_space<vmem_shared>>
        %dma_wait3A_564 = arith.constant 0 : i32
        %dma_wait3A_565 = tpu.memref_slice %arg14[%add3A_556, %dma_wait3A_564] : memref<10000x128xf32, #tpu.memory_space<vmem_shared>> -> memref<40x128xf32, #tpu.memory_space<vmem_shared>>
        tpu.wait_dma2 semaphore(%run_scoped3A : memref<!tpu.dma_semaphore, #tpu.memory_space<semaphore_mem>>) src(%arg8 : memref<40x128xf32, #tpu.memory_space<vmem>>) dst(%dma_wait3A_565 : memref<40x128xf32, #tpu.memory_space<vmem_shared>>)
        tpu.yield
      }) : () -> ()
      %scan3A_557 = arith.constant 0 : i32
      scf.yield %scan3A_557 : i32
    }
    %scan3A_15 = arith.constant 15 : i32
    %add3A_16 = arith.constant 625 : i32
    %add3A_17 = arith.addi %mul3A_8, %add3A_16 : i32
    %sub3A = arith.constant 25 : i32
    %sub3A_18 = arith.subi %add3A_17, %sub3A : i32
    "tpu.region"() ({
      %run_scoped3A = tpu.sem_alloc : memref<!tpu.dma_semaphore, #tpu.memory_space<semaphore_mem>>
      %dma_start3A_552 = arith.constant 0 : i32
      %dma_start3A_553 = arith.constant 0 : i32
      %dma_start3A_554 = tpu.memref_slice %arg8[%dma_start3A_552, %dma_start3A_553] : memref<40x128xf32, #tpu.memory_space<vmem>> -> memref<25x128xf32, #tpu.memory_space<vmem>>
      %dma_start3A_555 = arith.constant 0 : i32
      %dma_start3A_556 = tpu.memref_slice %arg14[%sub3A_18, %dma_start3A_555] : memref<10000x128xf32, #tpu.memory_space<vmem_shared>> -> memref<25x128xf32, #tpu.memory_space<vmem_shared>>
      %dma_start3A_557 = arith.constant 0 : i32
      %dma_start3A_558 = tpu.memref_slice %arg14[%sub3A_18, %dma_start3A_557] : memref<10000x128xf32, #tpu.memory_space<vmem_shared>> -> memref<25x128xf32, #tpu.memory_space<vmem_shared>>
      %dma_start3A_559 = arith.constant 0 : i32
      %dma_start3A_560 = arith.constant 0 : i32
      %dma_start3A_561 = tpu.memref_slice %arg8[%dma_start3A_559, %dma_start3A_560] : memref<40x128xf32, #tpu.memory_space<vmem>> -> memref<25x128xf32, #tpu.memory_space<vmem>>
      tpu.enqueue_dma source(%dma_start3A_561 : memref<25x128xf32, #tpu.memory_space<vmem>>) target(%dma_start3A_558 : memref<25x128xf32, #tpu.memory_space<vmem_shared>>) target_semaphore(%run_scoped3A : memref<!tpu.dma_semaphore, #tpu.memory_space<semaphore_mem>>)
      %dma_wait3A_562 = arith.constant 0 : i32
      %dma_wait3A_563 = arith.constant 0 : i32
      %dma_wait3A_564 = tpu.memref_slice %arg8[%dma_wait3A_562, %dma_wait3A_563] : memref<40x128xf32, #tpu.memory_space<vmem>> -> memref<25x128xf32, #tpu.memory_space<vmem>>
      %dma_wait3A_565 = arith.constant 0 : i32
      %dma_wait3A_566 = tpu.memref_slice %arg14[%sub3A_18, %dma_wait3A_565] : memref<10000x128xf32, #tpu.memory_space<vmem_shared>> -> memref<25x128xf32, #tpu.memory_space<vmem_shared>>
      %dma_wait3A_567 = arith.constant 0 : i32
      %dma_wait3A_568 = tpu.memref_slice %arg14[%sub3A_18, %dma_wait3A_567] : memref<10000x128xf32, #tpu.memory_space<vmem_shared>> -> memref<25x128xf32, #tpu.memory_space<vmem_shared>>
      %dma_wait3A_569 = arith.constant 0 : i32
      %dma_wait3A_570 = arith.constant 0 : i32
      %dma_wait3A_571 = tpu.memref_slice %arg8[%dma_wait3A_569, %dma_wait3A_570] : memref<40x128xf32, #tpu.memory_space<vmem>> -> memref<25x128xf32, #tpu.memory_space<vmem>>
      tpu.wait_dma2 semaphore(%run_scoped3A : memref<!tpu.dma_semaphore, #tpu.memory_space<semaphore_mem>>) src(%dma_wait3A_571 : memref<25x128xf32, #tpu.memory_space<vmem>>) dst(%dma_wait3A_568 : memref<25x128xf32, #tpu.memory_space<vmem_shared>>)
      tpu.yield
    }) : () -> ()
    %barrier3A = arith.constant 0 : index
    tpu.barrier barrier_id(%barrier3A)
    "tpu.region"() ({
      %run_scoped3A = tpu.sem_alloc : memref<!tpu.dma_semaphore, #tpu.memory_space<semaphore_mem>>
      %dma_start3A_552 = arith.constant 0 : i32
      %dma_start3A_553 = arith.constant 0 : i32
      %dma_start3A_554 = tpu.memref_slice %arg6[%dma_start3A_552, %dma_start3A_553] : memref<64x40xi32, #tpu.memory_space<vmem>> -> memref<64x40xi32, #tpu.memory_space<vmem>>
      %dma_start3A_555 = arith.constant 0 : i32
      %dma_start3A_556 = arith.constant 0 : i32
      %dma_start3A_557 = tpu.memref_slice %arg3[%add3A, %dma_start3A_555, %dma_start3A_556] : memref<32x250x40xi32, #tpu.memory_space<hbm>> -> memref<1x64x40xi32, #tpu.memory_space<hbm>>
      %dma_start3A_558 = tpu.memref_squeeze %dma_start3A_557 : memref<1x64x40xi32, #tpu.memory_space<hbm>> -> memref<64x40xi32, #tpu.memory_space<hbm>>
      %dma_start3A_559 = arith.constant 0 : i32
      %dma_start3A_560 = arith.constant 0 : i32
      %dma_start3A_561 = tpu.memref_slice %arg6[%dma_start3A_559, %dma_start3A_560] : memref<64x40xi32, #tpu.memory_space<vmem>> -> memref<64x40xi32, #tpu.memory_space<vmem>>
      %dma_start3A_562 = arith.constant 0 : i32
      %dma_start3A_563 = arith.constant 0 : i32
      %dma_start3A_564 = tpu.memref_slice %arg3[%add3A, %dma_start3A_562, %dma_start3A_563] : memref<32x250x40xi32, #tpu.memory_space<hbm>> -> memref<1x64x40xi32, #tpu.memory_space<hbm>>
      %dma_start3A_565 = tpu.memref_squeeze %dma_start3A_564 : memref<1x64x40xi32, #tpu.memory_space<hbm>> -> memref<64x40xi32, #tpu.memory_space<hbm>>
      tpu.enqueue_dma source(%dma_start3A_565 : memref<64x40xi32, #tpu.memory_space<hbm>>) target(%dma_start3A_561 : memref<64x40xi32, #tpu.memory_space<vmem>>) target_semaphore(%run_scoped3A : memref<!tpu.dma_semaphore, #tpu.memory_space<semaphore_mem>>)
      %dma_wait3A_566 = arith.constant 0 : i32
      %dma_wait3A_567 = arith.constant 0 : i32
      %dma_wait3A_568 = tpu.memref_slice %arg6[%dma_wait3A_566, %dma_wait3A_567] : memref<64x40xi32, #tpu.memory_space<vmem>> -> memref<64x40xi32, #tpu.memory_space<vmem>>
      %dma_wait3A_569 = arith.constant 0 : i32
      %dma_wait3A_570 = arith.constant 0 : i32
      %dma_wait3A_571 = tpu.memref_slice %arg3[%add3A, %dma_wait3A_569, %dma_wait3A_570] : memref<32x250x40xi32, #tpu.memory_space<hbm>> -> memref<1x64x40xi32, #tpu.memory_space<hbm>>
      %dma_wait3A_572 = tpu.memref_squeeze %dma_wait3A_571 : memref<1x64x40xi32, #tpu.memory_space<hbm>> -> memref<64x40xi32, #tpu.memory_space<hbm>>
      %dma_wait3A_573 = arith.constant 0 : i32
      %dma_wait3A_574 = arith.constant 0 : i32
      %dma_wait3A_575 = tpu.memref_slice %arg6[%dma_wait3A_573, %dma_wait3A_574] : memref<64x40xi32, #tpu.memory_space<vmem>> -> memref<64x40xi32, #tpu.memory_space<vmem>>
      %dma_wait3A_576 = arith.constant 0 : i32
      %dma_wait3A_577 = arith.constant 0 : i32
      %dma_wait3A_578 = tpu.memref_slice %arg3[%add3A, %dma_wait3A_576, %dma_wait3A_577] : memref<32x250x40xi32, #tpu.memory_space<hbm>> -> memref<1x64x40xi32, #tpu.memory_space<hbm>>
      %dma_wait3A_579 = tpu.memref_squeeze %dma_wait3A_578 : memref<1x64x40xi32, #tpu.memory_space<hbm>> -> memref<64x40xi32, #tpu.memory_space<hbm>>
      tpu.wait_dma2 semaphore(%run_scoped3A : memref<!tpu.dma_semaphore, #tpu.memory_space<semaphore_mem>>) src(%dma_wait3A_579 : memref<64x40xi32, #tpu.memory_space<hbm>>) dst(%dma_wait3A_575 : memref<64x40xi32, #tpu.memory_space<vmem>>)
      tpu.yield
    }) : () -> ()
    "tpu.region"() ({
      %run_scoped3A = tpu.sem_alloc : memref<!tpu.dma_semaphore, #tpu.memory_space<semaphore_mem>>
      %dma_start3A_552 = arith.constant 0 : i32
      %dma_start3A_553 = arith.constant 0 : i32
      %dma_start3A_554 = tpu.memref_slice %arg7[%dma_start3A_552, %dma_start3A_553] : memref<64x40xi32, #tpu.memory_space<vmem>> -> memref<64x40xi32, #tpu.memory_space<vmem>>
      %dma_start3A_555 = arith.constant 0 : i32
      %dma_start3A_556 = arith.constant 0 : i32
      %dma_start3A_557 = tpu.memref_slice %arg4[%add3A, %dma_start3A_555, %dma_start3A_556] : memref<32x250x40xi32, #tpu.memory_space<hbm>> -> memref<1x64x40xi32, #tpu.memory_space<hbm>>
      %dma_start3A_558 = tpu.memref_squeeze %dma_start3A_557 : memref<1x64x40xi32, #tpu.memory_space<hbm>> -> memref<64x40xi32, #tpu.memory_space<hbm>>
      %dma_start3A_559 = arith.constant 0 : i32
      %dma_start3A_560 = arith.constant 0 : i32
      %dma_start3A_561 = tpu.memref_slice %arg7[%dma_start3A_559, %dma_start3A_560] : memref<64x40xi32, #tpu.memory_space<vmem>> -> memref<64x40xi32, #tpu.memory_space<vmem>>
      %dma_start3A_562 = arith.constant 0 : i32
      %dma_start3A_563 = arith.constant 0 : i32
      %dma_start3A_564 = tpu.memref_slice %arg4[%add3A, %dma_start3A_562, %dma_start3A_563] : memref<32x250x40xi32, #tpu.memory_space<hbm>> -> memref<1x64x40xi32, #tpu.memory_space<hbm>>
      %dma_start3A_565 = tpu.memref_squeeze %dma_start3A_564 : memref<1x64x40xi32, #tpu.memory_space<hbm>> -> memref<64x40xi32, #tpu.memory_space<hbm>>
      tpu.enqueue_dma source(%dma_start3A_565 : memref<64x40xi32, #tpu.memory_space<hbm>>) target(%dma_start3A_561 : memref<64x40xi32, #tpu.memory_space<vmem>>) target_semaphore(%run_scoped3A : memref<!tpu.dma_semaphore, #tpu.memory_space<semaphore_mem>>)
      %dma_wait3A_566 = arith.constant 0 : i32
      %dma_wait3A_567 = arith.constant 0 : i32
      %dma_wait3A_568 = tpu.memref_slice %arg7[%dma_wait3A_566, %dma_wait3A_567] : memref<64x40xi32, #tpu.memory_space<vmem>> -> memref<64x40xi32, #tpu.memory_space<vmem>>
      %dma_wait3A_569 = arith.constant 0 : i32
      %dma_wait3A_570 = arith.constant 0 : i32
      %dma_wait3A_571 = tpu.memref_slice %arg4[%add3A, %dma_wait3A_569, %dma_wait3A_570] : memref<32x250x40xi32, #tpu.memory_space<hbm>> -> memref<1x64x40xi32, #tpu.memory_space<hbm>>
      %dma_wait3A_572 = tpu.memref_squeeze %dma_wait3A_571 : memref<1x64x40xi32, #tpu.memory_space<hbm>> -> memref<64x40xi32, #tpu.memory_space<hbm>>
      %dma_wait3A_573 = arith.constant 0 : i32
      %dma_wait3A_574 = arith.constant 0 : i32
      %dma_wait3A_575 = tpu.memref_slice %arg7[%dma_wait3A_573, %dma_wait3A_574] : memref<64x40xi32, #tpu.memory_space<vmem>> -> memref<64x40xi32, #tpu.memory_space<vmem>>
      %dma_wait3A_576 = arith.constant 0 : i32
      %dma_wait3A_577 = arith.constant 0 : i32
      %dma_wait3A_578 = tpu.memref_slice %arg4[%add3A, %dma_wait3A_576, %dma_wait3A_577] : memref<32x250x40xi32, #tpu.memory_space<hbm>> -> memref<1x64x40xi32, #tpu.memory_space<hbm>>
      %dma_wait3A_579 = tpu.memref_squeeze %dma_wait3A_578 : memref<1x64x40xi32, #tpu.memory_space<hbm>> -> memref<64x40xi32, #tpu.memory_space<hbm>>
      tpu.wait_dma2 semaphore(%run_scoped3A : memref<!tpu.dma_semaphore, #tpu.memory_space<semaphore_mem>>) src(%dma_wait3A_579 : memref<64x40xi32, #tpu.memory_space<hbm>>) dst(%dma_wait3A_575 : memref<64x40xi32, #tpu.memory_space<vmem>>)
      tpu.yield
    }) : () -> ()
    %dma_start3A = arith.constant 0 : i32
    %dma_start3A_19 = arith.constant 0 : i32
    %dma_start3A_20 = tpu.memref_slice %arg6[%dma_start3A, %dma_start3A_19] : memref<64x40xi32, #tpu.memory_space<vmem>> -> memref<1x40xi32, #tpu.memory_space<vmem>>
    %dma_start3A_21 = tpu.memref_squeeze %dma_start3A_20 : memref<1x40xi32, #tpu.memory_space<vmem>> -> memref<40xi32, #tpu.memory_space<vmem>>
    %dma_start3A_22 = arith.constant 0 : i32
    %dma_start3A_23 = arith.constant 0 : i32
    %dma_start3A_24 = tpu.memref_slice %arg2[%dma_start3A_22, %dma_start3A_23] : memref<10000x128xf32, #tpu.memory_space<hbm>> -> memref<10000x128xf32, #tpu.memory_space<hbm>>
    tpu.enqueue_indirect_dma source(%dma_start3A_24 : memref<10000x128xf32, #tpu.memory_space<hbm>>) target(%arg8 : memref<40x128xf32, #tpu.memory_space<vmem>>) offsets(%dma_start3A_21 : memref<40xi32, #tpu.memory_space<vmem>>) semaphore(%arg15 : memref<!tpu.dma_semaphore, #tpu.memory_space<semaphore_mem>>)
    %dma_start3A_25 = arith.constant 1 : i32
    %dma_start3A_26 = arith.constant 0 : i32
    %dma_start3A_27 = tpu.memref_slice %arg6[%dma_start3A_25, %dma_start3A_26] : memref<64x40xi32, #tpu.memory_space<vmem>> -> memref<1x40xi32, #tpu.memory_space<vmem>>
    %dma_start3A_28 = tpu.memref_squeeze %dma_start3A_27 : memref<1x40xi32, #tpu.memory_space<vmem>> -> memref<40xi32, #tpu.memory_space<vmem>>
    %dma_start3A_29 = arith.constant 0 : i32
    %dma_start3A_30 = arith.constant 0 : i32
    %dma_start3A_31 = tpu.memref_slice %arg2[%dma_start3A_29, %dma_start3A_30] : memref<10000x128xf32, #tpu.memory_space<hbm>> -> memref<10000x128xf32, #tpu.memory_space<hbm>>
    tpu.enqueue_indirect_dma source(%dma_start3A_31 : memref<10000x128xf32, #tpu.memory_space<hbm>>) target(%arg9 : memref<40x128xf32, #tpu.memory_space<vmem>>) offsets(%dma_start3A_28 : memref<40xi32, #tpu.memory_space<vmem>>) semaphore(%arg16 : memref<!tpu.dma_semaphore, #tpu.memory_space<semaphore_mem>>)
    %dma_start3A_32 = arith.constant 2 : i32
    %dma_start3A_33 = arith.constant 0 : i32
    %dma_start3A_34 = tpu.memref_slice %arg6[%dma_start3A_32, %dma_start3A_33] : memref<64x40xi32, #tpu.memory_space<vmem>> -> memref<1x40xi32, #tpu.memory_space<vmem>>
    %dma_start3A_35 = tpu.memref_squeeze %dma_start3A_34 : memref<1x40xi32, #tpu.memory_space<vmem>> -> memref<40xi32, #tpu.memory_space<vmem>>
    %dma_start3A_36 = arith.constant 0 : i32
    %dma_start3A_37 = arith.constant 0 : i32
    %dma_start3A_38 = tpu.memref_slice %arg2[%dma_start3A_36, %dma_start3A_37] : memref<10000x128xf32, #tpu.memory_space<hbm>> -> memref<10000x128xf32, #tpu.memory_space<hbm>>
    tpu.enqueue_indirect_dma source(%dma_start3A_38 : memref<10000x128xf32, #tpu.memory_space<hbm>>) target(%arg10 : memref<40x128xf32, #tpu.memory_space<vmem>>) offsets(%dma_start3A_35 : memref<40xi32, #tpu.memory_space<vmem>>) semaphore(%arg17 : memref<!tpu.dma_semaphore, #tpu.memory_space<semaphore_mem>>)
    %dma_start3A_39 = arith.constant 3 : i32
    %dma_start3A_40 = arith.constant 0 : i32
    %dma_start3A_41 = tpu.memref_slice %arg6[%dma_start3A_39, %dma_start3A_40] : memref<64x40xi32, #tpu.memory_space<vmem>> -> memref<1x40xi32, #tpu.memory_space<vmem>>
    %dma_start3A_42 = tpu.memref_squeeze %dma_start3A_41 : memref<1x40xi32, #tpu.memory_space<vmem>> -> memref<40xi32, #tpu.memory_space<vmem>>
    %dma_start3A_43 = arith.constant 0 : i32
    %dma_start3A_44 = arith.constant 0 : i32
    %dma_start3A_45 = tpu.memref_slice %arg2[%dma_start3A_43, %dma_start3A_44] : memref<10000x128xf32, #tpu.memory_space<hbm>> -> memref<10000x128xf32, #tpu.memory_space<hbm>>
    tpu.enqueue_indirect_dma source(%dma_start3A_45 : memref<10000x128xf32, #tpu.memory_space<hbm>>) target(%arg11 : memref<40x128xf32, #tpu.memory_space<vmem>>) offsets(%dma_start3A_42 : memref<40xi32, #tpu.memory_space<vmem>>) semaphore(%arg18 : memref<!tpu.dma_semaphore, #tpu.memory_space<semaphore_mem>>)
    %dma_start3A_46 = arith.constant 4 : i32
    %dma_start3A_47 = arith.constant 0 : i32
    %dma_start3A_48 = tpu.memref_slice %arg6[%dma_start3A_46, %dma_start3A_47] : memref<64x40xi32, #tpu.memory_space<vmem>> -> memref<1x40xi32, #tpu.memory_space<vmem>>
    %dma_start3A_49 = tpu.memref_squeeze %dma_start3A_48 : memref<1x40xi32, #tpu.memory_space<vmem>> -> memref<40xi32, #tpu.memory_space<vmem>>
    %dma_start3A_50 = arith.constant 0 : i32
    %dma_start3A_51 = arith.constant 0 : i32
    %dma_start3A_52 = tpu.memref_slice %arg2[%dma_start3A_50, %dma_start3A_51] : memref<10000x128xf32, #tpu.memory_space<hbm>> -> memref<10000x128xf32, #tpu.memory_space<hbm>>
    tpu.enqueue_indirect_dma source(%dma_start3A_52 : memref<10000x128xf32, #tpu.memory_space<hbm>>) target(%arg12 : memref<40x128xf32, #tpu.memory_space<vmem>>) offsets(%dma_start3A_49 : memref<40xi32, #tpu.memory_space<vmem>>) semaphore(%arg19 : memref<!tpu.dma_semaphore, #tpu.memory_space<semaphore_mem>>)
    %dma_start3A_53 = arith.constant 5 : i32
    %dma_start3A_54 = arith.constant 0 : i32
    %dma_start3A_55 = tpu.memref_slice %arg6[%dma_start3A_53, %dma_start3A_54] : memref<64x40xi32, #tpu.memory_space<vmem>> -> memref<1x40xi32, #tpu.memory_space<vmem>>
    %dma_start3A_56 = tpu.memref_squeeze %dma_start3A_55 : memref<1x40xi32, #tpu.memory_space<vmem>> -> memref<40xi32, #tpu.memory_space<vmem>>
    %dma_start3A_57 = arith.constant 0 : i32
    %dma_start3A_58 = arith.constant 0 : i32
    %dma_start3A_59 = tpu.memref_slice %arg2[%dma_start3A_57, %dma_start3A_58] : memref<10000x128xf32, #tpu.memory_space<hbm>> -> memref<10000x128xf32, #tpu.memory_space<hbm>>
    tpu.enqueue_indirect_dma source(%dma_start3A_59 : memref<10000x128xf32, #tpu.memory_space<hbm>>) target(%arg13 : memref<40x128xf32, #tpu.memory_space<vmem>>) offsets(%dma_start3A_56 : memref<40xi32, #tpu.memory_space<vmem>>) semaphore(%arg20 : memref<!tpu.dma_semaphore, #tpu.memory_space<semaphore_mem>>)
    %scan3A_60 = arith.constant 0 : i32
    %scan3A_61 = arith.constant 0 : i32
    %scan3A_62 = arith.constant 10 : i32
    %scan3A_63 = arith.addi %scan3A_61, %scan3A_62 : i32
    %scan3A_64 = arith.constant 1 : i32
    %scan3A_65 = scf.for %scan3A_552 = %scan3A_61 to %scan3A_63 step %scan3A_64 iter_args(%scan3A_553 = %scan3A_60) -> (i32)  : i32 {
      %mul3A_554 = arith.constant 6 : i32
      %mul3A_555 = arith.muli %mul3A_554, %scan3A_552 : i32
      %add3A_556 = arith.constant 0 : i32
      %add3A_557 = arith.addi %mul3A_555, %add3A_556 : i32
      %dma_wait3A_558 = arith.constant 0 : i32
      %dma_wait3A_559 = tpu.memref_slice %arg6[%add3A_557, %dma_wait3A_558] : memref<64x40xi32, #tpu.memory_space<vmem>> -> memref<1x40xi32, #tpu.memory_space<vmem>>
      %dma_wait3A_560 = tpu.memref_squeeze %dma_wait3A_559 : memref<1x40xi32, #tpu.memory_space<vmem>> -> memref<40xi32, #tpu.memory_space<vmem>>
      %dma_wait3A_561 = arith.constant 0 : i32
      %dma_wait3A_562 = arith.constant 0 : i32
      %dma_wait3A_563 = tpu.memref_slice %arg2[%dma_wait3A_561, %dma_wait3A_562] : memref<10000x128xf32, #tpu.memory_space<hbm>> -> memref<10000x128xf32, #tpu.memory_space<hbm>>
      tpu.wait_indirect_dma semaphore(%arg15 : memref<!tpu.dma_semaphore, #tpu.memory_space<semaphore_mem>>) src(%dma_wait3A_563 : memref<10000x128xf32, #tpu.memory_space<hbm>>) dst(%arg8 : memref<40x128xf32, #tpu.memory_space<vmem>>)
      %add3A_564 = arith.constant 0 : i32
      %add3A_565 = arith.addi %mul3A_555, %add3A_564 : i32
      %dma_start3A_566 = arith.constant 0 : i32
      %dma_start3A_567 = tpu.memref_slice %arg7[%add3A_565, %dma_start3A_566] : memref<64x40xi32, #tpu.memory_space<vmem>> -> memref<1x40xi32, #tpu.memory_space<vmem>>
      %dma_start3A_568 = tpu.memref_squeeze %dma_start3A_567 : memref<1x40xi32, #tpu.memory_space<vmem>> -> memref<40xi32, #tpu.memory_space<vmem>>
      %dma_start3A_569 = arith.constant 0 : i32
      %dma_start3A_570 = arith.constant 0 : i32
      %dma_start3A_571 = tpu.memref_slice %arg14[%dma_start3A_569, %dma_start3A_570] : memref<10000x128xf32, #tpu.memory_space<vmem_shared>> -> memref<10000x128xf32, #tpu.memory_space<vmem_shared>>
      tpu.enqueue_indirect_dma source(%arg8 : memref<40x128xf32, #tpu.memory_space<vmem>>) target(%dma_start3A_571 : memref<10000x128xf32, #tpu.memory_space<vmem_shared>>) offsets(%dma_start3A_568 : memref<40xi32, #tpu.memory_space<vmem>>) semaphore(%arg21 : memref<!tpu.dma_semaphore, #tpu.memory_space<semaphore_mem>>) {add = true}
      %add3A_572 = arith.constant 1 : i32
      %add3A_573 = arith.addi %mul3A_555, %add3A_572 : i32
      %dma_wait3A_574 = arith.constant 0 : i32
      %dma_wait3A_575 = tpu.memref_slice %arg6[%add3A_573, %dma_wait3A_574] : memref<64x40xi32, #tpu.memory_space<vmem>> -> memref<1x40xi32, #tpu.memory_space<vmem>>
      %dma_wait3A_576 = tpu.memref_squeeze %dma_wait3A_575 : memref<1x40xi32, #tpu.memory_space<vmem>> -> memref<40xi32, #tpu.memory_space<vmem>>
      %dma_wait3A_577 = arith.constant 0 : i32
      %dma_wait3A_578 = arith.constant 0 : i32
      %dma_wait3A_579 = tpu.memref_slice %arg2[%dma_wait3A_577, %dma_wait3A_578] : memref<10000x128xf32, #tpu.memory_space<hbm>> -> memref<10000x128xf32, #tpu.memory_space<hbm>>
      tpu.wait_indirect_dma semaphore(%arg16 : memref<!tpu.dma_semaphore, #tpu.memory_space<semaphore_mem>>) src(%dma_wait3A_579 : memref<10000x128xf32, #tpu.memory_space<hbm>>) dst(%arg9 : memref<40x128xf32, #tpu.memory_space<vmem>>)
      %add3A_580 = arith.constant 1 : i32
      %add3A_581 = arith.addi %mul3A_555, %add3A_580 : i32
      %dma_start3A_582 = arith.constant 0 : i32
      %dma_start3A_583 = tpu.memref_slice %arg7[%add3A_581, %dma_start3A_582] : memref<64x40xi32, #tpu.memory_space<vmem>> -> memref<1x40xi32, #tpu.memory_space<vmem>>
      %dma_start3A_584 = tpu.memref_squeeze %dma_start3A_583 : memref<1x40xi32, #tpu.memory_space<vmem>> -> memref<40xi32, #tpu.memory_space<vmem>>
      %dma_start3A_585 = arith.constant 0 : i32
      %dma_start3A_586 = arith.constant 0 : i32
      %dma_start3A_587 = tpu.memref_slice %arg14[%dma_start3A_585, %dma_start3A_586] : memref<10000x128xf32, #tpu.memory_space<vmem_shared>> -> memref<10000x128xf32, #tpu.memory_space<vmem_shared>>
      tpu.enqueue_indirect_dma source(%arg9 : memref<40x128xf32, #tpu.memory_space<vmem>>) target(%dma_start3A_587 : memref<10000x128xf32, #tpu.memory_space<vmem_shared>>) offsets(%dma_start3A_584 : memref<40xi32, #tpu.memory_space<vmem>>) semaphore(%arg22 : memref<!tpu.dma_semaphore, #tpu.memory_space<semaphore_mem>>) {add = true}
      %add3A_588 = arith.constant 2 : i32
      %add3A_589 = arith.addi %mul3A_555, %add3A_588 : i32
      %dma_wait3A_590 = arith.constant 0 : i32
      %dma_wait3A_591 = tpu.memref_slice %arg6[%add3A_589, %dma_wait3A_590] : memref<64x40xi32, #tpu.memory_space<vmem>> -> memref<1x40xi32, #tpu.memory_space<vmem>>
      %dma_wait3A_592 = tpu.memref_squeeze %dma_wait3A_591 : memref<1x40xi32, #tpu.memory_space<vmem>> -> memref<40xi32, #tpu.memory_space<vmem>>
      %dma_wait3A_593 = arith.constant 0 : i32
      %dma_wait3A_594 = arith.constant 0 : i32
      %dma_wait3A_595 = tpu.memref_slice %arg2[%dma_wait3A_593, %dma_wait3A_594] : memref<10000x128xf32, #tpu.memory_space<hbm>> -> memref<10000x128xf32, #tpu.memory_space<hbm>>
      tpu.wait_indirect_dma semaphore(%arg17 : memref<!tpu.dma_semaphore, #tpu.memory_space<semaphore_mem>>) src(%dma_wait3A_595 : memref<10000x128xf32, #tpu.memory_space<hbm>>) dst(%arg10 : memref<40x128xf32, #tpu.memory_space<vmem>>)
      %add3A_596 = arith.constant 2 : i32
      %add3A_597 = arith.addi %mul3A_555, %add3A_596 : i32
      %dma_start3A_598 = arith.constant 0 : i32
      %dma_start3A_599 = tpu.memref_slice %arg7[%add3A_597, %dma_start3A_598] : memref<64x40xi32, #tpu.memory_space<vmem>> -> memref<1x40xi32, #tpu.memory_space<vmem>>
      %dma_start3A_600 = tpu.memref_squeeze %dma_start3A_599 : memref<1x40xi32, #tpu.memory_space<vmem>> -> memref<40xi32, #tpu.memory_space<vmem>>
      %dma_start3A_601 = arith.constant 0 : i32
      %dma_start3A_602 = arith.constant 0 : i32
      %dma_start3A_603 = tpu.memref_slice %arg14[%dma_start3A_601, %dma_start3A_602] : memref<10000x128xf32, #tpu.memory_space<vmem_shared>> -> memref<10000x128xf32, #tpu.memory_space<vmem_shared>>
      tpu.enqueue_indirect_dma source(%arg10 : memref<40x128xf32, #tpu.memory_space<vmem>>) target(%dma_start3A_603 : memref<10000x128xf32, #tpu.memory_space<vmem_shared>>) offsets(%dma_start3A_600 : memref<40xi32, #tpu.memory_space<vmem>>) semaphore(%arg23 : memref<!tpu.dma_semaphore, #tpu.memory_space<semaphore_mem>>) {add = true}
      %add3A_604 = arith.constant 3 : i32
      %add3A_605 = arith.addi %mul3A_555, %add3A_604 : i32
      %dma_wait3A_606 = arith.constant 0 : i32
      %dma_wait3A_607 = tpu.memref_slice %arg6[%add3A_605, %dma_wait3A_606] : memref<64x40xi32, #tpu.memory_space<vmem>> -> memref<1x40xi32, #tpu.memory_space<vmem>>
      %dma_wait3A_608 = tpu.memref_squeeze %dma_wait3A_607 : memref<1x40xi32, #tpu.memory_space<vmem>> -> memref<40xi32, #tpu.memory_space<vmem>>
      %dma_wait3A_609 = arith.constant 0 : i32
      %dma_wait3A_610 = arith.constant 0 : i32
      %dma_wait3A_611 = tpu.memref_slice %arg2[%dma_wait3A_609, %dma_wait3A_610] : memref<10000x128xf32, #tpu.memory_space<hbm>> -> memref<10000x128xf32, #tpu.memory_space<hbm>>
      tpu.wait_indirect_dma semaphore(%arg18 : memref<!tpu.dma_semaphore, #tpu.memory_space<semaphore_mem>>) src(%dma_wait3A_611 : memref<10000x128xf32, #tpu.memory_space<hbm>>) dst(%arg11 : memref<40x128xf32, #tpu.memory_space<vmem>>)
      %add3A_612 = arith.constant 3 : i32
      %add3A_613 = arith.addi %mul3A_555, %add3A_612 : i32
      %dma_start3A_614 = arith.constant 0 : i32
      %dma_start3A_615 = tpu.memref_slice %arg7[%add3A_613, %dma_start3A_614] : memref<64x40xi32, #tpu.memory_space<vmem>> -> memref<1x40xi32, #tpu.memory_space<vmem>>
      %dma_start3A_616 = tpu.memref_squeeze %dma_start3A_615 : memref<1x40xi32, #tpu.memory_space<vmem>> -> memref<40xi32, #tpu.memory_space<vmem>>
      %dma_start3A_617 = arith.constant 0 : i32
      %dma_start3A_618 = arith.constant 0 : i32
      %dma_start3A_619 = tpu.memref_slice %arg14[%dma_start3A_617, %dma_start3A_618] : memref<10000x128xf32, #tpu.memory_space<vmem_shared>> -> memref<10000x128xf32, #tpu.memory_space<vmem_shared>>
      tpu.enqueue_indirect_dma source(%arg11 : memref<40x128xf32, #tpu.memory_space<vmem>>) target(%dma_start3A_619 : memref<10000x128xf32, #tpu.memory_space<vmem_shared>>) offsets(%dma_start3A_616 : memref<40xi32, #tpu.memory_space<vmem>>) semaphore(%arg24 : memref<!tpu.dma_semaphore, #tpu.memory_space<semaphore_mem>>) {add = true}
      %add3A_620 = arith.constant 4 : i32
      %add3A_621 = arith.addi %mul3A_555, %add3A_620 : i32
      %dma_wait3A_622 = arith.constant 0 : i32
      %dma_wait3A_623 = tpu.memref_slice %arg6[%add3A_621, %dma_wait3A_622] : memref<64x40xi32, #tpu.memory_space<vmem>> -> memref<1x40xi32, #tpu.memory_space<vmem>>
      %dma_wait3A_624 = tpu.memref_squeeze %dma_wait3A_623 : memref<1x40xi32, #tpu.memory_space<vmem>> -> memref<40xi32, #tpu.memory_space<vmem>>
      %dma_wait3A_625 = arith.constant 0 : i32
      %dma_wait3A_626 = arith.constant 0 : i32
      %dma_wait3A_627 = tpu.memref_slice %arg2[%dma_wait3A_625, %dma_wait3A_626] : memref<10000x128xf32, #tpu.memory_space<hbm>> -> memref<10000x128xf32, #tpu.memory_space<hbm>>
      tpu.wait_indirect_dma semaphore(%arg19 : memref<!tpu.dma_semaphore, #tpu.memory_space<semaphore_mem>>) src(%dma_wait3A_627 : memref<10000x128xf32, #tpu.memory_space<hbm>>) dst(%arg12 : memref<40x128xf32, #tpu.memory_space<vmem>>)
      %add3A_628 = arith.constant 4 : i32
      %add3A_629 = arith.addi %mul3A_555, %add3A_628 : i32
      %dma_start3A_630 = arith.constant 0 : i32
      %dma_start3A_631 = tpu.memref_slice %arg7[%add3A_629, %dma_start3A_630] : memref<64x40xi32, #tpu.memory_space<vmem>> -> memref<1x40xi32, #tpu.memory_space<vmem>>
      %dma_start3A_632 = tpu.memref_squeeze %dma_start3A_631 : memref<1x40xi32, #tpu.memory_space<vmem>> -> memref<40xi32, #tpu.memory_space<vmem>>
      %dma_start3A_633 = arith.constant 0 : i32
      %dma_start3A_634 = arith.constant 0 : i32
      %dma_start3A_635 = tpu.memref_slice %arg14[%dma_start3A_633, %dma_start3A_634] : memref<10000x128xf32, #tpu.memory_space<vmem_shared>> -> memref<10000x128xf32, #tpu.memory_space<vmem_shared>>
      tpu.enqueue_indirect_dma source(%arg12 : memref<40x128xf32, #tpu.memory_space<vmem>>) target(%dma_start3A_635 : memref<10000x128xf32, #tpu.memory_space<vmem_shared>>) offsets(%dma_start3A_632 : memref<40xi32, #tpu.memory_space<vmem>>) semaphore(%arg25 : memref<!tpu.dma_semaphore, #tpu.memory_space<semaphore_mem>>) {add = true}
      %add3A_636 = arith.constant 5 : i32
      %add3A_637 = arith.addi %mul3A_555, %add3A_636 : i32
      %dma_wait3A_638 = arith.constant 0 : i32
      %dma_wait3A_639 = tpu.memref_slice %arg6[%add3A_637, %dma_wait3A_638] : memref<64x40xi32, #tpu.memory_space<vmem>> -> memref<1x40xi32, #tpu.memory_space<vmem>>
      %dma_wait3A_640 = tpu.memref_squeeze %dma_wait3A_639 : memref<1x40xi32, #tpu.memory_space<vmem>> -> memref<40xi32, #tpu.memory_space<vmem>>
      %dma_wait3A_641 = arith.constant 0 : i32
      %dma_wait3A_642 = arith.constant 0 : i32
      %dma_wait3A_643 = tpu.memref_slice %arg2[%dma_wait3A_641, %dma_wait3A_642] : memref<10000x128xf32, #tpu.memory_space<hbm>> -> memref<10000x128xf32, #tpu.memory_space<hbm>>
      tpu.wait_indirect_dma semaphore(%arg20 : memref<!tpu.dma_semaphore, #tpu.memory_space<semaphore_mem>>) src(%dma_wait3A_643 : memref<10000x128xf32, #tpu.memory_space<hbm>>) dst(%arg13 : memref<40x128xf32, #tpu.memory_space<vmem>>)
      %add3A_644 = arith.constant 5 : i32
      %add3A_645 = arith.addi %mul3A_555, %add3A_644 : i32
      %dma_start3A_646 = arith.constant 0 : i32
      %dma_start3A_647 = tpu.memref_slice %arg7[%add3A_645, %dma_start3A_646] : memref<64x40xi32, #tpu.memory_space<vmem>> -> memref<1x40xi32, #tpu.memory_space<vmem>>
      %dma_start3A_648 = tpu.memref_squeeze %dma_start3A_647 : memref<1x40xi32, #tpu.memory_space<vmem>> -> memref<40xi32, #tpu.memory_space<vmem>>
      %dma_start3A_649 = arith.constant 0 : i32
      %dma_start3A_650 = arith.constant 0 : i32
      %dma_start3A_651 = tpu.memref_slice %arg14[%dma_start3A_649, %dma_start3A_650] : memref<10000x128xf32, #tpu.memory_space<vmem_shared>> -> memref<10000x128xf32, #tpu.memory_space<vmem_shared>>
      tpu.enqueue_indirect_dma source(%arg13 : memref<40x128xf32, #tpu.memory_space<vmem>>) target(%dma_start3A_651 : memref<10000x128xf32, #tpu.memory_space<vmem_shared>>) offsets(%dma_start3A_648 : memref<40xi32, #tpu.memory_space<vmem>>) semaphore(%arg26 : memref<!tpu.dma_semaphore, #tpu.memory_space<semaphore_mem>>) {add = true}
      %add3A_652 = arith.constant 0 : i32
      %add3A_653 = arith.addi %mul3A_555, %add3A_652 : i32
      %dma_wait3A_654 = arith.constant 0 : i32
      %dma_wait3A_655 = tpu.memref_slice %arg7[%add3A_653, %dma_wait3A_654] : memref<64x40xi32, #tpu.memory_space<vmem>> -> memref<1x40xi32, #tpu.memory_space<vmem>>
      %dma_wait3A_656 = tpu.memref_squeeze %dma_wait3A_655 : memref<1x40xi32, #tpu.memory_space<vmem>> -> memref<40xi32, #tpu.memory_space<vmem>>
      %dma_wait3A_657 = arith.constant 0 : i32
      %dma_wait3A_658 = arith.constant 0 : i32
      %dma_wait3A_659 = tpu.memref_slice %arg14[%dma_wait3A_657, %dma_wait3A_658] : memref<10000x128xf32, #tpu.memory_space<vmem_shared>> -> memref<10000x128xf32, #tpu.memory_space<vmem_shared>>
      tpu.wait_indirect_dma semaphore(%arg21 : memref<!tpu.dma_semaphore, #tpu.memory_space<semaphore_mem>>) src(%arg8 : memref<40x128xf32, #tpu.memory_space<vmem>>) dst(%dma_wait3A_659 : memref<10000x128xf32, #tpu.memory_space<vmem_shared>>)
      %add3A_660 = arith.constant 6 : i32
      %add3A_661 = arith.addi %mul3A_555, %add3A_660 : i32
      %add3A_662 = arith.constant 0 : i32
      %add3A_663 = arith.addi %add3A_661, %add3A_662 : i32
      %lt3A = arith.constant 64 : i32
      %lt3A_664 = arith.cmpi slt, %add3A_663, %lt3A : i32
      %convert_element_type3A = arith.extui %lt3A_664 : i1 to i32
      %cond3A = arith.constant 0 : i32
      %cond3A_665 = arith.cmpi ne, %convert_element_type3A, %cond3A : i32
      scf.if %cond3A_665 {
        %add3A_752 = arith.constant 6 : i32
        %add3A_753 = arith.addi %mul3A_555, %add3A_752 : i32
        %add3A_754 = arith.constant 0 : i32
        %add3A_755 = arith.addi %add3A_753, %add3A_754 : i32
        %dma_start3A_756 = arith.constant 0 : i32
        %dma_start3A_757 = tpu.memref_slice %arg6[%add3A_755, %dma_start3A_756] : memref<64x40xi32, #tpu.memory_space<vmem>> -> memref<1x40xi32, #tpu.memory_space<vmem>>
        %dma_start3A_758 = tpu.memref_squeeze %dma_start3A_757 : memref<1x40xi32, #tpu.memory_space<vmem>> -> memref<40xi32, #tpu.memory_space<vmem>>
        %dma_start3A_759 = arith.constant 0 : i32
        %dma_start3A_760 = arith.constant 0 : i32
        %dma_start3A_761 = tpu.memref_slice %arg2[%dma_start3A_759, %dma_start3A_760] : memref<10000x128xf32, #tpu.memory_space<hbm>> -> memref<10000x128xf32, #tpu.memory_space<hbm>>
        tpu.enqueue_indirect_dma source(%dma_start3A_761 : memref<10000x128xf32, #tpu.memory_space<hbm>>) target(%arg8 : memref<40x128xf32, #tpu.memory_space<vmem>>) offsets(%dma_start3A_758 : memref<40xi32, #tpu.memory_space<vmem>>) semaphore(%arg15 : memref<!tpu.dma_semaphore, #tpu.memory_space<semaphore_mem>>)
      } else {
      }
      %add3A_666 = arith.constant 1 : i32
      %add3A_667 = arith.addi %mul3A_555, %add3A_666 : i32
      %dma_wait3A_668 = arith.constant 0 : i32
      %dma_wait3A_669 = tpu.memref_slice %arg7[%add3A_667, %dma_wait3A_668] : memref<64x40xi32, #tpu.memory_space<vmem>> -> memref<1x40xi32, #tpu.memory_space<vmem>>
      %dma_wait3A_670 = tpu.memref_squeeze %dma_wait3A_669 : memref<1x40xi32, #tpu.memory_space<vmem>> -> memref<40xi32, #tpu.memory_space<vmem>>
      %dma_wait3A_671 = arith.constant 0 : i32
      %dma_wait3A_672 = arith.constant 0 : i32
      %dma_wait3A_673 = tpu.memref_slice %arg14[%dma_wait3A_671, %dma_wait3A_672] : memref<10000x128xf32, #tpu.memory_space<vmem_shared>> -> memref<10000x128xf32, #tpu.memory_space<vmem_shared>>
      tpu.wait_indirect_dma semaphore(%arg22 : memref<!tpu.dma_semaphore, #tpu.memory_space<semaphore_mem>>) src(%arg9 : memref<40x128xf32, #tpu.memory_space<vmem>>) dst(%dma_wait3A_673 : memref<10000x128xf32, #tpu.memory_space<vmem_shared>>)
      %add3A_674 = arith.constant 6 : i32
      %add3A_675 = arith.addi %mul3A_555, %add3A_674 : i32
      %add3A_676 = arith.constant 1 : i32
      %add3A_677 = arith.addi %add3A_675, %add3A_676 : i32
      %lt3A_678 = arith.constant 64 : i32
      %lt3A_679 = arith.cmpi slt, %add3A_677, %lt3A_678 : i32
      %convert_element_type3A_680 = arith.extui %lt3A_679 : i1 to i32
      %cond3A_681 = arith.constant 0 : i32
      %cond3A_682 = arith.cmpi ne, %convert_element_type3A_680, %cond3A_681 : i32
      scf.if %cond3A_682 {
        %add3A_752 = arith.constant 6 : i32
        %add3A_753 = arith.addi %mul3A_555, %add3A_752 : i32
        %add3A_754 = arith.constant 1 : i32
        %add3A_755 = arith.addi %add3A_753, %add3A_754 : i32
        %dma_start3A_756 = arith.constant 0 : i32
        %dma_start3A_757 = tpu.memref_slice %arg6[%add3A_755, %dma_start3A_756] : memref<64x40xi32, #tpu.memory_space<vmem>> -> memref<1x40xi32, #tpu.memory_space<vmem>>
        %dma_start3A_758 = tpu.memref_squeeze %dma_start3A_757 : memref<1x40xi32, #tpu.memory_space<vmem>> -> memref<40xi32, #tpu.memory_space<vmem>>
        %dma_start3A_759 = arith.constant 0 : i32
        %dma_start3A_760 = arith.constant 0 : i32
        %dma_start3A_761 = tpu.memref_slice %arg2[%dma_start3A_759, %dma_start3A_760] : memref<10000x128xf32, #tpu.memory_space<hbm>> -> memref<10000x128xf32, #tpu.memory_space<hbm>>
        tpu.enqueue_indirect_dma source(%dma_start3A_761 : memref<10000x128xf32, #tpu.memory_space<hbm>>) target(%arg9 : memref<40x128xf32, #tpu.memory_space<vmem>>) offsets(%dma_start3A_758 : memref<40xi32, #tpu.memory_space<vmem>>) semaphore(%arg16 : memref<!tpu.dma_semaphore, #tpu.memory_space<semaphore_mem>>)
      } else {
      }
      %add3A_683 = arith.constant 2 : i32
      %add3A_684 = arith.addi %mul3A_555, %add3A_683 : i32
      %dma_wait3A_685 = arith.constant 0 : i32
      %dma_wait3A_686 = tpu.memref_slice %arg7[%add3A_684, %dma_wait3A_685] : memref<64x40xi32, #tpu.memory_space<vmem>> -> memref<1x40xi32, #tpu.memory_space<vmem>>
      %dma_wait3A_687 = tpu.memref_squeeze %dma_wait3A_686 : memref<1x40xi32, #tpu.memory_space<vmem>> -> memref<40xi32, #tpu.memory_space<vmem>>
      %dma_wait3A_688 = arith.constant 0 : i32
      %dma_wait3A_689 = arith.constant 0 : i32
      %dma_wait3A_690 = tpu.memref_slice %arg14[%dma_wait3A_688, %dma_wait3A_689] : memref<10000x128xf32, #tpu.memory_space<vmem_shared>> -> memref<10000x128xf32, #tpu.memory_space<vmem_shared>>
      tpu.wait_indirect_dma semaphore(%arg23 : memref<!tpu.dma_semaphore, #tpu.memory_space<semaphore_mem>>) src(%arg10 : memref<40x128xf32, #tpu.memory_space<vmem>>) dst(%dma_wait3A_690 : memref<10000x128xf32, #tpu.memory_space<vmem_shared>>)
      %add3A_691 = arith.constant 6 : i32
      %add3A_692 = arith.addi %mul3A_555, %add3A_691 : i32
      %add3A_693 = arith.constant 2 : i32
      %add3A_694 = arith.addi %add3A_692, %add3A_693 : i32
      %lt3A_695 = arith.constant 64 : i32
      %lt3A_696 = arith.cmpi slt, %add3A_694, %lt3A_695 : i32
      %convert_element_type3A_697 = arith.extui %lt3A_696 : i1 to i32
      %cond3A_698 = arith.constant 0 : i32
      %cond3A_699 = arith.cmpi ne, %convert_element_type3A_697, %cond3A_698 : i32
      scf.if %cond3A_699 {
        %add3A_752 = arith.constant 6 : i32
        %add3A_753 = arith.addi %mul3A_555, %add3A_752 : i32
        %add3A_754 = arith.constant 2 : i32
        %add3A_755 = arith.addi %add3A_753, %add3A_754 : i32
        %dma_start3A_756 = arith.constant 0 : i32
        %dma_start3A_757 = tpu.memref_slice %arg6[%add3A_755, %dma_start3A_756] : memref<64x40xi32, #tpu.memory_space<vmem>> -> memref<1x40xi32, #tpu.memory_space<vmem>>
        %dma_start3A_758 = tpu.memref_squeeze %dma_start3A_757 : memref<1x40xi32, #tpu.memory_space<vmem>> -> memref<40xi32, #tpu.memory_space<vmem>>
        %dma_start3A_759 = arith.constant 0 : i32
        %dma_start3A_760 = arith.constant 0 : i32
        %dma_start3A_761 = tpu.memref_slice %arg2[%dma_start3A_759, %dma_start3A_760] : memref<10000x128xf32, #tpu.memory_space<hbm>> -> memref<10000x128xf32, #tpu.memory_space<hbm>>
        tpu.enqueue_indirect_dma source(%dma_start3A_761 : memref<10000x128xf32, #tpu.memory_space<hbm>>) target(%arg10 : memref<40x128xf32, #tpu.memory_space<vmem>>) offsets(%dma_start3A_758 : memref<40xi32, #tpu.memory_space<vmem>>) semaphore(%arg17 : memref<!tpu.dma_semaphore, #tpu.memory_space<semaphore_mem>>)
      } else {
      }
      %add3A_700 = arith.constant 3 : i32
      %add3A_701 = arith.addi %mul3A_555, %add3A_700 : i32
      %dma_wait3A_702 = arith.constant 0 : i32
      %dma_wait3A_703 = tpu.memref_slice %arg7[%add3A_701, %dma_wait3A_702] : memref<64x40xi32, #tpu.memory_space<vmem>> -> memref<1x40xi32, #tpu.memory_space<vmem>>
      %dma_wait3A_704 = tpu.memref_squeeze %dma_wait3A_703 : memref<1x40xi32, #tpu.memory_space<vmem>> -> memref<40xi32, #tpu.memory_space<vmem>>
      %dma_wait3A_705 = arith.constant 0 : i32
      %dma_wait3A_706 = arith.constant 0 : i32
      %dma_wait3A_707 = tpu.memref_slice %arg14[%dma_wait3A_705, %dma_wait3A_706] : memref<10000x128xf32, #tpu.memory_space<vmem_shared>> -> memref<10000x128xf32, #tpu.memory_space<vmem_shared>>
      tpu.wait_indirect_dma semaphore(%arg24 : memref<!tpu.dma_semaphore, #tpu.memory_space<semaphore_mem>>) src(%arg11 : memref<40x128xf32, #tpu.memory_space<vmem>>) dst(%dma_wait3A_707 : memref<10000x128xf32, #tpu.memory_space<vmem_shared>>)
      %add3A_708 = arith.constant 6 : i32
      %add3A_709 = arith.addi %mul3A_555, %add3A_708 : i32
      %add3A_710 = arith.constant 3 : i32
      %add3A_711 = arith.addi %add3A_709, %add3A_710 : i32
      %lt3A_712 = arith.constant 64 : i32
      %lt3A_713 = arith.cmpi slt, %add3A_711, %lt3A_712 : i32
      %convert_element_type3A_714 = arith.extui %lt3A_713 : i1 to i32
      %cond3A_715 = arith.constant 0 : i32
      %cond3A_716 = arith.cmpi ne, %convert_element_type3A_714, %cond3A_715 : i32
      scf.if %cond3A_716 {
        %add3A_752 = arith.constant 6 : i32
        %add3A_753 = arith.addi %mul3A_555, %add3A_752 : i32
        %add3A_754 = arith.constant 3 : i32
        %add3A_755 = arith.addi %add3A_753, %add3A_754 : i32
        %dma_start3A_756 = arith.constant 0 : i32
        %dma_start3A_757 = tpu.memref_slice %arg6[%add3A_755, %dma_start3A_756] : memref<64x40xi32, #tpu.memory_space<vmem>> -> memref<1x40xi32, #tpu.memory_space<vmem>>
        %dma_start3A_758 = tpu.memref_squeeze %dma_start3A_757 : memref<1x40xi32, #tpu.memory_space<vmem>> -> memref<40xi32, #tpu.memory_space<vmem>>
        %dma_start3A_759 = arith.constant 0 : i32
        %dma_start3A_760 = arith.constant 0 : i32
        %dma_start3A_761 = tpu.memref_slice %arg2[%dma_start3A_759, %dma_start3A_760] : memref<10000x128xf32, #tpu.memory_space<hbm>> -> memref<10000x128xf32, #tpu.memory_space<hbm>>
        tpu.enqueue_indirect_dma source(%dma_start3A_761 : memref<10000x128xf32, #tpu.memory_space<hbm>>) target(%arg11 : memref<40x128xf32, #tpu.memory_space<vmem>>) offsets(%dma_start3A_758 : memref<40xi32, #tpu.memory_space<vmem>>) semaphore(%arg18 : memref<!tpu.dma_semaphore, #tpu.memory_space<semaphore_mem>>)
      } else {
      }
      %add3A_717 = arith.constant 4 : i32
      %add3A_718 = arith.addi %mul3A_555, %add3A_717 : i32
      %dma_wait3A_719 = arith.constant 0 : i32
      %dma_wait3A_720 = tpu.memref_slice %arg7[%add3A_718, %dma_wait3A_719] : memref<64x40xi32, #tpu.memory_space<vmem>> -> memref<1x40xi32, #tpu.memory_space<vmem>>
      %dma_wait3A_721 = tpu.memref_squeeze %dma_wait3A_720 : memref<1x40xi32, #tpu.memory_space<vmem>> -> memref<40xi32, #tpu.memory_space<vmem>>
      %dma_wait3A_722 = arith.constant 0 : i32
      %dma_wait3A_723 = arith.constant 0 : i32
      %dma_wait3A_724 = tpu.memref_slice %arg14[%dma_wait3A_722, %dma_wait3A_723] : memref<10000x128xf32, #tpu.memory_space<vmem_shared>> -> memref<10000x128xf32, #tpu.memory_space<vmem_shared>>
      tpu.wait_indirect_dma semaphore(%arg25 : memref<!tpu.dma_semaphore, #tpu.memory_space<semaphore_mem>>) src(%arg12 : memref<40x128xf32, #tpu.memory_space<vmem>>) dst(%dma_wait3A_724 : memref<10000x128xf32, #tpu.memory_space<vmem_shared>>)
      %add3A_725 = arith.constant 6 : i32
      %add3A_726 = arith.addi %mul3A_555, %add3A_725 : i32
      %add3A_727 = arith.constant 4 : i32
      %add3A_728 = arith.addi %add3A_726, %add3A_727 : i32
      %lt3A_729 = arith.constant 64 : i32
      %lt3A_730 = arith.cmpi slt, %add3A_728, %lt3A_729 : i32
      %convert_element_type3A_731 = arith.extui %lt3A_730 : i1 to i32
      %cond3A_732 = arith.constant 0 : i32
      %cond3A_733 = arith.cmpi ne, %convert_element_type3A_731, %cond3A_732 : i32
      scf.if %cond3A_733 {
        %add3A_752 = arith.constant 6 : i32
        %add3A_753 = arith.addi %mul3A_555, %add3A_752 : i32
        %add3A_754 = arith.constant 4 : i32
        %add3A_755 = arith.addi %add3A_753, %add3A_754 : i32
        %dma_start3A_756 = arith.constant 0 : i32
        %dma_start3A_757 = tpu.memref_slice %arg6[%add3A_755, %dma_start3A_756] : memref<64x40xi32, #tpu.memory_space<vmem>> -> memref<1x40xi32, #tpu.memory_space<vmem>>
        %dma_start3A_758 = tpu.memref_squeeze %dma_start3A_757 : memref<1x40xi32, #tpu.memory_space<vmem>> -> memref<40xi32, #tpu.memory_space<vmem>>
        %dma_start3A_759 = arith.constant 0 : i32
        %dma_start3A_760 = arith.constant 0 : i32
        %dma_start3A_761 = tpu.memref_slice %arg2[%dma_start3A_759, %dma_start3A_760] : memref<10000x128xf32, #tpu.memory_space<hbm>> -> memref<10000x128xf32, #tpu.memory_space<hbm>>
        tpu.enqueue_indirect_dma source(%dma_start3A_761 : memref<10000x128xf32, #tpu.memory_space<hbm>>) target(%arg12 : memref<40x128xf32, #tpu.memory_space<vmem>>) offsets(%dma_start3A_758 : memref<40xi32, #tpu.memory_space<vmem>>) semaphore(%arg19 : memref<!tpu.dma_semaphore, #tpu.memory_space<semaphore_mem>>)
      } else {
      }
      %add3A_734 = arith.constant 5 : i32
      %add3A_735 = arith.addi %mul3A_555, %add3A_734 : i32
      %dma_wait3A_736 = arith.constant 0 : i32
      %dma_wait3A_737 = tpu.memref_slice %arg7[%add3A_735, %dma_wait3A_736] : memref<64x40xi32, #tpu.memory_space<vmem>> -> memref<1x40xi32, #tpu.memory_space<vmem>>
      %dma_wait3A_738 = tpu.memref_squeeze %dma_wait3A_737 : memref<1x40xi32, #tpu.memory_space<vmem>> -> memref<40xi32, #tpu.memory_space<vmem>>
      %dma_wait3A_739 = arith.constant 0 : i32
      %dma_wait3A_740 = arith.constant 0 : i32
      %dma_wait3A_741 = tpu.memref_slice %arg14[%dma_wait3A_739, %dma_wait3A_740] : memref<10000x128xf32, #tpu.memory_space<vmem_shared>> -> memref<10000x128xf32, #tpu.memory_space<vmem_shared>>
      tpu.wait_indirect_dma semaphore(%arg26 : memref<!tpu.dma_semaphore, #tpu.memory_space<semaphore_mem>>) src(%arg13 : memref<40x128xf32, #tpu.memory_space<vmem>>) dst(%dma_wait3A_741 : memref<10000x128xf32, #tpu.memory_space<vmem_shared>>)
      %add3A_742 = arith.constant 6 : i32
      %add3A_743 = arith.addi %mul3A_555, %add3A_742 : i32
      %add3A_744 = arith.constant 5 : i32
      %add3A_745 = arith.addi %add3A_743, %add3A_744 : i32
      %lt3A_746 = arith.constant 64 : i32
      %lt3A_747 = arith.cmpi slt, %add3A_745, %lt3A_746 : i32
      %convert_element_type3A_748 = arith.extui %lt3A_747 : i1 to i32
      %cond3A_749 = arith.constant 0 : i32
      %cond3A_750 = arith.cmpi ne, %convert_element_type3A_748, %cond3A_749 : i32
      scf.if %cond3A_750 {
        %add3A_752 = arith.constant 6 : i32
        %add3A_753 = arith.addi %mul3A_555, %add3A_752 : i32
        %add3A_754 = arith.constant 5 : i32
        %add3A_755 = arith.addi %add3A_753, %add3A_754 : i32
        %dma_start3A_756 = arith.constant 0 : i32
        %dma_start3A_757 = tpu.memref_slice %arg6[%add3A_755, %dma_start3A_756] : memref<64x40xi32, #tpu.memory_space<vmem>> -> memref<1x40xi32, #tpu.memory_space<vmem>>
        %dma_start3A_758 = tpu.memref_squeeze %dma_start3A_757 : memref<1x40xi32, #tpu.memory_space<vmem>> -> memref<40xi32, #tpu.memory_space<vmem>>
        %dma_start3A_759 = arith.constant 0 : i32
        %dma_start3A_760 = arith.constant 0 : i32
        %dma_start3A_761 = tpu.memref_slice %arg2[%dma_start3A_759, %dma_start3A_760] : memref<10000x128xf32, #tpu.memory_space<hbm>> -> memref<10000x128xf32, #tpu.memory_space<hbm>>
        tpu.enqueue_indirect_dma source(%dma_start3A_761 : memref<10000x128xf32, #tpu.memory_space<hbm>>) target(%arg13 : memref<40x128xf32, #tpu.memory_space<vmem>>) offsets(%dma_start3A_758 : memref<40xi32, #tpu.memory_space<vmem>>) semaphore(%arg20 : memref<!tpu.dma_semaphore, #tpu.memory_space<semaphore_mem>>)
      } else {
      }
      %scan3A_751 = arith.constant 0 : i32
      scf.yield %scan3A_751 : i32
    }
    %scan3A_66 = arith.constant 10 : i32
    %dma_wait3A = arith.constant 60 : i32
    %dma_wait3A_67 = arith.constant 0 : i32
    %dma_wait3A_68 = tpu.memref_slice %arg6[%dma_wait3A, %dma_wait3A_67] : memref<64x40xi32, #tpu.memory_space<vmem>> -> memref<1x40xi32, #tpu.memory_space<vmem>>
    %dma_wait3A_69 = tpu.memref_squeeze %dma_wait3A_68 : memref<1x40xi32, #tpu.memory_space<vmem>> -> memref<40xi32, #tpu.memory_space<vmem>>
    %dma_wait3A_70 = arith.constant 0 : i32
    %dma_wait3A_71 = arith.constant 0 : i32
    %dma_wait3A_72 = tpu.memref_slice %arg2[%dma_wait3A_70, %dma_wait3A_71] : memref<10000x128xf32, #tpu.memory_space<hbm>> -> memref<10000x128xf32, #tpu.memory_space<hbm>>
    tpu.wait_indirect_dma semaphore(%arg15 : memref<!tpu.dma_semaphore, #tpu.memory_space<semaphore_mem>>) src(%dma_wait3A_72 : memref<10000x128xf32, #tpu.memory_space<hbm>>) dst(%arg8 : memref<40x128xf32, #tpu.memory_space<vmem>>)
    %dma_start3A_73 = arith.constant 60 : i32
    %dma_start3A_74 = arith.constant 0 : i32
    %dma_start3A_75 = tpu.memref_slice %arg7[%dma_start3A_73, %dma_start3A_74] : memref<64x40xi32, #tpu.memory_space<vmem>> -> memref<1x40xi32, #tpu.memory_space<vmem>>
    %dma_start3A_76 = tpu.memref_squeeze %dma_start3A_75 : memref<1x40xi32, #tpu.memory_space<vmem>> -> memref<40xi32, #tpu.memory_space<vmem>>
    %dma_start3A_77 = arith.constant 0 : i32
    %dma_start3A_78 = arith.constant 0 : i32
    %dma_start3A_79 = tpu.memref_slice %arg14[%dma_start3A_77, %dma_start3A_78] : memref<10000x128xf32, #tpu.memory_space<vmem_shared>> -> memref<10000x128xf32, #tpu.memory_space<vmem_shared>>
    tpu.enqueue_indirect_dma source(%arg8 : memref<40x128xf32, #tpu.memory_space<vmem>>) target(%dma_start3A_79 : memref<10000x128xf32, #tpu.memory_space<vmem_shared>>) offsets(%dma_start3A_76 : memref<40xi32, #tpu.memory_space<vmem>>) semaphore(%arg21 : memref<!tpu.dma_semaphore, #tpu.memory_space<semaphore_mem>>) {add = true}
    %dma_wait3A_80 = arith.constant 60 : i32
    %dma_wait3A_81 = arith.constant 0 : i32
    %dma_wait3A_82 = tpu.memref_slice %arg7[%dma_wait3A_80, %dma_wait3A_81] : memref<64x40xi32, #tpu.memory_space<vmem>> -> memref<1x40xi32, #tpu.memory_space<vmem>>
    %dma_wait3A_83 = tpu.memref_squeeze %dma_wait3A_82 : memref<1x40xi32, #tpu.memory_space<vmem>> -> memref<40xi32, #tpu.memory_space<vmem>>
    %dma_wait3A_84 = arith.constant 0 : i32
    %dma_wait3A_85 = arith.constant 0 : i32
    %dma_wait3A_86 = tpu.memref_slice %arg14[%dma_wait3A_84, %dma_wait3A_85] : memref<10000x128xf32, #tpu.memory_space<vmem_shared>> -> memref<10000x128xf32, #tpu.memory_space<vmem_shared>>
    tpu.wait_indirect_dma semaphore(%arg21 : memref<!tpu.dma_semaphore, #tpu.memory_space<semaphore_mem>>) src(%arg8 : memref<40x128xf32, #tpu.memory_space<vmem>>) dst(%dma_wait3A_86 : memref<10000x128xf32, #tpu.memory_space<vmem_shared>>)
    %dma_wait3A_87 = arith.constant 61 : i32
    %dma_wait3A_88 = arith.constant 0 : i32
    %dma_wait3A_89 = tpu.memref_slice %arg6[%dma_wait3A_87, %dma_wait3A_88] : memref<64x40xi32, #tpu.memory_space<vmem>> -> memref<1x40xi32, #tpu.memory_space<vmem>>
    %dma_wait3A_90 = tpu.memref_squeeze %dma_wait3A_89 : memref<1x40xi32, #tpu.memory_space<vmem>> -> memref<40xi32, #tpu.memory_space<vmem>>
    %dma_wait3A_91 = arith.constant 0 : i32
    %dma_wait3A_92 = arith.constant 0 : i32
    %dma_wait3A_93 = tpu.memref_slice %arg2[%dma_wait3A_91, %dma_wait3A_92] : memref<10000x128xf32, #tpu.memory_space<hbm>> -> memref<10000x128xf32, #tpu.memory_space<hbm>>
    tpu.wait_indirect_dma semaphore(%arg16 : memref<!tpu.dma_semaphore, #tpu.memory_space<semaphore_mem>>) src(%dma_wait3A_93 : memref<10000x128xf32, #tpu.memory_space<hbm>>) dst(%arg9 : memref<40x128xf32, #tpu.memory_space<vmem>>)
    %dma_start3A_94 = arith.constant 61 : i32
    %dma_start3A_95 = arith.constant 0 : i32
    %dma_start3A_96 = tpu.memref_slice %arg7[%dma_start3A_94, %dma_start3A_95] : memref<64x40xi32, #tpu.memory_space<vmem>> -> memref<1x40xi32, #tpu.memory_space<vmem>>
    %dma_start3A_97 = tpu.memref_squeeze %dma_start3A_96 : memref<1x40xi32, #tpu.memory_space<vmem>> -> memref<40xi32, #tpu.memory_space<vmem>>
    %dma_start3A_98 = arith.constant 0 : i32
    %dma_start3A_99 = arith.constant 0 : i32
    %dma_start3A_100 = tpu.memref_slice %arg14[%dma_start3A_98, %dma_start3A_99] : memref<10000x128xf32, #tpu.memory_space<vmem_shared>> -> memref<10000x128xf32, #tpu.memory_space<vmem_shared>>
    tpu.enqueue_indirect_dma source(%arg9 : memref<40x128xf32, #tpu.memory_space<vmem>>) target(%dma_start3A_100 : memref<10000x128xf32, #tpu.memory_space<vmem_shared>>) offsets(%dma_start3A_97 : memref<40xi32, #tpu.memory_space<vmem>>) semaphore(%arg22 : memref<!tpu.dma_semaphore, #tpu.memory_space<semaphore_mem>>) {add = true}
    %dma_wait3A_101 = arith.constant 61 : i32
    %dma_wait3A_102 = arith.constant 0 : i32
    %dma_wait3A_103 = tpu.memref_slice %arg7[%dma_wait3A_101, %dma_wait3A_102] : memref<64x40xi32, #tpu.memory_space<vmem>> -> memref<1x40xi32, #tpu.memory_space<vmem>>
    %dma_wait3A_104 = tpu.memref_squeeze %dma_wait3A_103 : memref<1x40xi32, #tpu.memory_space<vmem>> -> memref<40xi32, #tpu.memory_space<vmem>>
    %dma_wait3A_105 = arith.constant 0 : i32
    %dma_wait3A_106 = arith.constant 0 : i32
    %dma_wait3A_107 = tpu.memref_slice %arg14[%dma_wait3A_105, %dma_wait3A_106] : memref<10000x128xf32, #tpu.memory_space<vmem_shared>> -> memref<10000x128xf32, #tpu.memory_space<vmem_shared>>
    tpu.wait_indirect_dma semaphore(%arg22 : memref<!tpu.dma_semaphore, #tpu.memory_space<semaphore_mem>>) src(%arg9 : memref<40x128xf32, #tpu.memory_space<vmem>>) dst(%dma_wait3A_107 : memref<10000x128xf32, #tpu.memory_space<vmem_shared>>)
    %dma_wait3A_108 = arith.constant 62 : i32
    %dma_wait3A_109 = arith.constant 0 : i32
    %dma_wait3A_110 = tpu.memref_slice %arg6[%dma_wait3A_108, %dma_wait3A_109] : memref<64x40xi32, #tpu.memory_space<vmem>> -> memref<1x40xi32, #tpu.memory_space<vmem>>
    %dma_wait3A_111 = tpu.memref_squeeze %dma_wait3A_110 : memref<1x40xi32, #tpu.memory_space<vmem>> -> memref<40xi32, #tpu.memory_space<vmem>>
    %dma_wait3A_112 = arith.constant 0 : i32
    %dma_wait3A_113 = arith.constant 0 : i32
    %dma_wait3A_114 = tpu.memref_slice %arg2[%dma_wait3A_112, %dma_wait3A_113] : memref<10000x128xf32, #tpu.memory_space<hbm>> -> memref<10000x128xf32, #tpu.memory_space<hbm>>
    tpu.wait_indirect_dma semaphore(%arg17 : memref<!tpu.dma_semaphore, #tpu.memory_space<semaphore_mem>>) src(%dma_wait3A_114 : memref<10000x128xf32, #tpu.memory_space<hbm>>) dst(%arg10 : memref<40x128xf32, #tpu.memory_space<vmem>>)
    %dma_start3A_115 = arith.constant 62 : i32
    %dma_start3A_116 = arith.constant 0 : i32
    %dma_start3A_117 = tpu.memref_slice %arg7[%dma_start3A_115, %dma_start3A_116] : memref<64x40xi32, #tpu.memory_space<vmem>> -> memref<1x40xi32, #tpu.memory_space<vmem>>
    %dma_start3A_118 = tpu.memref_squeeze %dma_start3A_117 : memref<1x40xi32, #tpu.memory_space<vmem>> -> memref<40xi32, #tpu.memory_space<vmem>>
    %dma_start3A_119 = arith.constant 0 : i32
    %dma_start3A_120 = arith.constant 0 : i32
    %dma_start3A_121 = tpu.memref_slice %arg14[%dma_start3A_119, %dma_start3A_120] : memref<10000x128xf32, #tpu.memory_space<vmem_shared>> -> memref<10000x128xf32, #tpu.memory_space<vmem_shared>>
    tpu.enqueue_indirect_dma source(%arg10 : memref<40x128xf32, #tpu.memory_space<vmem>>) target(%dma_start3A_121 : memref<10000x128xf32, #tpu.memory_space<vmem_shared>>) offsets(%dma_start3A_118 : memref<40xi32, #tpu.memory_space<vmem>>) semaphore(%arg23 : memref<!tpu.dma_semaphore, #tpu.memory_space<semaphore_mem>>) {add = true}
    %dma_wait3A_122 = arith.constant 62 : i32
    %dma_wait3A_123 = arith.constant 0 : i32
    %dma_wait3A_124 = tpu.memref_slice %arg7[%dma_wait3A_122, %dma_wait3A_123] : memref<64x40xi32, #tpu.memory_space<vmem>> -> memref<1x40xi32, #tpu.memory_space<vmem>>
    %dma_wait3A_125 = tpu.memref_squeeze %dma_wait3A_124 : memref<1x40xi32, #tpu.memory_space<vmem>> -> memref<40xi32, #tpu.memory_space<vmem>>
    %dma_wait3A_126 = arith.constant 0 : i32
    %dma_wait3A_127 = arith.constant 0 : i32
    %dma_wait3A_128 = tpu.memref_slice %arg14[%dma_wait3A_126, %dma_wait3A_127] : memref<10000x128xf32, #tpu.memory_space<vmem_shared>> -> memref<10000x128xf32, #tpu.memory_space<vmem_shared>>
    tpu.wait_indirect_dma semaphore(%arg23 : memref<!tpu.dma_semaphore, #tpu.memory_space<semaphore_mem>>) src(%arg10 : memref<40x128xf32, #tpu.memory_space<vmem>>) dst(%dma_wait3A_128 : memref<10000x128xf32, #tpu.memory_space<vmem_shared>>)
    %dma_wait3A_129 = arith.constant 63 : i32
    %dma_wait3A_130 = arith.constant 0 : i32
    %dma_wait3A_131 = tpu.memref_slice %arg6[%dma_wait3A_129, %dma_wait3A_130] : memref<64x40xi32, #tpu.memory_space<vmem>> -> memref<1x40xi32, #tpu.memory_space<vmem>>
    %dma_wait3A_132 = tpu.memref_squeeze %dma_wait3A_131 : memref<1x40xi32, #tpu.memory_space<vmem>> -> memref<40xi32, #tpu.memory_space<vmem>>
    %dma_wait3A_133 = arith.constant 0 : i32
    %dma_wait3A_134 = arith.constant 0 : i32
    %dma_wait3A_135 = tpu.memref_slice %arg2[%dma_wait3A_133, %dma_wait3A_134] : memref<10000x128xf32, #tpu.memory_space<hbm>> -> memref<10000x128xf32, #tpu.memory_space<hbm>>
    tpu.wait_indirect_dma semaphore(%arg18 : memref<!tpu.dma_semaphore, #tpu.memory_space<semaphore_mem>>) src(%dma_wait3A_135 : memref<10000x128xf32, #tpu.memory_space<hbm>>) dst(%arg11 : memref<40x128xf32, #tpu.memory_space<vmem>>)
    %dma_start3A_136 = arith.constant 63 : i32
    %dma_start3A_137 = arith.constant 0 : i32
    %dma_start3A_138 = tpu.memref_slice %arg7[%dma_start3A_136, %dma_start3A_137] : memref<64x40xi32, #tpu.memory_space<vmem>> -> memref<1x40xi32, #tpu.memory_space<vmem>>
    %dma_start3A_139 = tpu.memref_squeeze %dma_start3A_138 : memref<1x40xi32, #tpu.memory_space<vmem>> -> memref<40xi32, #tpu.memory_space<vmem>>
    %dma_start3A_140 = arith.constant 0 : i32
    %dma_start3A_141 = arith.constant 0 : i32
    %dma_start3A_142 = tpu.memref_slice %arg14[%dma_start3A_140, %dma_start3A_141] : memref<10000x128xf32, #tpu.memory_space<vmem_shared>> -> memref<10000x128xf32, #tpu.memory_space<vmem_shared>>
    tpu.enqueue_indirect_dma source(%arg11 : memref<40x128xf32, #tpu.memory_space<vmem>>) target(%dma_start3A_142 : memref<10000x128xf32, #tpu.memory_space<vmem_shared>>) offsets(%dma_start3A_139 : memref<40xi32, #tpu.memory_space<vmem>>) semaphore(%arg24 : memref<!tpu.dma_semaphore, #tpu.memory_space<semaphore_mem>>) {add = true}
    %dma_wait3A_143 = arith.constant 63 : i32
    %dma_wait3A_144 = arith.constant 0 : i32
    %dma_wait3A_145 = tpu.memref_slice %arg7[%dma_wait3A_143, %dma_wait3A_144] : memref<64x40xi32, #tpu.memory_space<vmem>> -> memref<1x40xi32, #tpu.memory_space<vmem>>
    %dma_wait3A_146 = tpu.memref_squeeze %dma_wait3A_145 : memref<1x40xi32, #tpu.memory_space<vmem>> -> memref<40xi32, #tpu.memory_space<vmem>>
    %dma_wait3A_147 = arith.constant 0 : i32
    %dma_wait3A_148 = arith.constant 0 : i32
    %dma_wait3A_149 = tpu.memref_slice %arg14[%dma_wait3A_147, %dma_wait3A_148] : memref<10000x128xf32, #tpu.memory_space<vmem_shared>> -> memref<10000x128xf32, #tpu.memory_space<vmem_shared>>
    tpu.wait_indirect_dma semaphore(%arg24 : memref<!tpu.dma_semaphore, #tpu.memory_space<semaphore_mem>>) src(%arg11 : memref<40x128xf32, #tpu.memory_space<vmem>>) dst(%dma_wait3A_149 : memref<10000x128xf32, #tpu.memory_space<vmem_shared>>)
    "tpu.region"() ({
      %run_scoped3A = tpu.sem_alloc : memref<!tpu.dma_semaphore, #tpu.memory_space<semaphore_mem>>
      %dma_start3A_552 = arith.constant 0 : i32
      %dma_start3A_553 = arith.constant 0 : i32
      %dma_start3A_554 = tpu.memref_slice %arg6[%dma_start3A_552, %dma_start3A_553] : memref<64x40xi32, #tpu.memory_space<vmem>> -> memref<64x40xi32, #tpu.memory_space<vmem>>
      %dma_start3A_555 = arith.constant 64 : i32
      %dma_start3A_556 = arith.constant 0 : i32
      %dma_start3A_557 = tpu.memref_slice %arg3[%add3A, %dma_start3A_555, %dma_start3A_556] : memref<32x250x40xi32, #tpu.memory_space<hbm>> -> memref<1x64x40xi32, #tpu.memory_space<hbm>>
      %dma_start3A_558 = tpu.memref_squeeze %dma_start3A_557 : memref<1x64x40xi32, #tpu.memory_space<hbm>> -> memref<64x40xi32, #tpu.memory_space<hbm>>
      %dma_start3A_559 = arith.constant 0 : i32
      %dma_start3A_560 = arith.constant 0 : i32
      %dma_start3A_561 = tpu.memref_slice %arg6[%dma_start3A_559, %dma_start3A_560] : memref<64x40xi32, #tpu.memory_space<vmem>> -> memref<64x40xi32, #tpu.memory_space<vmem>>
      %dma_start3A_562 = arith.constant 64 : i32
      %dma_start3A_563 = arith.constant 0 : i32
      %dma_start3A_564 = tpu.memref_slice %arg3[%add3A, %dma_start3A_562, %dma_start3A_563] : memref<32x250x40xi32, #tpu.memory_space<hbm>> -> memref<1x64x40xi32, #tpu.memory_space<hbm>>
      %dma_start3A_565 = tpu.memref_squeeze %dma_start3A_564 : memref<1x64x40xi32, #tpu.memory_space<hbm>> -> memref<64x40xi32, #tpu.memory_space<hbm>>
      tpu.enqueue_dma source(%dma_start3A_565 : memref<64x40xi32, #tpu.memory_space<hbm>>) target(%dma_start3A_561 : memref<64x40xi32, #tpu.memory_space<vmem>>) target_semaphore(%run_scoped3A : memref<!tpu.dma_semaphore, #tpu.memory_space<semaphore_mem>>)
      %dma_wait3A_566 = arith.constant 0 : i32
      %dma_wait3A_567 = arith.constant 0 : i32
      %dma_wait3A_568 = tpu.memref_slice %arg6[%dma_wait3A_566, %dma_wait3A_567] : memref<64x40xi32, #tpu.memory_space<vmem>> -> memref<64x40xi32, #tpu.memory_space<vmem>>
      %dma_wait3A_569 = arith.constant 64 : i32
      %dma_wait3A_570 = arith.constant 0 : i32
      %dma_wait3A_571 = tpu.memref_slice %arg3[%add3A, %dma_wait3A_569, %dma_wait3A_570] : memref<32x250x40xi32, #tpu.memory_space<hbm>> -> memref<1x64x40xi32, #tpu.memory_space<hbm>>
      %dma_wait3A_572 = tpu.memref_squeeze %dma_wait3A_571 : memref<1x64x40xi32, #tpu.memory_space<hbm>> -> memref<64x40xi32, #tpu.memory_space<hbm>>
      %dma_wait3A_573 = arith.constant 0 : i32
      %dma_wait3A_574 = arith.constant 0 : i32
      %dma_wait3A_575 = tpu.memref_slice %arg6[%dma_wait3A_573, %dma_wait3A_574] : memref<64x40xi32, #tpu.memory_space<vmem>> -> memref<64x40xi32, #tpu.memory_space<vmem>>
      %dma_wait3A_576 = arith.constant 64 : i32
      %dma_wait3A_577 = arith.constant 0 : i32
      %dma_wait3A_578 = tpu.memref_slice %arg3[%add3A, %dma_wait3A_576, %dma_wait3A_577] : memref<32x250x40xi32, #tpu.memory_space<hbm>> -> memref<1x64x40xi32, #tpu.memory_space<hbm>>
      %dma_wait3A_579 = tpu.memref_squeeze %dma_wait3A_578 : memref<1x64x40xi32, #tpu.memory_space<hbm>> -> memref<64x40xi32, #tpu.memory_space<hbm>>
      tpu.wait_dma2 semaphore(%run_scoped3A : memref<!tpu.dma_semaphore, #tpu.memory_space<semaphore_mem>>) src(%dma_wait3A_579 : memref<64x40xi32, #tpu.memory_space<hbm>>) dst(%dma_wait3A_575 : memref<64x40xi32, #tpu.memory_space<vmem>>)
      tpu.yield
    }) : () -> ()
    "tpu.region"() ({
      %run_scoped3A = tpu.sem_alloc : memref<!tpu.dma_semaphore, #tpu.memory_space<semaphore_mem>>
      %dma_start3A_552 = arith.constant 0 : i32
      %dma_start3A_553 = arith.constant 0 : i32
      %dma_start3A_554 = tpu.memref_slice %arg7[%dma_start3A_552, %dma_start3A_553] : memref<64x40xi32, #tpu.memory_space<vmem>> -> memref<64x40xi32, #tpu.memory_space<vmem>>
      %dma_start3A_555 = arith.constant 64 : i32
      %dma_start3A_556 = arith.constant 0 : i32
      %dma_start3A_557 = tpu.memref_slice %arg4[%add3A, %dma_start3A_555, %dma_start3A_556] : memref<32x250x40xi32, #tpu.memory_space<hbm>> -> memref<1x64x40xi32, #tpu.memory_space<hbm>>
      %dma_start3A_558 = tpu.memref_squeeze %dma_start3A_557 : memref<1x64x40xi32, #tpu.memory_space<hbm>> -> memref<64x40xi32, #tpu.memory_space<hbm>>
      %dma_start3A_559 = arith.constant 0 : i32
      %dma_start3A_560 = arith.constant 0 : i32
      %dma_start3A_561 = tpu.memref_slice %arg7[%dma_start3A_559, %dma_start3A_560] : memref<64x40xi32, #tpu.memory_space<vmem>> -> memref<64x40xi32, #tpu.memory_space<vmem>>
      %dma_start3A_562 = arith.constant 64 : i32
      %dma_start3A_563 = arith.constant 0 : i32
      %dma_start3A_564 = tpu.memref_slice %arg4[%add3A, %dma_start3A_562, %dma_start3A_563] : memref<32x250x40xi32, #tpu.memory_space<hbm>> -> memref<1x64x40xi32, #tpu.memory_space<hbm>>
      %dma_start3A_565 = tpu.memref_squeeze %dma_start3A_564 : memref<1x64x40xi32, #tpu.memory_space<hbm>> -> memref<64x40xi32, #tpu.memory_space<hbm>>
      tpu.enqueue_dma source(%dma_start3A_565 : memref<64x40xi32, #tpu.memory_space<hbm>>) target(%dma_start3A_561 : memref<64x40xi32, #tpu.memory_space<vmem>>) target_semaphore(%run_scoped3A : memref<!tpu.dma_semaphore, #tpu.memory_space<semaphore_mem>>)
      %dma_wait3A_566 = arith.constant 0 : i32
      %dma_wait3A_567 = arith.constant 0 : i32
      %dma_wait3A_568 = tpu.memref_slice %arg7[%dma_wait3A_566, %dma_wait3A_567] : memref<64x40xi32, #tpu.memory_space<vmem>> -> memref<64x40xi32, #tpu.memory_space<vmem>>
      %dma_wait3A_569 = arith.constant 64 : i32
      %dma_wait3A_570 = arith.constant 0 : i32
      %dma_wait3A_571 = tpu.memref_slice %arg4[%add3A, %dma_wait3A_569, %dma_wait3A_570] : memref<32x250x40xi32, #tpu.memory_space<hbm>> -> memref<1x64x40xi32, #tpu.memory_space<hbm>>
      %dma_wait3A_572 = tpu.memref_squeeze %dma_wait3A_571 : memref<1x64x40xi32, #tpu.memory_space<hbm>> -> memref<64x40xi32, #tpu.memory_space<hbm>>
      %dma_wait3A_573 = arith.constant 0 : i32
      %dma_wait3A_574 = arith.constant 0 : i32
      %dma_wait3A_575 = tpu.memref_slice %arg7[%dma_wait3A_573, %dma_wait3A_574] : memref<64x40xi32, #tpu.memory_space<vmem>> -> memref<64x40xi32, #tpu.memory_space<vmem>>
      %dma_wait3A_576 = arith.constant 64 : i32
      %dma_wait3A_577 = arith.constant 0 : i32
      %dma_wait3A_578 = tpu.memref_slice %arg4[%add3A, %dma_wait3A_576, %dma_wait3A_577] : memref<32x250x40xi32, #tpu.memory_space<hbm>> -> memref<1x64x40xi32, #tpu.memory_space<hbm>>
      %dma_wait3A_579 = tpu.memref_squeeze %dma_wait3A_578 : memref<1x64x40xi32, #tpu.memory_space<hbm>> -> memref<64x40xi32, #tpu.memory_space<hbm>>
      tpu.wait_dma2 semaphore(%run_scoped3A : memref<!tpu.dma_semaphore, #tpu.memory_space<semaphore_mem>>) src(%dma_wait3A_579 : memref<64x40xi32, #tpu.memory_space<hbm>>) dst(%dma_wait3A_575 : memref<64x40xi32, #tpu.memory_space<vmem>>)
      tpu.yield
    }) : () -> ()
    %dma_start3A_150 = arith.constant 0 : i32
    %dma_start3A_151 = arith.constant 0 : i32
    %dma_start3A_152 = tpu.memref_slice %arg6[%dma_start3A_150, %dma_start3A_151] : memref<64x40xi32, #tpu.memory_space<vmem>> -> memref<1x40xi32, #tpu.memory_space<vmem>>
    %dma_start3A_153 = tpu.memref_squeeze %dma_start3A_152 : memref<1x40xi32, #tpu.memory_space<vmem>> -> memref<40xi32, #tpu.memory_space<vmem>>
    %dma_start3A_154 = arith.constant 0 : i32
    %dma_start3A_155 = arith.constant 0 : i32
    %dma_start3A_156 = tpu.memref_slice %arg2[%dma_start3A_154, %dma_start3A_155] : memref<10000x128xf32, #tpu.memory_space<hbm>> -> memref<10000x128xf32, #tpu.memory_space<hbm>>
    tpu.enqueue_indirect_dma source(%dma_start3A_156 : memref<10000x128xf32, #tpu.memory_space<hbm>>) target(%arg8 : memref<40x128xf32, #tpu.memory_space<vmem>>) offsets(%dma_start3A_153 : memref<40xi32, #tpu.memory_space<vmem>>) semaphore(%arg15 : memref<!tpu.dma_semaphore, #tpu.memory_space<semaphore_mem>>)
    %dma_start3A_157 = arith.constant 1 : i32
    %dma_start3A_158 = arith.constant 0 : i32
    %dma_start3A_159 = tpu.memref_slice %arg6[%dma_start3A_157, %dma_start3A_158] : memref<64x40xi32, #tpu.memory_space<vmem>> -> memref<1x40xi32, #tpu.memory_space<vmem>>
    %dma_start3A_160 = tpu.memref_squeeze %dma_start3A_159 : memref<1x40xi32, #tpu.memory_space<vmem>> -> memref<40xi32, #tpu.memory_space<vmem>>
    %dma_start3A_161 = arith.constant 0 : i32
    %dma_start3A_162 = arith.constant 0 : i32
    %dma_start3A_163 = tpu.memref_slice %arg2[%dma_start3A_161, %dma_start3A_162] : memref<10000x128xf32, #tpu.memory_space<hbm>> -> memref<10000x128xf32, #tpu.memory_space<hbm>>
    tpu.enqueue_indirect_dma source(%dma_start3A_163 : memref<10000x128xf32, #tpu.memory_space<hbm>>) target(%arg9 : memref<40x128xf32, #tpu.memory_space<vmem>>) offsets(%dma_start3A_160 : memref<40xi32, #tpu.memory_space<vmem>>) semaphore(%arg16 : memref<!tpu.dma_semaphore, #tpu.memory_space<semaphore_mem>>)
    %dma_start3A_164 = arith.constant 2 : i32
    %dma_start3A_165 = arith.constant 0 : i32
    %dma_start3A_166 = tpu.memref_slice %arg6[%dma_start3A_164, %dma_start3A_165] : memref<64x40xi32, #tpu.memory_space<vmem>> -> memref<1x40xi32, #tpu.memory_space<vmem>>
    %dma_start3A_167 = tpu.memref_squeeze %dma_start3A_166 : memref<1x40xi32, #tpu.memory_space<vmem>> -> memref<40xi32, #tpu.memory_space<vmem>>
    %dma_start3A_168 = arith.constant 0 : i32
    %dma_start3A_169 = arith.constant 0 : i32
    %dma_start3A_170 = tpu.memref_slice %arg2[%dma_start3A_168, %dma_start3A_169] : memref<10000x128xf32, #tpu.memory_space<hbm>> -> memref<10000x128xf32, #tpu.memory_space<hbm>>
    tpu.enqueue_indirect_dma source(%dma_start3A_170 : memref<10000x128xf32, #tpu.memory_space<hbm>>) target(%arg10 : memref<40x128xf32, #tpu.memory_space<vmem>>) offsets(%dma_start3A_167 : memref<40xi32, #tpu.memory_space<vmem>>) semaphore(%arg17 : memref<!tpu.dma_semaphore, #tpu.memory_space<semaphore_mem>>)
    %dma_start3A_171 = arith.constant 3 : i32
    %dma_start3A_172 = arith.constant 0 : i32
    %dma_start3A_173 = tpu.memref_slice %arg6[%dma_start3A_171, %dma_start3A_172] : memref<64x40xi32, #tpu.memory_space<vmem>> -> memref<1x40xi32, #tpu.memory_space<vmem>>
    %dma_start3A_174 = tpu.memref_squeeze %dma_start3A_173 : memref<1x40xi32, #tpu.memory_space<vmem>> -> memref<40xi32, #tpu.memory_space<vmem>>
    %dma_start3A_175 = arith.constant 0 : i32
    %dma_start3A_176 = arith.constant 0 : i32
    %dma_start3A_177 = tpu.memref_slice %arg2[%dma_start3A_175, %dma_start3A_176] : memref<10000x128xf32, #tpu.memory_space<hbm>> -> memref<10000x128xf32, #tpu.memory_space<hbm>>
    tpu.enqueue_indirect_dma source(%dma_start3A_177 : memref<10000x128xf32, #tpu.memory_space<hbm>>) target(%arg11 : memref<40x128xf32, #tpu.memory_space<vmem>>) offsets(%dma_start3A_174 : memref<40xi32, #tpu.memory_space<vmem>>) semaphore(%arg18 : memref<!tpu.dma_semaphore, #tpu.memory_space<semaphore_mem>>)
    %dma_start3A_178 = arith.constant 4 : i32
    %dma_start3A_179 = arith.constant 0 : i32
    %dma_start3A_180 = tpu.memref_slice %arg6[%dma_start3A_178, %dma_start3A_179] : memref<64x40xi32, #tpu.memory_space<vmem>> -> memref<1x40xi32, #tpu.memory_space<vmem>>
    %dma_start3A_181 = tpu.memref_squeeze %dma_start3A_180 : memref<1x40xi32, #tpu.memory_space<vmem>> -> memref<40xi32, #tpu.memory_space<vmem>>
    %dma_start3A_182 = arith.constant 0 : i32
    %dma_start3A_183 = arith.constant 0 : i32
    %dma_start3A_184 = tpu.memref_slice %arg2[%dma_start3A_182, %dma_start3A_183] : memref<10000x128xf32, #tpu.memory_space<hbm>> -> memref<10000x128xf32, #tpu.memory_space<hbm>>
    tpu.enqueue_indirect_dma source(%dma_start3A_184 : memref<10000x128xf32, #tpu.memory_space<hbm>>) target(%arg12 : memref<40x128xf32, #tpu.memory_space<vmem>>) offsets(%dma_start3A_181 : memref<40xi32, #tpu.memory_space<vmem>>) semaphore(%arg19 : memref<!tpu.dma_semaphore, #tpu.memory_space<semaphore_mem>>)
    %dma_start3A_185 = arith.constant 5 : i32
    %dma_start3A_186 = arith.constant 0 : i32
    %dma_start3A_187 = tpu.memref_slice %arg6[%dma_start3A_185, %dma_start3A_186] : memref<64x40xi32, #tpu.memory_space<vmem>> -> memref<1x40xi32, #tpu.memory_space<vmem>>
    %dma_start3A_188 = tpu.memref_squeeze %dma_start3A_187 : memref<1x40xi32, #tpu.memory_space<vmem>> -> memref<40xi32, #tpu.memory_space<vmem>>
    %dma_start3A_189 = arith.constant 0 : i32
    %dma_start3A_190 = arith.constant 0 : i32
    %dma_start3A_191 = tpu.memref_slice %arg2[%dma_start3A_189, %dma_start3A_190] : memref<10000x128xf32, #tpu.memory_space<hbm>> -> memref<10000x128xf32, #tpu.memory_space<hbm>>
    tpu.enqueue_indirect_dma source(%dma_start3A_191 : memref<10000x128xf32, #tpu.memory_space<hbm>>) target(%arg13 : memref<40x128xf32, #tpu.memory_space<vmem>>) offsets(%dma_start3A_188 : memref<40xi32, #tpu.memory_space<vmem>>) semaphore(%arg20 : memref<!tpu.dma_semaphore, #tpu.memory_space<semaphore_mem>>)
    %scan3A_192 = arith.constant 0 : i32
    %scan3A_193 = arith.constant 0 : i32
    %scan3A_194 = arith.constant 10 : i32
    %scan3A_195 = arith.addi %scan3A_193, %scan3A_194 : i32
    %scan3A_196 = arith.constant 1 : i32
    %scan3A_197 = scf.for %scan3A_552 = %scan3A_193 to %scan3A_195 step %scan3A_196 iter_args(%scan3A_553 = %scan3A_192) -> (i32)  : i32 {
      %mul3A_554 = arith.constant 6 : i32
      %mul3A_555 = arith.muli %mul3A_554, %scan3A_552 : i32
      %add3A_556 = arith.constant 0 : i32
      %add3A_557 = arith.addi %mul3A_555, %add3A_556 : i32
      %dma_wait3A_558 = arith.constant 0 : i32
      %dma_wait3A_559 = tpu.memref_slice %arg6[%add3A_557, %dma_wait3A_558] : memref<64x40xi32, #tpu.memory_space<vmem>> -> memref<1x40xi32, #tpu.memory_space<vmem>>
      %dma_wait3A_560 = tpu.memref_squeeze %dma_wait3A_559 : memref<1x40xi32, #tpu.memory_space<vmem>> -> memref<40xi32, #tpu.memory_space<vmem>>
      %dma_wait3A_561 = arith.constant 0 : i32
      %dma_wait3A_562 = arith.constant 0 : i32
      %dma_wait3A_563 = tpu.memref_slice %arg2[%dma_wait3A_561, %dma_wait3A_562] : memref<10000x128xf32, #tpu.memory_space<hbm>> -> memref<10000x128xf32, #tpu.memory_space<hbm>>
      tpu.wait_indirect_dma semaphore(%arg15 : memref<!tpu.dma_semaphore, #tpu.memory_space<semaphore_mem>>) src(%dma_wait3A_563 : memref<10000x128xf32, #tpu.memory_space<hbm>>) dst(%arg8 : memref<40x128xf32, #tpu.memory_space<vmem>>)
      %add3A_564 = arith.constant 0 : i32
      %add3A_565 = arith.addi %mul3A_555, %add3A_564 : i32
      %dma_start3A_566 = arith.constant 0 : i32
      %dma_start3A_567 = tpu.memref_slice %arg7[%add3A_565, %dma_start3A_566] : memref<64x40xi32, #tpu.memory_space<vmem>> -> memref<1x40xi32, #tpu.memory_space<vmem>>
      %dma_start3A_568 = tpu.memref_squeeze %dma_start3A_567 : memref<1x40xi32, #tpu.memory_space<vmem>> -> memref<40xi32, #tpu.memory_space<vmem>>
      %dma_start3A_569 = arith.constant 0 : i32
      %dma_start3A_570 = arith.constant 0 : i32
      %dma_start3A_571 = tpu.memref_slice %arg14[%dma_start3A_569, %dma_start3A_570] : memref<10000x128xf32, #tpu.memory_space<vmem_shared>> -> memref<10000x128xf32, #tpu.memory_space<vmem_shared>>
      tpu.enqueue_indirect_dma source(%arg8 : memref<40x128xf32, #tpu.memory_space<vmem>>) target(%dma_start3A_571 : memref<10000x128xf32, #tpu.memory_space<vmem_shared>>) offsets(%dma_start3A_568 : memref<40xi32, #tpu.memory_space<vmem>>) semaphore(%arg21 : memref<!tpu.dma_semaphore, #tpu.memory_space<semaphore_mem>>) {add = true}
      %add3A_572 = arith.constant 1 : i32
      %add3A_573 = arith.addi %mul3A_555, %add3A_572 : i32
      %dma_wait3A_574 = arith.constant 0 : i32
      %dma_wait3A_575 = tpu.memref_slice %arg6[%add3A_573, %dma_wait3A_574] : memref<64x40xi32, #tpu.memory_space<vmem>> -> memref<1x40xi32, #tpu.memory_space<vmem>>
      %dma_wait3A_576 = tpu.memref_squeeze %dma_wait3A_575 : memref<1x40xi32, #tpu.memory_space<vmem>> -> memref<40xi32, #tpu.memory_space<vmem>>
      %dma_wait3A_577 = arith.constant 0 : i32
      %dma_wait3A_578 = arith.constant 0 : i32
      %dma_wait3A_579 = tpu.memref_slice %arg2[%dma_wait3A_577, %dma_wait3A_578] : memref<10000x128xf32, #tpu.memory_space<hbm>> -> memref<10000x128xf32, #tpu.memory_space<hbm>>
      tpu.wait_indirect_dma semaphore(%arg16 : memref<!tpu.dma_semaphore, #tpu.memory_space<semaphore_mem>>) src(%dma_wait3A_579 : memref<10000x128xf32, #tpu.memory_space<hbm>>) dst(%arg9 : memref<40x128xf32, #tpu.memory_space<vmem>>)
      %add3A_580 = arith.constant 1 : i32
      %add3A_581 = arith.addi %mul3A_555, %add3A_580 : i32
      %dma_start3A_582 = arith.constant 0 : i32
      %dma_start3A_583 = tpu.memref_slice %arg7[%add3A_581, %dma_start3A_582] : memref<64x40xi32, #tpu.memory_space<vmem>> -> memref<1x40xi32, #tpu.memory_space<vmem>>
      %dma_start3A_584 = tpu.memref_squeeze %dma_start3A_583 : memref<1x40xi32, #tpu.memory_space<vmem>> -> memref<40xi32, #tpu.memory_space<vmem>>
      %dma_start3A_585 = arith.constant 0 : i32
      %dma_start3A_586 = arith.constant 0 : i32
      %dma_start3A_587 = tpu.memref_slice %arg14[%dma_start3A_585, %dma_start3A_586] : memref<10000x128xf32, #tpu.memory_space<vmem_shared>> -> memref<10000x128xf32, #tpu.memory_space<vmem_shared>>
      tpu.enqueue_indirect_dma source(%arg9 : memref<40x128xf32, #tpu.memory_space<vmem>>) target(%dma_start3A_587 : memref<10000x128xf32, #tpu.memory_space<vmem_shared>>) offsets(%dma_start3A_584 : memref<40xi32, #tpu.memory_space<vmem>>) semaphore(%arg22 : memref<!tpu.dma_semaphore, #tpu.memory_space<semaphore_mem>>) {add = true}
      %add3A_588 = arith.constant 2 : i32
      %add3A_589 = arith.addi %mul3A_555, %add3A_588 : i32
      %dma_wait3A_590 = arith.constant 0 : i32
      %dma_wait3A_591 = tpu.memref_slice %arg6[%add3A_589, %dma_wait3A_590] : memref<64x40xi32, #tpu.memory_space<vmem>> -> memref<1x40xi32, #tpu.memory_space<vmem>>
      %dma_wait3A_592 = tpu.memref_squeeze %dma_wait3A_591 : memref<1x40xi32, #tpu.memory_space<vmem>> -> memref<40xi32, #tpu.memory_space<vmem>>
      %dma_wait3A_593 = arith.constant 0 : i32
      %dma_wait3A_594 = arith.constant 0 : i32
      %dma_wait3A_595 = tpu.memref_slice %arg2[%dma_wait3A_593, %dma_wait3A_594] : memref<10000x128xf32, #tpu.memory_space<hbm>> -> memref<10000x128xf32, #tpu.memory_space<hbm>>
      tpu.wait_indirect_dma semaphore(%arg17 : memref<!tpu.dma_semaphore, #tpu.memory_space<semaphore_mem>>) src(%dma_wait3A_595 : memref<10000x128xf32, #tpu.memory_space<hbm>>) dst(%arg10 : memref<40x128xf32, #tpu.memory_space<vmem>>)
      %add3A_596 = arith.constant 2 : i32
      %add3A_597 = arith.addi %mul3A_555, %add3A_596 : i32
      %dma_start3A_598 = arith.constant 0 : i32
      %dma_start3A_599 = tpu.memref_slice %arg7[%add3A_597, %dma_start3A_598] : memref<64x40xi32, #tpu.memory_space<vmem>> -> memref<1x40xi32, #tpu.memory_space<vmem>>
      %dma_start3A_600 = tpu.memref_squeeze %dma_start3A_599 : memref<1x40xi32, #tpu.memory_space<vmem>> -> memref<40xi32, #tpu.memory_space<vmem>>
      %dma_start3A_601 = arith.constant 0 : i32
      %dma_start3A_602 = arith.constant 0 : i32
      %dma_start3A_603 = tpu.memref_slice %arg14[%dma_start3A_601, %dma_start3A_602] : memref<10000x128xf32, #tpu.memory_space<vmem_shared>> -> memref<10000x128xf32, #tpu.memory_space<vmem_shared>>
      tpu.enqueue_indirect_dma source(%arg10 : memref<40x128xf32, #tpu.memory_space<vmem>>) target(%dma_start3A_603 : memref<10000x128xf32, #tpu.memory_space<vmem_shared>>) offsets(%dma_start3A_600 : memref<40xi32, #tpu.memory_space<vmem>>) semaphore(%arg23 : memref<!tpu.dma_semaphore, #tpu.memory_space<semaphore_mem>>) {add = true}
      %add3A_604 = arith.constant 3 : i32
      %add3A_605 = arith.addi %mul3A_555, %add3A_604 : i32
      %dma_wait3A_606 = arith.constant 0 : i32
      %dma_wait3A_607 = tpu.memref_slice %arg6[%add3A_605, %dma_wait3A_606] : memref<64x40xi32, #tpu.memory_space<vmem>> -> memref<1x40xi32, #tpu.memory_space<vmem>>
      %dma_wait3A_608 = tpu.memref_squeeze %dma_wait3A_607 : memref<1x40xi32, #tpu.memory_space<vmem>> -> memref<40xi32, #tpu.memory_space<vmem>>
      %dma_wait3A_609 = arith.constant 0 : i32
      %dma_wait3A_610 = arith.constant 0 : i32
      %dma_wait3A_611 = tpu.memref_slice %arg2[%dma_wait3A_609, %dma_wait3A_610] : memref<10000x128xf32, #tpu.memory_space<hbm>> -> memref<10000x128xf32, #tpu.memory_space<hbm>>
      tpu.wait_indirect_dma semaphore(%arg18 : memref<!tpu.dma_semaphore, #tpu.memory_space<semaphore_mem>>) src(%dma_wait3A_611 : memref<10000x128xf32, #tpu.memory_space<hbm>>) dst(%arg11 : memref<40x128xf32, #tpu.memory_space<vmem>>)
      %add3A_612 = arith.constant 3 : i32
      %add3A_613 = arith.addi %mul3A_555, %add3A_612 : i32
      %dma_start3A_614 = arith.constant 0 : i32
      %dma_start3A_615 = tpu.memref_slice %arg7[%add3A_613, %dma_start3A_614] : memref<64x40xi32, #tpu.memory_space<vmem>> -> memref<1x40xi32, #tpu.memory_space<vmem>>
      %dma_start3A_616 = tpu.memref_squeeze %dma_start3A_615 : memref<1x40xi32, #tpu.memory_space<vmem>> -> memref<40xi32, #tpu.memory_space<vmem>>
      %dma_start3A_617 = arith.constant 0 : i32
      %dma_start3A_618 = arith.constant 0 : i32
      %dma_start3A_619 = tpu.memref_slice %arg14[%dma_start3A_617, %dma_start3A_618] : memref<10000x128xf32, #tpu.memory_space<vmem_shared>> -> memref<10000x128xf32, #tpu.memory_space<vmem_shared>>
      tpu.enqueue_indirect_dma source(%arg11 : memref<40x128xf32, #tpu.memory_space<vmem>>) target(%dma_start3A_619 : memref<10000x128xf32, #tpu.memory_space<vmem_shared>>) offsets(%dma_start3A_616 : memref<40xi32, #tpu.memory_space<vmem>>) semaphore(%arg24 : memref<!tpu.dma_semaphore, #tpu.memory_space<semaphore_mem>>) {add = true}
      %add3A_620 = arith.constant 4 : i32
      %add3A_621 = arith.addi %mul3A_555, %add3A_620 : i32
      %dma_wait3A_622 = arith.constant 0 : i32
      %dma_wait3A_623 = tpu.memref_slice %arg6[%add3A_621, %dma_wait3A_622] : memref<64x40xi32, #tpu.memory_space<vmem>> -> memref<1x40xi32, #tpu.memory_space<vmem>>
      %dma_wait3A_624 = tpu.memref_squeeze %dma_wait3A_623 : memref<1x40xi32, #tpu.memory_space<vmem>> -> memref<40xi32, #tpu.memory_space<vmem>>
      %dma_wait3A_625 = arith.constant 0 : i32
      %dma_wait3A_626 = arith.constant 0 : i32
      %dma_wait3A_627 = tpu.memref_slice %arg2[%dma_wait3A_625, %dma_wait3A_626] : memref<10000x128xf32, #tpu.memory_space<hbm>> -> memref<10000x128xf32, #tpu.memory_space<hbm>>
      tpu.wait_indirect_dma semaphore(%arg19 : memref<!tpu.dma_semaphore, #tpu.memory_space<semaphore_mem>>) src(%dma_wait3A_627 : memref<10000x128xf32, #tpu.memory_space<hbm>>) dst(%arg12 : memref<40x128xf32, #tpu.memory_space<vmem>>)
      %add3A_628 = arith.constant 4 : i32
      %add3A_629 = arith.addi %mul3A_555, %add3A_628 : i32
      %dma_start3A_630 = arith.constant 0 : i32
      %dma_start3A_631 = tpu.memref_slice %arg7[%add3A_629, %dma_start3A_630] : memref<64x40xi32, #tpu.memory_space<vmem>> -> memref<1x40xi32, #tpu.memory_space<vmem>>
      %dma_start3A_632 = tpu.memref_squeeze %dma_start3A_631 : memref<1x40xi32, #tpu.memory_space<vmem>> -> memref<40xi32, #tpu.memory_space<vmem>>
      %dma_start3A_633 = arith.constant 0 : i32
      %dma_start3A_634 = arith.constant 0 : i32
      %dma_start3A_635 = tpu.memref_slice %arg14[%dma_start3A_633, %dma_start3A_634] : memref<10000x128xf32, #tpu.memory_space<vmem_shared>> -> memref<10000x128xf32, #tpu.memory_space<vmem_shared>>
      tpu.enqueue_indirect_dma source(%arg12 : memref<40x128xf32, #tpu.memory_space<vmem>>) target(%dma_start3A_635 : memref<10000x128xf32, #tpu.memory_space<vmem_shared>>) offsets(%dma_start3A_632 : memref<40xi32, #tpu.memory_space<vmem>>) semaphore(%arg25 : memref<!tpu.dma_semaphore, #tpu.memory_space<semaphore_mem>>) {add = true}
      %add3A_636 = arith.constant 5 : i32
      %add3A_637 = arith.addi %mul3A_555, %add3A_636 : i32
      %dma_wait3A_638 = arith.constant 0 : i32
      %dma_wait3A_639 = tpu.memref_slice %arg6[%add3A_637, %dma_wait3A_638] : memref<64x40xi32, #tpu.memory_space<vmem>> -> memref<1x40xi32, #tpu.memory_space<vmem>>
      %dma_wait3A_640 = tpu.memref_squeeze %dma_wait3A_639 : memref<1x40xi32, #tpu.memory_space<vmem>> -> memref<40xi32, #tpu.memory_space<vmem>>
      %dma_wait3A_641 = arith.constant 0 : i32
      %dma_wait3A_642 = arith.constant 0 : i32
      %dma_wait3A_643 = tpu.memref_slice %arg2[%dma_wait3A_641, %dma_wait3A_642] : memref<10000x128xf32, #tpu.memory_space<hbm>> -> memref<10000x128xf32, #tpu.memory_space<hbm>>
      tpu.wait_indirect_dma semaphore(%arg20 : memref<!tpu.dma_semaphore, #tpu.memory_space<semaphore_mem>>) src(%dma_wait3A_643 : memref<10000x128xf32, #tpu.memory_space<hbm>>) dst(%arg13 : memref<40x128xf32, #tpu.memory_space<vmem>>)
      %add3A_644 = arith.constant 5 : i32
      %add3A_645 = arith.addi %mul3A_555, %add3A_644 : i32
      %dma_start3A_646 = arith.constant 0 : i32
      %dma_start3A_647 = tpu.memref_slice %arg7[%add3A_645, %dma_start3A_646] : memref<64x40xi32, #tpu.memory_space<vmem>> -> memref<1x40xi32, #tpu.memory_space<vmem>>
      %dma_start3A_648 = tpu.memref_squeeze %dma_start3A_647 : memref<1x40xi32, #tpu.memory_space<vmem>> -> memref<40xi32, #tpu.memory_space<vmem>>
      %dma_start3A_649 = arith.constant 0 : i32
      %dma_start3A_650 = arith.constant 0 : i32
      %dma_start3A_651 = tpu.memref_slice %arg14[%dma_start3A_649, %dma_start3A_650] : memref<10000x128xf32, #tpu.memory_space<vmem_shared>> -> memref<10000x128xf32, #tpu.memory_space<vmem_shared>>
      tpu.enqueue_indirect_dma source(%arg13 : memref<40x128xf32, #tpu.memory_space<vmem>>) target(%dma_start3A_651 : memref<10000x128xf32, #tpu.memory_space<vmem_shared>>) offsets(%dma_start3A_648 : memref<40xi32, #tpu.memory_space<vmem>>) semaphore(%arg26 : memref<!tpu.dma_semaphore, #tpu.memory_space<semaphore_mem>>) {add = true}
      %add3A_652 = arith.constant 0 : i32
      %add3A_653 = arith.addi %mul3A_555, %add3A_652 : i32
      %dma_wait3A_654 = arith.constant 0 : i32
      %dma_wait3A_655 = tpu.memref_slice %arg7[%add3A_653, %dma_wait3A_654] : memref<64x40xi32, #tpu.memory_space<vmem>> -> memref<1x40xi32, #tpu.memory_space<vmem>>
      %dma_wait3A_656 = tpu.memref_squeeze %dma_wait3A_655 : memref<1x40xi32, #tpu.memory_space<vmem>> -> memref<40xi32, #tpu.memory_space<vmem>>
      %dma_wait3A_657 = arith.constant 0 : i32
      %dma_wait3A_658 = arith.constant 0 : i32
      %dma_wait3A_659 = tpu.memref_slice %arg14[%dma_wait3A_657, %dma_wait3A_658] : memref<10000x128xf32, #tpu.memory_space<vmem_shared>> -> memref<10000x128xf32, #tpu.memory_space<vmem_shared>>
      tpu.wait_indirect_dma semaphore(%arg21 : memref<!tpu.dma_semaphore, #tpu.memory_space<semaphore_mem>>) src(%arg8 : memref<40x128xf32, #tpu.memory_space<vmem>>) dst(%dma_wait3A_659 : memref<10000x128xf32, #tpu.memory_space<vmem_shared>>)
      %add3A_660 = arith.constant 6 : i32
      %add3A_661 = arith.addi %mul3A_555, %add3A_660 : i32
      %add3A_662 = arith.constant 0 : i32
      %add3A_663 = arith.addi %add3A_661, %add3A_662 : i32
      %lt3A = arith.constant 64 : i32
      %lt3A_664 = arith.cmpi slt, %add3A_663, %lt3A : i32
      %convert_element_type3A = arith.extui %lt3A_664 : i1 to i32
      %cond3A = arith.constant 0 : i32
      %cond3A_665 = arith.cmpi ne, %convert_element_type3A, %cond3A : i32
      scf.if %cond3A_665 {
        %add3A_752 = arith.constant 6 : i32
        %add3A_753 = arith.addi %mul3A_555, %add3A_752 : i32
        %add3A_754 = arith.constant 0 : i32
        %add3A_755 = arith.addi %add3A_753, %add3A_754 : i32
        %dma_start3A_756 = arith.constant 0 : i32
        %dma_start3A_757 = tpu.memref_slice %arg6[%add3A_755, %dma_start3A_756] : memref<64x40xi32, #tpu.memory_space<vmem>> -> memref<1x40xi32, #tpu.memory_space<vmem>>
        %dma_start3A_758 = tpu.memref_squeeze %dma_start3A_757 : memref<1x40xi32, #tpu.memory_space<vmem>> -> memref<40xi32, #tpu.memory_space<vmem>>
        %dma_start3A_759 = arith.constant 0 : i32
        %dma_start3A_760 = arith.constant 0 : i32
        %dma_start3A_761 = tpu.memref_slice %arg2[%dma_start3A_759, %dma_start3A_760] : memref<10000x128xf32, #tpu.memory_space<hbm>> -> memref<10000x128xf32, #tpu.memory_space<hbm>>
        tpu.enqueue_indirect_dma source(%dma_start3A_761 : memref<10000x128xf32, #tpu.memory_space<hbm>>) target(%arg8 : memref<40x128xf32, #tpu.memory_space<vmem>>) offsets(%dma_start3A_758 : memref<40xi32, #tpu.memory_space<vmem>>) semaphore(%arg15 : memref<!tpu.dma_semaphore, #tpu.memory_space<semaphore_mem>>)
      } else {
      }
      %add3A_666 = arith.constant 1 : i32
      %add3A_667 = arith.addi %mul3A_555, %add3A_666 : i32
      %dma_wait3A_668 = arith.constant 0 : i32
      %dma_wait3A_669 = tpu.memref_slice %arg7[%add3A_667, %dma_wait3A_668] : memref<64x40xi32, #tpu.memory_space<vmem>> -> memref<1x40xi32, #tpu.memory_space<vmem>>
      %dma_wait3A_670 = tpu.memref_squeeze %dma_wait3A_669 : memref<1x40xi32, #tpu.memory_space<vmem>> -> memref<40xi32, #tpu.memory_space<vmem>>
      %dma_wait3A_671 = arith.constant 0 : i32
      %dma_wait3A_672 = arith.constant 0 : i32
      %dma_wait3A_673 = tpu.memref_slice %arg14[%dma_wait3A_671, %dma_wait3A_672] : memref<10000x128xf32, #tpu.memory_space<vmem_shared>> -> memref<10000x128xf32, #tpu.memory_space<vmem_shared>>
      tpu.wait_indirect_dma semaphore(%arg22 : memref<!tpu.dma_semaphore, #tpu.memory_space<semaphore_mem>>) src(%arg9 : memref<40x128xf32, #tpu.memory_space<vmem>>) dst(%dma_wait3A_673 : memref<10000x128xf32, #tpu.memory_space<vmem_shared>>)
      %add3A_674 = arith.constant 6 : i32
      %add3A_675 = arith.addi %mul3A_555, %add3A_674 : i32
      %add3A_676 = arith.constant 1 : i32
      %add3A_677 = arith.addi %add3A_675, %add3A_676 : i32
      %lt3A_678 = arith.constant 64 : i32
      %lt3A_679 = arith.cmpi slt, %add3A_677, %lt3A_678 : i32
      %convert_element_type3A_680 = arith.extui %lt3A_679 : i1 to i32
      %cond3A_681 = arith.constant 0 : i32
      %cond3A_682 = arith.cmpi ne, %convert_element_type3A_680, %cond3A_681 : i32
      scf.if %cond3A_682 {
        %add3A_752 = arith.constant 6 : i32
        %add3A_753 = arith.addi %mul3A_555, %add3A_752 : i32
        %add3A_754 = arith.constant 1 : i32
        %add3A_755 = arith.addi %add3A_753, %add3A_754 : i32
        %dma_start3A_756 = arith.constant 0 : i32
        %dma_start3A_757 = tpu.memref_slice %arg6[%add3A_755, %dma_start3A_756] : memref<64x40xi32, #tpu.memory_space<vmem>> -> memref<1x40xi32, #tpu.memory_space<vmem>>
        %dma_start3A_758 = tpu.memref_squeeze %dma_start3A_757 : memref<1x40xi32, #tpu.memory_space<vmem>> -> memref<40xi32, #tpu.memory_space<vmem>>
        %dma_start3A_759 = arith.constant 0 : i32
        %dma_start3A_760 = arith.constant 0 : i32
        %dma_start3A_761 = tpu.memref_slice %arg2[%dma_start3A_759, %dma_start3A_760] : memref<10000x128xf32, #tpu.memory_space<hbm>> -> memref<10000x128xf32, #tpu.memory_space<hbm>>
        tpu.enqueue_indirect_dma source(%dma_start3A_761 : memref<10000x128xf32, #tpu.memory_space<hbm>>) target(%arg9 : memref<40x128xf32, #tpu.memory_space<vmem>>) offsets(%dma_start3A_758 : memref<40xi32, #tpu.memory_space<vmem>>) semaphore(%arg16 : memref<!tpu.dma_semaphore, #tpu.memory_space<semaphore_mem>>)
      } else {
      }
      %add3A_683 = arith.constant 2 : i32
      %add3A_684 = arith.addi %mul3A_555, %add3A_683 : i32
      %dma_wait3A_685 = arith.constant 0 : i32
      %dma_wait3A_686 = tpu.memref_slice %arg7[%add3A_684, %dma_wait3A_685] : memref<64x40xi32, #tpu.memory_space<vmem>> -> memref<1x40xi32, #tpu.memory_space<vmem>>
      %dma_wait3A_687 = tpu.memref_squeeze %dma_wait3A_686 : memref<1x40xi32, #tpu.memory_space<vmem>> -> memref<40xi32, #tpu.memory_space<vmem>>
      %dma_wait3A_688 = arith.constant 0 : i32
      %dma_wait3A_689 = arith.constant 0 : i32
      %dma_wait3A_690 = tpu.memref_slice %arg14[%dma_wait3A_688, %dma_wait3A_689] : memref<10000x128xf32, #tpu.memory_space<vmem_shared>> -> memref<10000x128xf32, #tpu.memory_space<vmem_shared>>
      tpu.wait_indirect_dma semaphore(%arg23 : memref<!tpu.dma_semaphore, #tpu.memory_space<semaphore_mem>>) src(%arg10 : memref<40x128xf32, #tpu.memory_space<vmem>>) dst(%dma_wait3A_690 : memref<10000x128xf32, #tpu.memory_space<vmem_shared>>)
      %add3A_691 = arith.constant 6 : i32
      %add3A_692 = arith.addi %mul3A_555, %add3A_691 : i32
      %add3A_693 = arith.constant 2 : i32
      %add3A_694 = arith.addi %add3A_692, %add3A_693 : i32
      %lt3A_695 = arith.constant 64 : i32
      %lt3A_696 = arith.cmpi slt, %add3A_694, %lt3A_695 : i32
      %convert_element_type3A_697 = arith.extui %lt3A_696 : i1 to i32
      %cond3A_698 = arith.constant 0 : i32
      %cond3A_699 = arith.cmpi ne, %convert_element_type3A_697, %cond3A_698 : i32
      scf.if %cond3A_699 {
        %add3A_752 = arith.constant 6 : i32
        %add3A_753 = arith.addi %mul3A_555, %add3A_752 : i32
        %add3A_754 = arith.constant 2 : i32
        %add3A_755 = arith.addi %add3A_753, %add3A_754 : i32
        %dma_start3A_756 = arith.constant 0 : i32
        %dma_start3A_757 = tpu.memref_slice %arg6[%add3A_755, %dma_start3A_756] : memref<64x40xi32, #tpu.memory_space<vmem>> -> memref<1x40xi32, #tpu.memory_space<vmem>>
        %dma_start3A_758 = tpu.memref_squeeze %dma_start3A_757 : memref<1x40xi32, #tpu.memory_space<vmem>> -> memref<40xi32, #tpu.memory_space<vmem>>
        %dma_start3A_759 = arith.constant 0 : i32
        %dma_start3A_760 = arith.constant 0 : i32
        %dma_start3A_761 = tpu.memref_slice %arg2[%dma_start3A_759, %dma_start3A_760] : memref<10000x128xf32, #tpu.memory_space<hbm>> -> memref<10000x128xf32, #tpu.memory_space<hbm>>
        tpu.enqueue_indirect_dma source(%dma_start3A_761 : memref<10000x128xf32, #tpu.memory_space<hbm>>) target(%arg10 : memref<40x128xf32, #tpu.memory_space<vmem>>) offsets(%dma_start3A_758 : memref<40xi32, #tpu.memory_space<vmem>>) semaphore(%arg17 : memref<!tpu.dma_semaphore, #tpu.memory_space<semaphore_mem>>)
      } else {
      }
      %add3A_700 = arith.constant 3 : i32
      %add3A_701 = arith.addi %mul3A_555, %add3A_700 : i32
      %dma_wait3A_702 = arith.constant 0 : i32
      %dma_wait3A_703 = tpu.memref_slice %arg7[%add3A_701, %dma_wait3A_702] : memref<64x40xi32, #tpu.memory_space<vmem>> -> memref<1x40xi32, #tpu.memory_space<vmem>>
      %dma_wait3A_704 = tpu.memref_squeeze %dma_wait3A_703 : memref<1x40xi32, #tpu.memory_space<vmem>> -> memref<40xi32, #tpu.memory_space<vmem>>
      %dma_wait3A_705 = arith.constant 0 : i32
      %dma_wait3A_706 = arith.constant 0 : i32
      %dma_wait3A_707 = tpu.memref_slice %arg14[%dma_wait3A_705, %dma_wait3A_706] : memref<10000x128xf32, #tpu.memory_space<vmem_shared>> -> memref<10000x128xf32, #tpu.memory_space<vmem_shared>>
      tpu.wait_indirect_dma semaphore(%arg24 : memref<!tpu.dma_semaphore, #tpu.memory_space<semaphore_mem>>) src(%arg11 : memref<40x128xf32, #tpu.memory_space<vmem>>) dst(%dma_wait3A_707 : memref<10000x128xf32, #tpu.memory_space<vmem_shared>>)
      %add3A_708 = arith.constant 6 : i32
      %add3A_709 = arith.addi %mul3A_555, %add3A_708 : i32
      %add3A_710 = arith.constant 3 : i32
      %add3A_711 = arith.addi %add3A_709, %add3A_710 : i32
      %lt3A_712 = arith.constant 64 : i32
      %lt3A_713 = arith.cmpi slt, %add3A_711, %lt3A_712 : i32
      %convert_element_type3A_714 = arith.extui %lt3A_713 : i1 to i32
      %cond3A_715 = arith.constant 0 : i32
      %cond3A_716 = arith.cmpi ne, %convert_element_type3A_714, %cond3A_715 : i32
      scf.if %cond3A_716 {
        %add3A_752 = arith.constant 6 : i32
        %add3A_753 = arith.addi %mul3A_555, %add3A_752 : i32
        %add3A_754 = arith.constant 3 : i32
        %add3A_755 = arith.addi %add3A_753, %add3A_754 : i32
        %dma_start3A_756 = arith.constant 0 : i32
        %dma_start3A_757 = tpu.memref_slice %arg6[%add3A_755, %dma_start3A_756] : memref<64x40xi32, #tpu.memory_space<vmem>> -> memref<1x40xi32, #tpu.memory_space<vmem>>
        %dma_start3A_758 = tpu.memref_squeeze %dma_start3A_757 : memref<1x40xi32, #tpu.memory_space<vmem>> -> memref<40xi32, #tpu.memory_space<vmem>>
        %dma_start3A_759 = arith.constant 0 : i32
        %dma_start3A_760 = arith.constant 0 : i32
        %dma_start3A_761 = tpu.memref_slice %arg2[%dma_start3A_759, %dma_start3A_760] : memref<10000x128xf32, #tpu.memory_space<hbm>> -> memref<10000x128xf32, #tpu.memory_space<hbm>>
        tpu.enqueue_indirect_dma source(%dma_start3A_761 : memref<10000x128xf32, #tpu.memory_space<hbm>>) target(%arg11 : memref<40x128xf32, #tpu.memory_space<vmem>>) offsets(%dma_start3A_758 : memref<40xi32, #tpu.memory_space<vmem>>) semaphore(%arg18 : memref<!tpu.dma_semaphore, #tpu.memory_space<semaphore_mem>>)
      } else {
      }
      %add3A_717 = arith.constant 4 : i32
      %add3A_718 = arith.addi %mul3A_555, %add3A_717 : i32
      %dma_wait3A_719 = arith.constant 0 : i32
      %dma_wait3A_720 = tpu.memref_slice %arg7[%add3A_718, %dma_wait3A_719] : memref<64x40xi32, #tpu.memory_space<vmem>> -> memref<1x40xi32, #tpu.memory_space<vmem>>
      %dma_wait3A_721 = tpu.memref_squeeze %dma_wait3A_720 : memref<1x40xi32, #tpu.memory_space<vmem>> -> memref<40xi32, #tpu.memory_space<vmem>>
      %dma_wait3A_722 = arith.constant 0 : i32
      %dma_wait3A_723 = arith.constant 0 : i32
      %dma_wait3A_724 = tpu.memref_slice %arg14[%dma_wait3A_722, %dma_wait3A_723] : memref<10000x128xf32, #tpu.memory_space<vmem_shared>> -> memref<10000x128xf32, #tpu.memory_space<vmem_shared>>
      tpu.wait_indirect_dma semaphore(%arg25 : memref<!tpu.dma_semaphore, #tpu.memory_space<semaphore_mem>>) src(%arg12 : memref<40x128xf32, #tpu.memory_space<vmem>>) dst(%dma_wait3A_724 : memref<10000x128xf32, #tpu.memory_space<vmem_shared>>)
      %add3A_725 = arith.constant 6 : i32
      %add3A_726 = arith.addi %mul3A_555, %add3A_725 : i32
      %add3A_727 = arith.constant 4 : i32
      %add3A_728 = arith.addi %add3A_726, %add3A_727 : i32
      %lt3A_729 = arith.constant 64 : i32
      %lt3A_730 = arith.cmpi slt, %add3A_728, %lt3A_729 : i32
      %convert_element_type3A_731 = arith.extui %lt3A_730 : i1 to i32
      %cond3A_732 = arith.constant 0 : i32
      %cond3A_733 = arith.cmpi ne, %convert_element_type3A_731, %cond3A_732 : i32
      scf.if %cond3A_733 {
        %add3A_752 = arith.constant 6 : i32
        %add3A_753 = arith.addi %mul3A_555, %add3A_752 : i32
        %add3A_754 = arith.constant 4 : i32
        %add3A_755 = arith.addi %add3A_753, %add3A_754 : i32
        %dma_start3A_756 = arith.constant 0 : i32
        %dma_start3A_757 = tpu.memref_slice %arg6[%add3A_755, %dma_start3A_756] : memref<64x40xi32, #tpu.memory_space<vmem>> -> memref<1x40xi32, #tpu.memory_space<vmem>>
        %dma_start3A_758 = tpu.memref_squeeze %dma_start3A_757 : memref<1x40xi32, #tpu.memory_space<vmem>> -> memref<40xi32, #tpu.memory_space<vmem>>
        %dma_start3A_759 = arith.constant 0 : i32
        %dma_start3A_760 = arith.constant 0 : i32
        %dma_start3A_761 = tpu.memref_slice %arg2[%dma_start3A_759, %dma_start3A_760] : memref<10000x128xf32, #tpu.memory_space<hbm>> -> memref<10000x128xf32, #tpu.memory_space<hbm>>
        tpu.enqueue_indirect_dma source(%dma_start3A_761 : memref<10000x128xf32, #tpu.memory_space<hbm>>) target(%arg12 : memref<40x128xf32, #tpu.memory_space<vmem>>) offsets(%dma_start3A_758 : memref<40xi32, #tpu.memory_space<vmem>>) semaphore(%arg19 : memref<!tpu.dma_semaphore, #tpu.memory_space<semaphore_mem>>)
      } else {
      }
      %add3A_734 = arith.constant 5 : i32
      %add3A_735 = arith.addi %mul3A_555, %add3A_734 : i32
      %dma_wait3A_736 = arith.constant 0 : i32
      %dma_wait3A_737 = tpu.memref_slice %arg7[%add3A_735, %dma_wait3A_736] : memref<64x40xi32, #tpu.memory_space<vmem>> -> memref<1x40xi32, #tpu.memory_space<vmem>>
      %dma_wait3A_738 = tpu.memref_squeeze %dma_wait3A_737 : memref<1x40xi32, #tpu.memory_space<vmem>> -> memref<40xi32, #tpu.memory_space<vmem>>
      %dma_wait3A_739 = arith.constant 0 : i32
      %dma_wait3A_740 = arith.constant 0 : i32
      %dma_wait3A_741 = tpu.memref_slice %arg14[%dma_wait3A_739, %dma_wait3A_740] : memref<10000x128xf32, #tpu.memory_space<vmem_shared>> -> memref<10000x128xf32, #tpu.memory_space<vmem_shared>>
      tpu.wait_indirect_dma semaphore(%arg26 : memref<!tpu.dma_semaphore, #tpu.memory_space<semaphore_mem>>) src(%arg13 : memref<40x128xf32, #tpu.memory_space<vmem>>) dst(%dma_wait3A_741 : memref<10000x128xf32, #tpu.memory_space<vmem_shared>>)
      %add3A_742 = arith.constant 6 : i32
      %add3A_743 = arith.addi %mul3A_555, %add3A_742 : i32
      %add3A_744 = arith.constant 5 : i32
      %add3A_745 = arith.addi %add3A_743, %add3A_744 : i32
      %lt3A_746 = arith.constant 64 : i32
      %lt3A_747 = arith.cmpi slt, %add3A_745, %lt3A_746 : i32
      %convert_element_type3A_748 = arith.extui %lt3A_747 : i1 to i32
      %cond3A_749 = arith.constant 0 : i32
      %cond3A_750 = arith.cmpi ne, %convert_element_type3A_748, %cond3A_749 : i32
      scf.if %cond3A_750 {
        %add3A_752 = arith.constant 6 : i32
        %add3A_753 = arith.addi %mul3A_555, %add3A_752 : i32
        %add3A_754 = arith.constant 5 : i32
        %add3A_755 = arith.addi %add3A_753, %add3A_754 : i32
        %dma_start3A_756 = arith.constant 0 : i32
        %dma_start3A_757 = tpu.memref_slice %arg6[%add3A_755, %dma_start3A_756] : memref<64x40xi32, #tpu.memory_space<vmem>> -> memref<1x40xi32, #tpu.memory_space<vmem>>
        %dma_start3A_758 = tpu.memref_squeeze %dma_start3A_757 : memref<1x40xi32, #tpu.memory_space<vmem>> -> memref<40xi32, #tpu.memory_space<vmem>>
        %dma_start3A_759 = arith.constant 0 : i32
        %dma_start3A_760 = arith.constant 0 : i32
        %dma_start3A_761 = tpu.memref_slice %arg2[%dma_start3A_759, %dma_start3A_760] : memref<10000x128xf32, #tpu.memory_space<hbm>> -> memref<10000x128xf32, #tpu.memory_space<hbm>>
        tpu.enqueue_indirect_dma source(%dma_start3A_761 : memref<10000x128xf32, #tpu.memory_space<hbm>>) target(%arg13 : memref<40x128xf32, #tpu.memory_space<vmem>>) offsets(%dma_start3A_758 : memref<40xi32, #tpu.memory_space<vmem>>) semaphore(%arg20 : memref<!tpu.dma_semaphore, #tpu.memory_space<semaphore_mem>>)
      } else {
      }
      %scan3A_751 = arith.constant 0 : i32
      scf.yield %scan3A_751 : i32
    }
    %scan3A_198 = arith.constant 10 : i32
    %dma_wait3A_199 = arith.constant 60 : i32
    %dma_wait3A_200 = arith.constant 0 : i32
    %dma_wait3A_201 = tpu.memref_slice %arg6[%dma_wait3A_199, %dma_wait3A_200] : memref<64x40xi32, #tpu.memory_space<vmem>> -> memref<1x40xi32, #tpu.memory_space<vmem>>
    %dma_wait3A_202 = tpu.memref_squeeze %dma_wait3A_201 : memref<1x40xi32, #tpu.memory_space<vmem>> -> memref<40xi32, #tpu.memory_space<vmem>>
    %dma_wait3A_203 = arith.constant 0 : i32
    %dma_wait3A_204 = arith.constant 0 : i32
    %dma_wait3A_205 = tpu.memref_slice %arg2[%dma_wait3A_203, %dma_wait3A_204] : memref<10000x128xf32, #tpu.memory_space<hbm>> -> memref<10000x128xf32, #tpu.memory_space<hbm>>
    tpu.wait_indirect_dma semaphore(%arg15 : memref<!tpu.dma_semaphore, #tpu.memory_space<semaphore_mem>>) src(%dma_wait3A_205 : memref<10000x128xf32, #tpu.memory_space<hbm>>) dst(%arg8 : memref<40x128xf32, #tpu.memory_space<vmem>>)
    %dma_start3A_206 = arith.constant 60 : i32
    %dma_start3A_207 = arith.constant 0 : i32
    %dma_start3A_208 = tpu.memref_slice %arg7[%dma_start3A_206, %dma_start3A_207] : memref<64x40xi32, #tpu.memory_space<vmem>> -> memref<1x40xi32, #tpu.memory_space<vmem>>
    %dma_start3A_209 = tpu.memref_squeeze %dma_start3A_208 : memref<1x40xi32, #tpu.memory_space<vmem>> -> memref<40xi32, #tpu.memory_space<vmem>>
    %dma_start3A_210 = arith.constant 0 : i32
    %dma_start3A_211 = arith.constant 0 : i32
    %dma_start3A_212 = tpu.memref_slice %arg14[%dma_start3A_210, %dma_start3A_211] : memref<10000x128xf32, #tpu.memory_space<vmem_shared>> -> memref<10000x128xf32, #tpu.memory_space<vmem_shared>>
    tpu.enqueue_indirect_dma source(%arg8 : memref<40x128xf32, #tpu.memory_space<vmem>>) target(%dma_start3A_212 : memref<10000x128xf32, #tpu.memory_space<vmem_shared>>) offsets(%dma_start3A_209 : memref<40xi32, #tpu.memory_space<vmem>>) semaphore(%arg21 : memref<!tpu.dma_semaphore, #tpu.memory_space<semaphore_mem>>) {add = true}
    %dma_wait3A_213 = arith.constant 60 : i32
    %dma_wait3A_214 = arith.constant 0 : i32
    %dma_wait3A_215 = tpu.memref_slice %arg7[%dma_wait3A_213, %dma_wait3A_214] : memref<64x40xi32, #tpu.memory_space<vmem>> -> memref<1x40xi32, #tpu.memory_space<vmem>>
    %dma_wait3A_216 = tpu.memref_squeeze %dma_wait3A_215 : memref<1x40xi32, #tpu.memory_space<vmem>> -> memref<40xi32, #tpu.memory_space<vmem>>
    %dma_wait3A_217 = arith.constant 0 : i32
    %dma_wait3A_218 = arith.constant 0 : i32
    %dma_wait3A_219 = tpu.memref_slice %arg14[%dma_wait3A_217, %dma_wait3A_218] : memref<10000x128xf32, #tpu.memory_space<vmem_shared>> -> memref<10000x128xf32, #tpu.memory_space<vmem_shared>>
    tpu.wait_indirect_dma semaphore(%arg21 : memref<!tpu.dma_semaphore, #tpu.memory_space<semaphore_mem>>) src(%arg8 : memref<40x128xf32, #tpu.memory_space<vmem>>) dst(%dma_wait3A_219 : memref<10000x128xf32, #tpu.memory_space<vmem_shared>>)
    %dma_wait3A_220 = arith.constant 61 : i32
    %dma_wait3A_221 = arith.constant 0 : i32
    %dma_wait3A_222 = tpu.memref_slice %arg6[%dma_wait3A_220, %dma_wait3A_221] : memref<64x40xi32, #tpu.memory_space<vmem>> -> memref<1x40xi32, #tpu.memory_space<vmem>>
    %dma_wait3A_223 = tpu.memref_squeeze %dma_wait3A_222 : memref<1x40xi32, #tpu.memory_space<vmem>> -> memref<40xi32, #tpu.memory_space<vmem>>
    %dma_wait3A_224 = arith.constant 0 : i32
    %dma_wait3A_225 = arith.constant 0 : i32
    %dma_wait3A_226 = tpu.memref_slice %arg2[%dma_wait3A_224, %dma_wait3A_225] : memref<10000x128xf32, #tpu.memory_space<hbm>> -> memref<10000x128xf32, #tpu.memory_space<hbm>>
    tpu.wait_indirect_dma semaphore(%arg16 : memref<!tpu.dma_semaphore, #tpu.memory_space<semaphore_mem>>) src(%dma_wait3A_226 : memref<10000x128xf32, #tpu.memory_space<hbm>>) dst(%arg9 : memref<40x128xf32, #tpu.memory_space<vmem>>)
    %dma_start3A_227 = arith.constant 61 : i32
    %dma_start3A_228 = arith.constant 0 : i32
    %dma_start3A_229 = tpu.memref_slice %arg7[%dma_start3A_227, %dma_start3A_228] : memref<64x40xi32, #tpu.memory_space<vmem>> -> memref<1x40xi32, #tpu.memory_space<vmem>>
    %dma_start3A_230 = tpu.memref_squeeze %dma_start3A_229 : memref<1x40xi32, #tpu.memory_space<vmem>> -> memref<40xi32, #tpu.memory_space<vmem>>
    %dma_start3A_231 = arith.constant 0 : i32
    %dma_start3A_232 = arith.constant 0 : i32
    %dma_start3A_233 = tpu.memref_slice %arg14[%dma_start3A_231, %dma_start3A_232] : memref<10000x128xf32, #tpu.memory_space<vmem_shared>> -> memref<10000x128xf32, #tpu.memory_space<vmem_shared>>
    tpu.enqueue_indirect_dma source(%arg9 : memref<40x128xf32, #tpu.memory_space<vmem>>) target(%dma_start3A_233 : memref<10000x128xf32, #tpu.memory_space<vmem_shared>>) offsets(%dma_start3A_230 : memref<40xi32, #tpu.memory_space<vmem>>) semaphore(%arg22 : memref<!tpu.dma_semaphore, #tpu.memory_space<semaphore_mem>>) {add = true}
    %dma_wait3A_234 = arith.constant 61 : i32
    %dma_wait3A_235 = arith.constant 0 : i32
    %dma_wait3A_236 = tpu.memref_slice %arg7[%dma_wait3A_234, %dma_wait3A_235] : memref<64x40xi32, #tpu.memory_space<vmem>> -> memref<1x40xi32, #tpu.memory_space<vmem>>
    %dma_wait3A_237 = tpu.memref_squeeze %dma_wait3A_236 : memref<1x40xi32, #tpu.memory_space<vmem>> -> memref<40xi32, #tpu.memory_space<vmem>>
    %dma_wait3A_238 = arith.constant 0 : i32
    %dma_wait3A_239 = arith.constant 0 : i32
    %dma_wait3A_240 = tpu.memref_slice %arg14[%dma_wait3A_238, %dma_wait3A_239] : memref<10000x128xf32, #tpu.memory_space<vmem_shared>> -> memref<10000x128xf32, #tpu.memory_space<vmem_shared>>
    tpu.wait_indirect_dma semaphore(%arg22 : memref<!tpu.dma_semaphore, #tpu.memory_space<semaphore_mem>>) src(%arg9 : memref<40x128xf32, #tpu.memory_space<vmem>>) dst(%dma_wait3A_240 : memref<10000x128xf32, #tpu.memory_space<vmem_shared>>)
    %dma_wait3A_241 = arith.constant 62 : i32
    %dma_wait3A_242 = arith.constant 0 : i32
    %dma_wait3A_243 = tpu.memref_slice %arg6[%dma_wait3A_241, %dma_wait3A_242] : memref<64x40xi32, #tpu.memory_space<vmem>> -> memref<1x40xi32, #tpu.memory_space<vmem>>
    %dma_wait3A_244 = tpu.memref_squeeze %dma_wait3A_243 : memref<1x40xi32, #tpu.memory_space<vmem>> -> memref<40xi32, #tpu.memory_space<vmem>>
    %dma_wait3A_245 = arith.constant 0 : i32
    %dma_wait3A_246 = arith.constant 0 : i32
    %dma_wait3A_247 = tpu.memref_slice %arg2[%dma_wait3A_245, %dma_wait3A_246] : memref<10000x128xf32, #tpu.memory_space<hbm>> -> memref<10000x128xf32, #tpu.memory_space<hbm>>
    tpu.wait_indirect_dma semaphore(%arg17 : memref<!tpu.dma_semaphore, #tpu.memory_space<semaphore_mem>>) src(%dma_wait3A_247 : memref<10000x128xf32, #tpu.memory_space<hbm>>) dst(%arg10 : memref<40x128xf32, #tpu.memory_space<vmem>>)
    %dma_start3A_248 = arith.constant 62 : i32
    %dma_start3A_249 = arith.constant 0 : i32
    %dma_start3A_250 = tpu.memref_slice %arg7[%dma_start3A_248, %dma_start3A_249] : memref<64x40xi32, #tpu.memory_space<vmem>> -> memref<1x40xi32, #tpu.memory_space<vmem>>
    %dma_start3A_251 = tpu.memref_squeeze %dma_start3A_250 : memref<1x40xi32, #tpu.memory_space<vmem>> -> memref<40xi32, #tpu.memory_space<vmem>>
    %dma_start3A_252 = arith.constant 0 : i32
    %dma_start3A_253 = arith.constant 0 : i32
    %dma_start3A_254 = tpu.memref_slice %arg14[%dma_start3A_252, %dma_start3A_253] : memref<10000x128xf32, #tpu.memory_space<vmem_shared>> -> memref<10000x128xf32, #tpu.memory_space<vmem_shared>>
    tpu.enqueue_indirect_dma source(%arg10 : memref<40x128xf32, #tpu.memory_space<vmem>>) target(%dma_start3A_254 : memref<10000x128xf32, #tpu.memory_space<vmem_shared>>) offsets(%dma_start3A_251 : memref<40xi32, #tpu.memory_space<vmem>>) semaphore(%arg23 : memref<!tpu.dma_semaphore, #tpu.memory_space<semaphore_mem>>) {add = true}
    %dma_wait3A_255 = arith.constant 62 : i32
    %dma_wait3A_256 = arith.constant 0 : i32
    %dma_wait3A_257 = tpu.memref_slice %arg7[%dma_wait3A_255, %dma_wait3A_256] : memref<64x40xi32, #tpu.memory_space<vmem>> -> memref<1x40xi32, #tpu.memory_space<vmem>>
    %dma_wait3A_258 = tpu.memref_squeeze %dma_wait3A_257 : memref<1x40xi32, #tpu.memory_space<vmem>> -> memref<40xi32, #tpu.memory_space<vmem>>
    %dma_wait3A_259 = arith.constant 0 : i32
    %dma_wait3A_260 = arith.constant 0 : i32
    %dma_wait3A_261 = tpu.memref_slice %arg14[%dma_wait3A_259, %dma_wait3A_260] : memref<10000x128xf32, #tpu.memory_space<vmem_shared>> -> memref<10000x128xf32, #tpu.memory_space<vmem_shared>>
    tpu.wait_indirect_dma semaphore(%arg23 : memref<!tpu.dma_semaphore, #tpu.memory_space<semaphore_mem>>) src(%arg10 : memref<40x128xf32, #tpu.memory_space<vmem>>) dst(%dma_wait3A_261 : memref<10000x128xf32, #tpu.memory_space<vmem_shared>>)
    %dma_wait3A_262 = arith.constant 63 : i32
    %dma_wait3A_263 = arith.constant 0 : i32
    %dma_wait3A_264 = tpu.memref_slice %arg6[%dma_wait3A_262, %dma_wait3A_263] : memref<64x40xi32, #tpu.memory_space<vmem>> -> memref<1x40xi32, #tpu.memory_space<vmem>>
    %dma_wait3A_265 = tpu.memref_squeeze %dma_wait3A_264 : memref<1x40xi32, #tpu.memory_space<vmem>> -> memref<40xi32, #tpu.memory_space<vmem>>
    %dma_wait3A_266 = arith.constant 0 : i32
    %dma_wait3A_267 = arith.constant 0 : i32
    %dma_wait3A_268 = tpu.memref_slice %arg2[%dma_wait3A_266, %dma_wait3A_267] : memref<10000x128xf32, #tpu.memory_space<hbm>> -> memref<10000x128xf32, #tpu.memory_space<hbm>>
    tpu.wait_indirect_dma semaphore(%arg18 : memref<!tpu.dma_semaphore, #tpu.memory_space<semaphore_mem>>) src(%dma_wait3A_268 : memref<10000x128xf32, #tpu.memory_space<hbm>>) dst(%arg11 : memref<40x128xf32, #tpu.memory_space<vmem>>)
    %dma_start3A_269 = arith.constant 63 : i32
    %dma_start3A_270 = arith.constant 0 : i32
    %dma_start3A_271 = tpu.memref_slice %arg7[%dma_start3A_269, %dma_start3A_270] : memref<64x40xi32, #tpu.memory_space<vmem>> -> memref<1x40xi32, #tpu.memory_space<vmem>>
    %dma_start3A_272 = tpu.memref_squeeze %dma_start3A_271 : memref<1x40xi32, #tpu.memory_space<vmem>> -> memref<40xi32, #tpu.memory_space<vmem>>
    %dma_start3A_273 = arith.constant 0 : i32
    %dma_start3A_274 = arith.constant 0 : i32
    %dma_start3A_275 = tpu.memref_slice %arg14[%dma_start3A_273, %dma_start3A_274] : memref<10000x128xf32, #tpu.memory_space<vmem_shared>> -> memref<10000x128xf32, #tpu.memory_space<vmem_shared>>
    tpu.enqueue_indirect_dma source(%arg11 : memref<40x128xf32, #tpu.memory_space<vmem>>) target(%dma_start3A_275 : memref<10000x128xf32, #tpu.memory_space<vmem_shared>>) offsets(%dma_start3A_272 : memref<40xi32, #tpu.memory_space<vmem>>) semaphore(%arg24 : memref<!tpu.dma_semaphore, #tpu.memory_space<semaphore_mem>>) {add = true}
    %dma_wait3A_276 = arith.constant 63 : i32
    %dma_wait3A_277 = arith.constant 0 : i32
    %dma_wait3A_278 = tpu.memref_slice %arg7[%dma_wait3A_276, %dma_wait3A_277] : memref<64x40xi32, #tpu.memory_space<vmem>> -> memref<1x40xi32, #tpu.memory_space<vmem>>
    %dma_wait3A_279 = tpu.memref_squeeze %dma_wait3A_278 : memref<1x40xi32, #tpu.memory_space<vmem>> -> memref<40xi32, #tpu.memory_space<vmem>>
    %dma_wait3A_280 = arith.constant 0 : i32
    %dma_wait3A_281 = arith.constant 0 : i32
    %dma_wait3A_282 = tpu.memref_slice %arg14[%dma_wait3A_280, %dma_wait3A_281] : memref<10000x128xf32, #tpu.memory_space<vmem_shared>> -> memref<10000x128xf32, #tpu.memory_space<vmem_shared>>
    tpu.wait_indirect_dma semaphore(%arg24 : memref<!tpu.dma_semaphore, #tpu.memory_space<semaphore_mem>>) src(%arg11 : memref<40x128xf32, #tpu.memory_space<vmem>>) dst(%dma_wait3A_282 : memref<10000x128xf32, #tpu.memory_space<vmem_shared>>)
    "tpu.region"() ({
      %run_scoped3A = tpu.sem_alloc : memref<!tpu.dma_semaphore, #tpu.memory_space<semaphore_mem>>
      %dma_start3A_552 = arith.constant 0 : i32
      %dma_start3A_553 = arith.constant 0 : i32
      %dma_start3A_554 = tpu.memref_slice %arg6[%dma_start3A_552, %dma_start3A_553] : memref<64x40xi32, #tpu.memory_space<vmem>> -> memref<64x40xi32, #tpu.memory_space<vmem>>
      %dma_start3A_555 = arith.constant 128 : i32
      %dma_start3A_556 = arith.constant 0 : i32
      %dma_start3A_557 = tpu.memref_slice %arg3[%add3A, %dma_start3A_555, %dma_start3A_556] : memref<32x250x40xi32, #tpu.memory_space<hbm>> -> memref<1x64x40xi32, #tpu.memory_space<hbm>>
      %dma_start3A_558 = tpu.memref_squeeze %dma_start3A_557 : memref<1x64x40xi32, #tpu.memory_space<hbm>> -> memref<64x40xi32, #tpu.memory_space<hbm>>
      %dma_start3A_559 = arith.constant 0 : i32
      %dma_start3A_560 = arith.constant 0 : i32
      %dma_start3A_561 = tpu.memref_slice %arg6[%dma_start3A_559, %dma_start3A_560] : memref<64x40xi32, #tpu.memory_space<vmem>> -> memref<64x40xi32, #tpu.memory_space<vmem>>
      %dma_start3A_562 = arith.constant 128 : i32
      %dma_start3A_563 = arith.constant 0 : i32
      %dma_start3A_564 = tpu.memref_slice %arg3[%add3A, %dma_start3A_562, %dma_start3A_563] : memref<32x250x40xi32, #tpu.memory_space<hbm>> -> memref<1x64x40xi32, #tpu.memory_space<hbm>>
      %dma_start3A_565 = tpu.memref_squeeze %dma_start3A_564 : memref<1x64x40xi32, #tpu.memory_space<hbm>> -> memref<64x40xi32, #tpu.memory_space<hbm>>
      tpu.enqueue_dma source(%dma_start3A_565 : memref<64x40xi32, #tpu.memory_space<hbm>>) target(%dma_start3A_561 : memref<64x40xi32, #tpu.memory_space<vmem>>) target_semaphore(%run_scoped3A : memref<!tpu.dma_semaphore, #tpu.memory_space<semaphore_mem>>)
      %dma_wait3A_566 = arith.constant 0 : i32
      %dma_wait3A_567 = arith.constant 0 : i32
      %dma_wait3A_568 = tpu.memref_slice %arg6[%dma_wait3A_566, %dma_wait3A_567] : memref<64x40xi32, #tpu.memory_space<vmem>> -> memref<64x40xi32, #tpu.memory_space<vmem>>
      %dma_wait3A_569 = arith.constant 128 : i32
      %dma_wait3A_570 = arith.constant 0 : i32
      %dma_wait3A_571 = tpu.memref_slice %arg3[%add3A, %dma_wait3A_569, %dma_wait3A_570] : memref<32x250x40xi32, #tpu.memory_space<hbm>> -> memref<1x64x40xi32, #tpu.memory_space<hbm>>
      %dma_wait3A_572 = tpu.memref_squeeze %dma_wait3A_571 : memref<1x64x40xi32, #tpu.memory_space<hbm>> -> memref<64x40xi32, #tpu.memory_space<hbm>>
      %dma_wait3A_573 = arith.constant 0 : i32
      %dma_wait3A_574 = arith.constant 0 : i32
      %dma_wait3A_575 = tpu.memref_slice %arg6[%dma_wait3A_573, %dma_wait3A_574] : memref<64x40xi32, #tpu.memory_space<vmem>> -> memref<64x40xi32, #tpu.memory_space<vmem>>
      %dma_wait3A_576 = arith.constant 128 : i32
      %dma_wait3A_577 = arith.constant 0 : i32
      %dma_wait3A_578 = tpu.memref_slice %arg3[%add3A, %dma_wait3A_576, %dma_wait3A_577] : memref<32x250x40xi32, #tpu.memory_space<hbm>> -> memref<1x64x40xi32, #tpu.memory_space<hbm>>
      %dma_wait3A_579 = tpu.memref_squeeze %dma_wait3A_578 : memref<1x64x40xi32, #tpu.memory_space<hbm>> -> memref<64x40xi32, #tpu.memory_space<hbm>>
      tpu.wait_dma2 semaphore(%run_scoped3A : memref<!tpu.dma_semaphore, #tpu.memory_space<semaphore_mem>>) src(%dma_wait3A_579 : memref<64x40xi32, #tpu.memory_space<hbm>>) dst(%dma_wait3A_575 : memref<64x40xi32, #tpu.memory_space<vmem>>)
      tpu.yield
    }) : () -> ()
    "tpu.region"() ({
      %run_scoped3A = tpu.sem_alloc : memref<!tpu.dma_semaphore, #tpu.memory_space<semaphore_mem>>
      %dma_start3A_552 = arith.constant 0 : i32
      %dma_start3A_553 = arith.constant 0 : i32
      %dma_start3A_554 = tpu.memref_slice %arg7[%dma_start3A_552, %dma_start3A_553] : memref<64x40xi32, #tpu.memory_space<vmem>> -> memref<64x40xi32, #tpu.memory_space<vmem>>
      %dma_start3A_555 = arith.constant 128 : i32
      %dma_start3A_556 = arith.constant 0 : i32
      %dma_start3A_557 = tpu.memref_slice %arg4[%add3A, %dma_start3A_555, %dma_start3A_556] : memref<32x250x40xi32, #tpu.memory_space<hbm>> -> memref<1x64x40xi32, #tpu.memory_space<hbm>>
      %dma_start3A_558 = tpu.memref_squeeze %dma_start3A_557 : memref<1x64x40xi32, #tpu.memory_space<hbm>> -> memref<64x40xi32, #tpu.memory_space<hbm>>
      %dma_start3A_559 = arith.constant 0 : i32
      %dma_start3A_560 = arith.constant 0 : i32
      %dma_start3A_561 = tpu.memref_slice %arg7[%dma_start3A_559, %dma_start3A_560] : memref<64x40xi32, #tpu.memory_space<vmem>> -> memref<64x40xi32, #tpu.memory_space<vmem>>
      %dma_start3A_562 = arith.constant 128 : i32
      %dma_start3A_563 = arith.constant 0 : i32
      %dma_start3A_564 = tpu.memref_slice %arg4[%add3A, %dma_start3A_562, %dma_start3A_563] : memref<32x250x40xi32, #tpu.memory_space<hbm>> -> memref<1x64x40xi32, #tpu.memory_space<hbm>>
      %dma_start3A_565 = tpu.memref_squeeze %dma_start3A_564 : memref<1x64x40xi32, #tpu.memory_space<hbm>> -> memref<64x40xi32, #tpu.memory_space<hbm>>
      tpu.enqueue_dma source(%dma_start3A_565 : memref<64x40xi32, #tpu.memory_space<hbm>>) target(%dma_start3A_561 : memref<64x40xi32, #tpu.memory_space<vmem>>) target_semaphore(%run_scoped3A : memref<!tpu.dma_semaphore, #tpu.memory_space<semaphore_mem>>)
      %dma_wait3A_566 = arith.constant 0 : i32
      %dma_wait3A_567 = arith.constant 0 : i32
      %dma_wait3A_568 = tpu.memref_slice %arg7[%dma_wait3A_566, %dma_wait3A_567] : memref<64x40xi32, #tpu.memory_space<vmem>> -> memref<64x40xi32, #tpu.memory_space<vmem>>
      %dma_wait3A_569 = arith.constant 128 : i32
      %dma_wait3A_570 = arith.constant 0 : i32
      %dma_wait3A_571 = tpu.memref_slice %arg4[%add3A, %dma_wait3A_569, %dma_wait3A_570] : memref<32x250x40xi32, #tpu.memory_space<hbm>> -> memref<1x64x40xi32, #tpu.memory_space<hbm>>
      %dma_wait3A_572 = tpu.memref_squeeze %dma_wait3A_571 : memref<1x64x40xi32, #tpu.memory_space<hbm>> -> memref<64x40xi32, #tpu.memory_space<hbm>>
      %dma_wait3A_573 = arith.constant 0 : i32
      %dma_wait3A_574 = arith.constant 0 : i32
      %dma_wait3A_575 = tpu.memref_slice %arg7[%dma_wait3A_573, %dma_wait3A_574] : memref<64x40xi32, #tpu.memory_space<vmem>> -> memref<64x40xi32, #tpu.memory_space<vmem>>
      %dma_wait3A_576 = arith.constant 128 : i32
      %dma_wait3A_577 = arith.constant 0 : i32
      %dma_wait3A_578 = tpu.memref_slice %arg4[%add3A, %dma_wait3A_576, %dma_wait3A_577] : memref<32x250x40xi32, #tpu.memory_space<hbm>> -> memref<1x64x40xi32, #tpu.memory_space<hbm>>
      %dma_wait3A_579 = tpu.memref_squeeze %dma_wait3A_578 : memref<1x64x40xi32, #tpu.memory_space<hbm>> -> memref<64x40xi32, #tpu.memory_space<hbm>>
      tpu.wait_dma2 semaphore(%run_scoped3A : memref<!tpu.dma_semaphore, #tpu.memory_space<semaphore_mem>>) src(%dma_wait3A_579 : memref<64x40xi32, #tpu.memory_space<hbm>>) dst(%dma_wait3A_575 : memref<64x40xi32, #tpu.memory_space<vmem>>)
      tpu.yield
    }) : () -> ()
    %dma_start3A_283 = arith.constant 0 : i32
    %dma_start3A_284 = arith.constant 0 : i32
    %dma_start3A_285 = tpu.memref_slice %arg6[%dma_start3A_283, %dma_start3A_284] : memref<64x40xi32, #tpu.memory_space<vmem>> -> memref<1x40xi32, #tpu.memory_space<vmem>>
    %dma_start3A_286 = tpu.memref_squeeze %dma_start3A_285 : memref<1x40xi32, #tpu.memory_space<vmem>> -> memref<40xi32, #tpu.memory_space<vmem>>
    %dma_start3A_287 = arith.constant 0 : i32
    %dma_start3A_288 = arith.constant 0 : i32
    %dma_start3A_289 = tpu.memref_slice %arg2[%dma_start3A_287, %dma_start3A_288] : memref<10000x128xf32, #tpu.memory_space<hbm>> -> memref<10000x128xf32, #tpu.memory_space<hbm>>
    tpu.enqueue_indirect_dma source(%dma_start3A_289 : memref<10000x128xf32, #tpu.memory_space<hbm>>) target(%arg8 : memref<40x128xf32, #tpu.memory_space<vmem>>) offsets(%dma_start3A_286 : memref<40xi32, #tpu.memory_space<vmem>>) semaphore(%arg15 : memref<!tpu.dma_semaphore, #tpu.memory_space<semaphore_mem>>)
    %dma_start3A_290 = arith.constant 1 : i32
    %dma_start3A_291 = arith.constant 0 : i32
    %dma_start3A_292 = tpu.memref_slice %arg6[%dma_start3A_290, %dma_start3A_291] : memref<64x40xi32, #tpu.memory_space<vmem>> -> memref<1x40xi32, #tpu.memory_space<vmem>>
    %dma_start3A_293 = tpu.memref_squeeze %dma_start3A_292 : memref<1x40xi32, #tpu.memory_space<vmem>> -> memref<40xi32, #tpu.memory_space<vmem>>
    %dma_start3A_294 = arith.constant 0 : i32
    %dma_start3A_295 = arith.constant 0 : i32
    %dma_start3A_296 = tpu.memref_slice %arg2[%dma_start3A_294, %dma_start3A_295] : memref<10000x128xf32, #tpu.memory_space<hbm>> -> memref<10000x128xf32, #tpu.memory_space<hbm>>
    tpu.enqueue_indirect_dma source(%dma_start3A_296 : memref<10000x128xf32, #tpu.memory_space<hbm>>) target(%arg9 : memref<40x128xf32, #tpu.memory_space<vmem>>) offsets(%dma_start3A_293 : memref<40xi32, #tpu.memory_space<vmem>>) semaphore(%arg16 : memref<!tpu.dma_semaphore, #tpu.memory_space<semaphore_mem>>)
    %dma_start3A_297 = arith.constant 2 : i32
    %dma_start3A_298 = arith.constant 0 : i32
    %dma_start3A_299 = tpu.memref_slice %arg6[%dma_start3A_297, %dma_start3A_298] : memref<64x40xi32, #tpu.memory_space<vmem>> -> memref<1x40xi32, #tpu.memory_space<vmem>>
    %dma_start3A_300 = tpu.memref_squeeze %dma_start3A_299 : memref<1x40xi32, #tpu.memory_space<vmem>> -> memref<40xi32, #tpu.memory_space<vmem>>
    %dma_start3A_301 = arith.constant 0 : i32
    %dma_start3A_302 = arith.constant 0 : i32
    %dma_start3A_303 = tpu.memref_slice %arg2[%dma_start3A_301, %dma_start3A_302] : memref<10000x128xf32, #tpu.memory_space<hbm>> -> memref<10000x128xf32, #tpu.memory_space<hbm>>
    tpu.enqueue_indirect_dma source(%dma_start3A_303 : memref<10000x128xf32, #tpu.memory_space<hbm>>) target(%arg10 : memref<40x128xf32, #tpu.memory_space<vmem>>) offsets(%dma_start3A_300 : memref<40xi32, #tpu.memory_space<vmem>>) semaphore(%arg17 : memref<!tpu.dma_semaphore, #tpu.memory_space<semaphore_mem>>)
    %dma_start3A_304 = arith.constant 3 : i32
    %dma_start3A_305 = arith.constant 0 : i32
    %dma_start3A_306 = tpu.memref_slice %arg6[%dma_start3A_304, %dma_start3A_305] : memref<64x40xi32, #tpu.memory_space<vmem>> -> memref<1x40xi32, #tpu.memory_space<vmem>>
    %dma_start3A_307 = tpu.memref_squeeze %dma_start3A_306 : memref<1x40xi32, #tpu.memory_space<vmem>> -> memref<40xi32, #tpu.memory_space<vmem>>
    %dma_start3A_308 = arith.constant 0 : i32
    %dma_start3A_309 = arith.constant 0 : i32
    %dma_start3A_310 = tpu.memref_slice %arg2[%dma_start3A_308, %dma_start3A_309] : memref<10000x128xf32, #tpu.memory_space<hbm>> -> memref<10000x128xf32, #tpu.memory_space<hbm>>
    tpu.enqueue_indirect_dma source(%dma_start3A_310 : memref<10000x128xf32, #tpu.memory_space<hbm>>) target(%arg11 : memref<40x128xf32, #tpu.memory_space<vmem>>) offsets(%dma_start3A_307 : memref<40xi32, #tpu.memory_space<vmem>>) semaphore(%arg18 : memref<!tpu.dma_semaphore, #tpu.memory_space<semaphore_mem>>)
    %dma_start3A_311 = arith.constant 4 : i32
    %dma_start3A_312 = arith.constant 0 : i32
    %dma_start3A_313 = tpu.memref_slice %arg6[%dma_start3A_311, %dma_start3A_312] : memref<64x40xi32, #tpu.memory_space<vmem>> -> memref<1x40xi32, #tpu.memory_space<vmem>>
    %dma_start3A_314 = tpu.memref_squeeze %dma_start3A_313 : memref<1x40xi32, #tpu.memory_space<vmem>> -> memref<40xi32, #tpu.memory_space<vmem>>
    %dma_start3A_315 = arith.constant 0 : i32
    %dma_start3A_316 = arith.constant 0 : i32
    %dma_start3A_317 = tpu.memref_slice %arg2[%dma_start3A_315, %dma_start3A_316] : memref<10000x128xf32, #tpu.memory_space<hbm>> -> memref<10000x128xf32, #tpu.memory_space<hbm>>
    tpu.enqueue_indirect_dma source(%dma_start3A_317 : memref<10000x128xf32, #tpu.memory_space<hbm>>) target(%arg12 : memref<40x128xf32, #tpu.memory_space<vmem>>) offsets(%dma_start3A_314 : memref<40xi32, #tpu.memory_space<vmem>>) semaphore(%arg19 : memref<!tpu.dma_semaphore, #tpu.memory_space<semaphore_mem>>)
    %dma_start3A_318 = arith.constant 5 : i32
    %dma_start3A_319 = arith.constant 0 : i32
    %dma_start3A_320 = tpu.memref_slice %arg6[%dma_start3A_318, %dma_start3A_319] : memref<64x40xi32, #tpu.memory_space<vmem>> -> memref<1x40xi32, #tpu.memory_space<vmem>>
    %dma_start3A_321 = tpu.memref_squeeze %dma_start3A_320 : memref<1x40xi32, #tpu.memory_space<vmem>> -> memref<40xi32, #tpu.memory_space<vmem>>
    %dma_start3A_322 = arith.constant 0 : i32
    %dma_start3A_323 = arith.constant 0 : i32
    %dma_start3A_324 = tpu.memref_slice %arg2[%dma_start3A_322, %dma_start3A_323] : memref<10000x128xf32, #tpu.memory_space<hbm>> -> memref<10000x128xf32, #tpu.memory_space<hbm>>
    tpu.enqueue_indirect_dma source(%dma_start3A_324 : memref<10000x128xf32, #tpu.memory_space<hbm>>) target(%arg13 : memref<40x128xf32, #tpu.memory_space<vmem>>) offsets(%dma_start3A_321 : memref<40xi32, #tpu.memory_space<vmem>>) semaphore(%arg20 : memref<!tpu.dma_semaphore, #tpu.memory_space<semaphore_mem>>)
    %scan3A_325 = arith.constant 0 : i32
    %scan3A_326 = arith.constant 0 : i32
    %scan3A_327 = arith.constant 10 : i32
    %scan3A_328 = arith.addi %scan3A_326, %scan3A_327 : i32
    %scan3A_329 = arith.constant 1 : i32
    %scan3A_330 = scf.for %scan3A_552 = %scan3A_326 to %scan3A_328 step %scan3A_329 iter_args(%scan3A_553 = %scan3A_325) -> (i32)  : i32 {
      %mul3A_554 = arith.constant 6 : i32
      %mul3A_555 = arith.muli %mul3A_554, %scan3A_552 : i32
      %add3A_556 = arith.constant 0 : i32
      %add3A_557 = arith.addi %mul3A_555, %add3A_556 : i32
      %dma_wait3A_558 = arith.constant 0 : i32
      %dma_wait3A_559 = tpu.memref_slice %arg6[%add3A_557, %dma_wait3A_558] : memref<64x40xi32, #tpu.memory_space<vmem>> -> memref<1x40xi32, #tpu.memory_space<vmem>>
      %dma_wait3A_560 = tpu.memref_squeeze %dma_wait3A_559 : memref<1x40xi32, #tpu.memory_space<vmem>> -> memref<40xi32, #tpu.memory_space<vmem>>
      %dma_wait3A_561 = arith.constant 0 : i32
      %dma_wait3A_562 = arith.constant 0 : i32
      %dma_wait3A_563 = tpu.memref_slice %arg2[%dma_wait3A_561, %dma_wait3A_562] : memref<10000x128xf32, #tpu.memory_space<hbm>> -> memref<10000x128xf32, #tpu.memory_space<hbm>>
      tpu.wait_indirect_dma semaphore(%arg15 : memref<!tpu.dma_semaphore, #tpu.memory_space<semaphore_mem>>) src(%dma_wait3A_563 : memref<10000x128xf32, #tpu.memory_space<hbm>>) dst(%arg8 : memref<40x128xf32, #tpu.memory_space<vmem>>)
      %add3A_564 = arith.constant 0 : i32
      %add3A_565 = arith.addi %mul3A_555, %add3A_564 : i32
      %dma_start3A_566 = arith.constant 0 : i32
      %dma_start3A_567 = tpu.memref_slice %arg7[%add3A_565, %dma_start3A_566] : memref<64x40xi32, #tpu.memory_space<vmem>> -> memref<1x40xi32, #tpu.memory_space<vmem>>
      %dma_start3A_568 = tpu.memref_squeeze %dma_start3A_567 : memref<1x40xi32, #tpu.memory_space<vmem>> -> memref<40xi32, #tpu.memory_space<vmem>>
      %dma_start3A_569 = arith.constant 0 : i32
      %dma_start3A_570 = arith.constant 0 : i32
      %dma_start3A_571 = tpu.memref_slice %arg14[%dma_start3A_569, %dma_start3A_570] : memref<10000x128xf32, #tpu.memory_space<vmem_shared>> -> memref<10000x128xf32, #tpu.memory_space<vmem_shared>>
      tpu.enqueue_indirect_dma source(%arg8 : memref<40x128xf32, #tpu.memory_space<vmem>>) target(%dma_start3A_571 : memref<10000x128xf32, #tpu.memory_space<vmem_shared>>) offsets(%dma_start3A_568 : memref<40xi32, #tpu.memory_space<vmem>>) semaphore(%arg21 : memref<!tpu.dma_semaphore, #tpu.memory_space<semaphore_mem>>) {add = true}
      %add3A_572 = arith.constant 1 : i32
      %add3A_573 = arith.addi %mul3A_555, %add3A_572 : i32
      %dma_wait3A_574 = arith.constant 0 : i32
      %dma_wait3A_575 = tpu.memref_slice %arg6[%add3A_573, %dma_wait3A_574] : memref<64x40xi32, #tpu.memory_space<vmem>> -> memref<1x40xi32, #tpu.memory_space<vmem>>
      %dma_wait3A_576 = tpu.memref_squeeze %dma_wait3A_575 : memref<1x40xi32, #tpu.memory_space<vmem>> -> memref<40xi32, #tpu.memory_space<vmem>>
      %dma_wait3A_577 = arith.constant 0 : i32
      %dma_wait3A_578 = arith.constant 0 : i32
      %dma_wait3A_579 = tpu.memref_slice %arg2[%dma_wait3A_577, %dma_wait3A_578] : memref<10000x128xf32, #tpu.memory_space<hbm>> -> memref<10000x128xf32, #tpu.memory_space<hbm>>
      tpu.wait_indirect_dma semaphore(%arg16 : memref<!tpu.dma_semaphore, #tpu.memory_space<semaphore_mem>>) src(%dma_wait3A_579 : memref<10000x128xf32, #tpu.memory_space<hbm>>) dst(%arg9 : memref<40x128xf32, #tpu.memory_space<vmem>>)
      %add3A_580 = arith.constant 1 : i32
      %add3A_581 = arith.addi %mul3A_555, %add3A_580 : i32
      %dma_start3A_582 = arith.constant 0 : i32
      %dma_start3A_583 = tpu.memref_slice %arg7[%add3A_581, %dma_start3A_582] : memref<64x40xi32, #tpu.memory_space<vmem>> -> memref<1x40xi32, #tpu.memory_space<vmem>>
      %dma_start3A_584 = tpu.memref_squeeze %dma_start3A_583 : memref<1x40xi32, #tpu.memory_space<vmem>> -> memref<40xi32, #tpu.memory_space<vmem>>
      %dma_start3A_585 = arith.constant 0 : i32
      %dma_start3A_586 = arith.constant 0 : i32
      %dma_start3A_587 = tpu.memref_slice %arg14[%dma_start3A_585, %dma_start3A_586] : memref<10000x128xf32, #tpu.memory_space<vmem_shared>> -> memref<10000x128xf32, #tpu.memory_space<vmem_shared>>
      tpu.enqueue_indirect_dma source(%arg9 : memref<40x128xf32, #tpu.memory_space<vmem>>) target(%dma_start3A_587 : memref<10000x128xf32, #tpu.memory_space<vmem_shared>>) offsets(%dma_start3A_584 : memref<40xi32, #tpu.memory_space<vmem>>) semaphore(%arg22 : memref<!tpu.dma_semaphore, #tpu.memory_space<semaphore_mem>>) {add = true}
      %add3A_588 = arith.constant 2 : i32
      %add3A_589 = arith.addi %mul3A_555, %add3A_588 : i32
      %dma_wait3A_590 = arith.constant 0 : i32
      %dma_wait3A_591 = tpu.memref_slice %arg6[%add3A_589, %dma_wait3A_590] : memref<64x40xi32, #tpu.memory_space<vmem>> -> memref<1x40xi32, #tpu.memory_space<vmem>>
      %dma_wait3A_592 = tpu.memref_squeeze %dma_wait3A_591 : memref<1x40xi32, #tpu.memory_space<vmem>> -> memref<40xi32, #tpu.memory_space<vmem>>
      %dma_wait3A_593 = arith.constant 0 : i32
      %dma_wait3A_594 = arith.constant 0 : i32
      %dma_wait3A_595 = tpu.memref_slice %arg2[%dma_wait3A_593, %dma_wait3A_594] : memref<10000x128xf32, #tpu.memory_space<hbm>> -> memref<10000x128xf32, #tpu.memory_space<hbm>>
      tpu.wait_indirect_dma semaphore(%arg17 : memref<!tpu.dma_semaphore, #tpu.memory_space<semaphore_mem>>) src(%dma_wait3A_595 : memref<10000x128xf32, #tpu.memory_space<hbm>>) dst(%arg10 : memref<40x128xf32, #tpu.memory_space<vmem>>)
      %add3A_596 = arith.constant 2 : i32
      %add3A_597 = arith.addi %mul3A_555, %add3A_596 : i32
      %dma_start3A_598 = arith.constant 0 : i32
      %dma_start3A_599 = tpu.memref_slice %arg7[%add3A_597, %dma_start3A_598] : memref<64x40xi32, #tpu.memory_space<vmem>> -> memref<1x40xi32, #tpu.memory_space<vmem>>
      %dma_start3A_600 = tpu.memref_squeeze %dma_start3A_599 : memref<1x40xi32, #tpu.memory_space<vmem>> -> memref<40xi32, #tpu.memory_space<vmem>>
      %dma_start3A_601 = arith.constant 0 : i32
      %dma_start3A_602 = arith.constant 0 : i32
      %dma_start3A_603 = tpu.memref_slice %arg14[%dma_start3A_601, %dma_start3A_602] : memref<10000x128xf32, #tpu.memory_space<vmem_shared>> -> memref<10000x128xf32, #tpu.memory_space<vmem_shared>>
      tpu.enqueue_indirect_dma source(%arg10 : memref<40x128xf32, #tpu.memory_space<vmem>>) target(%dma_start3A_603 : memref<10000x128xf32, #tpu.memory_space<vmem_shared>>) offsets(%dma_start3A_600 : memref<40xi32, #tpu.memory_space<vmem>>) semaphore(%arg23 : memref<!tpu.dma_semaphore, #tpu.memory_space<semaphore_mem>>) {add = true}
      %add3A_604 = arith.constant 3 : i32
      %add3A_605 = arith.addi %mul3A_555, %add3A_604 : i32
      %dma_wait3A_606 = arith.constant 0 : i32
      %dma_wait3A_607 = tpu.memref_slice %arg6[%add3A_605, %dma_wait3A_606] : memref<64x40xi32, #tpu.memory_space<vmem>> -> memref<1x40xi32, #tpu.memory_space<vmem>>
      %dma_wait3A_608 = tpu.memref_squeeze %dma_wait3A_607 : memref<1x40xi32, #tpu.memory_space<vmem>> -> memref<40xi32, #tpu.memory_space<vmem>>
      %dma_wait3A_609 = arith.constant 0 : i32
      %dma_wait3A_610 = arith.constant 0 : i32
      %dma_wait3A_611 = tpu.memref_slice %arg2[%dma_wait3A_609, %dma_wait3A_610] : memref<10000x128xf32, #tpu.memory_space<hbm>> -> memref<10000x128xf32, #tpu.memory_space<hbm>>
      tpu.wait_indirect_dma semaphore(%arg18 : memref<!tpu.dma_semaphore, #tpu.memory_space<semaphore_mem>>) src(%dma_wait3A_611 : memref<10000x128xf32, #tpu.memory_space<hbm>>) dst(%arg11 : memref<40x128xf32, #tpu.memory_space<vmem>>)
      %add3A_612 = arith.constant 3 : i32
      %add3A_613 = arith.addi %mul3A_555, %add3A_612 : i32
      %dma_start3A_614 = arith.constant 0 : i32
      %dma_start3A_615 = tpu.memref_slice %arg7[%add3A_613, %dma_start3A_614] : memref<64x40xi32, #tpu.memory_space<vmem>> -> memref<1x40xi32, #tpu.memory_space<vmem>>
      %dma_start3A_616 = tpu.memref_squeeze %dma_start3A_615 : memref<1x40xi32, #tpu.memory_space<vmem>> -> memref<40xi32, #tpu.memory_space<vmem>>
      %dma_start3A_617 = arith.constant 0 : i32
      %dma_start3A_618 = arith.constant 0 : i32
      %dma_start3A_619 = tpu.memref_slice %arg14[%dma_start3A_617, %dma_start3A_618] : memref<10000x128xf32, #tpu.memory_space<vmem_shared>> -> memref<10000x128xf32, #tpu.memory_space<vmem_shared>>
      tpu.enqueue_indirect_dma source(%arg11 : memref<40x128xf32, #tpu.memory_space<vmem>>) target(%dma_start3A_619 : memref<10000x128xf32, #tpu.memory_space<vmem_shared>>) offsets(%dma_start3A_616 : memref<40xi32, #tpu.memory_space<vmem>>) semaphore(%arg24 : memref<!tpu.dma_semaphore, #tpu.memory_space<semaphore_mem>>) {add = true}
      %add3A_620 = arith.constant 4 : i32
      %add3A_621 = arith.addi %mul3A_555, %add3A_620 : i32
      %dma_wait3A_622 = arith.constant 0 : i32
      %dma_wait3A_623 = tpu.memref_slice %arg6[%add3A_621, %dma_wait3A_622] : memref<64x40xi32, #tpu.memory_space<vmem>> -> memref<1x40xi32, #tpu.memory_space<vmem>>
      %dma_wait3A_624 = tpu.memref_squeeze %dma_wait3A_623 : memref<1x40xi32, #tpu.memory_space<vmem>> -> memref<40xi32, #tpu.memory_space<vmem>>
      %dma_wait3A_625 = arith.constant 0 : i32
      %dma_wait3A_626 = arith.constant 0 : i32
      %dma_wait3A_627 = tpu.memref_slice %arg2[%dma_wait3A_625, %dma_wait3A_626] : memref<10000x128xf32, #tpu.memory_space<hbm>> -> memref<10000x128xf32, #tpu.memory_space<hbm>>
      tpu.wait_indirect_dma semaphore(%arg19 : memref<!tpu.dma_semaphore, #tpu.memory_space<semaphore_mem>>) src(%dma_wait3A_627 : memref<10000x128xf32, #tpu.memory_space<hbm>>) dst(%arg12 : memref<40x128xf32, #tpu.memory_space<vmem>>)
      %add3A_628 = arith.constant 4 : i32
      %add3A_629 = arith.addi %mul3A_555, %add3A_628 : i32
      %dma_start3A_630 = arith.constant 0 : i32
      %dma_start3A_631 = tpu.memref_slice %arg7[%add3A_629, %dma_start3A_630] : memref<64x40xi32, #tpu.memory_space<vmem>> -> memref<1x40xi32, #tpu.memory_space<vmem>>
      %dma_start3A_632 = tpu.memref_squeeze %dma_start3A_631 : memref<1x40xi32, #tpu.memory_space<vmem>> -> memref<40xi32, #tpu.memory_space<vmem>>
      %dma_start3A_633 = arith.constant 0 : i32
      %dma_start3A_634 = arith.constant 0 : i32
      %dma_start3A_635 = tpu.memref_slice %arg14[%dma_start3A_633, %dma_start3A_634] : memref<10000x128xf32, #tpu.memory_space<vmem_shared>> -> memref<10000x128xf32, #tpu.memory_space<vmem_shared>>
      tpu.enqueue_indirect_dma source(%arg12 : memref<40x128xf32, #tpu.memory_space<vmem>>) target(%dma_start3A_635 : memref<10000x128xf32, #tpu.memory_space<vmem_shared>>) offsets(%dma_start3A_632 : memref<40xi32, #tpu.memory_space<vmem>>) semaphore(%arg25 : memref<!tpu.dma_semaphore, #tpu.memory_space<semaphore_mem>>) {add = true}
      %add3A_636 = arith.constant 5 : i32
      %add3A_637 = arith.addi %mul3A_555, %add3A_636 : i32
      %dma_wait3A_638 = arith.constant 0 : i32
      %dma_wait3A_639 = tpu.memref_slice %arg6[%add3A_637, %dma_wait3A_638] : memref<64x40xi32, #tpu.memory_space<vmem>> -> memref<1x40xi32, #tpu.memory_space<vmem>>
      %dma_wait3A_640 = tpu.memref_squeeze %dma_wait3A_639 : memref<1x40xi32, #tpu.memory_space<vmem>> -> memref<40xi32, #tpu.memory_space<vmem>>
      %dma_wait3A_641 = arith.constant 0 : i32
      %dma_wait3A_642 = arith.constant 0 : i32
      %dma_wait3A_643 = tpu.memref_slice %arg2[%dma_wait3A_641, %dma_wait3A_642] : memref<10000x128xf32, #tpu.memory_space<hbm>> -> memref<10000x128xf32, #tpu.memory_space<hbm>>
      tpu.wait_indirect_dma semaphore(%arg20 : memref<!tpu.dma_semaphore, #tpu.memory_space<semaphore_mem>>) src(%dma_wait3A_643 : memref<10000x128xf32, #tpu.memory_space<hbm>>) dst(%arg13 : memref<40x128xf32, #tpu.memory_space<vmem>>)
      %add3A_644 = arith.constant 5 : i32
      %add3A_645 = arith.addi %mul3A_555, %add3A_644 : i32
      %dma_start3A_646 = arith.constant 0 : i32
      %dma_start3A_647 = tpu.memref_slice %arg7[%add3A_645, %dma_start3A_646] : memref<64x40xi32, #tpu.memory_space<vmem>> -> memref<1x40xi32, #tpu.memory_space<vmem>>
      %dma_start3A_648 = tpu.memref_squeeze %dma_start3A_647 : memref<1x40xi32, #tpu.memory_space<vmem>> -> memref<40xi32, #tpu.memory_space<vmem>>
      %dma_start3A_649 = arith.constant 0 : i32
      %dma_start3A_650 = arith.constant 0 : i32
      %dma_start3A_651 = tpu.memref_slice %arg14[%dma_start3A_649, %dma_start3A_650] : memref<10000x128xf32, #tpu.memory_space<vmem_shared>> -> memref<10000x128xf32, #tpu.memory_space<vmem_shared>>
      tpu.enqueue_indirect_dma source(%arg13 : memref<40x128xf32, #tpu.memory_space<vmem>>) target(%dma_start3A_651 : memref<10000x128xf32, #tpu.memory_space<vmem_shared>>) offsets(%dma_start3A_648 : memref<40xi32, #tpu.memory_space<vmem>>) semaphore(%arg26 : memref<!tpu.dma_semaphore, #tpu.memory_space<semaphore_mem>>) {add = true}
      %add3A_652 = arith.constant 0 : i32
      %add3A_653 = arith.addi %mul3A_555, %add3A_652 : i32
      %dma_wait3A_654 = arith.constant 0 : i32
      %dma_wait3A_655 = tpu.memref_slice %arg7[%add3A_653, %dma_wait3A_654] : memref<64x40xi32, #tpu.memory_space<vmem>> -> memref<1x40xi32, #tpu.memory_space<vmem>>
      %dma_wait3A_656 = tpu.memref_squeeze %dma_wait3A_655 : memref<1x40xi32, #tpu.memory_space<vmem>> -> memref<40xi32, #tpu.memory_space<vmem>>
      %dma_wait3A_657 = arith.constant 0 : i32
      %dma_wait3A_658 = arith.constant 0 : i32
      %dma_wait3A_659 = tpu.memref_slice %arg14[%dma_wait3A_657, %dma_wait3A_658] : memref<10000x128xf32, #tpu.memory_space<vmem_shared>> -> memref<10000x128xf32, #tpu.memory_space<vmem_shared>>
      tpu.wait_indirect_dma semaphore(%arg21 : memref<!tpu.dma_semaphore, #tpu.memory_space<semaphore_mem>>) src(%arg8 : memref<40x128xf32, #tpu.memory_space<vmem>>) dst(%dma_wait3A_659 : memref<10000x128xf32, #tpu.memory_space<vmem_shared>>)
      %add3A_660 = arith.constant 6 : i32
      %add3A_661 = arith.addi %mul3A_555, %add3A_660 : i32
      %add3A_662 = arith.constant 0 : i32
      %add3A_663 = arith.addi %add3A_661, %add3A_662 : i32
      %lt3A = arith.constant 64 : i32
      %lt3A_664 = arith.cmpi slt, %add3A_663, %lt3A : i32
      %convert_element_type3A = arith.extui %lt3A_664 : i1 to i32
      %cond3A = arith.constant 0 : i32
      %cond3A_665 = arith.cmpi ne, %convert_element_type3A, %cond3A : i32
      scf.if %cond3A_665 {
        %add3A_752 = arith.constant 6 : i32
        %add3A_753 = arith.addi %mul3A_555, %add3A_752 : i32
        %add3A_754 = arith.constant 0 : i32
        %add3A_755 = arith.addi %add3A_753, %add3A_754 : i32
        %dma_start3A_756 = arith.constant 0 : i32
        %dma_start3A_757 = tpu.memref_slice %arg6[%add3A_755, %dma_start3A_756] : memref<64x40xi32, #tpu.memory_space<vmem>> -> memref<1x40xi32, #tpu.memory_space<vmem>>
        %dma_start3A_758 = tpu.memref_squeeze %dma_start3A_757 : memref<1x40xi32, #tpu.memory_space<vmem>> -> memref<40xi32, #tpu.memory_space<vmem>>
        %dma_start3A_759 = arith.constant 0 : i32
        %dma_start3A_760 = arith.constant 0 : i32
        %dma_start3A_761 = tpu.memref_slice %arg2[%dma_start3A_759, %dma_start3A_760] : memref<10000x128xf32, #tpu.memory_space<hbm>> -> memref<10000x128xf32, #tpu.memory_space<hbm>>
        tpu.enqueue_indirect_dma source(%dma_start3A_761 : memref<10000x128xf32, #tpu.memory_space<hbm>>) target(%arg8 : memref<40x128xf32, #tpu.memory_space<vmem>>) offsets(%dma_start3A_758 : memref<40xi32, #tpu.memory_space<vmem>>) semaphore(%arg15 : memref<!tpu.dma_semaphore, #tpu.memory_space<semaphore_mem>>)
      } else {
      }
      %add3A_666 = arith.constant 1 : i32
      %add3A_667 = arith.addi %mul3A_555, %add3A_666 : i32
      %dma_wait3A_668 = arith.constant 0 : i32
      %dma_wait3A_669 = tpu.memref_slice %arg7[%add3A_667, %dma_wait3A_668] : memref<64x40xi32, #tpu.memory_space<vmem>> -> memref<1x40xi32, #tpu.memory_space<vmem>>
      %dma_wait3A_670 = tpu.memref_squeeze %dma_wait3A_669 : memref<1x40xi32, #tpu.memory_space<vmem>> -> memref<40xi32, #tpu.memory_space<vmem>>
      %dma_wait3A_671 = arith.constant 0 : i32
      %dma_wait3A_672 = arith.constant 0 : i32
      %dma_wait3A_673 = tpu.memref_slice %arg14[%dma_wait3A_671, %dma_wait3A_672] : memref<10000x128xf32, #tpu.memory_space<vmem_shared>> -> memref<10000x128xf32, #tpu.memory_space<vmem_shared>>
      tpu.wait_indirect_dma semaphore(%arg22 : memref<!tpu.dma_semaphore, #tpu.memory_space<semaphore_mem>>) src(%arg9 : memref<40x128xf32, #tpu.memory_space<vmem>>) dst(%dma_wait3A_673 : memref<10000x128xf32, #tpu.memory_space<vmem_shared>>)
      %add3A_674 = arith.constant 6 : i32
      %add3A_675 = arith.addi %mul3A_555, %add3A_674 : i32
      %add3A_676 = arith.constant 1 : i32
      %add3A_677 = arith.addi %add3A_675, %add3A_676 : i32
      %lt3A_678 = arith.constant 64 : i32
      %lt3A_679 = arith.cmpi slt, %add3A_677, %lt3A_678 : i32
      %convert_element_type3A_680 = arith.extui %lt3A_679 : i1 to i32
      %cond3A_681 = arith.constant 0 : i32
      %cond3A_682 = arith.cmpi ne, %convert_element_type3A_680, %cond3A_681 : i32
      scf.if %cond3A_682 {
        %add3A_752 = arith.constant 6 : i32
        %add3A_753 = arith.addi %mul3A_555, %add3A_752 : i32
        %add3A_754 = arith.constant 1 : i32
        %add3A_755 = arith.addi %add3A_753, %add3A_754 : i32
        %dma_start3A_756 = arith.constant 0 : i32
        %dma_start3A_757 = tpu.memref_slice %arg6[%add3A_755, %dma_start3A_756] : memref<64x40xi32, #tpu.memory_space<vmem>> -> memref<1x40xi32, #tpu.memory_space<vmem>>
        %dma_start3A_758 = tpu.memref_squeeze %dma_start3A_757 : memref<1x40xi32, #tpu.memory_space<vmem>> -> memref<40xi32, #tpu.memory_space<vmem>>
        %dma_start3A_759 = arith.constant 0 : i32
        %dma_start3A_760 = arith.constant 0 : i32
        %dma_start3A_761 = tpu.memref_slice %arg2[%dma_start3A_759, %dma_start3A_760] : memref<10000x128xf32, #tpu.memory_space<hbm>> -> memref<10000x128xf32, #tpu.memory_space<hbm>>
        tpu.enqueue_indirect_dma source(%dma_start3A_761 : memref<10000x128xf32, #tpu.memory_space<hbm>>) target(%arg9 : memref<40x128xf32, #tpu.memory_space<vmem>>) offsets(%dma_start3A_758 : memref<40xi32, #tpu.memory_space<vmem>>) semaphore(%arg16 : memref<!tpu.dma_semaphore, #tpu.memory_space<semaphore_mem>>)
      } else {
      }
      %add3A_683 = arith.constant 2 : i32
      %add3A_684 = arith.addi %mul3A_555, %add3A_683 : i32
      %dma_wait3A_685 = arith.constant 0 : i32
      %dma_wait3A_686 = tpu.memref_slice %arg7[%add3A_684, %dma_wait3A_685] : memref<64x40xi32, #tpu.memory_space<vmem>> -> memref<1x40xi32, #tpu.memory_space<vmem>>
      %dma_wait3A_687 = tpu.memref_squeeze %dma_wait3A_686 : memref<1x40xi32, #tpu.memory_space<vmem>> -> memref<40xi32, #tpu.memory_space<vmem>>
      %dma_wait3A_688 = arith.constant 0 : i32
      %dma_wait3A_689 = arith.constant 0 : i32
      %dma_wait3A_690 = tpu.memref_slice %arg14[%dma_wait3A_688, %dma_wait3A_689] : memref<10000x128xf32, #tpu.memory_space<vmem_shared>> -> memref<10000x128xf32, #tpu.memory_space<vmem_shared>>
      tpu.wait_indirect_dma semaphore(%arg23 : memref<!tpu.dma_semaphore, #tpu.memory_space<semaphore_mem>>) src(%arg10 : memref<40x128xf32, #tpu.memory_space<vmem>>) dst(%dma_wait3A_690 : memref<10000x128xf32, #tpu.memory_space<vmem_shared>>)
      %add3A_691 = arith.constant 6 : i32
      %add3A_692 = arith.addi %mul3A_555, %add3A_691 : i32
      %add3A_693 = arith.constant 2 : i32
      %add3A_694 = arith.addi %add3A_692, %add3A_693 : i32
      %lt3A_695 = arith.constant 64 : i32
      %lt3A_696 = arith.cmpi slt, %add3A_694, %lt3A_695 : i32
      %convert_element_type3A_697 = arith.extui %lt3A_696 : i1 to i32
      %cond3A_698 = arith.constant 0 : i32
      %cond3A_699 = arith.cmpi ne, %convert_element_type3A_697, %cond3A_698 : i32
      scf.if %cond3A_699 {
        %add3A_752 = arith.constant 6 : i32
        %add3A_753 = arith.addi %mul3A_555, %add3A_752 : i32
        %add3A_754 = arith.constant 2 : i32
        %add3A_755 = arith.addi %add3A_753, %add3A_754 : i32
        %dma_start3A_756 = arith.constant 0 : i32
        %dma_start3A_757 = tpu.memref_slice %arg6[%add3A_755, %dma_start3A_756] : memref<64x40xi32, #tpu.memory_space<vmem>> -> memref<1x40xi32, #tpu.memory_space<vmem>>
        %dma_start3A_758 = tpu.memref_squeeze %dma_start3A_757 : memref<1x40xi32, #tpu.memory_space<vmem>> -> memref<40xi32, #tpu.memory_space<vmem>>
        %dma_start3A_759 = arith.constant 0 : i32
        %dma_start3A_760 = arith.constant 0 : i32
        %dma_start3A_761 = tpu.memref_slice %arg2[%dma_start3A_759, %dma_start3A_760] : memref<10000x128xf32, #tpu.memory_space<hbm>> -> memref<10000x128xf32, #tpu.memory_space<hbm>>
        tpu.enqueue_indirect_dma source(%dma_start3A_761 : memref<10000x128xf32, #tpu.memory_space<hbm>>) target(%arg10 : memref<40x128xf32, #tpu.memory_space<vmem>>) offsets(%dma_start3A_758 : memref<40xi32, #tpu.memory_space<vmem>>) semaphore(%arg17 : memref<!tpu.dma_semaphore, #tpu.memory_space<semaphore_mem>>)
      } else {
      }
      %add3A_700 = arith.constant 3 : i32
      %add3A_701 = arith.addi %mul3A_555, %add3A_700 : i32
      %dma_wait3A_702 = arith.constant 0 : i32
      %dma_wait3A_703 = tpu.memref_slice %arg7[%add3A_701, %dma_wait3A_702] : memref<64x40xi32, #tpu.memory_space<vmem>> -> memref<1x40xi32, #tpu.memory_space<vmem>>
      %dma_wait3A_704 = tpu.memref_squeeze %dma_wait3A_703 : memref<1x40xi32, #tpu.memory_space<vmem>> -> memref<40xi32, #tpu.memory_space<vmem>>
      %dma_wait3A_705 = arith.constant 0 : i32
      %dma_wait3A_706 = arith.constant 0 : i32
      %dma_wait3A_707 = tpu.memref_slice %arg14[%dma_wait3A_705, %dma_wait3A_706] : memref<10000x128xf32, #tpu.memory_space<vmem_shared>> -> memref<10000x128xf32, #tpu.memory_space<vmem_shared>>
      tpu.wait_indirect_dma semaphore(%arg24 : memref<!tpu.dma_semaphore, #tpu.memory_space<semaphore_mem>>) src(%arg11 : memref<40x128xf32, #tpu.memory_space<vmem>>) dst(%dma_wait3A_707 : memref<10000x128xf32, #tpu.memory_space<vmem_shared>>)
      %add3A_708 = arith.constant 6 : i32
      %add3A_709 = arith.addi %mul3A_555, %add3A_708 : i32
      %add3A_710 = arith.constant 3 : i32
      %add3A_711 = arith.addi %add3A_709, %add3A_710 : i32
      %lt3A_712 = arith.constant 64 : i32
      %lt3A_713 = arith.cmpi slt, %add3A_711, %lt3A_712 : i32
      %convert_element_type3A_714 = arith.extui %lt3A_713 : i1 to i32
      %cond3A_715 = arith.constant 0 : i32
      %cond3A_716 = arith.cmpi ne, %convert_element_type3A_714, %cond3A_715 : i32
      scf.if %cond3A_716 {
        %add3A_752 = arith.constant 6 : i32
        %add3A_753 = arith.addi %mul3A_555, %add3A_752 : i32
        %add3A_754 = arith.constant 3 : i32
        %add3A_755 = arith.addi %add3A_753, %add3A_754 : i32
        %dma_start3A_756 = arith.constant 0 : i32
        %dma_start3A_757 = tpu.memref_slice %arg6[%add3A_755, %dma_start3A_756] : memref<64x40xi32, #tpu.memory_space<vmem>> -> memref<1x40xi32, #tpu.memory_space<vmem>>
        %dma_start3A_758 = tpu.memref_squeeze %dma_start3A_757 : memref<1x40xi32, #tpu.memory_space<vmem>> -> memref<40xi32, #tpu.memory_space<vmem>>
        %dma_start3A_759 = arith.constant 0 : i32
        %dma_start3A_760 = arith.constant 0 : i32
        %dma_start3A_761 = tpu.memref_slice %arg2[%dma_start3A_759, %dma_start3A_760] : memref<10000x128xf32, #tpu.memory_space<hbm>> -> memref<10000x128xf32, #tpu.memory_space<hbm>>
        tpu.enqueue_indirect_dma source(%dma_start3A_761 : memref<10000x128xf32, #tpu.memory_space<hbm>>) target(%arg11 : memref<40x128xf32, #tpu.memory_space<vmem>>) offsets(%dma_start3A_758 : memref<40xi32, #tpu.memory_space<vmem>>) semaphore(%arg18 : memref<!tpu.dma_semaphore, #tpu.memory_space<semaphore_mem>>)
      } else {
      }
      %add3A_717 = arith.constant 4 : i32
      %add3A_718 = arith.addi %mul3A_555, %add3A_717 : i32
      %dma_wait3A_719 = arith.constant 0 : i32
      %dma_wait3A_720 = tpu.memref_slice %arg7[%add3A_718, %dma_wait3A_719] : memref<64x40xi32, #tpu.memory_space<vmem>> -> memref<1x40xi32, #tpu.memory_space<vmem>>
      %dma_wait3A_721 = tpu.memref_squeeze %dma_wait3A_720 : memref<1x40xi32, #tpu.memory_space<vmem>> -> memref<40xi32, #tpu.memory_space<vmem>>
      %dma_wait3A_722 = arith.constant 0 : i32
      %dma_wait3A_723 = arith.constant 0 : i32
      %dma_wait3A_724 = tpu.memref_slice %arg14[%dma_wait3A_722, %dma_wait3A_723] : memref<10000x128xf32, #tpu.memory_space<vmem_shared>> -> memref<10000x128xf32, #tpu.memory_space<vmem_shared>>
      tpu.wait_indirect_dma semaphore(%arg25 : memref<!tpu.dma_semaphore, #tpu.memory_space<semaphore_mem>>) src(%arg12 : memref<40x128xf32, #tpu.memory_space<vmem>>) dst(%dma_wait3A_724 : memref<10000x128xf32, #tpu.memory_space<vmem_shared>>)
      %add3A_725 = arith.constant 6 : i32
      %add3A_726 = arith.addi %mul3A_555, %add3A_725 : i32
      %add3A_727 = arith.constant 4 : i32
      %add3A_728 = arith.addi %add3A_726, %add3A_727 : i32
      %lt3A_729 = arith.constant 64 : i32
      %lt3A_730 = arith.cmpi slt, %add3A_728, %lt3A_729 : i32
      %convert_element_type3A_731 = arith.extui %lt3A_730 : i1 to i32
      %cond3A_732 = arith.constant 0 : i32
      %cond3A_733 = arith.cmpi ne, %convert_element_type3A_731, %cond3A_732 : i32
      scf.if %cond3A_733 {
        %add3A_752 = arith.constant 6 : i32
        %add3A_753 = arith.addi %mul3A_555, %add3A_752 : i32
        %add3A_754 = arith.constant 4 : i32
        %add3A_755 = arith.addi %add3A_753, %add3A_754 : i32
        %dma_start3A_756 = arith.constant 0 : i32
        %dma_start3A_757 = tpu.memref_slice %arg6[%add3A_755, %dma_start3A_756] : memref<64x40xi32, #tpu.memory_space<vmem>> -> memref<1x40xi32, #tpu.memory_space<vmem>>
        %dma_start3A_758 = tpu.memref_squeeze %dma_start3A_757 : memref<1x40xi32, #tpu.memory_space<vmem>> -> memref<40xi32, #tpu.memory_space<vmem>>
        %dma_start3A_759 = arith.constant 0 : i32
        %dma_start3A_760 = arith.constant 0 : i32
        %dma_start3A_761 = tpu.memref_slice %arg2[%dma_start3A_759, %dma_start3A_760] : memref<10000x128xf32, #tpu.memory_space<hbm>> -> memref<10000x128xf32, #tpu.memory_space<hbm>>
        tpu.enqueue_indirect_dma source(%dma_start3A_761 : memref<10000x128xf32, #tpu.memory_space<hbm>>) target(%arg12 : memref<40x128xf32, #tpu.memory_space<vmem>>) offsets(%dma_start3A_758 : memref<40xi32, #tpu.memory_space<vmem>>) semaphore(%arg19 : memref<!tpu.dma_semaphore, #tpu.memory_space<semaphore_mem>>)
      } else {
      }
      %add3A_734 = arith.constant 5 : i32
      %add3A_735 = arith.addi %mul3A_555, %add3A_734 : i32
      %dma_wait3A_736 = arith.constant 0 : i32
      %dma_wait3A_737 = tpu.memref_slice %arg7[%add3A_735, %dma_wait3A_736] : memref<64x40xi32, #tpu.memory_space<vmem>> -> memref<1x40xi32, #tpu.memory_space<vmem>>
      %dma_wait3A_738 = tpu.memref_squeeze %dma_wait3A_737 : memref<1x40xi32, #tpu.memory_space<vmem>> -> memref<40xi32, #tpu.memory_space<vmem>>
      %dma_wait3A_739 = arith.constant 0 : i32
      %dma_wait3A_740 = arith.constant 0 : i32
      %dma_wait3A_741 = tpu.memref_slice %arg14[%dma_wait3A_739, %dma_wait3A_740] : memref<10000x128xf32, #tpu.memory_space<vmem_shared>> -> memref<10000x128xf32, #tpu.memory_space<vmem_shared>>
      tpu.wait_indirect_dma semaphore(%arg26 : memref<!tpu.dma_semaphore, #tpu.memory_space<semaphore_mem>>) src(%arg13 : memref<40x128xf32, #tpu.memory_space<vmem>>) dst(%dma_wait3A_741 : memref<10000x128xf32, #tpu.memory_space<vmem_shared>>)
      %add3A_742 = arith.constant 6 : i32
      %add3A_743 = arith.addi %mul3A_555, %add3A_742 : i32
      %add3A_744 = arith.constant 5 : i32
      %add3A_745 = arith.addi %add3A_743, %add3A_744 : i32
      %lt3A_746 = arith.constant 64 : i32
      %lt3A_747 = arith.cmpi slt, %add3A_745, %lt3A_746 : i32
      %convert_element_type3A_748 = arith.extui %lt3A_747 : i1 to i32
      %cond3A_749 = arith.constant 0 : i32
      %cond3A_750 = arith.cmpi ne, %convert_element_type3A_748, %cond3A_749 : i32
      scf.if %cond3A_750 {
        %add3A_752 = arith.constant 6 : i32
        %add3A_753 = arith.addi %mul3A_555, %add3A_752 : i32
        %add3A_754 = arith.constant 5 : i32
        %add3A_755 = arith.addi %add3A_753, %add3A_754 : i32
        %dma_start3A_756 = arith.constant 0 : i32
        %dma_start3A_757 = tpu.memref_slice %arg6[%add3A_755, %dma_start3A_756] : memref<64x40xi32, #tpu.memory_space<vmem>> -> memref<1x40xi32, #tpu.memory_space<vmem>>
        %dma_start3A_758 = tpu.memref_squeeze %dma_start3A_757 : memref<1x40xi32, #tpu.memory_space<vmem>> -> memref<40xi32, #tpu.memory_space<vmem>>
        %dma_start3A_759 = arith.constant 0 : i32
        %dma_start3A_760 = arith.constant 0 : i32
        %dma_start3A_761 = tpu.memref_slice %arg2[%dma_start3A_759, %dma_start3A_760] : memref<10000x128xf32, #tpu.memory_space<hbm>> -> memref<10000x128xf32, #tpu.memory_space<hbm>>
        tpu.enqueue_indirect_dma source(%dma_start3A_761 : memref<10000x128xf32, #tpu.memory_space<hbm>>) target(%arg13 : memref<40x128xf32, #tpu.memory_space<vmem>>) offsets(%dma_start3A_758 : memref<40xi32, #tpu.memory_space<vmem>>) semaphore(%arg20 : memref<!tpu.dma_semaphore, #tpu.memory_space<semaphore_mem>>)
      } else {
      }
      %scan3A_751 = arith.constant 0 : i32
      scf.yield %scan3A_751 : i32
    }
    %scan3A_331 = arith.constant 10 : i32
    %dma_wait3A_332 = arith.constant 60 : i32
    %dma_wait3A_333 = arith.constant 0 : i32
    %dma_wait3A_334 = tpu.memref_slice %arg6[%dma_wait3A_332, %dma_wait3A_333] : memref<64x40xi32, #tpu.memory_space<vmem>> -> memref<1x40xi32, #tpu.memory_space<vmem>>
    %dma_wait3A_335 = tpu.memref_squeeze %dma_wait3A_334 : memref<1x40xi32, #tpu.memory_space<vmem>> -> memref<40xi32, #tpu.memory_space<vmem>>
    %dma_wait3A_336 = arith.constant 0 : i32
    %dma_wait3A_337 = arith.constant 0 : i32
    %dma_wait3A_338 = tpu.memref_slice %arg2[%dma_wait3A_336, %dma_wait3A_337] : memref<10000x128xf32, #tpu.memory_space<hbm>> -> memref<10000x128xf32, #tpu.memory_space<hbm>>
    tpu.wait_indirect_dma semaphore(%arg15 : memref<!tpu.dma_semaphore, #tpu.memory_space<semaphore_mem>>) src(%dma_wait3A_338 : memref<10000x128xf32, #tpu.memory_space<hbm>>) dst(%arg8 : memref<40x128xf32, #tpu.memory_space<vmem>>)
    %dma_start3A_339 = arith.constant 60 : i32
    %dma_start3A_340 = arith.constant 0 : i32
    %dma_start3A_341 = tpu.memref_slice %arg7[%dma_start3A_339, %dma_start3A_340] : memref<64x40xi32, #tpu.memory_space<vmem>> -> memref<1x40xi32, #tpu.memory_space<vmem>>
    %dma_start3A_342 = tpu.memref_squeeze %dma_start3A_341 : memref<1x40xi32, #tpu.memory_space<vmem>> -> memref<40xi32, #tpu.memory_space<vmem>>
    %dma_start3A_343 = arith.constant 0 : i32
    %dma_start3A_344 = arith.constant 0 : i32
    %dma_start3A_345 = tpu.memref_slice %arg14[%dma_start3A_343, %dma_start3A_344] : memref<10000x128xf32, #tpu.memory_space<vmem_shared>> -> memref<10000x128xf32, #tpu.memory_space<vmem_shared>>
    tpu.enqueue_indirect_dma source(%arg8 : memref<40x128xf32, #tpu.memory_space<vmem>>) target(%dma_start3A_345 : memref<10000x128xf32, #tpu.memory_space<vmem_shared>>) offsets(%dma_start3A_342 : memref<40xi32, #tpu.memory_space<vmem>>) semaphore(%arg21 : memref<!tpu.dma_semaphore, #tpu.memory_space<semaphore_mem>>) {add = true}
    %dma_wait3A_346 = arith.constant 60 : i32
    %dma_wait3A_347 = arith.constant 0 : i32
    %dma_wait3A_348 = tpu.memref_slice %arg7[%dma_wait3A_346, %dma_wait3A_347] : memref<64x40xi32, #tpu.memory_space<vmem>> -> memref<1x40xi32, #tpu.memory_space<vmem>>
    %dma_wait3A_349 = tpu.memref_squeeze %dma_wait3A_348 : memref<1x40xi32, #tpu.memory_space<vmem>> -> memref<40xi32, #tpu.memory_space<vmem>>
    %dma_wait3A_350 = arith.constant 0 : i32
    %dma_wait3A_351 = arith.constant 0 : i32
    %dma_wait3A_352 = tpu.memref_slice %arg14[%dma_wait3A_350, %dma_wait3A_351] : memref<10000x128xf32, #tpu.memory_space<vmem_shared>> -> memref<10000x128xf32, #tpu.memory_space<vmem_shared>>
    tpu.wait_indirect_dma semaphore(%arg21 : memref<!tpu.dma_semaphore, #tpu.memory_space<semaphore_mem>>) src(%arg8 : memref<40x128xf32, #tpu.memory_space<vmem>>) dst(%dma_wait3A_352 : memref<10000x128xf32, #tpu.memory_space<vmem_shared>>)
    %dma_wait3A_353 = arith.constant 61 : i32
    %dma_wait3A_354 = arith.constant 0 : i32
    %dma_wait3A_355 = tpu.memref_slice %arg6[%dma_wait3A_353, %dma_wait3A_354] : memref<64x40xi32, #tpu.memory_space<vmem>> -> memref<1x40xi32, #tpu.memory_space<vmem>>
    %dma_wait3A_356 = tpu.memref_squeeze %dma_wait3A_355 : memref<1x40xi32, #tpu.memory_space<vmem>> -> memref<40xi32, #tpu.memory_space<vmem>>
    %dma_wait3A_357 = arith.constant 0 : i32
    %dma_wait3A_358 = arith.constant 0 : i32
    %dma_wait3A_359 = tpu.memref_slice %arg2[%dma_wait3A_357, %dma_wait3A_358] : memref<10000x128xf32, #tpu.memory_space<hbm>> -> memref<10000x128xf32, #tpu.memory_space<hbm>>
    tpu.wait_indirect_dma semaphore(%arg16 : memref<!tpu.dma_semaphore, #tpu.memory_space<semaphore_mem>>) src(%dma_wait3A_359 : memref<10000x128xf32, #tpu.memory_space<hbm>>) dst(%arg9 : memref<40x128xf32, #tpu.memory_space<vmem>>)
    %dma_start3A_360 = arith.constant 61 : i32
    %dma_start3A_361 = arith.constant 0 : i32
    %dma_start3A_362 = tpu.memref_slice %arg7[%dma_start3A_360, %dma_start3A_361] : memref<64x40xi32, #tpu.memory_space<vmem>> -> memref<1x40xi32, #tpu.memory_space<vmem>>
    %dma_start3A_363 = tpu.memref_squeeze %dma_start3A_362 : memref<1x40xi32, #tpu.memory_space<vmem>> -> memref<40xi32, #tpu.memory_space<vmem>>
    %dma_start3A_364 = arith.constant 0 : i32
    %dma_start3A_365 = arith.constant 0 : i32
    %dma_start3A_366 = tpu.memref_slice %arg14[%dma_start3A_364, %dma_start3A_365] : memref<10000x128xf32, #tpu.memory_space<vmem_shared>> -> memref<10000x128xf32, #tpu.memory_space<vmem_shared>>
    tpu.enqueue_indirect_dma source(%arg9 : memref<40x128xf32, #tpu.memory_space<vmem>>) target(%dma_start3A_366 : memref<10000x128xf32, #tpu.memory_space<vmem_shared>>) offsets(%dma_start3A_363 : memref<40xi32, #tpu.memory_space<vmem>>) semaphore(%arg22 : memref<!tpu.dma_semaphore, #tpu.memory_space<semaphore_mem>>) {add = true}
    %dma_wait3A_367 = arith.constant 61 : i32
    %dma_wait3A_368 = arith.constant 0 : i32
    %dma_wait3A_369 = tpu.memref_slice %arg7[%dma_wait3A_367, %dma_wait3A_368] : memref<64x40xi32, #tpu.memory_space<vmem>> -> memref<1x40xi32, #tpu.memory_space<vmem>>
    %dma_wait3A_370 = tpu.memref_squeeze %dma_wait3A_369 : memref<1x40xi32, #tpu.memory_space<vmem>> -> memref<40xi32, #tpu.memory_space<vmem>>
    %dma_wait3A_371 = arith.constant 0 : i32
    %dma_wait3A_372 = arith.constant 0 : i32
    %dma_wait3A_373 = tpu.memref_slice %arg14[%dma_wait3A_371, %dma_wait3A_372] : memref<10000x128xf32, #tpu.memory_space<vmem_shared>> -> memref<10000x128xf32, #tpu.memory_space<vmem_shared>>
    tpu.wait_indirect_dma semaphore(%arg22 : memref<!tpu.dma_semaphore, #tpu.memory_space<semaphore_mem>>) src(%arg9 : memref<40x128xf32, #tpu.memory_space<vmem>>) dst(%dma_wait3A_373 : memref<10000x128xf32, #tpu.memory_space<vmem_shared>>)
    %dma_wait3A_374 = arith.constant 62 : i32
    %dma_wait3A_375 = arith.constant 0 : i32
    %dma_wait3A_376 = tpu.memref_slice %arg6[%dma_wait3A_374, %dma_wait3A_375] : memref<64x40xi32, #tpu.memory_space<vmem>> -> memref<1x40xi32, #tpu.memory_space<vmem>>
    %dma_wait3A_377 = tpu.memref_squeeze %dma_wait3A_376 : memref<1x40xi32, #tpu.memory_space<vmem>> -> memref<40xi32, #tpu.memory_space<vmem>>
    %dma_wait3A_378 = arith.constant 0 : i32
    %dma_wait3A_379 = arith.constant 0 : i32
    %dma_wait3A_380 = tpu.memref_slice %arg2[%dma_wait3A_378, %dma_wait3A_379] : memref<10000x128xf32, #tpu.memory_space<hbm>> -> memref<10000x128xf32, #tpu.memory_space<hbm>>
    tpu.wait_indirect_dma semaphore(%arg17 : memref<!tpu.dma_semaphore, #tpu.memory_space<semaphore_mem>>) src(%dma_wait3A_380 : memref<10000x128xf32, #tpu.memory_space<hbm>>) dst(%arg10 : memref<40x128xf32, #tpu.memory_space<vmem>>)
    %dma_start3A_381 = arith.constant 62 : i32
    %dma_start3A_382 = arith.constant 0 : i32
    %dma_start3A_383 = tpu.memref_slice %arg7[%dma_start3A_381, %dma_start3A_382] : memref<64x40xi32, #tpu.memory_space<vmem>> -> memref<1x40xi32, #tpu.memory_space<vmem>>
    %dma_start3A_384 = tpu.memref_squeeze %dma_start3A_383 : memref<1x40xi32, #tpu.memory_space<vmem>> -> memref<40xi32, #tpu.memory_space<vmem>>
    %dma_start3A_385 = arith.constant 0 : i32
    %dma_start3A_386 = arith.constant 0 : i32
    %dma_start3A_387 = tpu.memref_slice %arg14[%dma_start3A_385, %dma_start3A_386] : memref<10000x128xf32, #tpu.memory_space<vmem_shared>> -> memref<10000x128xf32, #tpu.memory_space<vmem_shared>>
    tpu.enqueue_indirect_dma source(%arg10 : memref<40x128xf32, #tpu.memory_space<vmem>>) target(%dma_start3A_387 : memref<10000x128xf32, #tpu.memory_space<vmem_shared>>) offsets(%dma_start3A_384 : memref<40xi32, #tpu.memory_space<vmem>>) semaphore(%arg23 : memref<!tpu.dma_semaphore, #tpu.memory_space<semaphore_mem>>) {add = true}
    %dma_wait3A_388 = arith.constant 62 : i32
    %dma_wait3A_389 = arith.constant 0 : i32
    %dma_wait3A_390 = tpu.memref_slice %arg7[%dma_wait3A_388, %dma_wait3A_389] : memref<64x40xi32, #tpu.memory_space<vmem>> -> memref<1x40xi32, #tpu.memory_space<vmem>>
    %dma_wait3A_391 = tpu.memref_squeeze %dma_wait3A_390 : memref<1x40xi32, #tpu.memory_space<vmem>> -> memref<40xi32, #tpu.memory_space<vmem>>
    %dma_wait3A_392 = arith.constant 0 : i32
    %dma_wait3A_393 = arith.constant 0 : i32
    %dma_wait3A_394 = tpu.memref_slice %arg14[%dma_wait3A_392, %dma_wait3A_393] : memref<10000x128xf32, #tpu.memory_space<vmem_shared>> -> memref<10000x128xf32, #tpu.memory_space<vmem_shared>>
    tpu.wait_indirect_dma semaphore(%arg23 : memref<!tpu.dma_semaphore, #tpu.memory_space<semaphore_mem>>) src(%arg10 : memref<40x128xf32, #tpu.memory_space<vmem>>) dst(%dma_wait3A_394 : memref<10000x128xf32, #tpu.memory_space<vmem_shared>>)
    %dma_wait3A_395 = arith.constant 63 : i32
    %dma_wait3A_396 = arith.constant 0 : i32
    %dma_wait3A_397 = tpu.memref_slice %arg6[%dma_wait3A_395, %dma_wait3A_396] : memref<64x40xi32, #tpu.memory_space<vmem>> -> memref<1x40xi32, #tpu.memory_space<vmem>>
    %dma_wait3A_398 = tpu.memref_squeeze %dma_wait3A_397 : memref<1x40xi32, #tpu.memory_space<vmem>> -> memref<40xi32, #tpu.memory_space<vmem>>
    %dma_wait3A_399 = arith.constant 0 : i32
    %dma_wait3A_400 = arith.constant 0 : i32
    %dma_wait3A_401 = tpu.memref_slice %arg2[%dma_wait3A_399, %dma_wait3A_400] : memref<10000x128xf32, #tpu.memory_space<hbm>> -> memref<10000x128xf32, #tpu.memory_space<hbm>>
    tpu.wait_indirect_dma semaphore(%arg18 : memref<!tpu.dma_semaphore, #tpu.memory_space<semaphore_mem>>) src(%dma_wait3A_401 : memref<10000x128xf32, #tpu.memory_space<hbm>>) dst(%arg11 : memref<40x128xf32, #tpu.memory_space<vmem>>)
    %dma_start3A_402 = arith.constant 63 : i32
    %dma_start3A_403 = arith.constant 0 : i32
    %dma_start3A_404 = tpu.memref_slice %arg7[%dma_start3A_402, %dma_start3A_403] : memref<64x40xi32, #tpu.memory_space<vmem>> -> memref<1x40xi32, #tpu.memory_space<vmem>>
    %dma_start3A_405 = tpu.memref_squeeze %dma_start3A_404 : memref<1x40xi32, #tpu.memory_space<vmem>> -> memref<40xi32, #tpu.memory_space<vmem>>
    %dma_start3A_406 = arith.constant 0 : i32
    %dma_start3A_407 = arith.constant 0 : i32
    %dma_start3A_408 = tpu.memref_slice %arg14[%dma_start3A_406, %dma_start3A_407] : memref<10000x128xf32, #tpu.memory_space<vmem_shared>> -> memref<10000x128xf32, #tpu.memory_space<vmem_shared>>
    tpu.enqueue_indirect_dma source(%arg11 : memref<40x128xf32, #tpu.memory_space<vmem>>) target(%dma_start3A_408 : memref<10000x128xf32, #tpu.memory_space<vmem_shared>>) offsets(%dma_start3A_405 : memref<40xi32, #tpu.memory_space<vmem>>) semaphore(%arg24 : memref<!tpu.dma_semaphore, #tpu.memory_space<semaphore_mem>>) {add = true}
    %dma_wait3A_409 = arith.constant 63 : i32
    %dma_wait3A_410 = arith.constant 0 : i32
    %dma_wait3A_411 = tpu.memref_slice %arg7[%dma_wait3A_409, %dma_wait3A_410] : memref<64x40xi32, #tpu.memory_space<vmem>> -> memref<1x40xi32, #tpu.memory_space<vmem>>
    %dma_wait3A_412 = tpu.memref_squeeze %dma_wait3A_411 : memref<1x40xi32, #tpu.memory_space<vmem>> -> memref<40xi32, #tpu.memory_space<vmem>>
    %dma_wait3A_413 = arith.constant 0 : i32
    %dma_wait3A_414 = arith.constant 0 : i32
    %dma_wait3A_415 = tpu.memref_slice %arg14[%dma_wait3A_413, %dma_wait3A_414] : memref<10000x128xf32, #tpu.memory_space<vmem_shared>> -> memref<10000x128xf32, #tpu.memory_space<vmem_shared>>
    tpu.wait_indirect_dma semaphore(%arg24 : memref<!tpu.dma_semaphore, #tpu.memory_space<semaphore_mem>>) src(%arg11 : memref<40x128xf32, #tpu.memory_space<vmem>>) dst(%dma_wait3A_415 : memref<10000x128xf32, #tpu.memory_space<vmem_shared>>)
    "tpu.region"() ({
      %run_scoped3A = tpu.sem_alloc : memref<!tpu.dma_semaphore, #tpu.memory_space<semaphore_mem>>
      %dma_start3A_552 = arith.constant 0 : i32
      %dma_start3A_553 = arith.constant 0 : i32
      %dma_start3A_554 = tpu.memref_slice %arg6[%dma_start3A_552, %dma_start3A_553] : memref<64x40xi32, #tpu.memory_space<vmem>> -> memref<58x40xi32, #tpu.memory_space<vmem>>
      %dma_start3A_555 = arith.constant 192 : i32
      %dma_start3A_556 = arith.constant 0 : i32
      %dma_start3A_557 = tpu.memref_slice %arg3[%add3A, %dma_start3A_555, %dma_start3A_556] : memref<32x250x40xi32, #tpu.memory_space<hbm>> -> memref<1x58x40xi32, #tpu.memory_space<hbm>>
      %dma_start3A_558 = tpu.memref_squeeze %dma_start3A_557 : memref<1x58x40xi32, #tpu.memory_space<hbm>> -> memref<58x40xi32, #tpu.memory_space<hbm>>
      %dma_start3A_559 = arith.constant 0 : i32
      %dma_start3A_560 = arith.constant 0 : i32
      %dma_start3A_561 = tpu.memref_slice %arg6[%dma_start3A_559, %dma_start3A_560] : memref<64x40xi32, #tpu.memory_space<vmem>> -> memref<58x40xi32, #tpu.memory_space<vmem>>
      %dma_start3A_562 = arith.constant 192 : i32
      %dma_start3A_563 = arith.constant 0 : i32
      %dma_start3A_564 = tpu.memref_slice %arg3[%add3A, %dma_start3A_562, %dma_start3A_563] : memref<32x250x40xi32, #tpu.memory_space<hbm>> -> memref<1x58x40xi32, #tpu.memory_space<hbm>>
      %dma_start3A_565 = tpu.memref_squeeze %dma_start3A_564 : memref<1x58x40xi32, #tpu.memory_space<hbm>> -> memref<58x40xi32, #tpu.memory_space<hbm>>
      tpu.enqueue_dma source(%dma_start3A_565 : memref<58x40xi32, #tpu.memory_space<hbm>>) target(%dma_start3A_561 : memref<58x40xi32, #tpu.memory_space<vmem>>) target_semaphore(%run_scoped3A : memref<!tpu.dma_semaphore, #tpu.memory_space<semaphore_mem>>)
      %dma_wait3A_566 = arith.constant 0 : i32
      %dma_wait3A_567 = arith.constant 0 : i32
      %dma_wait3A_568 = tpu.memref_slice %arg6[%dma_wait3A_566, %dma_wait3A_567] : memref<64x40xi32, #tpu.memory_space<vmem>> -> memref<58x40xi32, #tpu.memory_space<vmem>>
      %dma_wait3A_569 = arith.constant 192 : i32
      %dma_wait3A_570 = arith.constant 0 : i32
      %dma_wait3A_571 = tpu.memref_slice %arg3[%add3A, %dma_wait3A_569, %dma_wait3A_570] : memref<32x250x40xi32, #tpu.memory_space<hbm>> -> memref<1x58x40xi32, #tpu.memory_space<hbm>>
      %dma_wait3A_572 = tpu.memref_squeeze %dma_wait3A_571 : memref<1x58x40xi32, #tpu.memory_space<hbm>> -> memref<58x40xi32, #tpu.memory_space<hbm>>
      %dma_wait3A_573 = arith.constant 0 : i32
      %dma_wait3A_574 = arith.constant 0 : i32
      %dma_wait3A_575 = tpu.memref_slice %arg6[%dma_wait3A_573, %dma_wait3A_574] : memref<64x40xi32, #tpu.memory_space<vmem>> -> memref<58x40xi32, #tpu.memory_space<vmem>>
      %dma_wait3A_576 = arith.constant 192 : i32
      %dma_wait3A_577 = arith.constant 0 : i32
      %dma_wait3A_578 = tpu.memref_slice %arg3[%add3A, %dma_wait3A_576, %dma_wait3A_577] : memref<32x250x40xi32, #tpu.memory_space<hbm>> -> memref<1x58x40xi32, #tpu.memory_space<hbm>>
      %dma_wait3A_579 = tpu.memref_squeeze %dma_wait3A_578 : memref<1x58x40xi32, #tpu.memory_space<hbm>> -> memref<58x40xi32, #tpu.memory_space<hbm>>
      tpu.wait_dma2 semaphore(%run_scoped3A : memref<!tpu.dma_semaphore, #tpu.memory_space<semaphore_mem>>) src(%dma_wait3A_579 : memref<58x40xi32, #tpu.memory_space<hbm>>) dst(%dma_wait3A_575 : memref<58x40xi32, #tpu.memory_space<vmem>>)
      tpu.yield
    }) : () -> ()
    "tpu.region"() ({
      %run_scoped3A = tpu.sem_alloc : memref<!tpu.dma_semaphore, #tpu.memory_space<semaphore_mem>>
      %dma_start3A_552 = arith.constant 0 : i32
      %dma_start3A_553 = arith.constant 0 : i32
      %dma_start3A_554 = tpu.memref_slice %arg7[%dma_start3A_552, %dma_start3A_553] : memref<64x40xi32, #tpu.memory_space<vmem>> -> memref<58x40xi32, #tpu.memory_space<vmem>>
      %dma_start3A_555 = arith.constant 192 : i32
      %dma_start3A_556 = arith.constant 0 : i32
      %dma_start3A_557 = tpu.memref_slice %arg4[%add3A, %dma_start3A_555, %dma_start3A_556] : memref<32x250x40xi32, #tpu.memory_space<hbm>> -> memref<1x58x40xi32, #tpu.memory_space<hbm>>
      %dma_start3A_558 = tpu.memref_squeeze %dma_start3A_557 : memref<1x58x40xi32, #tpu.memory_space<hbm>> -> memref<58x40xi32, #tpu.memory_space<hbm>>
      %dma_start3A_559 = arith.constant 0 : i32
      %dma_start3A_560 = arith.constant 0 : i32
      %dma_start3A_561 = tpu.memref_slice %arg7[%dma_start3A_559, %dma_start3A_560] : memref<64x40xi32, #tpu.memory_space<vmem>> -> memref<58x40xi32, #tpu.memory_space<vmem>>
      %dma_start3A_562 = arith.constant 192 : i32
      %dma_start3A_563 = arith.constant 0 : i32
      %dma_start3A_564 = tpu.memref_slice %arg4[%add3A, %dma_start3A_562, %dma_start3A_563] : memref<32x250x40xi32, #tpu.memory_space<hbm>> -> memref<1x58x40xi32, #tpu.memory_space<hbm>>
      %dma_start3A_565 = tpu.memref_squeeze %dma_start3A_564 : memref<1x58x40xi32, #tpu.memory_space<hbm>> -> memref<58x40xi32, #tpu.memory_space<hbm>>
      tpu.enqueue_dma source(%dma_start3A_565 : memref<58x40xi32, #tpu.memory_space<hbm>>) target(%dma_start3A_561 : memref<58x40xi32, #tpu.memory_space<vmem>>) target_semaphore(%run_scoped3A : memref<!tpu.dma_semaphore, #tpu.memory_space<semaphore_mem>>)
      %dma_wait3A_566 = arith.constant 0 : i32
      %dma_wait3A_567 = arith.constant 0 : i32
      %dma_wait3A_568 = tpu.memref_slice %arg7[%dma_wait3A_566, %dma_wait3A_567] : memref<64x40xi32, #tpu.memory_space<vmem>> -> memref<58x40xi32, #tpu.memory_space<vmem>>
      %dma_wait3A_569 = arith.constant 192 : i32
      %dma_wait3A_570 = arith.constant 0 : i32
      %dma_wait3A_571 = tpu.memref_slice %arg4[%add3A, %dma_wait3A_569, %dma_wait3A_570] : memref<32x250x40xi32, #tpu.memory_space<hbm>> -> memref<1x58x40xi32, #tpu.memory_space<hbm>>
      %dma_wait3A_572 = tpu.memref_squeeze %dma_wait3A_571 : memref<1x58x40xi32, #tpu.memory_space<hbm>> -> memref<58x40xi32, #tpu.memory_space<hbm>>
      %dma_wait3A_573 = arith.constant 0 : i32
      %dma_wait3A_574 = arith.constant 0 : i32
      %dma_wait3A_575 = tpu.memref_slice %arg7[%dma_wait3A_573, %dma_wait3A_574] : memref<64x40xi32, #tpu.memory_space<vmem>> -> memref<58x40xi32, #tpu.memory_space<vmem>>
      %dma_wait3A_576 = arith.constant 192 : i32
      %dma_wait3A_577 = arith.constant 0 : i32
      %dma_wait3A_578 = tpu.memref_slice %arg4[%add3A, %dma_wait3A_576, %dma_wait3A_577] : memref<32x250x40xi32, #tpu.memory_space<hbm>> -> memref<1x58x40xi32, #tpu.memory_space<hbm>>
      %dma_wait3A_579 = tpu.memref_squeeze %dma_wait3A_578 : memref<1x58x40xi32, #tpu.memory_space<hbm>> -> memref<58x40xi32, #tpu.memory_space<hbm>>
      tpu.wait_dma2 semaphore(%run_scoped3A : memref<!tpu.dma_semaphore, #tpu.memory_space<semaphore_mem>>) src(%dma_wait3A_579 : memref<58x40xi32, #tpu.memory_space<hbm>>) dst(%dma_wait3A_575 : memref<58x40xi32, #tpu.memory_space<vmem>>)
      tpu.yield
    }) : () -> ()
    %dma_start3A_416 = arith.constant 0 : i32
    %dma_start3A_417 = arith.constant 0 : i32
    %dma_start3A_418 = tpu.memref_slice %arg6[%dma_start3A_416, %dma_start3A_417] : memref<64x40xi32, #tpu.memory_space<vmem>> -> memref<1x40xi32, #tpu.memory_space<vmem>>
    %dma_start3A_419 = tpu.memref_squeeze %dma_start3A_418 : memref<1x40xi32, #tpu.memory_space<vmem>> -> memref<40xi32, #tpu.memory_space<vmem>>
    %dma_start3A_420 = arith.constant 0 : i32
    %dma_start3A_421 = arith.constant 0 : i32
    %dma_start3A_422 = tpu.memref_slice %arg2[%dma_start3A_420, %dma_start3A_421] : memref<10000x128xf32, #tpu.memory_space<hbm>> -> memref<10000x128xf32, #tpu.memory_space<hbm>>
    tpu.enqueue_indirect_dma source(%dma_start3A_422 : memref<10000x128xf32, #tpu.memory_space<hbm>>) target(%arg8 : memref<40x128xf32, #tpu.memory_space<vmem>>) offsets(%dma_start3A_419 : memref<40xi32, #tpu.memory_space<vmem>>) semaphore(%arg15 : memref<!tpu.dma_semaphore, #tpu.memory_space<semaphore_mem>>)
    %dma_start3A_423 = arith.constant 1 : i32
    %dma_start3A_424 = arith.constant 0 : i32
    %dma_start3A_425 = tpu.memref_slice %arg6[%dma_start3A_423, %dma_start3A_424] : memref<64x40xi32, #tpu.memory_space<vmem>> -> memref<1x40xi32, #tpu.memory_space<vmem>>
    %dma_start3A_426 = tpu.memref_squeeze %dma_start3A_425 : memref<1x40xi32, #tpu.memory_space<vmem>> -> memref<40xi32, #tpu.memory_space<vmem>>
    %dma_start3A_427 = arith.constant 0 : i32
    %dma_start3A_428 = arith.constant 0 : i32
    %dma_start3A_429 = tpu.memref_slice %arg2[%dma_start3A_427, %dma_start3A_428] : memref<10000x128xf32, #tpu.memory_space<hbm>> -> memref<10000x128xf32, #tpu.memory_space<hbm>>
    tpu.enqueue_indirect_dma source(%dma_start3A_429 : memref<10000x128xf32, #tpu.memory_space<hbm>>) target(%arg9 : memref<40x128xf32, #tpu.memory_space<vmem>>) offsets(%dma_start3A_426 : memref<40xi32, #tpu.memory_space<vmem>>) semaphore(%arg16 : memref<!tpu.dma_semaphore, #tpu.memory_space<semaphore_mem>>)
    %dma_start3A_430 = arith.constant 2 : i32
    %dma_start3A_431 = arith.constant 0 : i32
    %dma_start3A_432 = tpu.memref_slice %arg6[%dma_start3A_430, %dma_start3A_431] : memref<64x40xi32, #tpu.memory_space<vmem>> -> memref<1x40xi32, #tpu.memory_space<vmem>>
    %dma_start3A_433 = tpu.memref_squeeze %dma_start3A_432 : memref<1x40xi32, #tpu.memory_space<vmem>> -> memref<40xi32, #tpu.memory_space<vmem>>
    %dma_start3A_434 = arith.constant 0 : i32
    %dma_start3A_435 = arith.constant 0 : i32
    %dma_start3A_436 = tpu.memref_slice %arg2[%dma_start3A_434, %dma_start3A_435] : memref<10000x128xf32, #tpu.memory_space<hbm>> -> memref<10000x128xf32, #tpu.memory_space<hbm>>
    tpu.enqueue_indirect_dma source(%dma_start3A_436 : memref<10000x128xf32, #tpu.memory_space<hbm>>) target(%arg10 : memref<40x128xf32, #tpu.memory_space<vmem>>) offsets(%dma_start3A_433 : memref<40xi32, #tpu.memory_space<vmem>>) semaphore(%arg17 : memref<!tpu.dma_semaphore, #tpu.memory_space<semaphore_mem>>)
    %dma_start3A_437 = arith.constant 3 : i32
    %dma_start3A_438 = arith.constant 0 : i32
    %dma_start3A_439 = tpu.memref_slice %arg6[%dma_start3A_437, %dma_start3A_438] : memref<64x40xi32, #tpu.memory_space<vmem>> -> memref<1x40xi32, #tpu.memory_space<vmem>>
    %dma_start3A_440 = tpu.memref_squeeze %dma_start3A_439 : memref<1x40xi32, #tpu.memory_space<vmem>> -> memref<40xi32, #tpu.memory_space<vmem>>
    %dma_start3A_441 = arith.constant 0 : i32
    %dma_start3A_442 = arith.constant 0 : i32
    %dma_start3A_443 = tpu.memref_slice %arg2[%dma_start3A_441, %dma_start3A_442] : memref<10000x128xf32, #tpu.memory_space<hbm>> -> memref<10000x128xf32, #tpu.memory_space<hbm>>
    tpu.enqueue_indirect_dma source(%dma_start3A_443 : memref<10000x128xf32, #tpu.memory_space<hbm>>) target(%arg11 : memref<40x128xf32, #tpu.memory_space<vmem>>) offsets(%dma_start3A_440 : memref<40xi32, #tpu.memory_space<vmem>>) semaphore(%arg18 : memref<!tpu.dma_semaphore, #tpu.memory_space<semaphore_mem>>)
    %dma_start3A_444 = arith.constant 4 : i32
    %dma_start3A_445 = arith.constant 0 : i32
    %dma_start3A_446 = tpu.memref_slice %arg6[%dma_start3A_444, %dma_start3A_445] : memref<64x40xi32, #tpu.memory_space<vmem>> -> memref<1x40xi32, #tpu.memory_space<vmem>>
    %dma_start3A_447 = tpu.memref_squeeze %dma_start3A_446 : memref<1x40xi32, #tpu.memory_space<vmem>> -> memref<40xi32, #tpu.memory_space<vmem>>
    %dma_start3A_448 = arith.constant 0 : i32
    %dma_start3A_449 = arith.constant 0 : i32
    %dma_start3A_450 = tpu.memref_slice %arg2[%dma_start3A_448, %dma_start3A_449] : memref<10000x128xf32, #tpu.memory_space<hbm>> -> memref<10000x128xf32, #tpu.memory_space<hbm>>
    tpu.enqueue_indirect_dma source(%dma_start3A_450 : memref<10000x128xf32, #tpu.memory_space<hbm>>) target(%arg12 : memref<40x128xf32, #tpu.memory_space<vmem>>) offsets(%dma_start3A_447 : memref<40xi32, #tpu.memory_space<vmem>>) semaphore(%arg19 : memref<!tpu.dma_semaphore, #tpu.memory_space<semaphore_mem>>)
    %dma_start3A_451 = arith.constant 5 : i32
    %dma_start3A_452 = arith.constant 0 : i32
    %dma_start3A_453 = tpu.memref_slice %arg6[%dma_start3A_451, %dma_start3A_452] : memref<64x40xi32, #tpu.memory_space<vmem>> -> memref<1x40xi32, #tpu.memory_space<vmem>>
    %dma_start3A_454 = tpu.memref_squeeze %dma_start3A_453 : memref<1x40xi32, #tpu.memory_space<vmem>> -> memref<40xi32, #tpu.memory_space<vmem>>
    %dma_start3A_455 = arith.constant 0 : i32
    %dma_start3A_456 = arith.constant 0 : i32
    %dma_start3A_457 = tpu.memref_slice %arg2[%dma_start3A_455, %dma_start3A_456] : memref<10000x128xf32, #tpu.memory_space<hbm>> -> memref<10000x128xf32, #tpu.memory_space<hbm>>
    tpu.enqueue_indirect_dma source(%dma_start3A_457 : memref<10000x128xf32, #tpu.memory_space<hbm>>) target(%arg13 : memref<40x128xf32, #tpu.memory_space<vmem>>) offsets(%dma_start3A_454 : memref<40xi32, #tpu.memory_space<vmem>>) semaphore(%arg20 : memref<!tpu.dma_semaphore, #tpu.memory_space<semaphore_mem>>)
    %scan3A_458 = arith.constant 0 : i32
    %scan3A_459 = arith.constant 0 : i32
    %scan3A_460 = arith.constant 9 : i32
    %scan3A_461 = arith.addi %scan3A_459, %scan3A_460 : i32
    %scan3A_462 = arith.constant 1 : i32
    %scan3A_463 = scf.for %scan3A_552 = %scan3A_459 to %scan3A_461 step %scan3A_462 iter_args(%scan3A_553 = %scan3A_458) -> (i32)  : i32 {
      %mul3A_554 = arith.constant 6 : i32
      %mul3A_555 = arith.muli %mul3A_554, %scan3A_552 : i32
      %add3A_556 = arith.constant 0 : i32
      %add3A_557 = arith.addi %mul3A_555, %add3A_556 : i32
      %dma_wait3A_558 = arith.constant 0 : i32
      %dma_wait3A_559 = tpu.memref_slice %arg6[%add3A_557, %dma_wait3A_558] : memref<64x40xi32, #tpu.memory_space<vmem>> -> memref<1x40xi32, #tpu.memory_space<vmem>>
      %dma_wait3A_560 = tpu.memref_squeeze %dma_wait3A_559 : memref<1x40xi32, #tpu.memory_space<vmem>> -> memref<40xi32, #tpu.memory_space<vmem>>
      %dma_wait3A_561 = arith.constant 0 : i32
      %dma_wait3A_562 = arith.constant 0 : i32
      %dma_wait3A_563 = tpu.memref_slice %arg2[%dma_wait3A_561, %dma_wait3A_562] : memref<10000x128xf32, #tpu.memory_space<hbm>> -> memref<10000x128xf32, #tpu.memory_space<hbm>>
      tpu.wait_indirect_dma semaphore(%arg15 : memref<!tpu.dma_semaphore, #tpu.memory_space<semaphore_mem>>) src(%dma_wait3A_563 : memref<10000x128xf32, #tpu.memory_space<hbm>>) dst(%arg8 : memref<40x128xf32, #tpu.memory_space<vmem>>)
      %add3A_564 = arith.constant 0 : i32
      %add3A_565 = arith.addi %mul3A_555, %add3A_564 : i32
      %dma_start3A_566 = arith.constant 0 : i32
      %dma_start3A_567 = tpu.memref_slice %arg7[%add3A_565, %dma_start3A_566] : memref<64x40xi32, #tpu.memory_space<vmem>> -> memref<1x40xi32, #tpu.memory_space<vmem>>
      %dma_start3A_568 = tpu.memref_squeeze %dma_start3A_567 : memref<1x40xi32, #tpu.memory_space<vmem>> -> memref<40xi32, #tpu.memory_space<vmem>>
      %dma_start3A_569 = arith.constant 0 : i32
      %dma_start3A_570 = arith.constant 0 : i32
      %dma_start3A_571 = tpu.memref_slice %arg14[%dma_start3A_569, %dma_start3A_570] : memref<10000x128xf32, #tpu.memory_space<vmem_shared>> -> memref<10000x128xf32, #tpu.memory_space<vmem_shared>>
      tpu.enqueue_indirect_dma source(%arg8 : memref<40x128xf32, #tpu.memory_space<vmem>>) target(%dma_start3A_571 : memref<10000x128xf32, #tpu.memory_space<vmem_shared>>) offsets(%dma_start3A_568 : memref<40xi32, #tpu.memory_space<vmem>>) semaphore(%arg21 : memref<!tpu.dma_semaphore, #tpu.memory_space<semaphore_mem>>) {add = true}
      %add3A_572 = arith.constant 1 : i32
      %add3A_573 = arith.addi %mul3A_555, %add3A_572 : i32
      %dma_wait3A_574 = arith.constant 0 : i32
      %dma_wait3A_575 = tpu.memref_slice %arg6[%add3A_573, %dma_wait3A_574] : memref<64x40xi32, #tpu.memory_space<vmem>> -> memref<1x40xi32, #tpu.memory_space<vmem>>
      %dma_wait3A_576 = tpu.memref_squeeze %dma_wait3A_575 : memref<1x40xi32, #tpu.memory_space<vmem>> -> memref<40xi32, #tpu.memory_space<vmem>>
      %dma_wait3A_577 = arith.constant 0 : i32
      %dma_wait3A_578 = arith.constant 0 : i32
      %dma_wait3A_579 = tpu.memref_slice %arg2[%dma_wait3A_577, %dma_wait3A_578] : memref<10000x128xf32, #tpu.memory_space<hbm>> -> memref<10000x128xf32, #tpu.memory_space<hbm>>
      tpu.wait_indirect_dma semaphore(%arg16 : memref<!tpu.dma_semaphore, #tpu.memory_space<semaphore_mem>>) src(%dma_wait3A_579 : memref<10000x128xf32, #tpu.memory_space<hbm>>) dst(%arg9 : memref<40x128xf32, #tpu.memory_space<vmem>>)
      %add3A_580 = arith.constant 1 : i32
      %add3A_581 = arith.addi %mul3A_555, %add3A_580 : i32
      %dma_start3A_582 = arith.constant 0 : i32
      %dma_start3A_583 = tpu.memref_slice %arg7[%add3A_581, %dma_start3A_582] : memref<64x40xi32, #tpu.memory_space<vmem>> -> memref<1x40xi32, #tpu.memory_space<vmem>>
      %dma_start3A_584 = tpu.memref_squeeze %dma_start3A_583 : memref<1x40xi32, #tpu.memory_space<vmem>> -> memref<40xi32, #tpu.memory_space<vmem>>
      %dma_start3A_585 = arith.constant 0 : i32
      %dma_start3A_586 = arith.constant 0 : i32
      %dma_start3A_587 = tpu.memref_slice %arg14[%dma_start3A_585, %dma_start3A_586] : memref<10000x128xf32, #tpu.memory_space<vmem_shared>> -> memref<10000x128xf32, #tpu.memory_space<vmem_shared>>
      tpu.enqueue_indirect_dma source(%arg9 : memref<40x128xf32, #tpu.memory_space<vmem>>) target(%dma_start3A_587 : memref<10000x128xf32, #tpu.memory_space<vmem_shared>>) offsets(%dma_start3A_584 : memref<40xi32, #tpu.memory_space<vmem>>) semaphore(%arg22 : memref<!tpu.dma_semaphore, #tpu.memory_space<semaphore_mem>>) {add = true}
      %add3A_588 = arith.constant 2 : i32
      %add3A_589 = arith.addi %mul3A_555, %add3A_588 : i32
      %dma_wait3A_590 = arith.constant 0 : i32
      %dma_wait3A_591 = tpu.memref_slice %arg6[%add3A_589, %dma_wait3A_590] : memref<64x40xi32, #tpu.memory_space<vmem>> -> memref<1x40xi32, #tpu.memory_space<vmem>>
      %dma_wait3A_592 = tpu.memref_squeeze %dma_wait3A_591 : memref<1x40xi32, #tpu.memory_space<vmem>> -> memref<40xi32, #tpu.memory_space<vmem>>
      %dma_wait3A_593 = arith.constant 0 : i32
      %dma_wait3A_594 = arith.constant 0 : i32
      %dma_wait3A_595 = tpu.memref_slice %arg2[%dma_wait3A_593, %dma_wait3A_594] : memref<10000x128xf32, #tpu.memory_space<hbm>> -> memref<10000x128xf32, #tpu.memory_space<hbm>>
      tpu.wait_indirect_dma semaphore(%arg17 : memref<!tpu.dma_semaphore, #tpu.memory_space<semaphore_mem>>) src(%dma_wait3A_595 : memref<10000x128xf32, #tpu.memory_space<hbm>>) dst(%arg10 : memref<40x128xf32, #tpu.memory_space<vmem>>)
      %add3A_596 = arith.constant 2 : i32
      %add3A_597 = arith.addi %mul3A_555, %add3A_596 : i32
      %dma_start3A_598 = arith.constant 0 : i32
      %dma_start3A_599 = tpu.memref_slice %arg7[%add3A_597, %dma_start3A_598] : memref<64x40xi32, #tpu.memory_space<vmem>> -> memref<1x40xi32, #tpu.memory_space<vmem>>
      %dma_start3A_600 = tpu.memref_squeeze %dma_start3A_599 : memref<1x40xi32, #tpu.memory_space<vmem>> -> memref<40xi32, #tpu.memory_space<vmem>>
      %dma_start3A_601 = arith.constant 0 : i32
      %dma_start3A_602 = arith.constant 0 : i32
      %dma_start3A_603 = tpu.memref_slice %arg14[%dma_start3A_601, %dma_start3A_602] : memref<10000x128xf32, #tpu.memory_space<vmem_shared>> -> memref<10000x128xf32, #tpu.memory_space<vmem_shared>>
      tpu.enqueue_indirect_dma source(%arg10 : memref<40x128xf32, #tpu.memory_space<vmem>>) target(%dma_start3A_603 : memref<10000x128xf32, #tpu.memory_space<vmem_shared>>) offsets(%dma_start3A_600 : memref<40xi32, #tpu.memory_space<vmem>>) semaphore(%arg23 : memref<!tpu.dma_semaphore, #tpu.memory_space<semaphore_mem>>) {add = true}
      %add3A_604 = arith.constant 3 : i32
      %add3A_605 = arith.addi %mul3A_555, %add3A_604 : i32
      %dma_wait3A_606 = arith.constant 0 : i32
      %dma_wait3A_607 = tpu.memref_slice %arg6[%add3A_605, %dma_wait3A_606] : memref<64x40xi32, #tpu.memory_space<vmem>> -> memref<1x40xi32, #tpu.memory_space<vmem>>
      %dma_wait3A_608 = tpu.memref_squeeze %dma_wait3A_607 : memref<1x40xi32, #tpu.memory_space<vmem>> -> memref<40xi32, #tpu.memory_space<vmem>>
      %dma_wait3A_609 = arith.constant 0 : i32
      %dma_wait3A_610 = arith.constant 0 : i32
      %dma_wait3A_611 = tpu.memref_slice %arg2[%dma_wait3A_609, %dma_wait3A_610] : memref<10000x128xf32, #tpu.memory_space<hbm>> -> memref<10000x128xf32, #tpu.memory_space<hbm>>
      tpu.wait_indirect_dma semaphore(%arg18 : memref<!tpu.dma_semaphore, #tpu.memory_space<semaphore_mem>>) src(%dma_wait3A_611 : memref<10000x128xf32, #tpu.memory_space<hbm>>) dst(%arg11 : memref<40x128xf32, #tpu.memory_space<vmem>>)
      %add3A_612 = arith.constant 3 : i32
      %add3A_613 = arith.addi %mul3A_555, %add3A_612 : i32
      %dma_start3A_614 = arith.constant 0 : i32
      %dma_start3A_615 = tpu.memref_slice %arg7[%add3A_613, %dma_start3A_614] : memref<64x40xi32, #tpu.memory_space<vmem>> -> memref<1x40xi32, #tpu.memory_space<vmem>>
      %dma_start3A_616 = tpu.memref_squeeze %dma_start3A_615 : memref<1x40xi32, #tpu.memory_space<vmem>> -> memref<40xi32, #tpu.memory_space<vmem>>
      %dma_start3A_617 = arith.constant 0 : i32
      %dma_start3A_618 = arith.constant 0 : i32
      %dma_start3A_619 = tpu.memref_slice %arg14[%dma_start3A_617, %dma_start3A_618] : memref<10000x128xf32, #tpu.memory_space<vmem_shared>> -> memref<10000x128xf32, #tpu.memory_space<vmem_shared>>
      tpu.enqueue_indirect_dma source(%arg11 : memref<40x128xf32, #tpu.memory_space<vmem>>) target(%dma_start3A_619 : memref<10000x128xf32, #tpu.memory_space<vmem_shared>>) offsets(%dma_start3A_616 : memref<40xi32, #tpu.memory_space<vmem>>) semaphore(%arg24 : memref<!tpu.dma_semaphore, #tpu.memory_space<semaphore_mem>>) {add = true}
      %add3A_620 = arith.constant 4 : i32
      %add3A_621 = arith.addi %mul3A_555, %add3A_620 : i32
      %dma_wait3A_622 = arith.constant 0 : i32
      %dma_wait3A_623 = tpu.memref_slice %arg6[%add3A_621, %dma_wait3A_622] : memref<64x40xi32, #tpu.memory_space<vmem>> -> memref<1x40xi32, #tpu.memory_space<vmem>>
      %dma_wait3A_624 = tpu.memref_squeeze %dma_wait3A_623 : memref<1x40xi32, #tpu.memory_space<vmem>> -> memref<40xi32, #tpu.memory_space<vmem>>
      %dma_wait3A_625 = arith.constant 0 : i32
      %dma_wait3A_626 = arith.constant 0 : i32
      %dma_wait3A_627 = tpu.memref_slice %arg2[%dma_wait3A_625, %dma_wait3A_626] : memref<10000x128xf32, #tpu.memory_space<hbm>> -> memref<10000x128xf32, #tpu.memory_space<hbm>>
      tpu.wait_indirect_dma semaphore(%arg19 : memref<!tpu.dma_semaphore, #tpu.memory_space<semaphore_mem>>) src(%dma_wait3A_627 : memref<10000x128xf32, #tpu.memory_space<hbm>>) dst(%arg12 : memref<40x128xf32, #tpu.memory_space<vmem>>)
      %add3A_628 = arith.constant 4 : i32
      %add3A_629 = arith.addi %mul3A_555, %add3A_628 : i32
      %dma_start3A_630 = arith.constant 0 : i32
      %dma_start3A_631 = tpu.memref_slice %arg7[%add3A_629, %dma_start3A_630] : memref<64x40xi32, #tpu.memory_space<vmem>> -> memref<1x40xi32, #tpu.memory_space<vmem>>
      %dma_start3A_632 = tpu.memref_squeeze %dma_start3A_631 : memref<1x40xi32, #tpu.memory_space<vmem>> -> memref<40xi32, #tpu.memory_space<vmem>>
      %dma_start3A_633 = arith.constant 0 : i32
      %dma_start3A_634 = arith.constant 0 : i32
      %dma_start3A_635 = tpu.memref_slice %arg14[%dma_start3A_633, %dma_start3A_634] : memref<10000x128xf32, #tpu.memory_space<vmem_shared>> -> memref<10000x128xf32, #tpu.memory_space<vmem_shared>>
      tpu.enqueue_indirect_dma source(%arg12 : memref<40x128xf32, #tpu.memory_space<vmem>>) target(%dma_start3A_635 : memref<10000x128xf32, #tpu.memory_space<vmem_shared>>) offsets(%dma_start3A_632 : memref<40xi32, #tpu.memory_space<vmem>>) semaphore(%arg25 : memref<!tpu.dma_semaphore, #tpu.memory_space<semaphore_mem>>) {add = true}
      %add3A_636 = arith.constant 5 : i32
      %add3A_637 = arith.addi %mul3A_555, %add3A_636 : i32
      %dma_wait3A_638 = arith.constant 0 : i32
      %dma_wait3A_639 = tpu.memref_slice %arg6[%add3A_637, %dma_wait3A_638] : memref<64x40xi32, #tpu.memory_space<vmem>> -> memref<1x40xi32, #tpu.memory_space<vmem>>
      %dma_wait3A_640 = tpu.memref_squeeze %dma_wait3A_639 : memref<1x40xi32, #tpu.memory_space<vmem>> -> memref<40xi32, #tpu.memory_space<vmem>>
      %dma_wait3A_641 = arith.constant 0 : i32
      %dma_wait3A_642 = arith.constant 0 : i32
      %dma_wait3A_643 = tpu.memref_slice %arg2[%dma_wait3A_641, %dma_wait3A_642] : memref<10000x128xf32, #tpu.memory_space<hbm>> -> memref<10000x128xf32, #tpu.memory_space<hbm>>
      tpu.wait_indirect_dma semaphore(%arg20 : memref<!tpu.dma_semaphore, #tpu.memory_space<semaphore_mem>>) src(%dma_wait3A_643 : memref<10000x128xf32, #tpu.memory_space<hbm>>) dst(%arg13 : memref<40x128xf32, #tpu.memory_space<vmem>>)
      %add3A_644 = arith.constant 5 : i32
      %add3A_645 = arith.addi %mul3A_555, %add3A_644 : i32
      %dma_start3A_646 = arith.constant 0 : i32
      %dma_start3A_647 = tpu.memref_slice %arg7[%add3A_645, %dma_start3A_646] : memref<64x40xi32, #tpu.memory_space<vmem>> -> memref<1x40xi32, #tpu.memory_space<vmem>>
      %dma_start3A_648 = tpu.memref_squeeze %dma_start3A_647 : memref<1x40xi32, #tpu.memory_space<vmem>> -> memref<40xi32, #tpu.memory_space<vmem>>
      %dma_start3A_649 = arith.constant 0 : i32
      %dma_start3A_650 = arith.constant 0 : i32
      %dma_start3A_651 = tpu.memref_slice %arg14[%dma_start3A_649, %dma_start3A_650] : memref<10000x128xf32, #tpu.memory_space<vmem_shared>> -> memref<10000x128xf32, #tpu.memory_space<vmem_shared>>
      tpu.enqueue_indirect_dma source(%arg13 : memref<40x128xf32, #tpu.memory_space<vmem>>) target(%dma_start3A_651 : memref<10000x128xf32, #tpu.memory_space<vmem_shared>>) offsets(%dma_start3A_648 : memref<40xi32, #tpu.memory_space<vmem>>) semaphore(%arg26 : memref<!tpu.dma_semaphore, #tpu.memory_space<semaphore_mem>>) {add = true}
      %add3A_652 = arith.constant 0 : i32
      %add3A_653 = arith.addi %mul3A_555, %add3A_652 : i32
      %dma_wait3A_654 = arith.constant 0 : i32
      %dma_wait3A_655 = tpu.memref_slice %arg7[%add3A_653, %dma_wait3A_654] : memref<64x40xi32, #tpu.memory_space<vmem>> -> memref<1x40xi32, #tpu.memory_space<vmem>>
      %dma_wait3A_656 = tpu.memref_squeeze %dma_wait3A_655 : memref<1x40xi32, #tpu.memory_space<vmem>> -> memref<40xi32, #tpu.memory_space<vmem>>
      %dma_wait3A_657 = arith.constant 0 : i32
      %dma_wait3A_658 = arith.constant 0 : i32
      %dma_wait3A_659 = tpu.memref_slice %arg14[%dma_wait3A_657, %dma_wait3A_658] : memref<10000x128xf32, #tpu.memory_space<vmem_shared>> -> memref<10000x128xf32, #tpu.memory_space<vmem_shared>>
      tpu.wait_indirect_dma semaphore(%arg21 : memref<!tpu.dma_semaphore, #tpu.memory_space<semaphore_mem>>) src(%arg8 : memref<40x128xf32, #tpu.memory_space<vmem>>) dst(%dma_wait3A_659 : memref<10000x128xf32, #tpu.memory_space<vmem_shared>>)
      %add3A_660 = arith.constant 6 : i32
      %add3A_661 = arith.addi %mul3A_555, %add3A_660 : i32
      %add3A_662 = arith.constant 0 : i32
      %add3A_663 = arith.addi %add3A_661, %add3A_662 : i32
      %lt3A = arith.constant 58 : i32
      %lt3A_664 = arith.cmpi slt, %add3A_663, %lt3A : i32
      %convert_element_type3A = arith.extui %lt3A_664 : i1 to i32
      %cond3A = arith.constant 0 : i32
      %cond3A_665 = arith.cmpi ne, %convert_element_type3A, %cond3A : i32
      scf.if %cond3A_665 {
        %add3A_752 = arith.constant 6 : i32
        %add3A_753 = arith.addi %mul3A_555, %add3A_752 : i32
        %add3A_754 = arith.constant 0 : i32
        %add3A_755 = arith.addi %add3A_753, %add3A_754 : i32
        %dma_start3A_756 = arith.constant 0 : i32
        %dma_start3A_757 = tpu.memref_slice %arg6[%add3A_755, %dma_start3A_756] : memref<64x40xi32, #tpu.memory_space<vmem>> -> memref<1x40xi32, #tpu.memory_space<vmem>>
        %dma_start3A_758 = tpu.memref_squeeze %dma_start3A_757 : memref<1x40xi32, #tpu.memory_space<vmem>> -> memref<40xi32, #tpu.memory_space<vmem>>
        %dma_start3A_759 = arith.constant 0 : i32
        %dma_start3A_760 = arith.constant 0 : i32
        %dma_start3A_761 = tpu.memref_slice %arg2[%dma_start3A_759, %dma_start3A_760] : memref<10000x128xf32, #tpu.memory_space<hbm>> -> memref<10000x128xf32, #tpu.memory_space<hbm>>
        tpu.enqueue_indirect_dma source(%dma_start3A_761 : memref<10000x128xf32, #tpu.memory_space<hbm>>) target(%arg8 : memref<40x128xf32, #tpu.memory_space<vmem>>) offsets(%dma_start3A_758 : memref<40xi32, #tpu.memory_space<vmem>>) semaphore(%arg15 : memref<!tpu.dma_semaphore, #tpu.memory_space<semaphore_mem>>)
      } else {
      }
      %add3A_666 = arith.constant 1 : i32
      %add3A_667 = arith.addi %mul3A_555, %add3A_666 : i32
      %dma_wait3A_668 = arith.constant 0 : i32
      %dma_wait3A_669 = tpu.memref_slice %arg7[%add3A_667, %dma_wait3A_668] : memref<64x40xi32, #tpu.memory_space<vmem>> -> memref<1x40xi32, #tpu.memory_space<vmem>>
      %dma_wait3A_670 = tpu.memref_squeeze %dma_wait3A_669 : memref<1x40xi32, #tpu.memory_space<vmem>> -> memref<40xi32, #tpu.memory_space<vmem>>
      %dma_wait3A_671 = arith.constant 0 : i32
      %dma_wait3A_672 = arith.constant 0 : i32
      %dma_wait3A_673 = tpu.memref_slice %arg14[%dma_wait3A_671, %dma_wait3A_672] : memref<10000x128xf32, #tpu.memory_space<vmem_shared>> -> memref<10000x128xf32, #tpu.memory_space<vmem_shared>>
      tpu.wait_indirect_dma semaphore(%arg22 : memref<!tpu.dma_semaphore, #tpu.memory_space<semaphore_mem>>) src(%arg9 : memref<40x128xf32, #tpu.memory_space<vmem>>) dst(%dma_wait3A_673 : memref<10000x128xf32, #tpu.memory_space<vmem_shared>>)
      %add3A_674 = arith.constant 6 : i32
      %add3A_675 = arith.addi %mul3A_555, %add3A_674 : i32
      %add3A_676 = arith.constant 1 : i32
      %add3A_677 = arith.addi %add3A_675, %add3A_676 : i32
      %lt3A_678 = arith.constant 58 : i32
      %lt3A_679 = arith.cmpi slt, %add3A_677, %lt3A_678 : i32
      %convert_element_type3A_680 = arith.extui %lt3A_679 : i1 to i32
      %cond3A_681 = arith.constant 0 : i32
      %cond3A_682 = arith.cmpi ne, %convert_element_type3A_680, %cond3A_681 : i32
      scf.if %cond3A_682 {
        %add3A_752 = arith.constant 6 : i32
        %add3A_753 = arith.addi %mul3A_555, %add3A_752 : i32
        %add3A_754 = arith.constant 1 : i32
        %add3A_755 = arith.addi %add3A_753, %add3A_754 : i32
        %dma_start3A_756 = arith.constant 0 : i32
        %dma_start3A_757 = tpu.memref_slice %arg6[%add3A_755, %dma_start3A_756] : memref<64x40xi32, #tpu.memory_space<vmem>> -> memref<1x40xi32, #tpu.memory_space<vmem>>
        %dma_start3A_758 = tpu.memref_squeeze %dma_start3A_757 : memref<1x40xi32, #tpu.memory_space<vmem>> -> memref<40xi32, #tpu.memory_space<vmem>>
        %dma_start3A_759 = arith.constant 0 : i32
        %dma_start3A_760 = arith.constant 0 : i32
        %dma_start3A_761 = tpu.memref_slice %arg2[%dma_start3A_759, %dma_start3A_760] : memref<10000x128xf32, #tpu.memory_space<hbm>> -> memref<10000x128xf32, #tpu.memory_space<hbm>>
        tpu.enqueue_indirect_dma source(%dma_start3A_761 : memref<10000x128xf32, #tpu.memory_space<hbm>>) target(%arg9 : memref<40x128xf32, #tpu.memory_space<vmem>>) offsets(%dma_start3A_758 : memref<40xi32, #tpu.memory_space<vmem>>) semaphore(%arg16 : memref<!tpu.dma_semaphore, #tpu.memory_space<semaphore_mem>>)
      } else {
      }
      %add3A_683 = arith.constant 2 : i32
      %add3A_684 = arith.addi %mul3A_555, %add3A_683 : i32
      %dma_wait3A_685 = arith.constant 0 : i32
      %dma_wait3A_686 = tpu.memref_slice %arg7[%add3A_684, %dma_wait3A_685] : memref<64x40xi32, #tpu.memory_space<vmem>> -> memref<1x40xi32, #tpu.memory_space<vmem>>
      %dma_wait3A_687 = tpu.memref_squeeze %dma_wait3A_686 : memref<1x40xi32, #tpu.memory_space<vmem>> -> memref<40xi32, #tpu.memory_space<vmem>>
      %dma_wait3A_688 = arith.constant 0 : i32
      %dma_wait3A_689 = arith.constant 0 : i32
      %dma_wait3A_690 = tpu.memref_slice %arg14[%dma_wait3A_688, %dma_wait3A_689] : memref<10000x128xf32, #tpu.memory_space<vmem_shared>> -> memref<10000x128xf32, #tpu.memory_space<vmem_shared>>
      tpu.wait_indirect_dma semaphore(%arg23 : memref<!tpu.dma_semaphore, #tpu.memory_space<semaphore_mem>>) src(%arg10 : memref<40x128xf32, #tpu.memory_space<vmem>>) dst(%dma_wait3A_690 : memref<10000x128xf32, #tpu.memory_space<vmem_shared>>)
      %add3A_691 = arith.constant 6 : i32
      %add3A_692 = arith.addi %mul3A_555, %add3A_691 : i32
      %add3A_693 = arith.constant 2 : i32
      %add3A_694 = arith.addi %add3A_692, %add3A_693 : i32
      %lt3A_695 = arith.constant 58 : i32
      %lt3A_696 = arith.cmpi slt, %add3A_694, %lt3A_695 : i32
      %convert_element_type3A_697 = arith.extui %lt3A_696 : i1 to i32
      %cond3A_698 = arith.constant 0 : i32
      %cond3A_699 = arith.cmpi ne, %convert_element_type3A_697, %cond3A_698 : i32
      scf.if %cond3A_699 {
        %add3A_752 = arith.constant 6 : i32
        %add3A_753 = arith.addi %mul3A_555, %add3A_752 : i32
        %add3A_754 = arith.constant 2 : i32
        %add3A_755 = arith.addi %add3A_753, %add3A_754 : i32
        %dma_start3A_756 = arith.constant 0 : i32
        %dma_start3A_757 = tpu.memref_slice %arg6[%add3A_755, %dma_start3A_756] : memref<64x40xi32, #tpu.memory_space<vmem>> -> memref<1x40xi32, #tpu.memory_space<vmem>>
        %dma_start3A_758 = tpu.memref_squeeze %dma_start3A_757 : memref<1x40xi32, #tpu.memory_space<vmem>> -> memref<40xi32, #tpu.memory_space<vmem>>
        %dma_start3A_759 = arith.constant 0 : i32
        %dma_start3A_760 = arith.constant 0 : i32
        %dma_start3A_761 = tpu.memref_slice %arg2[%dma_start3A_759, %dma_start3A_760] : memref<10000x128xf32, #tpu.memory_space<hbm>> -> memref<10000x128xf32, #tpu.memory_space<hbm>>
        tpu.enqueue_indirect_dma source(%dma_start3A_761 : memref<10000x128xf32, #tpu.memory_space<hbm>>) target(%arg10 : memref<40x128xf32, #tpu.memory_space<vmem>>) offsets(%dma_start3A_758 : memref<40xi32, #tpu.memory_space<vmem>>) semaphore(%arg17 : memref<!tpu.dma_semaphore, #tpu.memory_space<semaphore_mem>>)
      } else {
      }
      %add3A_700 = arith.constant 3 : i32
      %add3A_701 = arith.addi %mul3A_555, %add3A_700 : i32
      %dma_wait3A_702 = arith.constant 0 : i32
      %dma_wait3A_703 = tpu.memref_slice %arg7[%add3A_701, %dma_wait3A_702] : memref<64x40xi32, #tpu.memory_space<vmem>> -> memref<1x40xi32, #tpu.memory_space<vmem>>
      %dma_wait3A_704 = tpu.memref_squeeze %dma_wait3A_703 : memref<1x40xi32, #tpu.memory_space<vmem>> -> memref<40xi32, #tpu.memory_space<vmem>>
      %dma_wait3A_705 = arith.constant 0 : i32
      %dma_wait3A_706 = arith.constant 0 : i32
      %dma_wait3A_707 = tpu.memref_slice %arg14[%dma_wait3A_705, %dma_wait3A_706] : memref<10000x128xf32, #tpu.memory_space<vmem_shared>> -> memref<10000x128xf32, #tpu.memory_space<vmem_shared>>
      tpu.wait_indirect_dma semaphore(%arg24 : memref<!tpu.dma_semaphore, #tpu.memory_space<semaphore_mem>>) src(%arg11 : memref<40x128xf32, #tpu.memory_space<vmem>>) dst(%dma_wait3A_707 : memref<10000x128xf32, #tpu.memory_space<vmem_shared>>)
      %add3A_708 = arith.constant 6 : i32
      %add3A_709 = arith.addi %mul3A_555, %add3A_708 : i32
      %add3A_710 = arith.constant 3 : i32
      %add3A_711 = arith.addi %add3A_709, %add3A_710 : i32
      %lt3A_712 = arith.constant 58 : i32
      %lt3A_713 = arith.cmpi slt, %add3A_711, %lt3A_712 : i32
      %convert_element_type3A_714 = arith.extui %lt3A_713 : i1 to i32
      %cond3A_715 = arith.constant 0 : i32
      %cond3A_716 = arith.cmpi ne, %convert_element_type3A_714, %cond3A_715 : i32
      scf.if %cond3A_716 {
        %add3A_752 = arith.constant 6 : i32
        %add3A_753 = arith.addi %mul3A_555, %add3A_752 : i32
        %add3A_754 = arith.constant 3 : i32
        %add3A_755 = arith.addi %add3A_753, %add3A_754 : i32
        %dma_start3A_756 = arith.constant 0 : i32
        %dma_start3A_757 = tpu.memref_slice %arg6[%add3A_755, %dma_start3A_756] : memref<64x40xi32, #tpu.memory_space<vmem>> -> memref<1x40xi32, #tpu.memory_space<vmem>>
        %dma_start3A_758 = tpu.memref_squeeze %dma_start3A_757 : memref<1x40xi32, #tpu.memory_space<vmem>> -> memref<40xi32, #tpu.memory_space<vmem>>
        %dma_start3A_759 = arith.constant 0 : i32
        %dma_start3A_760 = arith.constant 0 : i32
        %dma_start3A_761 = tpu.memref_slice %arg2[%dma_start3A_759, %dma_start3A_760] : memref<10000x128xf32, #tpu.memory_space<hbm>> -> memref<10000x128xf32, #tpu.memory_space<hbm>>
        tpu.enqueue_indirect_dma source(%dma_start3A_761 : memref<10000x128xf32, #tpu.memory_space<hbm>>) target(%arg11 : memref<40x128xf32, #tpu.memory_space<vmem>>) offsets(%dma_start3A_758 : memref<40xi32, #tpu.memory_space<vmem>>) semaphore(%arg18 : memref<!tpu.dma_semaphore, #tpu.memory_space<semaphore_mem>>)
      } else {
      }
      %add3A_717 = arith.constant 4 : i32
      %add3A_718 = arith.addi %mul3A_555, %add3A_717 : i32
      %dma_wait3A_719 = arith.constant 0 : i32
      %dma_wait3A_720 = tpu.memref_slice %arg7[%add3A_718, %dma_wait3A_719] : memref<64x40xi32, #tpu.memory_space<vmem>> -> memref<1x40xi32, #tpu.memory_space<vmem>>
      %dma_wait3A_721 = tpu.memref_squeeze %dma_wait3A_720 : memref<1x40xi32, #tpu.memory_space<vmem>> -> memref<40xi32, #tpu.memory_space<vmem>>
      %dma_wait3A_722 = arith.constant 0 : i32
      %dma_wait3A_723 = arith.constant 0 : i32
      %dma_wait3A_724 = tpu.memref_slice %arg14[%dma_wait3A_722, %dma_wait3A_723] : memref<10000x128xf32, #tpu.memory_space<vmem_shared>> -> memref<10000x128xf32, #tpu.memory_space<vmem_shared>>
      tpu.wait_indirect_dma semaphore(%arg25 : memref<!tpu.dma_semaphore, #tpu.memory_space<semaphore_mem>>) src(%arg12 : memref<40x128xf32, #tpu.memory_space<vmem>>) dst(%dma_wait3A_724 : memref<10000x128xf32, #tpu.memory_space<vmem_shared>>)
      %add3A_725 = arith.constant 6 : i32
      %add3A_726 = arith.addi %mul3A_555, %add3A_725 : i32
      %add3A_727 = arith.constant 4 : i32
      %add3A_728 = arith.addi %add3A_726, %add3A_727 : i32
      %lt3A_729 = arith.constant 58 : i32
      %lt3A_730 = arith.cmpi slt, %add3A_728, %lt3A_729 : i32
      %convert_element_type3A_731 = arith.extui %lt3A_730 : i1 to i32
      %cond3A_732 = arith.constant 0 : i32
      %cond3A_733 = arith.cmpi ne, %convert_element_type3A_731, %cond3A_732 : i32
      scf.if %cond3A_733 {
        %add3A_752 = arith.constant 6 : i32
        %add3A_753 = arith.addi %mul3A_555, %add3A_752 : i32
        %add3A_754 = arith.constant 4 : i32
        %add3A_755 = arith.addi %add3A_753, %add3A_754 : i32
        %dma_start3A_756 = arith.constant 0 : i32
        %dma_start3A_757 = tpu.memref_slice %arg6[%add3A_755, %dma_start3A_756] : memref<64x40xi32, #tpu.memory_space<vmem>> -> memref<1x40xi32, #tpu.memory_space<vmem>>
        %dma_start3A_758 = tpu.memref_squeeze %dma_start3A_757 : memref<1x40xi32, #tpu.memory_space<vmem>> -> memref<40xi32, #tpu.memory_space<vmem>>
        %dma_start3A_759 = arith.constant 0 : i32
        %dma_start3A_760 = arith.constant 0 : i32
        %dma_start3A_761 = tpu.memref_slice %arg2[%dma_start3A_759, %dma_start3A_760] : memref<10000x128xf32, #tpu.memory_space<hbm>> -> memref<10000x128xf32, #tpu.memory_space<hbm>>
        tpu.enqueue_indirect_dma source(%dma_start3A_761 : memref<10000x128xf32, #tpu.memory_space<hbm>>) target(%arg12 : memref<40x128xf32, #tpu.memory_space<vmem>>) offsets(%dma_start3A_758 : memref<40xi32, #tpu.memory_space<vmem>>) semaphore(%arg19 : memref<!tpu.dma_semaphore, #tpu.memory_space<semaphore_mem>>)
      } else {
      }
      %add3A_734 = arith.constant 5 : i32
      %add3A_735 = arith.addi %mul3A_555, %add3A_734 : i32
      %dma_wait3A_736 = arith.constant 0 : i32
      %dma_wait3A_737 = tpu.memref_slice %arg7[%add3A_735, %dma_wait3A_736] : memref<64x40xi32, #tpu.memory_space<vmem>> -> memref<1x40xi32, #tpu.memory_space<vmem>>
      %dma_wait3A_738 = tpu.memref_squeeze %dma_wait3A_737 : memref<1x40xi32, #tpu.memory_space<vmem>> -> memref<40xi32, #tpu.memory_space<vmem>>
      %dma_wait3A_739 = arith.constant 0 : i32
      %dma_wait3A_740 = arith.constant 0 : i32
      %dma_wait3A_741 = tpu.memref_slice %arg14[%dma_wait3A_739, %dma_wait3A_740] : memref<10000x128xf32, #tpu.memory_space<vmem_shared>> -> memref<10000x128xf32, #tpu.memory_space<vmem_shared>>
      tpu.wait_indirect_dma semaphore(%arg26 : memref<!tpu.dma_semaphore, #tpu.memory_space<semaphore_mem>>) src(%arg13 : memref<40x128xf32, #tpu.memory_space<vmem>>) dst(%dma_wait3A_741 : memref<10000x128xf32, #tpu.memory_space<vmem_shared>>)
      %add3A_742 = arith.constant 6 : i32
      %add3A_743 = arith.addi %mul3A_555, %add3A_742 : i32
      %add3A_744 = arith.constant 5 : i32
      %add3A_745 = arith.addi %add3A_743, %add3A_744 : i32
      %lt3A_746 = arith.constant 58 : i32
      %lt3A_747 = arith.cmpi slt, %add3A_745, %lt3A_746 : i32
      %convert_element_type3A_748 = arith.extui %lt3A_747 : i1 to i32
      %cond3A_749 = arith.constant 0 : i32
      %cond3A_750 = arith.cmpi ne, %convert_element_type3A_748, %cond3A_749 : i32
      scf.if %cond3A_750 {
        %add3A_752 = arith.constant 6 : i32
        %add3A_753 = arith.addi %mul3A_555, %add3A_752 : i32
        %add3A_754 = arith.constant 5 : i32
        %add3A_755 = arith.addi %add3A_753, %add3A_754 : i32
        %dma_start3A_756 = arith.constant 0 : i32
        %dma_start3A_757 = tpu.memref_slice %arg6[%add3A_755, %dma_start3A_756] : memref<64x40xi32, #tpu.memory_space<vmem>> -> memref<1x40xi32, #tpu.memory_space<vmem>>
        %dma_start3A_758 = tpu.memref_squeeze %dma_start3A_757 : memref<1x40xi32, #tpu.memory_space<vmem>> -> memref<40xi32, #tpu.memory_space<vmem>>
        %dma_start3A_759 = arith.constant 0 : i32
        %dma_start3A_760 = arith.constant 0 : i32
        %dma_start3A_761 = tpu.memref_slice %arg2[%dma_start3A_759, %dma_start3A_760] : memref<10000x128xf32, #tpu.memory_space<hbm>> -> memref<10000x128xf32, #tpu.memory_space<hbm>>
        tpu.enqueue_indirect_dma source(%dma_start3A_761 : memref<10000x128xf32, #tpu.memory_space<hbm>>) target(%arg13 : memref<40x128xf32, #tpu.memory_space<vmem>>) offsets(%dma_start3A_758 : memref<40xi32, #tpu.memory_space<vmem>>) semaphore(%arg20 : memref<!tpu.dma_semaphore, #tpu.memory_space<semaphore_mem>>)
      } else {
      }
      %scan3A_751 = arith.constant 0 : i32
      scf.yield %scan3A_751 : i32
    }
    %scan3A_464 = arith.constant 9 : i32
    %dma_wait3A_465 = arith.constant 54 : i32
    %dma_wait3A_466 = arith.constant 0 : i32
    %dma_wait3A_467 = tpu.memref_slice %arg6[%dma_wait3A_465, %dma_wait3A_466] : memref<64x40xi32, #tpu.memory_space<vmem>> -> memref<1x40xi32, #tpu.memory_space<vmem>>
    %dma_wait3A_468 = tpu.memref_squeeze %dma_wait3A_467 : memref<1x40xi32, #tpu.memory_space<vmem>> -> memref<40xi32, #tpu.memory_space<vmem>>
    %dma_wait3A_469 = arith.constant 0 : i32
    %dma_wait3A_470 = arith.constant 0 : i32
    %dma_wait3A_471 = tpu.memref_slice %arg2[%dma_wait3A_469, %dma_wait3A_470] : memref<10000x128xf32, #tpu.memory_space<hbm>> -> memref<10000x128xf32, #tpu.memory_space<hbm>>
    tpu.wait_indirect_dma semaphore(%arg15 : memref<!tpu.dma_semaphore, #tpu.memory_space<semaphore_mem>>) src(%dma_wait3A_471 : memref<10000x128xf32, #tpu.memory_space<hbm>>) dst(%arg8 : memref<40x128xf32, #tpu.memory_space<vmem>>)
    %dma_start3A_472 = arith.constant 54 : i32
    %dma_start3A_473 = arith.constant 0 : i32
    %dma_start3A_474 = tpu.memref_slice %arg7[%dma_start3A_472, %dma_start3A_473] : memref<64x40xi32, #tpu.memory_space<vmem>> -> memref<1x40xi32, #tpu.memory_space<vmem>>
    %dma_start3A_475 = tpu.memref_squeeze %dma_start3A_474 : memref<1x40xi32, #tpu.memory_space<vmem>> -> memref<40xi32, #tpu.memory_space<vmem>>
    %dma_start3A_476 = arith.constant 0 : i32
    %dma_start3A_477 = arith.constant 0 : i32
    %dma_start3A_478 = tpu.memref_slice %arg14[%dma_start3A_476, %dma_start3A_477] : memref<10000x128xf32, #tpu.memory_space<vmem_shared>> -> memref<10000x128xf32, #tpu.memory_space<vmem_shared>>
    tpu.enqueue_indirect_dma source(%arg8 : memref<40x128xf32, #tpu.memory_space<vmem>>) target(%dma_start3A_478 : memref<10000x128xf32, #tpu.memory_space<vmem_shared>>) offsets(%dma_start3A_475 : memref<40xi32, #tpu.memory_space<vmem>>) semaphore(%arg21 : memref<!tpu.dma_semaphore, #tpu.memory_space<semaphore_mem>>) {add = true}
    %dma_wait3A_479 = arith.constant 54 : i32
    %dma_wait3A_480 = arith.constant 0 : i32
    %dma_wait3A_481 = tpu.memref_slice %arg7[%dma_wait3A_479, %dma_wait3A_480] : memref<64x40xi32, #tpu.memory_space<vmem>> -> memref<1x40xi32, #tpu.memory_space<vmem>>
    %dma_wait3A_482 = tpu.memref_squeeze %dma_wait3A_481 : memref<1x40xi32, #tpu.memory_space<vmem>> -> memref<40xi32, #tpu.memory_space<vmem>>
    %dma_wait3A_483 = arith.constant 0 : i32
    %dma_wait3A_484 = arith.constant 0 : i32
    %dma_wait3A_485 = tpu.memref_slice %arg14[%dma_wait3A_483, %dma_wait3A_484] : memref<10000x128xf32, #tpu.memory_space<vmem_shared>> -> memref<10000x128xf32, #tpu.memory_space<vmem_shared>>
    tpu.wait_indirect_dma semaphore(%arg21 : memref<!tpu.dma_semaphore, #tpu.memory_space<semaphore_mem>>) src(%arg8 : memref<40x128xf32, #tpu.memory_space<vmem>>) dst(%dma_wait3A_485 : memref<10000x128xf32, #tpu.memory_space<vmem_shared>>)
    %dma_wait3A_486 = arith.constant 55 : i32
    %dma_wait3A_487 = arith.constant 0 : i32
    %dma_wait3A_488 = tpu.memref_slice %arg6[%dma_wait3A_486, %dma_wait3A_487] : memref<64x40xi32, #tpu.memory_space<vmem>> -> memref<1x40xi32, #tpu.memory_space<vmem>>
    %dma_wait3A_489 = tpu.memref_squeeze %dma_wait3A_488 : memref<1x40xi32, #tpu.memory_space<vmem>> -> memref<40xi32, #tpu.memory_space<vmem>>
    %dma_wait3A_490 = arith.constant 0 : i32
    %dma_wait3A_491 = arith.constant 0 : i32
    %dma_wait3A_492 = tpu.memref_slice %arg2[%dma_wait3A_490, %dma_wait3A_491] : memref<10000x128xf32, #tpu.memory_space<hbm>> -> memref<10000x128xf32, #tpu.memory_space<hbm>>
    tpu.wait_indirect_dma semaphore(%arg16 : memref<!tpu.dma_semaphore, #tpu.memory_space<semaphore_mem>>) src(%dma_wait3A_492 : memref<10000x128xf32, #tpu.memory_space<hbm>>) dst(%arg9 : memref<40x128xf32, #tpu.memory_space<vmem>>)
    %dma_start3A_493 = arith.constant 55 : i32
    %dma_start3A_494 = arith.constant 0 : i32
    %dma_start3A_495 = tpu.memref_slice %arg7[%dma_start3A_493, %dma_start3A_494] : memref<64x40xi32, #tpu.memory_space<vmem>> -> memref<1x40xi32, #tpu.memory_space<vmem>>
    %dma_start3A_496 = tpu.memref_squeeze %dma_start3A_495 : memref<1x40xi32, #tpu.memory_space<vmem>> -> memref<40xi32, #tpu.memory_space<vmem>>
    %dma_start3A_497 = arith.constant 0 : i32
    %dma_start3A_498 = arith.constant 0 : i32
    %dma_start3A_499 = tpu.memref_slice %arg14[%dma_start3A_497, %dma_start3A_498] : memref<10000x128xf32, #tpu.memory_space<vmem_shared>> -> memref<10000x128xf32, #tpu.memory_space<vmem_shared>>
    tpu.enqueue_indirect_dma source(%arg9 : memref<40x128xf32, #tpu.memory_space<vmem>>) target(%dma_start3A_499 : memref<10000x128xf32, #tpu.memory_space<vmem_shared>>) offsets(%dma_start3A_496 : memref<40xi32, #tpu.memory_space<vmem>>) semaphore(%arg22 : memref<!tpu.dma_semaphore, #tpu.memory_space<semaphore_mem>>) {add = true}
    %dma_wait3A_500 = arith.constant 55 : i32
    %dma_wait3A_501 = arith.constant 0 : i32
    %dma_wait3A_502 = tpu.memref_slice %arg7[%dma_wait3A_500, %dma_wait3A_501] : memref<64x40xi32, #tpu.memory_space<vmem>> -> memref<1x40xi32, #tpu.memory_space<vmem>>
    %dma_wait3A_503 = tpu.memref_squeeze %dma_wait3A_502 : memref<1x40xi32, #tpu.memory_space<vmem>> -> memref<40xi32, #tpu.memory_space<vmem>>
    %dma_wait3A_504 = arith.constant 0 : i32
    %dma_wait3A_505 = arith.constant 0 : i32
    %dma_wait3A_506 = tpu.memref_slice %arg14[%dma_wait3A_504, %dma_wait3A_505] : memref<10000x128xf32, #tpu.memory_space<vmem_shared>> -> memref<10000x128xf32, #tpu.memory_space<vmem_shared>>
    tpu.wait_indirect_dma semaphore(%arg22 : memref<!tpu.dma_semaphore, #tpu.memory_space<semaphore_mem>>) src(%arg9 : memref<40x128xf32, #tpu.memory_space<vmem>>) dst(%dma_wait3A_506 : memref<10000x128xf32, #tpu.memory_space<vmem_shared>>)
    %dma_wait3A_507 = arith.constant 56 : i32
    %dma_wait3A_508 = arith.constant 0 : i32
    %dma_wait3A_509 = tpu.memref_slice %arg6[%dma_wait3A_507, %dma_wait3A_508] : memref<64x40xi32, #tpu.memory_space<vmem>> -> memref<1x40xi32, #tpu.memory_space<vmem>>
    %dma_wait3A_510 = tpu.memref_squeeze %dma_wait3A_509 : memref<1x40xi32, #tpu.memory_space<vmem>> -> memref<40xi32, #tpu.memory_space<vmem>>
    %dma_wait3A_511 = arith.constant 0 : i32
    %dma_wait3A_512 = arith.constant 0 : i32
    %dma_wait3A_513 = tpu.memref_slice %arg2[%dma_wait3A_511, %dma_wait3A_512] : memref<10000x128xf32, #tpu.memory_space<hbm>> -> memref<10000x128xf32, #tpu.memory_space<hbm>>
    tpu.wait_indirect_dma semaphore(%arg17 : memref<!tpu.dma_semaphore, #tpu.memory_space<semaphore_mem>>) src(%dma_wait3A_513 : memref<10000x128xf32, #tpu.memory_space<hbm>>) dst(%arg10 : memref<40x128xf32, #tpu.memory_space<vmem>>)
    %dma_start3A_514 = arith.constant 56 : i32
    %dma_start3A_515 = arith.constant 0 : i32
    %dma_start3A_516 = tpu.memref_slice %arg7[%dma_start3A_514, %dma_start3A_515] : memref<64x40xi32, #tpu.memory_space<vmem>> -> memref<1x40xi32, #tpu.memory_space<vmem>>
    %dma_start3A_517 = tpu.memref_squeeze %dma_start3A_516 : memref<1x40xi32, #tpu.memory_space<vmem>> -> memref<40xi32, #tpu.memory_space<vmem>>
    %dma_start3A_518 = arith.constant 0 : i32
    %dma_start3A_519 = arith.constant 0 : i32
    %dma_start3A_520 = tpu.memref_slice %arg14[%dma_start3A_518, %dma_start3A_519] : memref<10000x128xf32, #tpu.memory_space<vmem_shared>> -> memref<10000x128xf32, #tpu.memory_space<vmem_shared>>
    tpu.enqueue_indirect_dma source(%arg10 : memref<40x128xf32, #tpu.memory_space<vmem>>) target(%dma_start3A_520 : memref<10000x128xf32, #tpu.memory_space<vmem_shared>>) offsets(%dma_start3A_517 : memref<40xi32, #tpu.memory_space<vmem>>) semaphore(%arg23 : memref<!tpu.dma_semaphore, #tpu.memory_space<semaphore_mem>>) {add = true}
    %dma_wait3A_521 = arith.constant 56 : i32
    %dma_wait3A_522 = arith.constant 0 : i32
    %dma_wait3A_523 = tpu.memref_slice %arg7[%dma_wait3A_521, %dma_wait3A_522] : memref<64x40xi32, #tpu.memory_space<vmem>> -> memref<1x40xi32, #tpu.memory_space<vmem>>
    %dma_wait3A_524 = tpu.memref_squeeze %dma_wait3A_523 : memref<1x40xi32, #tpu.memory_space<vmem>> -> memref<40xi32, #tpu.memory_space<vmem>>
    %dma_wait3A_525 = arith.constant 0 : i32
    %dma_wait3A_526 = arith.constant 0 : i32
    %dma_wait3A_527 = tpu.memref_slice %arg14[%dma_wait3A_525, %dma_wait3A_526] : memref<10000x128xf32, #tpu.memory_space<vmem_shared>> -> memref<10000x128xf32, #tpu.memory_space<vmem_shared>>
    tpu.wait_indirect_dma semaphore(%arg23 : memref<!tpu.dma_semaphore, #tpu.memory_space<semaphore_mem>>) src(%arg10 : memref<40x128xf32, #tpu.memory_space<vmem>>) dst(%dma_wait3A_527 : memref<10000x128xf32, #tpu.memory_space<vmem_shared>>)
    %dma_wait3A_528 = arith.constant 57 : i32
    %dma_wait3A_529 = arith.constant 0 : i32
    %dma_wait3A_530 = tpu.memref_slice %arg6[%dma_wait3A_528, %dma_wait3A_529] : memref<64x40xi32, #tpu.memory_space<vmem>> -> memref<1x40xi32, #tpu.memory_space<vmem>>
    %dma_wait3A_531 = tpu.memref_squeeze %dma_wait3A_530 : memref<1x40xi32, #tpu.memory_space<vmem>> -> memref<40xi32, #tpu.memory_space<vmem>>
    %dma_wait3A_532 = arith.constant 0 : i32
    %dma_wait3A_533 = arith.constant 0 : i32
    %dma_wait3A_534 = tpu.memref_slice %arg2[%dma_wait3A_532, %dma_wait3A_533] : memref<10000x128xf32, #tpu.memory_space<hbm>> -> memref<10000x128xf32, #tpu.memory_space<hbm>>
    tpu.wait_indirect_dma semaphore(%arg18 : memref<!tpu.dma_semaphore, #tpu.memory_space<semaphore_mem>>) src(%dma_wait3A_534 : memref<10000x128xf32, #tpu.memory_space<hbm>>) dst(%arg11 : memref<40x128xf32, #tpu.memory_space<vmem>>)
    %dma_start3A_535 = arith.constant 57 : i32
    %dma_start3A_536 = arith.constant 0 : i32
    %dma_start3A_537 = tpu.memref_slice %arg7[%dma_start3A_535, %dma_start3A_536] : memref<64x40xi32, #tpu.memory_space<vmem>> -> memref<1x40xi32, #tpu.memory_space<vmem>>
    %dma_start3A_538 = tpu.memref_squeeze %dma_start3A_537 : memref<1x40xi32, #tpu.memory_space<vmem>> -> memref<40xi32, #tpu.memory_space<vmem>>
    %dma_start3A_539 = arith.constant 0 : i32
    %dma_start3A_540 = arith.constant 0 : i32
    %dma_start3A_541 = tpu.memref_slice %arg14[%dma_start3A_539, %dma_start3A_540] : memref<10000x128xf32, #tpu.memory_space<vmem_shared>> -> memref<10000x128xf32, #tpu.memory_space<vmem_shared>>
    tpu.enqueue_indirect_dma source(%arg11 : memref<40x128xf32, #tpu.memory_space<vmem>>) target(%dma_start3A_541 : memref<10000x128xf32, #tpu.memory_space<vmem_shared>>) offsets(%dma_start3A_538 : memref<40xi32, #tpu.memory_space<vmem>>) semaphore(%arg24 : memref<!tpu.dma_semaphore, #tpu.memory_space<semaphore_mem>>) {add = true}
    %dma_wait3A_542 = arith.constant 57 : i32
    %dma_wait3A_543 = arith.constant 0 : i32
    %dma_wait3A_544 = tpu.memref_slice %arg7[%dma_wait3A_542, %dma_wait3A_543] : memref<64x40xi32, #tpu.memory_space<vmem>> -> memref<1x40xi32, #tpu.memory_space<vmem>>
    %dma_wait3A_545 = tpu.memref_squeeze %dma_wait3A_544 : memref<1x40xi32, #tpu.memory_space<vmem>> -> memref<40xi32, #tpu.memory_space<vmem>>
    %dma_wait3A_546 = arith.constant 0 : i32
    %dma_wait3A_547 = arith.constant 0 : i32
    %dma_wait3A_548 = tpu.memref_slice %arg14[%dma_wait3A_546, %dma_wait3A_547] : memref<10000x128xf32, #tpu.memory_space<vmem_shared>> -> memref<10000x128xf32, #tpu.memory_space<vmem_shared>>
    tpu.wait_indirect_dma semaphore(%arg24 : memref<!tpu.dma_semaphore, #tpu.memory_space<semaphore_mem>>) src(%arg11 : memref<40x128xf32, #tpu.memory_space<vmem>>) dst(%dma_wait3A_548 : memref<10000x128xf32, #tpu.memory_space<vmem_shared>>)
    %barrier3A_549 = arith.constant 0 : index
    tpu.barrier barrier_id(%barrier3A_549)
    %mul3A_550 = arith.constant 625 : i32
    %mul3A_551 = arith.muli %arg1, %mul3A_550 : i32
    "tpu.region"() ({
      %run_scoped3A = tpu.sem_alloc : memref<!tpu.dma_semaphore, #tpu.memory_space<semaphore_mem>>
      %dma_start3A_552 = arith.constant 0 : i32
      %dma_start3A_553 = arith.constant 0 : i32
      %dma_start3A_554 = tpu.memref_slice %arg5[%arg0, %arg1, %dma_start3A_552, %dma_start3A_553] : memref<2x16x625x128xf32, #tpu.memory_space<hbm>> -> memref<1x1x625x128xf32, #tpu.memory_space<hbm>>
      %dma_start3A_555 = tpu.memref_squeeze %dma_start3A_554 : memref<1x1x625x128xf32, #tpu.memory_space<hbm>> -> memref<625x128xf32, #tpu.memory_space<hbm>>
      %dma_start3A_556 = arith.constant 0 : i32
      %dma_start3A_557 = tpu.memref_slice %arg14[%mul3A_551, %dma_start3A_556] : memref<10000x128xf32, #tpu.memory_space<vmem_shared>> -> memref<625x128xf32, #tpu.memory_space<vmem_shared>>
      tpu.enqueue_dma source(%dma_start3A_557 : memref<625x128xf32, #tpu.memory_space<vmem_shared>>) target(%dma_start3A_555 : memref<625x128xf32, #tpu.memory_space<hbm>>) target_semaphore(%run_scoped3A : memref<!tpu.dma_semaphore, #tpu.memory_space<semaphore_mem>>)
      %dma_wait3A_558 = arith.constant 0 : i32
      %dma_wait3A_559 = arith.constant 0 : i32
      %dma_wait3A_560 = tpu.memref_slice %arg5[%arg0, %arg1, %dma_wait3A_558, %dma_wait3A_559] : memref<2x16x625x128xf32, #tpu.memory_space<hbm>> -> memref<1x1x625x128xf32, #tpu.memory_space<hbm>>
      %dma_wait3A_561 = tpu.memref_squeeze %dma_wait3A_560 : memref<1x1x625x128xf32, #tpu.memory_space<hbm>> -> memref<625x128xf32, #tpu.memory_space<hbm>>
      %dma_wait3A_562 = arith.constant 0 : i32
      %dma_wait3A_563 = tpu.memref_slice %arg14[%mul3A_551, %dma_wait3A_562] : memref<10000x128xf32, #tpu.memory_space<vmem_shared>> -> memref<625x128xf32, #tpu.memory_space<vmem_shared>>
      tpu.wait_dma2 semaphore(%run_scoped3A : memref<!tpu.dma_semaphore, #tpu.memory_space<semaphore_mem>>) src(%dma_wait3A_563 : memref<625x128xf32, #tpu.memory_space<vmem_shared>>) dst(%dma_wait3A_561 : memref<625x128xf32, #tpu.memory_space<hbm>>)
      tpu.yield
    }) : () -> ()
    return
  }
}

module attributes {stable_mosaic.version = 14 : i64} {
  func.func @_support_body(%arg0: memref<10000x128xf32, #tpu.memory_space<vmem>>, %arg1: memref<128x128xf32, #tpu.memory_space<vmem>>, %arg2: memref<2x10000x128xf32, #tpu.memory_space<vmem>>, %arg3: memref<10000x128xf32, #tpu.memory_space<vmem>>) attributes {dimension_semantics = [], scalar_prefetch = 0 : i64, scratch_operands = 0 : i64, tpu.core_type = #tpu.core_type<tc>} {
    %get3A = arith.constant 0 : index
    %get3A_0 = arith.constant 0 : index
    %get3A_1 = vector.load %arg0[%get3A, %get3A_0] : memref<10000x128xf32, #tpu.memory_space<vmem>>, vector<10000x128xf32>
    %get3A_2 = arith.constant 0 : index
    %get3A_3 = arith.constant 0 : index
    %get3A_4 = vector.load %arg1[%get3A_2, %get3A_3] : memref<128x128xf32, #tpu.memory_space<vmem>>, vector<128x128xf32>
    %dot_general3A = arith.constant dense<0.000000e+00> : vector<10000x128xf32>
    %dot_general3A_5 = tpu.matmul %get3A_1, %get3A_4, %dot_general3A {dimension_numbers = #tpu.dot_dimension_numbers<[1], [0], [0], [1], [0, 0, 1, 1], [], []>, transpose_lhs_hint = false} : vector<10000x128xf32>, vector<128x128xf32>, vector<10000x128xf32> -> vector<10000x128xf32>
    %get3A_6 = arith.constant 0 : index
    %get3A_7 = arith.constant 0 : index
    %get3A_8 = arith.constant 0 : index
    %get3A_9 = vector.load %arg2[%get3A_6, %get3A_7, %get3A_8] : memref<2x10000x128xf32, #tpu.memory_space<vmem>>, vector<2x10000x128xf32>
    %slice3A = vector.extract_strided_slice %get3A_9 {offsets = [0, 0, 0], sizes = [1, 10000, 1], strides = [1, 1, 1]} : vector<2x10000x128xf32> to vector<1x10000x1xf32>
    %squeeze3A = vector.shape_cast %slice3A : vector<1x10000x1xf32> to vector<10000xf32>
    %slice3A_10 = vector.extract_strided_slice %get3A_9 {offsets = [1, 0, 0], sizes = [1, 10000, 1], strides = [1, 1, 1]} : vector<2x10000x128xf32> to vector<1x10000x1xf32>
    %squeeze3A_11 = vector.shape_cast %slice3A_10 : vector<1x10000x1xf32> to vector<10000xf32>
    %add3A = arith.addf %squeeze3A, %squeeze3A_11 : vector<10000xf32>
    %gt3A = arith.constant 0.000000e+00 : f32
    %gt3A_12 = vector.broadcast %gt3A : f32 to vector<10000xf32>
    %gt3A_13 = arith.cmpf ogt, %add3A, %gt3A_12 : vector<10000xf32>
    %rsqrt3A = math.rsqrt %add3A : vector<10000xf32>
    %jit3A = arith.constant 0.000000e+00 : f32
    %broadcast_in_dim3A = vector.broadcast %jit3A : f32 to vector<10000xf32>
    %select_n3A = arith.select %gt3A_13, %rsqrt3A, %broadcast_in_dim3A : vector<10000xi1>, vector<10000xf32>
    %broadcast_in_dim3A_14 = vector.shape_cast %select_n3A : vector<10000xf32> to vector<10000x1xf32>
    %mul3A = vector.broadcast %broadcast_in_dim3A_14 : vector<10000x1xf32> to vector<10000x128xf32>
    %mul3A_15 = arith.mulf %dot_general3A_5, %mul3A : vector<10000x128xf32>
    %swap3A = arith.constant 0 : index
    %swap3A_16 = arith.constant 0 : index
    %swap3A_17 = vector.load %arg3[%swap3A, %swap3A_16] : memref<10000x128xf32, #tpu.memory_space<vmem>>, vector<10000x128xf32>
    tpu.vector_store %arg3[%swap3A, %swap3A_16], %mul3A_15 {strides = array<i32>} : memref<10000x128xf32, #tpu.memory_space<vmem>>, vector<10000x128xf32>,
    return
  }
}

module attributes {stable_mosaic.version = 14 : i64} {
  func.func @_finish_body(%arg0: memref<2x10000x128xf32, #tpu.memory_space<vmem>>, %arg1: memref<2x10000x128xf32, #tpu.memory_space<vmem>>, %arg2: memref<1x128xf32, #tpu.memory_space<vmem>>, %arg3: memref<10000x128xf32, #tpu.memory_space<vmem>>) attributes {dimension_semantics = [], scalar_prefetch = 0 : i64, scratch_operands = 0 : i64, tpu.core_type = #tpu.core_type<tc>} {
    %get3A = arith.constant 0 : index
    %get3A_0 = arith.constant 0 : index
    %get3A_1 = arith.constant 0 : index
    %get3A_2 = vector.load %arg0[%get3A, %get3A_0, %get3A_1] : memref<2x10000x128xf32, #tpu.memory_space<vmem>>, vector<1x10000x128xf32>
    %get3A_3 = vector.shape_cast %get3A_2 : vector<1x10000x128xf32> to vector<10000x128xf32>
    %get3A_4 = arith.constant 1 : index
    %get3A_5 = arith.constant 0 : index
    %get3A_6 = arith.constant 0 : index
    %get3A_7 = vector.load %arg0[%get3A_4, %get3A_5, %get3A_6] : memref<2x10000x128xf32, #tpu.memory_space<vmem>>, vector<1x10000x128xf32>
    %get3A_8 = vector.shape_cast %get3A_7 : vector<1x10000x128xf32> to vector<10000x128xf32>
    %add3A = arith.addf %get3A_3, %get3A_8 : vector<10000x128xf32>
    %get3A_9 = arith.constant 0 : index
    %get3A_10 = arith.constant 0 : index
    %get3A_11 = arith.constant 0 : index
    %get3A_12 = vector.load %arg1[%get3A_9, %get3A_10, %get3A_11] : memref<2x10000x128xf32, #tpu.memory_space<vmem>>, vector<2x10000x128xf32>
    %slice3A = vector.extract_strided_slice %get3A_12 {offsets = [0, 0, 0], sizes = [1, 10000, 1], strides = [1, 1, 1]} : vector<2x10000x128xf32> to vector<1x10000x1xf32>
    %squeeze3A = vector.shape_cast %slice3A : vector<1x10000x1xf32> to vector<10000xf32>
    %slice3A_13 = vector.extract_strided_slice %get3A_12 {offsets = [1, 0, 0], sizes = [1, 10000, 1], strides = [1, 1, 1]} : vector<2x10000x128xf32> to vector<1x10000x1xf32>
    %squeeze3A_14 = vector.shape_cast %slice3A_13 : vector<1x10000x1xf32> to vector<10000xf32>
    %add3A_15 = arith.addf %squeeze3A, %squeeze3A_14 : vector<10000xf32>
    %gt3A = arith.constant 0.000000e+00 : f32
    %gt3A_16 = vector.broadcast %gt3A : f32 to vector<10000xf32>
    %gt3A_17 = arith.cmpf ogt, %add3A_15, %gt3A_16 : vector<10000xf32>
    %rsqrt3A = math.rsqrt %add3A_15 : vector<10000xf32>
    %jit3A = arith.constant 0.000000e+00 : f32
    %broadcast_in_dim3A = vector.broadcast %jit3A : f32 to vector<10000xf32>
    %select_n3A = arith.select %gt3A_17, %rsqrt3A, %broadcast_in_dim3A : vector<10000xi1>, vector<10000xf32>
    %broadcast_in_dim3A_18 = vector.shape_cast %select_n3A : vector<10000xf32> to vector<10000x1xf32>
    %mul3A = vector.broadcast %broadcast_in_dim3A_18 : vector<10000x1xf32> to vector<10000x128xf32>
    %mul3A_19 = arith.mulf %add3A, %mul3A : vector<10000x128xf32>
    %get3A_20 = arith.constant 0 : index
    %get3A_21 = arith.constant 0 : index
    %get3A_22 = vector.load %arg2[%get3A_20, %get3A_21] : memref<1x128xf32, #tpu.memory_space<vmem>>, vector<1x128xf32>
    %add3A_23 = vector.broadcast %get3A_22 : vector<1x128xf32> to vector<10000x128xf32>
    %add3A_24 = arith.addf %mul3A_19, %add3A_23 : vector<10000x128xf32>
    %max3A = arith.constant 0.000000e+00 : f32
    %max3A_25 = vector.broadcast %max3A : f32 to vector<10000x128xf32>
    %max3A_26 = arith.maximumf %add3A_24, %max3A_25 : vector<10000x128xf32>
    %swap3A = arith.constant 0 : index
    %swap3A_27 = arith.constant 0 : index
    %swap3A_28 = vector.load %arg3[%swap3A, %swap3A_27] : memref<10000x128xf32, #tpu.memory_space<vmem>>, vector<10000x128xf32>
    tpu.vector_store %arg3[%swap3A, %swap3A_27], %max3A_26 {strides = array<i32>} : memref<10000x128xf32, #tpu.memory_space<vmem>>, vector<10000x128xf32>,
    return
  }
}

</mosaic_0001>

<sc_bundles>
// kernel: kernel.6.cloned.1.call-start
scs
__scs_entry_jumppad:
0x0: {  	(pc) =	sbr.rel $0x88, $3  }
0x1: {  	(tag) =	ssettag $0x0;
	lr =	simm.s32 $0x1  }
0x2: {  	[smem:$0x3F9D] =	sst lr;
	_ =	strace $0xD0000000  }
0x3: {  	_ = 	snop  }
0x4: {  	_ = 	snop  }
0x5: {  	_ = 	snop  }
0x6: {  	_ = 	snop  }
0x7: {  	_ = 	snop  }
__scs_overlays_trampoline_lowered:
0x8: {  	[smem:$0x3FAC] =	sst s0  }
0x9: {  	[smem:$0x3FAD] =	sst s1  }
0xa: {  	[smem:$0x3FAE] =	sst s2  }
0xb: {  	[smem:$0x3FAF] =	sst s3  }
0xc: {  	[smem:$0x3FB0] =	sst s4  }
0xd: {  	[smem:$0x3FB1] =	sst s5  }
0xe: {  	[smem:$0x3FB2] =	sst s6  }
0xf: {  	[smem:$0x3FB3] =	sst s7  }
0x10: {  	[smem:$0x3FB4] =	sst s8  }
0x11: {  	[smem:$0x3FB5] =	sst s9;
	s0 =	simm.s32 @!p0 $0x0  }
0x12: {  	s1 =	sld [smem:$0x3F9B];
	s0 =	simm.s32 @p0 $0x1  }
0x13: {  	[smem:$0x3FB6] =	sst s0;
	s0 =	simm.s32 @!p1 $0x0  }
0x14: {  	s2 =	sld [smem:$0x3F9A];
	s0 =	simm.s32 @p1 $0x1  }
0x15: {  	[smem:$0x3FB7] =	sst s0;
	s0 =	simm.s32 @!p2 $0x0  }
0x16: {  	s3 =	sld [smem:$0x3FDB];
	s0 =	simm.s32 @p2 $0x1  }
0x17: {  	s4 =	simm.s32 $0x1BF5;
	[smem:$0x3FB9] =	sst s0  }
0x18: {  	s0 =	sld [smem:$0x3F9C];
	_ =	swait.ge [sflag:s4], $0x0  }
0x19: {  	s7 =	sld [smem:$0x3F9D]  }
0x1a: {  	s8 =	sadd.s32 $0xFFFFE003, lr  }
0x1b: {  	s9 =	sadd.s32 $0xFFFFFEF7, lr;
	s5 =	simm.s32 $0xFFFFFFFF;
	p2 =	slt.u32 s8, $0xFFFFF086  }
0x1c: {  	p1 =	slt.u32 s9, $0xF7A;
	s5 =	simm.s32 @!p2 $0x0  }
0x1d: {  	s5 =	simm.s32 @p1 $0x1;
	p0 =	seq.s32 s7, s2  }
0x1e: {  	s7 =	smul.u32 @!p0 $0xF7A, s2;
	p2 =	seq.s32 @!p0 s5, $0x0  }
0x1f: {  	s9 =	smul.u32 $0xF7A, s1;
	s8 =	simm.s32 @!p0 $0x1BF5;
	p2 =	por !p2, p0  }
0x20: {  	[sflag:s8] =	ssyncset.s32 @!p0 $0xFFFFF086;
	s6 =	sadd.s32 @!p0 s3, s7;
	s7 =	simm.s32 @!p0 $0x108  }
0x21: {  	s3 =	sadd.s32 s3, s9;
	s6 =	sadd.s32 @!p0 $0x88, s6;
	s7 =	simm.s32 @p2 $0x1082  }
0x22: {  	[simem:s7], [sflag:s8] =	dma.local @!p0 [hbm:s6], $0xF7A  }
0x23: {  	s9 =	sor.u32 $0xD0000000, s2;
	s6 =	simm.s32 $0x108;
	_ =	swait.ge @!p0 [sflag:s8], $0x0  }
0x24: {  	s3 =	sadd.s32 $0x88, s3;
	s6 =	simm.s32 @!p1 $0x1082;
	[sflag:s4] =	ssyncset.s32 $0xFFFFF086  }
0x25: {  	[simem:s6], [sflag:s4] =	dma.local [hbm:s3], $0xF7A  }
0x26: {  	[smem:$0x3F9D] =	sst s1;
	(tag) =	ssettag s2;
	_ =	strace s9  }
0x27: {  	s1 =	sld [smem:$0x3FAD]  }
0x28: {  	s2 =	sld [smem:$0x3FAE]  }
0x29: {  	s4 =	sld [smem:$0x3FB0]  }
0x2a: {  	p0 =	seq.s32 s5, $0x0;
	s5 =	sld [smem:$0x3FB1]  }
0x2b: {  	s6 =	sld [smem:$0x3FB2]  }
0x2c: {  	s7 =	sld [smem:$0x3FB3]  }
0x2d: {  	s3 =	simm.s32 $0x108;
	s8 =	sld [smem:$0x3FB4]  }
0x2e: {  	s3 =	simm.s32 @!p0 $0x1082;
	s9 =	sld [smem:$0x3FB5]  }
0x2f: {  	lr =	sadd.s32 s0, s3;
	s0 =	sld [smem:$0x3FAC]  }
0x30: {  	s3 =	sld [smem:$0x3FAF]  }
0x31: {  	[smem:$0x3FB8] =	sst s10  }
0x32: {  	s10 =	sld [smem:$0x3FB6];
	_ =	sdelay $0x3  }
0x33: {  	p0 =	seq.s32 s10, $0x1;
	s10 =	sld [smem:$0x3FB8];
	_ =	sdelay $0x3  }
0x34: {  	[smem:$0x3FB8] =	sst s10  }
0x35: {  	s10 =	sld [smem:$0x3FB7];
	_ =	sdelay $0x3  }
0x36: {  	p1 =	seq.s32 s10, $0x1;
	s10 =	sld [smem:$0x3FB8];
	_ =	sdelay $0x3  }
0x37: {  	[smem:$0x3FB8] =	sst s10  }
0x38: {  	s10 =	sld [smem:$0x3FB9]  }
0x39: {  	_ = 	snop;
	(pc) =	sbr.ind lr, $3  }
0x3a: {  	_ = 	snop  }
0x3b: {  	_ = 	snop  }
0x3c: {  	p2 =	seq.s32 s10, $0x1;
	s10 =	sld [smem:$0x3FB8]  }
0x3d: {  	_ =	shalt  }
0x3e: {  	_ =	shalt  }
0x3f: {  	_ =	shalt  }
0x40: {  	_ =	shalt  }
0x41: {  	_ =	shalt  }
0x42: {  	_ =	shalt  }
0x43: {  	_ =	shalt  }
0x44: {  	_ =	shalt  }
0x45: {  	_ =	shalt  }
0x46: {  	_ =	shalt  }
0x47: {  	_ =	shalt  }
0x48: {  	_ =	shalt  }
0x49: {  	_ =	shalt  }
0x4a: {  	_ =	shalt  }
0x4b: {  	_ =	shalt  }
0x4c: {  	_ =	shalt  }
0x4d: {  	_ =	shalt  }
0x4e: {  	_ =	shalt  }
0x4f: {  	_ =	shalt  }
0x50: {  	_ =	shalt  }
0x51: {  	_ =	shalt  }
0x52: {  	_ =	shalt  }
0x53: {  	_ =	shalt  }
0x54: {  	_ =	shalt  }
0x55: {  	_ =	shalt  }
0x56: {  	_ =	shalt  }
0x57: {  	_ =	shalt  }
0x58: {  	_ =	shalt  }
0x59: {  	_ =	shalt  }
0x5a: {  	_ =	shalt  }
0x5b: {  	_ =	shalt  }
0x5c: {  	_ =	shalt  }
0x5d: {  	_ =	shalt  }
0x5e: {  	_ =	shalt  }
0x5f: {  	_ =	shalt  }
0x60: {  	_ =	shalt  }
0x61: {  	_ =	shalt  }
0x62: {  	_ =	shalt  }
0x63: {  	_ =	shalt  }
0x64: {  	_ =	shalt  }
0x65: {  	_ =	shalt  }
0x66: {  	_ =	shalt  }
0x67: {  	_ =	shalt  }
0x68: {  	_ =	shalt  }
0x69: {  	_ =	shalt  }
0x6a: {  	_ =	shalt  }
0x6b: {  	_ =	shalt  }
0x6c: {  	_ =	shalt  }
0x6d: {  	_ =	shalt  }
0x6e: {  	_ =	shalt  }
0x6f: {  	_ =	shalt  }
0x70: {  	_ =	shalt  }
0x71: {  	_ =	shalt  }
0x72: {  	_ =	shalt  }
0x73: {  	_ =	shalt  }
0x74: {  	_ =	shalt  }
0x75: {  	_ =	shalt  }
0x76: {  	_ =	shalt  }
0x77: {  	_ =	shalt  }
0x78: {  	_ =	shalt  }
0x79: {  	_ =	shalt  }
0x7a: {  	_ =	shalt  }
0x7b: {  	_ =	shalt  }
0x7c: {  	_ =	shalt  }
0x7d: {  	_ =	shalt  }
0x7e: {  	_ =	shalt  }
0x7f: {  	_ =	shalt  }
0x80: {  	_ =	shalt  }
0x81: {  	_ =	shalt  }
0x82: {  	_ =	shalt  }
0x83: {  	_ =	shalt  }
0x84: {  	_ =	shalt  }
0x85: {  	_ =	shalt  }
0x86: {  	_ =	shalt  }
0x87: {  	_ =	shalt  }
.Lfunc_end0:
.L_simem_size_0:
called_computation_lowered:
.L_overlay_start_0:
0x88: {  	s2 =	sld [smem:$0x3FD9]  }
0x89: {  	s3 =	sld [smem:$0x3FFE];
	_ =	sdelay $0x1  }
0x8a: {  	s1 =	srdreg.scid  }
0x8b: {  	s0 =	sand.u32 $0x1, s1  }
0x8c: {  	s16 =	sshll.u32 s0, $0xA;
	s2 =	sadd.s32 s3, s2  }
0x8d: {  	s2 =	sadd.s32 s2, s16  }
0x8e: {  	[smem:$0x3FC4] =	sst s2  }
0x8f: {  	_ = 	snop  }
0x90: {  	(tm) =	ssettm $0x1  }
0x91: {  	s17 =	sld [smem:$0x3FFB];
	_ =	sdelay $0x3  }
0x92: {  	_ =	strace s17  }
0x93: {  	s2 =	sld [smem:$0x3FFC];
	_ =	sdelay $0x3  }
0x94: {  	_ =	strace s2  }
0x95: {  	s2 =	sld [smem:$0x3FFD];
	_ =	sdelay $0x3  }
0x96: {  	_ =	strace s2  }
0x97: {  	_ =	strace $0x8FFFFFFF  }
0x98: {  	s18 =	sld [smem:$0x3FDB];
	_ =	sdelay $0x1  }
0x99: {  	s19 =	simm.s32 $_scs_section_size  }
0x9a: {  	s4 =	simm.s32 $_size__tile_overlayer_lowered;
	s5 =	simm.s32 $_tile_overlayer_lowered  }
0x9b: {  	s22 =	simm.s32 $0x1BFF;
	s21 =	sshll.u32 s5, $0x1;
	s2 =	sadd.s32 s19, s18  }
0x9c: {  	s6 =	simm.s32 $0x0;
	s20 =	sshll.u32 s4, $0x1;
	s4 =	sadd.s32 s21, s2  }
0x9d: {  	[timem:s6], [sflag:s22] =	dma.local [hbm:s4], s20  }
0x9e: {  	_ =	swait.ge [sflag:s22], s20  }
0x9f: {  	s3 =	ssub.s32 $0x0, s20;
	[sflag:s22] =	ssyncset.done $0x0  }
0xa0: {  	[sflag:s22] =	ssyncadd.s32 s3;
	_ =	sdelay $0x1  }
0xa1: {  	s23 =	simm.s32 $0x1B8B  }
0xa2: {  	_ =	swait.ge [sflag:s23], $0x1  }
0xa3: {  	[sflag:s23] =	ssyncset.done $0x0  }
0xa4: {  	s25 =	simm.s32 $0x1B8E;
	s24 =	sld [smem:$0x3FFE];
	[sflag:s23] =	ssyncadd.s32 $0xFFFFFFFF  }
0xa5: {  	s26 =	simm.s32 $execute0_lowered;
	[smem:$0x3FD2] =	sst s25  }
0xa6: {  	s4 =	sshll.u32 s26, $0x1;
	_ =	strace $0x80000046;
	[dreg:$0x1] =	wrdreg $0xFFFFFFFF  }
0xa7: {  	s28 =	simm.s32 $_size_execute0_lowered;
	s2 =	sadd.s32 s2, s4;
	[dreg:$0x0] =	wrdreg $0x0  }
0xa8: {  	s4 =	sshll.u32 s28, $0x1;
	[dreg:$0x2] =	wrdreg s2  }
0xa9: {  	[dreg:$0x3] =	wrdreg s4  }
0xaa: {  	[dreg:$0x4] =	wrdreg $0xC0  }
0xab: {  	_ =	task [dreg:s6], $0x5FFFF  }
0xac: {  	[dreg:$0x1] =	wrdreg $0xFFFFFFFF  }
0xad: {  	[dreg:$0x0] =	wrdreg $0x60  }
0xae: {  	[dreg:$0x2] =	wrdreg s24  }
0xaf: {  	[dreg:$0x3] =	wrdreg $0x44000  }
0xb0: {  	[dreg:$0x4] =	wrdreg $0x9  }
0xb1: {  	_ =	task.clear_ibuf [dreg:s6], $0x5FFFF;
	_ =	strace $0x90000046  }
0xb2: {  	s29 =	simm.s32 $0x9;
	_ =	strace $0x80000048  }
0xb3: {  	_ =	swait.ge [sflag:s29], $0x1  }
0xb4: {  	[sflag:s29] =	ssyncadd.s32 $0xFFFFFFFF  }
0xb5: {  	_ =	strace $0x90000048  }
0xb6: {  	_ =	sfence  }
0xb7: {  	s30 =	sld [smem:$0x0];
	_ =	sdelay $0x2  }
0xb8: {  	s31 =	sshll.u32 s1, $0xD;
	s1 =	sshrl.u32 s1, $0x2  }
0xb9: {  	s3 =	sand.u32 $0x4000, s31;
	s1 =	sadd.s32 s1, s30  }
0xba: {  	s0 =	sor.u32 s3, s0;
	s1 =	sshll.u32 s1, $0x11  }
0xbb: {  	s0 =	sor.u32 s1, s0  }
0xbc: {  	s0 =	sadd.s32 $0x8F2B, s0  }
0xbd: {  	[sflag:s0] =	ssyncadd.remote.s32 $0x1  }
0xbe: {  	_ =	sfence.sel $0xFFFF  }
0xbf: {  	[dreg:$0x0] =	wrdreg $0xFFFFFFFF;
	(pc) =	sbr.abs _section_cstart, $3  }
0xc0: {  	[dreg:$0x1] =	wrdreg $0xFFFFFFFF  }
0xc1: {  	_ =	task.clear_ibuf [dreg:s6], $0x2FFFF;
	_ =	strace $0x9FFFFFFF  }
0xc2: {  	(tm) =	ssettm $0x7FFFFFFF  }
0xc3: {  	_ =	shalt  }
tec
execute0_lowered:
.L_overlay_start_1:
0x0: {  	(tag) =	ssettag $0x1  }
0x1: {  	s4 =	rddreg [dreg:$0x0]  }
0x2: {  	s1 =	rddreg [dreg:$0x1]  }
0x3: {  	s0 =	rddreg [dreg:$0x2];
	s3 =	simm.s32 $0x0;
	s2 =	srdreg.scid  }
0x4: {  	s12 =	simm.s32 $0x5;
	s13 =	simm.s32 $0x28;
	s14 =	simm.s32 $0x2000  }
0x5: {  	s15 =	simm.s32 $0x80;
	s16 =	simm.s32 $0x100;
	s17 =	simm.s32 $0x180  }
0x6: {  	s18 =	simm.s32 $0x1;
	s19 =	simm.s32 $0x2;
	s20 =	simm.s32 $0x3  }
0x7: {  	s21 =	simm.s32 $0x4;
	s22 =	simm.s32 $0x1C00;
	s23 =	simm.s32 $0x1C80  }
0x8: {  	s24 =	simm.s32 $0x0;
	[smem:$0x7FF] =	sst s3;
	s5 =	sand.u32 $0x1, s2  }
0x9: {  	s2 =	stileid.u32;
	s6 =	smul.u32 $0x13C000, s5;
	s7 =	sshll.u32 s5, $0x10  }
0xa: {  	s8 =	sshll.u32 s2, $0xC;
	s9 =	smul.u32 $0x13C00, s2;
	_ =	strace $0x80000047  }
0xb: {  	s5 =	ssub.s32 $0x2, s5;
	s31 =	smul.u32 $0x4E200, s2;
	s7 =	sor.u32 s8, s7  }
0xc: {  	s30 =	sshrl.u32 s5, $0x1;
	s7 =	sadd.s32 s7, s4;
	s6 =	sadd.s32 s9, s6  }
0xd: {  	s11 =	ssub.s32 s5, s30;
	s9 =	sshrl.u32 s31, $0x2;
	s6 =	sshrl.u32 s6, $0x3  }
0xe: {  	s5 =	sadd.s32 $0x1200, s7;
	s9 =	sadd.s32 s9, s1;
	s10 =	sadd.s32 s6, s4  }
0xf: {  	s4 =	sadd.s32 $0xE00, s7;
	s6 =	sadd.s32 $0x1600, s7;
	s7 =	sadd.s32 $0x1A00, s7  }
0x10: {  	v0 =	vimm.f32 $1.000000000e+00;
	v1 =	vimm.f32 $0.0e+00;
	s8 =	sadd.s32 $0x20E00, s10;
	s10 =	smax.u32 s11, $0x1;
	s11 =	simm.s32 $0x3400  }
.LBB2_1:
0x11: {  	s26 =	simm.s32 $0x2100  }
0x12: {  	[tilespmem:s26+$0xFFFFFF00] =	vst v0  }
0x13: {  	[tilespmem:s26+$0xF0] =	vst v0  }
0x14: {  	[tilespmem:s26+$0xE0] =	vst v0  }
0x15: {  	[tilespmem:s26+$0xD0] =	vst v0  }
0x16: {  	[tilespmem:s26+$0xC0] =	vst v0  }
0x17: {  	[tilespmem:s26+$0xB0] =	vst v0  }
0x18: {  	[tilespmem:s26+$0xA0] =	vst v0  }
0x19: {  	[tilespmem:s26+$0x90] =	vst v0  }
0x1a: {  	[tilespmem:s26+$0x80] =	vst v0  }
0x1b: {  	[tilespmem:s26+$0x70] =	vst v0  }
0x1c: {  	[tilespmem:s26+$0x60] =	vst v0  }
0x1d: {  	[tilespmem:s26+$0x50] =	vst v0  }
0x1e: {  	[tilespmem:s26+$0x40] =	vst v0  }
0x1f: {  	[tilespmem:s26+$0x30] =	vst v0  }
0x20: {  	[tilespmem:s26+$0x20] =	vst v0  }
0x21: {  	[tilespmem:s26+$0x10] =	vst v0  }
0x22: {  	[tilespmem:s26+$0x0] =	vst v0  }
0x23: {  	[tilespmem:s26+$0xFFFFFFF0] =	vst v0  }
0x24: {  	[tilespmem:s26+$0xFFFFFFE0] =	vst v0  }
0x25: {  	[tilespmem:s26+$0xFFFFFFD0] =	vst v0  }
0x26: {  	[tilespmem:s26+$0xFFFFFFC0] =	vst v0  }
0x27: {  	[tilespmem:s26+$0xFFFFFFB0] =	vst v0  }
0x28: {  	[tilespmem:s26+$0xFFFFFFA0] =	vst v0  }
0x29: {  	[tilespmem:s26+$0xFFFFFF90] =	vst v0  }
0x2a: {  	[tilespmem:s26+$0xFFFFFF80] =	vst v0  }
0x2b: {  	[tilespmem:s26+$0xFFFFFF70] =	vst v0  }
0x2c: {  	[tilespmem:s26+$0xFFFFFF60] =	vst v0  }
0x2d: {  	[tilespmem:s26+$0xFFFFFF50] =	vst v0  }
0x2e: {  	[tilespmem:s26+$0xFFFFFF40] =	vst v0  }
0x2f: {  	[tilespmem:s26+$0xFFFFFF30] =	vst v0  }
0x30: {  	s28 =	simm.s32 $0x0;
	[tilespmem:s26+$0xFFFFFF20] =	vst v0  }
.LBB2_2:
0x31: {  	s28 =	sadd.s32 $0x4, s28;
	[tilespmem:s26+$0xFFFFFF10] =	vst v0;
	s26 =	sadd.s32 $0x200, s26;
	s25 =	simm.s32 $0x3500  }
0x32: {  	[tilespmem:s26+$0xFFFFFF00] =	vst v0;
	p0 =	slt.u32 s28, $0x24  }
0x33: {  	[tilespmem:s26+$0xF0] =	vst v0  }
0x34: {  	[tilespmem:s26+$0xE0] =	vst v0  }
0x35: {  	[tilespmem:s26+$0xD0] =	vst v0  }
0x36: {  	[tilespmem:s26+$0xC0] =	vst v0  }
0x37: {  	[tilespmem:s26+$0xB0] =	vst v0  }
0x38: {  	[tilespmem:s26+$0xA0] =	vst v0  }
0x39: {  	[tilespmem:s26+$0x90] =	vst v0  }
0x3a: {  	[tilespmem:s26+$0x80] =	vst v0  }
0x3b: {  	[tilespmem:s26+$0x70] =	vst v0  }
0x3c: {  	[tilespmem:s26+$0x60] =	vst v0  }
0x3d: {  	[tilespmem:s26+$0x50] =	vst v0  }
0x3e: {  	[tilespmem:s26+$0x40] =	vst v0  }
0x3f: {  	[tilespmem:s26+$0x30] =	vst v0  }
0x40: {  	[tilespmem:s26+$0x20] =	vst v0  }
0x41: {  	[tilespmem:s26+$0x10] =	vst v0  }
0x42: {  	[tilespmem:s26+$0x0] =	vst v0  }
0x43: {  	[tilespmem:s26+$0xFFFFFFF0] =	vst v0  }
0x44: {  	[tilespmem:s26+$0xFFFFFFE0] =	vst v0  }
0x45: {  	[tilespmem:s26+$0xFFFFFFD0] =	vst v0  }
0x46: {  	[tilespmem:s26+$0xFFFFFFC0] =	vst v0  }
0x47: {  	[tilespmem:s26+$0xFFFFFFB0] =	vst v0  }
0x48: {  	[tilespmem:s26+$0xFFFFFFA0] =	vst v0  }
0x49: {  	[tilespmem:s26+$0xFFFFFF90] =	vst v0  }
0x4a: {  	[tilespmem:s26+$0xFFFFFF80] =	vst v0  }
0x4b: {  	[tilespmem:s26+$0xFFFFFF70] =	vst v0  }
.Ltmp0:
0x4c: {  	[tilespmem:s26+$0xFFFFFF60] =	vst v0;
	(pc) =	sbr.rel @p0 .LBB2_2-.Ltmp0, $4  }
0x4d: {  	[tilespmem:s26+$0xFFFFFF50] =	vst v0  }
0x4e: {  	[tilespmem:s26+$0xFFFFFF40] =	vst v0  }
0x4f: {  	[tilespmem:s26+$0xFFFFFF30] =	vst v0  }
0x50: {  	[tilespmem:s26+$0xFFFFFF20] =	vst v0  }
0x51: {  	[tilespmem:s26+$0xFFFFFF10] =	vst v0  }
0x52: {  	[tilespmem:s25+$0xFFFFFF00] =	vst v1  }
0x53: {  	[tilespmem:s25+$0xF0] =	vst v1  }
0x54: {  	[tilespmem:s25+$0xE0] =	vst v1  }
0x55: {  	[tilespmem:s25+$0xD0] =	vst v1  }
0x56: {  	[tilespmem:s25+$0xC0] =	vst v1  }
0x57: {  	[tilespmem:s25+$0xB0] =	vst v1  }
0x58: {  	[tilespmem:s25+$0xA0] =	vst v1  }
0x59: {  	[tilespmem:s25+$0x90] =	vst v1  }
0x5a: {  	[tilespmem:s25+$0x80] =	vst v1  }
0x5b: {  	[tilespmem:s25+$0x70] =	vst v1  }
0x5c: {  	[tilespmem:s25+$0x60] =	vst v1  }
0x5d: {  	[tilespmem:s25+$0x50] =	vst v1  }
0x5e: {  	[tilespmem:s25+$0x40] =	vst v1  }
0x5f: {  	[tilespmem:s25+$0x30] =	vst v1  }
0x60: {  	[tilespmem:s25+$0x20] =	vst v1  }
0x61: {  	[tilespmem:s25+$0x10] =	vst v1  }
0x62: {  	[tilespmem:s25+$0x0] =	vst v1  }
0x63: {  	[tilespmem:s25+$0xFFFFFFF0] =	vst v1  }
0x64: {  	[tilespmem:s25+$0xFFFFFFE0] =	vst v1  }
0x65: {  	[tilespmem:s25+$0xFFFFFFD0] =	vst v1  }
0x66: {  	[tilespmem:s25+$0xFFFFFFC0] =	vst v1  }
0x67: {  	[tilespmem:s25+$0xFFFFFFB0] =	vst v1  }
0x68: {  	[tilespmem:s25+$0xFFFFFFA0] =	vst v1  }
0x69: {  	[tilespmem:s25+$0xFFFFFF90] =	vst v1  }
0x6a: {  	[tilespmem:s25+$0xFFFFFF80] =	vst v1  }
0x6b: {  	[tilespmem:s25+$0xFFFFFF70] =	vst v1  }
0x6c: {  	[tilespmem:s25+$0xFFFFFF60] =	vst v1  }
0x6d: {  	[tilespmem:s25+$0xFFFFFF50] =	vst v1  }
0x6e: {  	[tilespmem:s25+$0xFFFFFF40] =	vst v1  }
0x6f: {  	[tilespmem:s25+$0xFFFFFF30] =	vst v1  }
0x70: {  	s26 =	simm.s32 $0x0;
	[tilespmem:s25+$0xFFFFFF20] =	vst v1  }
.LBB2_4:
0x71: {  	s26 =	sadd.s32 $0x4, s26;
	[tilespmem:s25+$0xFFFFFF10] =	vst v1;
	s25 =	sadd.s32 $0x200, s25  }
0x72: {  	[tilespmem:s25+$0xFFFFFF00] =	vst v1;
	p0 =	slt.u32 s26, $0x14  }
0x73: {  	[tilespmem:s25+$0xF0] =	vst v1  }
0x74: {  	[tilespmem:s25+$0xE0] =	vst v1  }
0x75: {  	[tilespmem:s25+$0xD0] =	vst v1  }
0x76: {  	[tilespmem:s25+$0xC0] =	vst v1  }
0x77: {  	[tilespmem:s25+$0xB0] =	vst v1  }
0x78: {  	[tilespmem:s25+$0xA0] =	vst v1  }
0x79: {  	[tilespmem:s25+$0x90] =	vst v1  }
0x7a: {  	[tilespmem:s25+$0x80] =	vst v1  }
0x7b: {  	[tilespmem:s25+$0x70] =	vst v1  }
0x7c: {  	[tilespmem:s25+$0x60] =	vst v1  }
0x7d: {  	[tilespmem:s25+$0x50] =	vst v1  }
0x7e: {  	[tilespmem:s25+$0x40] =	vst v1  }
0x7f: {  	[tilespmem:s25+$0x30] =	vst v1  }
0x80: {  	[tilespmem:s25+$0x20] =	vst v1  }
0x81: {  	[tilespmem:s25+$0x10] =	vst v1  }
0x82: {  	[tilespmem:s25+$0x0] =	vst v1  }
0x83: {  	[tilespmem:s25+$0xFFFFFFF0] =	vst v1  }
0x84: {  	[tilespmem:s25+$0xFFFFFFE0] =	vst v1  }
0x85: {  	[tilespmem:s25+$0xFFFFFFD0] =	vst v1  }
0x86: {  	[tilespmem:s25+$0xFFFFFFC0] =	vst v1  }
0x87: {  	[tilespmem:s25+$0xFFFFFFB0] =	vst v1  }
0x88: {  	[tilespmem:s25+$0xFFFFFFA0] =	vst v1  }
0x89: {  	[tilespmem:s25+$0xFFFFFF90] =	vst v1  }
0x8a: {  	[tilespmem:s25+$0xFFFFFF80] =	vst v1  }
0x8b: {  	[tilespmem:s25+$0xFFFFFF70] =	vst v1  }
.Ltmp1:
0x8c: {  	[tilespmem:s25+$0xFFFFFF60] =	vst v1;
	(pc) =	sbr.rel @p0 .LBB2_4-.Ltmp1, $4  }
0x8d: {  	[tilespmem:s25+$0xFFFFFF50] =	vst v1  }
0x8e: {  	[tilespmem:s25+$0xFFFFFF40] =	vst v1  }
0x8f: {  	[tilespmem:s25+$0xFFFFFF30] =	vst v1  }
0x90: {  	[tilespmem:s25+$0xFFFFFF20] =	vst v1  }
0x91: {  	[tilespmem:s25+$0xFFFFFF10] =	vst v1  }
0x92: {  	[tilespmem:$0x4000] =	vst v1  }
0x93: {  	[tilespmem:$0x4010] =	vst v1  }
0x94: {  	[tilespmem:$0x4020] =	vst v1  }
0x95: {  	[tilespmem:$0x4030] =	vst v1  }
0x96: {  	[tilespmem:$0x4040] =	vst v1  }
0x97: {  	[tilespmem:$0x4050] =	vst v1  }
0x98: {  	[tilespmem:$0x4060] =	vst v1  }
0x99: {  	s31 =	sadd.s32 $0x0, s9;
	[tilespmem:$0x4070] =	vst v1  }
0x9a: {  	[spmem:s31] =	stream.linear.scatter [tilespmem:s11], [sflag:$0x5], $0xC80, $0x38;
	[tilespmem:$0x17C80] =	vst v63  }
0x9b: {  	s25 =	simm.s32 $0x3200;
	_ =	swait.ge [sflag:s12], $0xC80  }
.LBB2_6:
0x9c: {  	s26 =	sshra.s32 s25, $0x2;
	[sflag:s12] =	ssyncset.done $0x0;
	p0 =	sne.s32 s25, $0x4B000  }
.Ltmp2:
0x9d: {  	s26 =	sadd.s32 s26, s9;
	[sflag:s12] =	ssyncadd.s32 $0xFFFFF380;
	(pc) =	sbr.rel @p0 .LBB2_6-.Ltmp2, $3  }
0x9e: {  	[spmem:s26] =	stream.linear.scatter [tilespmem:s11], [sflag:$0x5], $0xC80, $0x38;
	[tilespmem:$0x17C80] =	vst v63  }
0x9f: {  	s25 =	sadd.s32 $0x3200, s25;
	_ =	sdelay $0x1  }
0xa0: {  	_ =	swait.ge [sflag:s12], $0xC80  }
0xa1: {  	[sflag:s12] =	ssyncset.done $0x0  }
0xa2: {  	[sflag:s12] =	ssyncadd.s32 $0xFFFFF380  }
0xa3: {  	[bflag:$0x0] =	sbarrier.arrive $0xFFFF  }
0xa4: {  	[tilespmem:s3], [sflag:$0x5] =	stream.linear.gather [hbm4b:s4+s3], $0x2000, $0x38;
	[tilespmem:$0x17C80] =	vst v63  }
0xa5: {  	_ =	swait.ge [sflag:s12], $0x2000  }
0xa6: {  	[sflag:s12] =	ssyncset.done $0x0  }
0xa7: {  	[sflag:s12] =	ssyncadd.s32 $0xFFFFE000  }
0xa8: {  	[spmem:s1] =	stream.indirect.scatter.add.f32 [tilespmem:s14], [sflag:$0x1], $0x80, s3, s13, $0xb8;
	[tilespmem:$0x17C80] =	vst v63  }
0xa9: {  	_ = 	snop  }
0xaa: {  	[spmem:s1] =	stream.indirect.scatter.add.f32 [tilespmem:s14], [sflag:$0x2], $0x80, s15, s13, $0xb8;
	[tilespmem:$0x17C80] =	vst v63  }
0xab: {  	_ = 	snop  }
0xac: {  	[spmem:s1] =	stream.indirect.scatter.add.f32 [tilespmem:s14], [sflag:$0x3], $0x80, s16, s13, $0xb8;
	[tilespmem:$0x17C80] =	vst v63  }
0xad: {  	_ = 	snop  }
0xae: {  	[spmem:s1] =	stream.indirect.scatter.add.f32 [tilespmem:s14], [sflag:$0x4], $0x80, s17, s13, $0xb8;
	[tilespmem:$0x17C80] =	vst v63  }
0xaf: {  	_ =	swait.ge [sflag:s18], $0x1400  }
0xb0: {  	[sflag:s18] =	ssyncset.done $0x0  }
0xb1: {  	s25 =	simm.s32 $0x200;
	[sflag:s18] =	ssyncadd.s32 $0xFFFFEC00  }
0xb2: {  	[spmem:s1] =	stream.indirect.scatter.add.f32 [tilespmem:s14], [sflag:$0x1], $0x80, s25, s13, $0xb8;
	[tilespmem:$0x17C80] =	vst v63  }
0xb3: {  	_ =	swait.ge [sflag:s19], $0x1400  }
0xb4: {  	[sflag:s19] =	ssyncset.done $0x0  }
0xb5: {  	s30 =	simm.s32 $0x280;
	[sflag:s19] =	ssyncadd.s32 $0xFFFFEC00  }
0xb6: {  	[spmem:s1] =	stream.indirect.scatter.add.f32 [tilespmem:s14], [sflag:$0x2], $0x80, s30, s13, $0xb8;
	[tilespmem:$0x17C80] =	vst v63  }
0xb7: {  	_ =	swait.ge [sflag:s20], $0x1400  }
0xb8: {  	[sflag:s20] =	ssyncset.done $0x0  }
0xb9: {  	s31 =	simm.s32 $0x300;
	[sflag:s20] =	ssyncadd.s32 $0xFFFFEC00  }
0xba: {  	[spmem:s1] =	stream.indirect.scatter.add.f32 [tilespmem:s14], [sflag:$0x3], $0x80, s31, s13, $0xb8;
	[tilespmem:$0x17C80] =	vst v63  }
0xbb: {  	_ =	swait.ge [sflag:s21], $0x1400  }
0xbc: {  	[sflag:s21] =	ssyncset.done $0x0  }
0xbd: {  	s26 =	simm.s32 $0x380;
	s25 =	simm.s32 $0xFFFF9000;
	[sflag:s21] =	ssyncadd.s32 $0xFFFFEC00  }
.LBB2_8:
0xbe: {  	[spmem:s1] =	stream.indirect.scatter.add.f32 [tilespmem:s14], [sflag:$0x4], $0x80, s26, s13, $0xb8;
	[tilespmem:$0x17C80] =	vst v63  }
0xbf: {  	s26 =	smov.u32 s25  }
0xc0: {  	p0 =	sne.s32 s25, $0xFFFFF800;
	s25 =	sadd.s32 $0x800, s25;
	_ =	swait.ge [sflag:s18], $0x1400  }
0xc1: {  	s26 =	sshra.s32 s26, $0x2;
	[sflag:s18] =	ssyncset.done $0x0  }
0xc2: {  	s28 =	sadd.s32 $0x2000, s26;
	[sflag:s18] =	ssyncadd.s32 $0xFFFFEC00  }
0xc3: {  	[spmem:s1] =	stream.indirect.scatter.add.f32 [tilespmem:s14], [sflag:$0x1], $0x80, s28, s13, $0xb8;
	[tilespmem:$0x17C80] =	vst v63  }
0xc4: {  	_ =	swait.ge [sflag:s19], $0x1400  }
0xc5: {  	[sflag:s19] =	ssyncset.done $0x0  }
0xc6: {  	s28 =	sadd.s32 $0x2080, s26;
	[sflag:s19] =	ssyncadd.s32 $0xFFFFEC00  }
0xc7: {  	[spmem:s1] =	stream.indirect.scatter.add.f32 [tilespmem:s14], [sflag:$0x2], $0x80, s28, s13, $0xb8;
	[tilespmem:$0x17C80] =	vst v63  }
0xc8: {  	_ =	swait.ge [sflag:s20], $0x1400  }
0xc9: {  	[sflag:s20] =	ssyncset.done $0x0  }
.Ltmp3:
0xca: {  	s28 =	sadd.s32 $0x2100, s26;
	[sflag:s20] =	ssyncadd.s32 $0xFFFFEC00;
	(pc) =	sbr.rel @p0 .LBB2_8-.Ltmp3, $4  }
0xcb: {  	[spmem:s1] =	stream.indirect.scatter.add.f32 [tilespmem:s14], [sflag:$0x3], $0x80, s28, s13, $0xb8;
	[tilespmem:$0x17C80] =	vst v63  }
0xcc: {  	_ =	swait.ge [sflag:s21], $0x1400  }
0xcd: {  	[sflag:s21] =	ssyncset.done $0x0  }
0xce: {  	s26 =	sadd.s32 $0x2180, s26;
	[sflag:s21] =	ssyncadd.s32 $0xFFFFEC00  }
0xcf: {  	[spmem:s1] =	stream.indirect.scatter.add.f32 [tilespmem:s14], [sflag:$0x4], $0x80, s26, s13, $0xb8;
	[tilespmem:$0x17C80] =	vst v63  }
0xd0: {  	_ =	swait.ge [sflag:s18], $0x1400  }
0xd1: {  	[sflag:s18] =	ssyncset.done $0x0  }
0xd2: {  	[sflag:s18] =	ssyncadd.s32 $0xFFFFEC00  }
0xd3: {  	_ =	swait.ge [sflag:s19], $0x1400  }
0xd4: {  	[sflag:s19] =	ssyncset.done $0x0  }
0xd5: {  	[sflag:s19] =	ssyncadd.s32 $0xFFFFEC00  }
0xd6: {  	_ =	swait.ge [sflag:s20], $0x1400  }
0xd7: {  	[sflag:s20] =	ssyncset.done $0x0  }
0xd8: {  	[sflag:s20] =	ssyncadd.s32 $0xFFFFEC00  }
0xd9: {  	_ =	swait.ge [sflag:s21], $0x1400  }
0xda: {  	[sflag:s21] =	ssyncset.done $0x0  }
0xdb: {  	[sflag:s21] =	ssyncadd.s32 $0xFFFFEC00  }
0xdc: {  	[tilespmem:s3], [sflag:$0x5] =	stream.linear.gather [hbm4b:s5+s3], $0x2000, $0x38;
	[tilespmem:$0x17C80] =	vst v63  }
0xdd: {  	_ =	swait.ge [sflag:s12], $0x2000  }
0xde: {  	[sflag:s12] =	ssyncset.done $0x0  }
0xdf: {  	[sflag:s12] =	ssyncadd.s32 $0xFFFFE000  }
0xe0: {  	[spmem:s1] =	stream.indirect.scatter.add.f32 [tilespmem:s14], [sflag:$0x1], $0x80, s3, s13, $0xb8;
	[tilespmem:$0x17C80] =	vst v63  }
0xe1: {  	_ = 	snop  }
0xe2: {  	[spmem:s1] =	stream.indirect.scatter.add.f32 [tilespmem:s14], [sflag:$0x2], $0x80, s15, s13, $0xb8;
	[tilespmem:$0x17C80] =	vst v63  }
0xe3: {  	_ = 	snop  }
0xe4: {  	[spmem:s1] =	stream.indirect.scatter.add.f32 [tilespmem:s14], [sflag:$0x3], $0x80, s16, s13, $0xb8;
	[tilespmem:$0x17C80] =	vst v63  }
0xe5: {  	_ = 	snop  }
0xe6: {  	[spmem:s1] =	stream.indirect.scatter.add.f32 [tilespmem:s14], [sflag:$0x4], $0x80, s17, s13, $0xb8;
	[tilespmem:$0x17C80] =	vst v63  }
0xe7: {  	_ =	swait.ge [sflag:s18], $0x1400  }
0xe8: {  	[sflag:s18] =	ssyncset.done $0x0  }
0xe9: {  	s25 =	simm.s32 $0x200;
	[sflag:s18] =	ssyncadd.s32 $0xFFFFEC00  }
0xea: {  	[spmem:s1] =	stream.indirect.scatter.add.f32 [tilespmem:s14], [sflag:$0x1], $0x80, s25, s13, $0xb8;
	[tilespmem:$0x17C80] =	vst v63  }
0xeb: {  	_ =	swait.ge [sflag:s19], $0x1400  }
0xec: {  	[sflag:s19] =	ssyncset.done $0x0  }
0xed: {  	s30 =	simm.s32 $0x280;
	[sflag:s19] =	ssyncadd.s32 $0xFFFFEC00  }
0xee: {  	[spmem:s1] =	stream.indirect.scatter.add.f32 [tilespmem:s14], [sflag:$0x2], $0x80, s30, s13, $0xb8;
	[tilespmem:$0x17C80] =	vst v63  }
0xef: {  	_ =	swait.ge [sflag:s20], $0x1400  }
0xf0: {  	[sflag:s20] =	ssyncset.done $0x0  }
0xf1: {  	s31 =	simm.s32 $0x300;
	[sflag:s20] =	ssyncadd.s32 $0xFFFFEC00  }
0xf2: {  	[spmem:s1] =	stream.indirect.scatter.add.f32 [tilespmem:s14], [sflag:$0x3], $0x80, s31, s13, $0xb8;
	[tilespmem:$0x17C80] =	vst v63  }
0xf3: {  	_ =	swait.ge [sflag:s21], $0x1400  }
0xf4: {  	[sflag:s21] =	ssyncset.done $0x0  }
0xf5: {  	s26 =	simm.s32 $0x380;
	s25 =	simm.s32 $0xFFFF9000;
	[sflag:s21] =	ssyncadd.s32 $0xFFFFEC00  }
.LBB2_10:
0xf6: {  	[spmem:s1] =	stream.indirect.scatter.add.f32 [tilespmem:s14], [sflag:$0x4], $0x80, s26, s13, $0xb8;
	[tilespmem:$0x17C80] =	vst v63  }
0xf7: {  	s26 =	smov.u32 s25  }
0xf8: {  	p0 =	sne.s32 s25, $0xFFFFF800;
	s25 =	sadd.s32 $0x800, s25;
	_ =	swait.ge [sflag:s18], $0x1400  }
0xf9: {  	s26 =	sshra.s32 s26, $0x2;
	[sflag:s18] =	ssyncset.done $0x0  }
0xfa: {  	s28 =	sadd.s32 $0x2000, s26;
	[sflag:s18] =	ssyncadd.s32 $0xFFFFEC00  }
0xfb: {  	[spmem:s1] =	stream.indirect.scatter.add.f32 [tilespmem:s14], [sflag:$0x1], $0x80, s28, s13, $0xb8;
	[tilespmem:$0x17C80] =	vst v63  }
0xfc: {  	_ =	swait.ge [sflag:s19], $0x1400  }
0xfd: {  	[sflag:s19] =	ssyncset.done $0x0  }
0xfe: {  	s28 =	sadd.s32 $0x2080, s26;
	[sflag:s19] =	ssyncadd.s32 $0xFFFFEC00  }
0xff: {  	[spmem:s1] =	stream.indirect.scatter.add.f32 [tilespmem:s14], [sflag:$0x2], $0x80, s28, s13, $0xb8;
	[tilespmem:$0x17C80] =	vst v63  }
0x100: {  	_ =	swait.ge [sflag:s20], $0x1400  }
0x101: {  	[sflag:s20] =	ssyncset.done $0x0  }
.Ltmp4:
0x102: {  	s28 =	sadd.s32 $0x2100, s26;
	[sflag:s20] =	ssyncadd.s32 $0xFFFFEC00;
	(pc) =	sbr.rel @p0 .LBB2_10-.Ltmp4, $4  }
0x103: {  	[spmem:s1] =	stream.indirect.scatter.add.f32 [tilespmem:s14], [sflag:$0x3], $0x80, s28, s13, $0xb8;
	[tilespmem:$0x17C80] =	vst v63  }
0x104: {  	_ =	swait.ge [sflag:s21], $0x1400  }
0x105: {  	[sflag:s21] =	ssyncset.done $0x0  }
0x106: {  	s26 =	sadd.s32 $0x2180, s26;
	[sflag:s21] =	ssyncadd.s32 $0xFFFFEC00  }
0x107: {  	[spmem:s1] =	stream.indirect.scatter.add.f32 [tilespmem:s14], [sflag:$0x4], $0x80, s26, s13, $0xb8;
	[tilespmem:$0x17C80] =	vst v63  }
0x108: {  	_ =	swait.ge [sflag:s18], $0x1400  }
0x109: {  	[sflag:s18] =	ssyncset.done $0x0  }
0x10a: {  	[sflag:s18] =	ssyncadd.s32 $0xFFFFEC00  }
0x10b: {  	_ =	swait.ge [sflag:s19], $0x1400  }
0x10c: {  	[sflag:s19] =	ssyncset.done $0x0  }
0x10d: {  	[sflag:s19] =	ssyncadd.s32 $0xFFFFEC00  }
0x10e: {  	_ =	swait.ge [sflag:s20], $0x1400  }
0x10f: {  	[sflag:s20] =	ssyncset.done $0x0  }
0x110: {  	[sflag:s20] =	ssyncadd.s32 $0xFFFFEC00  }
0x111: {  	_ =	swait.ge [sflag:s21], $0x1400  }
0x112: {  	[sflag:s21] =	ssyncset.done $0x0  }
0x113: {  	[sflag:s21] =	ssyncadd.s32 $0xFFFFEC00  }
0x114: {  	[tilespmem:s3], [sflag:$0x5] =	stream.linear.gather [hbm4b:s6+s3], $0x2000, $0x38;
	[tilespmem:$0x17C80] =	vst v63  }
0x115: {  	_ =	swait.ge [sflag:s12], $0x2000  }
0x116: {  	[sflag:s12] =	ssyncset.done $0x0  }
0x117: {  	[sflag:s12] =	ssyncadd.s32 $0xFFFFE000  }
0x118: {  	[spmem:s1] =	stream.indirect.scatter.add.f32 [tilespmem:s14], [sflag:$0x1], $0x80, s3, s13, $0xb8;
	[tilespmem:$0x17C80] =	vst v63  }
0x119: {  	_ = 	snop  }
0x11a: {  	[spmem:s1] =	stream.indirect.scatter.add.f32 [tilespmem:s14], [sflag:$0x2], $0x80, s15, s13, $0xb8;
	[tilespmem:$0x17C80] =	vst v63  }
0x11b: {  	_ = 	snop  }
0x11c: {  	[spmem:s1] =	stream.indirect.scatter.add.f32 [tilespmem:s14], [sflag:$0x3], $0x80, s16, s13, $0xb8;
	[tilespmem:$0x17C80] =	vst v63  }
0x11d: {  	_ = 	snop  }
0x11e: {  	[spmem:s1] =	stream.indirect.scatter.add.f32 [tilespmem:s14], [sflag:$0x4], $0x80, s17, s13, $0xb8;
	[tilespmem:$0x17C80] =	vst v63  }
0x11f: {  	_ =	swait.ge [sflag:s18], $0x1400  }
0x120: {  	[sflag:s18] =	ssyncset.done $0x0  }
0x121: {  	s25 =	simm.s32 $0x200;
	[sflag:s18] =	ssyncadd.s32 $0xFFFFEC00  }
0x122: {  	[spmem:s1] =	stream.indirect.scatter.add.f32 [tilespmem:s14], [sflag:$0x1], $0x80, s25, s13, $0xb8;
	[tilespmem:$0x17C80] =	vst v63  }
0x123: {  	_ =	swait.ge [sflag:s19], $0x1400  }
0x124: {  	[sflag:s19] =	ssyncset.done $0x0  }
0x125: {  	s30 =	simm.s32 $0x280;
	[sflag:s19] =	ssyncadd.s32 $0xFFFFEC00  }
0x126: {  	[spmem:s1] =	stream.indirect.scatter.add.f32 [tilespmem:s14], [sflag:$0x2], $0x80, s30, s13, $0xb8;
	[tilespmem:$0x17C80] =	vst v63  }
0x127: {  	_ =	swait.ge [sflag:s20], $0x1400  }
0x128: {  	[sflag:s20] =	ssyncset.done $0x0  }
0x129: {  	s31 =	simm.s32 $0x300;
	[sflag:s20] =	ssyncadd.s32 $0xFFFFEC00  }
0x12a: {  	[spmem:s1] =	stream.indirect.scatter.add.f32 [tilespmem:s14], [sflag:$0x3], $0x80, s31, s13, $0xb8;
	[tilespmem:$0x17C80] =	vst v63  }
0x12b: {  	_ =	swait.ge [sflag:s21], $0x1400  }
0x12c: {  	[sflag:s21] =	ssyncset.done $0x0  }
0x12d: {  	s26 =	simm.s32 $0x380;
	s25 =	simm.s32 $0xFFFF9000;
	[sflag:s21] =	ssyncadd.s32 $0xFFFFEC00  }
.LBB2_12:
0x12e: {  	[spmem:s1] =	stream.indirect.scatter.add.f32 [tilespmem:s14], [sflag:$0x4], $0x80, s26, s13, $0xb8;
	[tilespmem:$0x17C80] =	vst v63  }
0x12f: {  	s26 =	smov.u32 s25  }
0x130: {  	p0 =	sne.s32 s25, $0xFFFFF800;
	s25 =	sadd.s32 $0x800, s25;
	_ =	swait.ge [sflag:s18], $0x1400  }
0x131: {  	s26 =	sshra.s32 s26, $0x2;
	[sflag:s18] =	ssyncset.done $0x0  }
0x132: {  	s28 =	sadd.s32 $0x2000, s26;
	[sflag:s18] =	ssyncadd.s32 $0xFFFFEC00  }
0x133: {  	[spmem:s1] =	stream.indirect.scatter.add.f32 [tilespmem:s14], [sflag:$0x1], $0x80, s28, s13, $0xb8;
	[tilespmem:$0x17C80] =	vst v63  }
0x134: {  	_ =	swait.ge [sflag:s19], $0x1400  }
0x135: {  	[sflag:s19] =	ssyncset.done $0x0  }
0x136: {  	s28 =	sadd.s32 $0x2080, s26;
	[sflag:s19] =	ssyncadd.s32 $0xFFFFEC00  }
0x137: {  	[spmem:s1] =	stream.indirect.scatter.add.f32 [tilespmem:s14], [sflag:$0x2], $0x80, s28, s13, $0xb8;
	[tilespmem:$0x17C80] =	vst v63  }
0x138: {  	_ =	swait.ge [sflag:s20], $0x1400  }
0x139: {  	[sflag:s20] =	ssyncset.done $0x0  }
.Ltmp5:
0x13a: {  	s28 =	sadd.s32 $0x2100, s26;
	[sflag:s20] =	ssyncadd.s32 $0xFFFFEC00;
	(pc) =	sbr.rel @p0 .LBB2_12-.Ltmp5, $4  }
0x13b: {  	[spmem:s1] =	stream.indirect.scatter.add.f32 [tilespmem:s14], [sflag:$0x3], $0x80, s28, s13, $0xb8;
	[tilespmem:$0x17C80] =	vst v63  }
0x13c: {  	_ =	swait.ge [sflag:s21], $0x1400  }
0x13d: {  	[sflag:s21] =	ssyncset.done $0x0  }
0x13e: {  	s26 =	sadd.s32 $0x2180, s26;
	[sflag:s21] =	ssyncadd.s32 $0xFFFFEC00  }
0x13f: {  	[spmem:s1] =	stream.indirect.scatter.add.f32 [tilespmem:s14], [sflag:$0x4], $0x80, s26, s13, $0xb8;
	[tilespmem:$0x17C80] =	vst v63  }
0x140: {  	_ =	swait.ge [sflag:s18], $0x1400  }
0x141: {  	[sflag:s18] =	ssyncset.done $0x0  }
0x142: {  	[sflag:s18] =	ssyncadd.s32 $0xFFFFEC00  }
0x143: {  	_ =	swait.ge [sflag:s19], $0x1400  }
0x144: {  	[sflag:s19] =	ssyncset.done $0x0  }
0x145: {  	[sflag:s19] =	ssyncadd.s32 $0xFFFFEC00  }
0x146: {  	_ =	swait.ge [sflag:s20], $0x1400  }
0x147: {  	[sflag:s20] =	ssyncset.done $0x0  }
0x148: {  	[sflag:s20] =	ssyncadd.s32 $0xFFFFEC00  }
0x149: {  	_ =	swait.ge [sflag:s21], $0x1400  }
0x14a: {  	[sflag:s21] =	ssyncset.done $0x0  }
0x14b: {  	[sflag:s21] =	ssyncadd.s32 $0xFFFFEC00  }
0x14c: {  	[tilespmem:s3], [sflag:$0x5] =	stream.linear.gather [hbm4b:s7+s3], $0x1D00, $0x38;
	[tilespmem:$0x17C80] =	vst v63  }
0x14d: {  	_ =	swait.ge [sflag:s12], $0x1D00  }
0x14e: {  	[sflag:s12] =	ssyncset.done $0x0  }
0x14f: {  	[sflag:s12] =	ssyncadd.s32 $0xFFFFE300  }
0x150: {  	[spmem:s1] =	stream.indirect.scatter.add.f32 [tilespmem:s14], [sflag:$0x1], $0x80, s3, s13, $0xb8;
	[tilespmem:$0x17C80] =	vst v63  }
0x151: {  	_ = 	snop  }
0x152: {  	[spmem:s1] =	stream.indirect.scatter.add.f32 [tilespmem:s14], [sflag:$0x2], $0x80, s15, s13, $0xb8;
	[tilespmem:$0x17C80] =	vst v63  }
0x153: {  	_ = 	snop  }
0x154: {  	[spmem:s1] =	stream.indirect.scatter.add.f32 [tilespmem:s14], [sflag:$0x3], $0x80, s16, s13, $0xb8;
	[tilespmem:$0x17C80] =	vst v63  }
0x155: {  	_ = 	snop  }
0x156: {  	[spmem:s1] =	stream.indirect.scatter.add.f32 [tilespmem:s14], [sflag:$0x4], $0x80, s17, s13, $0xb8;
	[tilespmem:$0x17C80] =	vst v63  }
0x157: {  	_ =	swait.ge [sflag:s18], $0x1400  }
0x158: {  	[sflag:s18] =	ssyncset.done $0x0  }
0x159: {  	s25 =	simm.s32 $0x200;
	[sflag:s18] =	ssyncadd.s32 $0xFFFFEC00  }
0x15a: {  	[spmem:s1] =	stream.indirect.scatter.add.f32 [tilespmem:s14], [sflag:$0x1], $0x80, s25, s13, $0xb8;
	[tilespmem:$0x17C80] =	vst v63  }
0x15b: {  	_ =	swait.ge [sflag:s19], $0x1400  }
0x15c: {  	[sflag:s19] =	ssyncset.done $0x0  }
0x15d: {  	s30 =	simm.s32 $0x280;
	[sflag:s19] =	ssyncadd.s32 $0xFFFFEC00  }
0x15e: {  	[spmem:s1] =	stream.indirect.scatter.add.f32 [tilespmem:s14], [sflag:$0x2], $0x80, s30, s13, $0xb8;
	[tilespmem:$0x17C80] =	vst v63  }
0x15f: {  	_ =	swait.ge [sflag:s20], $0x1400  }
0x160: {  	[sflag:s20] =	ssyncset.done $0x0  }
0x161: {  	s31 =	simm.s32 $0x300;
	[sflag:s20] =	ssyncadd.s32 $0xFFFFEC00  }
0x162: {  	[spmem:s1] =	stream.indirect.scatter.add.f32 [tilespmem:s14], [sflag:$0x3], $0x80, s31, s13, $0xb8;
	[tilespmem:$0x17C80] =	vst v63  }
0x163: {  	_ =	swait.ge [sflag:s21], $0x1400  }
0x164: {  	[sflag:s21] =	ssyncset.done $0x0  }
0x165: {  	s26 =	simm.s32 $0x380;
	s25 =	simm.s32 $0xFFFFA000;
	[sflag:s21] =	ssyncadd.s32 $0xFFFFEC00  }
.LBB2_14:
0x166: {  	[spmem:s1] =	stream.indirect.scatter.add.f32 [tilespmem:s14], [sflag:$0x4], $0x80, s26, s13, $0xb8;
	[tilespmem:$0x17C80] =	vst v63  }
0x167: {  	s26 =	smov.u32 s25  }
0x168: {  	p0 =	sne.s32 s25, $0xFFFFF800;
	s25 =	sadd.s32 $0x800, s25;
	_ =	swait.ge [sflag:s18], $0x1400  }
0x169: {  	s26 =	sshra.s32 s26, $0x2;
	[sflag:s18] =	ssyncset.done $0x0  }
0x16a: {  	s28 =	sadd.s32 $0x1C00, s26;
	[sflag:s18] =	ssyncadd.s32 $0xFFFFEC00  }
0x16b: {  	[spmem:s1] =	stream.indirect.scatter.add.f32 [tilespmem:s14], [sflag:$0x1], $0x80, s28, s13, $0xb8;
	[tilespmem:$0x17C80] =	vst v63  }
0x16c: {  	_ =	swait.ge [sflag:s19], $0x1400  }
0x16d: {  	[sflag:s19] =	ssyncset.done $0x0  }
0x16e: {  	s28 =	sadd.s32 $0x1C80, s26;
	[sflag:s19] =	ssyncadd.s32 $0xFFFFEC00  }
0x16f: {  	[spmem:s1] =	stream.indirect.scatter.add.f32 [tilespmem:s14], [sflag:$0x2], $0x80, s28, s13, $0xb8;
	[tilespmem:$0x17C80] =	vst v63  }
0x170: {  	_ =	swait.ge [sflag:s20], $0x1400  }
0x171: {  	[sflag:s20] =	ssyncset.done $0x0  }
.Ltmp6:
0x172: {  	s28 =	sadd.s32 $0x1D00, s26;
	[sflag:s20] =	ssyncadd.s32 $0xFFFFEC00;
	(pc) =	sbr.rel @p0 .LBB2_14-.Ltmp6, $4  }
0x173: {  	[spmem:s1] =	stream.indirect.scatter.add.f32 [tilespmem:s14], [sflag:$0x3], $0x80, s28, s13, $0xb8;
	[tilespmem:$0x17C80] =	vst v63  }
0x174: {  	_ =	swait.ge [sflag:s21], $0x1400  }
0x175: {  	[sflag:s21] =	ssyncset.done $0x0  }
0x176: {  	s26 =	sadd.s32 $0x1D80, s26;
	[sflag:s21] =	ssyncadd.s32 $0xFFFFEC00  }
0x177: {  	[spmem:s1] =	stream.indirect.scatter.add.f32 [tilespmem:s14], [sflag:$0x4], $0x80, s26, s13, $0xb8;
	[tilespmem:$0x17C80] =	vst v63  }
0x178: {  	_ =	swait.ge [sflag:s18], $0x1400  }
0x179: {  	[sflag:s18] =	ssyncset.done $0x0  }
0x17a: {  	[sflag:s18] =	ssyncadd.s32 $0xFFFFEC00  }
0x17b: {  	[spmem:s1] =	stream.indirect.scatter.add.f32 [tilespmem:s14], [sflag:$0x1], $0x80, s22, s13, $0xb8;
	[tilespmem:$0x17C80] =	vst v63  }
0x17c: {  	_ =	swait.ge [sflag:s19], $0x1400  }
0x17d: {  	[sflag:s19] =	ssyncset.done $0x0  }
0x17e: {  	[sflag:s19] =	ssyncadd.s32 $0xFFFFEC00  }
0x17f: {  	[spmem:s1] =	stream.indirect.scatter.add.f32 [tilespmem:s14], [sflag:$0x2], $0x80, s23, s13, $0xb8;
	[tilespmem:$0x17C80] =	vst v63  }
0x180: {  	_ =	swait.ge [sflag:s20], $0x1400  }
0x181: {  	[sflag:s20] =	ssyncset.done $0x0  }
0x182: {  	[sflag:s20] =	ssyncadd.s32 $0xFFFFEC00  }
0x183: {  	_ =	swait.ge [sflag:s21], $0x1400  }
0x184: {  	[sflag:s21] =	ssyncset.done $0x0  }
0x185: {  	[sflag:s21] =	ssyncadd.s32 $0xFFFFEC00  }
0x186: {  	_ =	swait.ge [sflag:s18], $0x1400  }
0x187: {  	[sflag:s18] =	ssyncset.done $0x0  }
0x188: {  	[sflag:s18] =	ssyncadd.s32 $0xFFFFEC00  }
0x189: {  	_ =	swait.ge [sflag:s19], $0x1400  }
0x18a: {  	s25 =	sshll.u32 s2, $0x6;
	s24 =	sadd.s32 $0x1, s24;
	[sflag:s19] =	ssyncset.done $0x0  }
0x18b: {  	s31 =	sshrl.u32 s9, $0x3;
	p0 =	sne.s32 s24, s10;
	[sflag:s19] =	ssyncadd.s32 $0xFFFFEC00  }
.Ltmp7:
0x18c: {  	s25 =	sor.u32 $0x1C05, s25;
	[bflag:$0x0] =	sbarrier.arrive $0xFFFF;
	(pc) =	sbr.rel @p0 .LBB2_1-.Ltmp7, $4  }
0x18d: {  	[hbm:s8], [sflag:s25] =	dma.local [spmem:s31], $0x2710  }
0x18e: {  	_ =	swait.ge [sflag:s12], $0x2710  }
0x18f: {  	[sflag:s12] =	ssyncset.done $0x0  }
0x190: {  	[sflag:s12] =	ssyncadd.s32 $0xFFFFD8F0  }
0x191: {  	_ =	sfence.sel $0x180000  }
0x192: {  	[bflag:$0x0] =	sbarrier.arrive $0xFFFF  }
0x193: {  	p0 =	sne.s32 s2, $0x0;
	_ =	strace $0x90000047  }
0x194: {  	s0 =	sadd.s32 @!p0 $0x100000, s0;
	[bflag:$0x2] =	sbarrier.arrive $0xFFFF  }
0x195: {  	[sflag:s0] =	ssyncadd.tile.s32 @!p0 $0x1;
	_ =	shalt  }
.Lfunc_end2:
_tile_overlayer_lowered:
.L_overlay_start_2:
0x196: {  	(tag) =	ssettag $0x2  }
0x197: {  	s0 =	rddreg [dreg:$0x0];
	s2 =	stileid.u32  }
0x198: {  	s1 =	rddreg [dreg:$0x1];
	p0 =	sne.s32 s2, $0x0  }
0x199: {  	s3 =	rddreg [dreg:$0x2];
	[bflag:$0x3] =	sbarrier.arrive $0xFFFF;
	s2 =	simm.s32 @!p0 $0x1C05  }
0x19a: {  	[timem:s3], [sflag:s2] =	dma.local @!p0 [hbm:s0], s1  }
0x19b: {  	s0 =	simm.s32 @!p0 $0x5  }
0x19c: {  	_ =	swait.ge @!p0 [sflag:s0], s1  }
0x19d: {  	s1 =	ssub.s32 @!p0 $0x0, s1;
	[sflag:s0] =	ssyncset.done @!p0 $0x0  }
0x19e: {  	[sflag:s0] =	ssyncadd.s32 @!p0 s1  }
0x19f: {  	[bflag:$0x3] =	sbarrier.arrive $0xFFFF  }
0x1a0: {  	_ =	shalt  }

// kernel: kernel.9.cloned.1.call-start
scs
__scs_entry_jumppad:
0x0: {  	(pc) =	sbr.rel $0x88, $3  }
0x1: {  	(tag) =	ssettag $0x0;
	lr =	simm.s32 $0x1  }
0x2: {  	[smem:$0x3F9D] =	sst lr;
	_ =	strace $0xD0000000  }
0x3: {  	_ = 	snop  }
0x4: {  	_ = 	snop  }
0x5: {  	_ = 	snop  }
0x6: {  	_ = 	snop  }
0x7: {  	_ = 	snop  }
__scs_overlays_trampoline_lowered:
0x8: {  	[smem:$0x3FAC] =	sst s0  }
0x9: {  	[smem:$0x3FAD] =	sst s1  }
0xa: {  	[smem:$0x3FAE] =	sst s2  }
0xb: {  	[smem:$0x3FAF] =	sst s3  }
0xc: {  	[smem:$0x3FB0] =	sst s4  }
0xd: {  	[smem:$0x3FB1] =	sst s5  }
0xe: {  	[smem:$0x3FB2] =	sst s6  }
0xf: {  	[smem:$0x3FB3] =	sst s7  }
0x10: {  	[smem:$0x3FB4] =	sst s8  }
0x11: {  	[smem:$0x3FB5] =	sst s9;
	s0 =	simm.s32 @!p0 $0x0  }
0x12: {  	s1 =	sld [smem:$0x3F9B];
	s0 =	simm.s32 @p0 $0x1  }
0x13: {  	[smem:$0x3FB6] =	sst s0;
	s0 =	simm.s32 @!p1 $0x0  }
0x14: {  	s2 =	sld [smem:$0x3F9A];
	s0 =	simm.s32 @p1 $0x1  }
0x15: {  	[smem:$0x3FB7] =	sst s0;
	s0 =	simm.s32 @!p2 $0x0  }
0x16: {  	s3 =	sld [smem:$0x3FDB];
	s0 =	simm.s32 @p2 $0x1  }
0x17: {  	s4 =	simm.s32 $0x1BF5;
	[smem:$0x3FB9] =	sst s0  }
0x18: {  	s0 =	sld [smem:$0x3F9C];
	_ =	swait.ge [sflag:s4], $0x0  }
0x19: {  	s7 =	sld [smem:$0x3F9D]  }
0x1a: {  	s8 =	sadd.s32 $0xFFFFE003, lr  }
0x1b: {  	s9 =	sadd.s32 $0xFFFFFEF7, lr;
	s5 =	simm.s32 $0xFFFFFFFF;
	p2 =	slt.u32 s8, $0xFFFFF086  }
0x1c: {  	p1 =	slt.u32 s9, $0xF7A;
	s5 =	simm.s32 @!p2 $0x0  }
0x1d: {  	s5 =	simm.s32 @p1 $0x1;
	p0 =	seq.s32 s7, s2  }
0x1e: {  	s7 =	smul.u32 @!p0 $0xF7A, s2;
	p2 =	seq.s32 @!p0 s5, $0x0  }
0x1f: {  	s9 =	smul.u32 $0xF7A, s1;
	s8 =	simm.s32 @!p0 $0x1BF5;
	p2 =	por !p2, p0  }
0x20: {  	[sflag:s8] =	ssyncset.s32 @!p0 $0xFFFFF086;
	s6 =	sadd.s32 @!p0 s3, s7;
	s7 =	simm.s32 @!p0 $0x108  }
0x21: {  	s3 =	sadd.s32 s3, s9;
	s6 =	sadd.s32 @!p0 $0x88, s6;
	s7 =	simm.s32 @p2 $0x1082  }
0x22: {  	[simem:s7], [sflag:s8] =	dma.local @!p0 [hbm:s6], $0xF7A  }
0x23: {  	s9 =	sor.u32 $0xD0000000, s2;
	s6 =	simm.s32 $0x108;
	_ =	swait.ge @!p0 [sflag:s8], $0x0  }
0x24: {  	s3 =	sadd.s32 $0x88, s3;
	s6 =	simm.s32 @!p1 $0x1082;
	[sflag:s4] =	ssyncset.s32 $0xFFFFF086  }
0x25: {  	[simem:s6], [sflag:s4] =	dma.local [hbm:s3], $0xF7A  }
0x26: {  	[smem:$0x3F9D] =	sst s1;
	(tag) =	ssettag s2;
	_ =	strace s9  }
0x27: {  	s1 =	sld [smem:$0x3FAD]  }
0x28: {  	s2 =	sld [smem:$0x3FAE]  }
0x29: {  	s4 =	sld [smem:$0x3FB0]  }
0x2a: {  	p0 =	seq.s32 s5, $0x0;
	s5 =	sld [smem:$0x3FB1]  }
0x2b: {  	s6 =	sld [smem:$0x3FB2]  }
0x2c: {  	s7 =	sld [smem:$0x3FB3]  }
0x2d: {  	s3 =	simm.s32 $0x108;
	s8 =	sld [smem:$0x3FB4]  }
0x2e: {  	s3 =	simm.s32 @!p0 $0x1082;
	s9 =	sld [smem:$0x3FB5]  }
0x2f: {  	lr =	sadd.s32 s0, s3;
	s0 =	sld [smem:$0x3FAC]  }
0x30: {  	s3 =	sld [smem:$0x3FAF]  }
0x31: {  	[smem:$0x3FB8] =	sst s10  }
0x32: {  	s10 =	sld [smem:$0x3FB6];
	_ =	sdelay $0x3  }
0x33: {  	p0 =	seq.s32 s10, $0x1;
	s10 =	sld [smem:$0x3FB8];
	_ =	sdelay $0x3  }
0x34: {  	[smem:$0x3FB8] =	sst s10  }
0x35: {  	s10 =	sld [smem:$0x3FB7];
	_ =	sdelay $0x3  }
0x36: {  	p1 =	seq.s32 s10, $0x1;
	s10 =	sld [smem:$0x3FB8];
	_ =	sdelay $0x3  }
0x37: {  	[smem:$0x3FB8] =	sst s10  }
0x38: {  	s10 =	sld [smem:$0x3FB9]  }
0x39: {  	_ = 	snop;
	(pc) =	sbr.ind lr, $3  }
0x3a: {  	_ = 	snop  }
0x3b: {  	_ = 	snop  }
0x3c: {  	p2 =	seq.s32 s10, $0x1;
	s10 =	sld [smem:$0x3FB8]  }
0x3d: {  	_ =	shalt  }
0x3e: {  	_ =	shalt  }
0x3f: {  	_ =	shalt  }
0x40: {  	_ =	shalt  }
0x41: {  	_ =	shalt  }
0x42: {  	_ =	shalt  }
0x43: {  	_ =	shalt  }
0x44: {  	_ =	shalt  }
0x45: {  	_ =	shalt  }
0x46: {  	_ =	shalt  }
0x47: {  	_ =	shalt  }
0x48: {  	_ =	shalt  }
0x49: {  	_ =	shalt  }
0x4a: {  	_ =	shalt  }
0x4b: {  	_ =	shalt  }
0x4c: {  	_ =	shalt  }
0x4d: {  	_ =	shalt  }
0x4e: {  	_ =	shalt  }
0x4f: {  	_ =	shalt  }
0x50: {  	_ =	shalt  }
0x51: {  	_ =	shalt  }
0x52: {  	_ =	shalt  }
0x53: {  	_ =	shalt  }
0x54: {  	_ =	shalt  }
0x55: {  	_ =	shalt  }
0x56: {  	_ =	shalt  }
0x57: {  	_ =	shalt  }
0x58: {  	_ =	shalt  }
0x59: {  	_ =	shalt  }
0x5a: {  	_ =	shalt  }
0x5b: {  	_ =	shalt  }
0x5c: {  	_ =	shalt  }
0x5d: {  	_ =	shalt  }
0x5e: {  	_ =	shalt  }
0x5f: {  	_ =	shalt  }
0x60: {  	_ =	shalt  }
0x61: {  	_ =	shalt  }
0x62: {  	_ =	shalt  }
0x63: {  	_ =	shalt  }
0x64: {  	_ =	shalt  }
0x65: {  	_ =	shalt  }
0x66: {  	_ =	shalt  }
0x67: {  	_ =	shalt  }
0x68: {  	_ =	shalt  }
0x69: {  	_ =	shalt  }
0x6a: {  	_ =	shalt  }
0x6b: {  	_ =	shalt  }
0x6c: {  	_ =	shalt  }
0x6d: {  	_ =	shalt  }
0x6e: {  	_ =	shalt  }
0x6f: {  	_ =	shalt  }
0x70: {  	_ =	shalt  }
0x71: {  	_ =	shalt  }
0x72: {  	_ =	shalt  }
0x73: {  	_ =	shalt  }
0x74: {  	_ =	shalt  }
0x75: {  	_ =	shalt  }
0x76: {  	_ =	shalt  }
0x77: {  	_ =	shalt  }
0x78: {  	_ =	shalt  }
0x79: {  	_ =	shalt  }
0x7a: {  	_ =	shalt  }
0x7b: {  	_ =	shalt  }
0x7c: {  	_ =	shalt  }
0x7d: {  	_ =	shalt  }
0x7e: {  	_ =	shalt  }
0x7f: {  	_ =	shalt  }
0x80: {  	_ =	shalt  }
0x81: {  	_ =	shalt  }
0x82: {  	_ =	shalt  }
0x83: {  	_ =	shalt  }
0x84: {  	_ =	shalt  }
0x85: {  	_ =	shalt  }
0x86: {  	_ =	shalt  }
0x87: {  	_ =	shalt  }
.Lfunc_end0:
.L_simem_size_0:
called_computation.1_lowered:
.L_overlay_start_0:
0x88: {  	s2 =	sld [smem:$0x3FD9]  }
0x89: {  	s3 =	sld [smem:$0x3FFE];
	_ =	sdelay $0x1  }
0x8a: {  	s1 =	srdreg.scid  }
0x8b: {  	s0 =	sand.u32 $0x1, s1  }
0x8c: {  	s17 =	sshll.u32 s0, $0xA;
	s2 =	sadd.s32 s3, s2  }
0x8d: {  	s2 =	sadd.s32 s2, s17  }
0x8e: {  	[smem:$0x3FC4] =	sst s2  }
0x8f: {  	_ = 	snop  }
0x90: {  	s2 =	sld [smem:$0x3FD0];
	(tm) =	ssettm $0x1  }
0x91: {  	s18 =	sld [smem:$0x3FFB];
	_ =	sdelay $0x3  }
0x92: {  	_ =	strace s18  }
0x93: {  	s3 =	sld [smem:$0x3FFC];
	_ =	sdelay $0x3  }
0x94: {  	_ =	strace s3  }
0x95: {  	s3 =	sld [smem:$0x3FFD];
	_ =	sdelay $0x3  }
0x96: {  	_ =	strace s3  }
0x97: {  	_ =	strace $0x8FFFFFFF  }
0x98: {  	s19 =	sld [smem:$0x3FDB];
	_ =	sdelay $0x1  }
0x99: {  	s4 =	simm.s32 $_scs_section_size  }
0x9a: {  	s5 =	simm.s32 $_size__tile_overlayer_lowered;
	s6 =	simm.s32 $_tile_overlayer_lowered  }
0x9b: {  	s22 =	simm.s32 $0x1BFF;
	s21 =	sshll.u32 s6, $0x1;
	s3 =	sadd.s32 s4, s19  }
0x9c: {  	s7 =	simm.s32 $0x0;
	s20 =	sshll.u32 s5, $0x1;
	s5 =	sadd.s32 s21, s3  }
0x9d: {  	[timem:s7], [sflag:s22] =	dma.local [hbm:s5], s20  }
0x9e: {  	_ =	swait.ge [sflag:s22], s20  }
0x9f: {  	s4 =	ssub.s32 $0x0, s20;
	[sflag:s22] =	ssyncset.done $0x0  }
0xa0: {  	[sflag:s22] =	ssyncadd.s32 s4;
	_ =	sdelay $0x1  }
0xa1: {  	s23 =	simm.s32 $0x1B8B  }
0xa2: {  	_ =	swait.ge [sflag:s23], $0x1  }
0xa3: {  	[sflag:s23] =	ssyncset.done $0x0  }
0xa4: {  	s25 =	simm.s32 $0x1B8E;
	s24 =	sld [smem:$0x3FFE];
	[sflag:s23] =	ssyncadd.s32 $0xFFFFFFFF  }
0xa5: {  	s26 =	simm.s32 $execute0_lowered;
	[smem:$0x3FD2] =	sst s25  }
0xa6: {  	s5 =	sshll.u32 s26, $0x1;
	_ =	strace $0x80000049;
	[dreg:$0x1] =	wrdreg $0xFFFFFFFF  }
0xa7: {  	s28 =	simm.s32 $_size_execute0_lowered;
	s3 =	sadd.s32 s3, s5;
	[dreg:$0x0] =	wrdreg $0x0  }
0xa8: {  	s5 =	sshll.u32 s28, $0x1;
	[dreg:$0x2] =	wrdreg s3  }
0xa9: {  	[dreg:$0x3] =	wrdreg s5  }
0xaa: {  	[dreg:$0x4] =	wrdreg $0xC0  }
0xab: {  	_ =	task [dreg:s7], $0x5FFFF  }
0xac: {  	[dreg:$0x1] =	wrdreg $0xFFFFFFFF  }
0xad: {  	[dreg:$0x0] =	wrdreg $0x60  }
0xae: {  	[dreg:$0x2] =	wrdreg s2  }
0xaf: {  	[dreg:$0x3] =	wrdreg s24  }
0xb0: {  	[dreg:$0x4] =	wrdreg $0xB8000  }
0xb1: {  	[dreg:$0x5] =	wrdreg $0x9  }
0xb2: {  	_ =	task.clear_ibuf [dreg:s7], $0x6FFFF;
	_ =	strace $0x90000049  }
0xb3: {  	s29 =	simm.s32 $0x9;
	_ =	strace $0x8000004B  }
0xb4: {  	_ =	swait.ge [sflag:s29], $0x1  }
0xb5: {  	[sflag:s29] =	ssyncadd.s32 $0xFFFFFFFF  }
0xb6: {  	_ =	strace $0x9000004B  }
0xb7: {  	_ =	sfence  }
0xb8: {  	s30 =	sld [smem:$0x0];
	_ =	sdelay $0x2  }
0xb9: {  	s31 =	sshll.u32 s1, $0xD;
	s1 =	sshrl.u32 s1, $0x2  }
0xba: {  	s3 =	sand.u32 $0x4000, s31;
	s1 =	sadd.s32 s1, s30  }
0xbb: {  	s0 =	sor.u32 s3, s0;
	s1 =	sshll.u32 s1, $0x11  }
0xbc: {  	s0 =	sor.u32 s1, s0  }
0xbd: {  	s0 =	sadd.s32 $0x8F2B, s0  }
0xbe: {  	[sflag:s0] =	ssyncadd.remote.s32 $0x1  }
0xbf: {  	_ =	sfence.sel $0xFFFF  }
0xc0: {  	[dreg:$0x0] =	wrdreg $0xFFFFFFFF;
	(pc) =	sbr.abs _section_cstart, $3  }
0xc1: {  	[dreg:$0x1] =	wrdreg $0xFFFFFFFF  }
0xc2: {  	_ =	task.clear_ibuf [dreg:s7], $0x2FFFF;
	_ =	strace $0x9FFFFFFF  }
0xc3: {  	(tm) =	ssettm $0x7FFFFFFF  }
tec
execute0_lowered:
.L_overlay_start_1:
0x0: {  	(tag) =	ssettag $0x1  }
0x1: {  	s0 =	rddreg [dreg:$0x0]  }
0x2: {  	s1 =	rddreg [dreg:$0x1]  }
0x3: {  	s2 =	srdreg.scid;
	s3 =	rddreg [dreg:$0x2]  }
0x4: {  	s10 =	stileid.u32;
	s4 =	simm.s32 $0x0;
	s2 =	sand.u32 $0x1, s2  }
0x5: {  	s6 =	smul.u32 $0x13C00, s10;
	[smem:$0x7FF] =	sst s4;
	s7 =	sadd.s32 $0x6FE00, s1  }
0x6: {  	s8 =	smul.u32 $0x4E200, s10;
	s9 =	sadd.s32 $0xE00, s1;
	s10 =	sshll.u32 s10, $0xC  }
0x7: {  	s5 =	smul.u32 $0x13C000, s2;
	s20 =	ssub.s32 $0x2, s2;
	s2 =	sshll.u32 s2, $0x10  }
0x8: {  	_ =	strace $0x8000004A;
	s21 =	sshrl.u32 s20, $0x1;
	s2 =	sor.u32 s10, s2  }
0x9: {  	s8 =	sshrl.u32 s8, $0x2;
	s5 =	sadd.s32 s6, s5;
	s22 =	sadd.s32 s7, s2  }
0xa: {  	s23 =	sor.u32 $0x400, s2;
	s10 =	sadd.s32 s9, s2;
	[dreg:$0x5] =	wrdreg s22  }
0xb: {  	s25 =	sor.u32 $0x800, s2;
	[dreg:$0x6] =	wrdreg s10;
	s24 =	sadd.s32 s7, s23  }
0xc: {  	s6 =	ssub.s32 s20, s21;
	s26 =	sadd.s32 s7, s25;
	[dreg:$0x7] =	wrdreg s24  }
0xd: {  	s2 =	sor.u32 $0xC00, s2;
	s11 =	sadd.s32 s9, s25;
	[dreg:$0x9] =	wrdreg s26  }
0xe: {  	s5 =	sshrl.u32 s5, $0x3;
	s7 =	sadd.s32 s7, s2;
	[dreg:$0xa] =	wrdreg s11  }
0xf: {  	s2 =	sadd.s32 s9, s2;
	s12 =	smax.u32 s6, $0x1;
	[dreg:$0xb] =	wrdreg s7  }
0x10: {  	s1 =	sadd.s32 s5, s1;
	s5 =	sadd.s32 s8, s3;
	[dreg:$0xc] =	wrdreg s2  }
0x11: {  	[dreg:$0xe] =	wrdreg s12;
	s8 =	sadd.s32 $0x12C00, s5  }
0x12: {  	s1 =	sadd.s32 $0x20E00, s1;
	[dreg:$0x4] =	wrdreg s8  }
0x13: {  	s13 =	sadd.s32 $0x1400, s5;
	[dreg:$0xd] =	wrdreg s1  }
0x14: {  	s14 =	sadd.s32 $0x2800, s5;
	[dreg:$0xf] =	wrdreg s13  }
0x15: {  	s28 =	simm.s32 $0xA;
	s15 =	sadd.s32 $0x3C00, s5;
	[dreg:$0x10] =	wrdreg s14  }
0x16: {  	s29 =	simm.s32 $0xB;
	s16 =	sadd.s32 $0x5000, s5;
	[dreg:$0x11] =	wrdreg s15  }
0x17: {  	s30 =	simm.s32 $0xC;
	s17 =	sadd.s32 $0x6400, s5;
	[dreg:$0x12] =	wrdreg s16  }
0x18: {  	s31 =	simm.s32 $0x3B00;
	s18 =	sadd.s32 $0x7800, s5;
	[dreg:$0x13] =	wrdreg s17  }
0x19: {  	s6 =	simm.s32 $0x3B80;
	s19 =	sadd.s32 $0x8C00, s5;
	[dreg:$0x14] =	wrdreg s18  }
0x1a: {  	s10 =	simm.s32 $0x3C80;
	s20 =	sadd.s32 $0xA000, s5;
	[dreg:$0x15] =	wrdreg s19  }
0x1b: {  	s2 =	simm.s32 $0xD;
	s21 =	sadd.s32 $0xB400, s5;
	[dreg:$0x16] =	wrdreg s20  }
0x1c: {  	s7 =	simm.s32 $0x28;
	s22 =	sadd.s32 $0xC800, s5;
	[dreg:$0x17] =	wrdreg s21  }
0x1d: {  	s11 =	simm.s32 $0x6800;
	s24 =	sadd.s32 $0xF000, s5;
	[dreg:$0x18] =	wrdreg s22  }
0x1e: {  	s25 =	sadd.s32 $0x10400, s5;
	s26 =	sadd.s32 $0x11800, s5;
	[dreg:$0x1a] =	wrdreg s24  }
0x1f: {  	s8 =	sadd.s32 s9, s23;
	s23 =	sadd.s32 $0xDC00, s5;
	[dreg:$0x1b] =	wrdreg s25  }
0x20: {  	[dreg:$0x1c] =	wrdreg s26;
	s1 =	simm.s32 $0x4000;
	s9 =	simm.s32 $0x5400  }
0x21: {  	s13 =	simm.s32 $0x7C00;
	s15 =	simm.s32 $0x9000;
	s17 =	simm.s32 $0xA400  }
0x22: {  	s18 =	simm.s32 $0x1;
	s19 =	simm.s32 $0x2;
	s20 =	simm.s32 $0x3  }
0x23: {  	s21 =	simm.s32 $0x4;
	s22 =	simm.s32 $0x5;
	s24 =	simm.s32 $0x7  }
0x24: {  	s25 =	simm.s32 $0x8;
	s26 =	simm.s32 $0x9;
	[dreg:$0x8] =	wrdreg s8  }
0x25: {  	v0 =	vimm.f32 $0.0e+00;
	[dreg:$0x19] =	wrdreg s23;
	s23 =	simm.s32 $0x6;
	s8 =	simm.s32 $0x3C00  }
.LBB2_1:
0x26: {  	s12 =	simm.s32 $0x4100  }
0x27: {  	[tilespmem:s12+$0xFFFFFF00] =	vst v0  }
0x28: {  	[tilespmem:s12+$0xF0] =	vst v0  }
0x29: {  	[tilespmem:s12+$0xE0] =	vst v0  }
0x2a: {  	[tilespmem:s12+$0xD0] =	vst v0  }
0x2b: {  	[tilespmem:s12+$0xC0] =	vst v0  }
0x2c: {  	[tilespmem:s12+$0xB0] =	vst v0  }
0x2d: {  	[tilespmem:s12+$0xA0] =	vst v0  }
0x2e: {  	[tilespmem:s12+$0x90] =	vst v0  }
0x2f: {  	[tilespmem:s12+$0x80] =	vst v0  }
0x30: {  	[tilespmem:s12+$0x70] =	vst v0  }
0x31: {  	[tilespmem:s12+$0x60] =	vst v0  }
0x32: {  	[tilespmem:s12+$0x50] =	vst v0  }
0x33: {  	[tilespmem:s12+$0x40] =	vst v0  }
0x34: {  	[tilespmem:s12+$0x30] =	vst v0  }
0x35: {  	[tilespmem:s12+$0x20] =	vst v0  }
0x36: {  	[tilespmem:s12+$0x10] =	vst v0  }
0x37: {  	[tilespmem:s12+$0x0] =	vst v0  }
0x38: {  	[tilespmem:s12+$0xFFFFFFF0] =	vst v0  }
0x39: {  	[tilespmem:s12+$0xFFFFFFE0] =	vst v0  }
0x3a: {  	[tilespmem:s12+$0xFFFFFFD0] =	vst v0  }
0x3b: {  	[tilespmem:s12+$0xFFFFFFC0] =	vst v0  }
0x3c: {  	[tilespmem:s12+$0xFFFFFFB0] =	vst v0  }
0x3d: {  	[tilespmem:s12+$0xFFFFFFA0] =	vst v0  }
0x3e: {  	[tilespmem:s12+$0xFFFFFF90] =	vst v0  }
0x3f: {  	[tilespmem:s12+$0xFFFFFF80] =	vst v0  }
0x40: {  	[tilespmem:s12+$0xFFFFFF70] =	vst v0  }
0x41: {  	[tilespmem:s12+$0xFFFFFF60] =	vst v0  }
0x42: {  	[tilespmem:s12+$0xFFFFFF50] =	vst v0  }
0x43: {  	[tilespmem:s12+$0xFFFFFF40] =	vst v0  }
0x44: {  	[tilespmem:s12+$0xFFFFFF30] =	vst v0  }
0x45: {  	s14 =	simm.s32 $0x0;
	[tilespmem:s12+$0xFFFFFF20] =	vst v0  }
.LBB2_2:
0x46: {  	s14 =	sadd.s32 $0x4, s14;
	[tilespmem:s12+$0xFFFFFF10] =	vst v0;
	s12 =	sadd.s32 $0x200, s12  }
0x47: {  	[tilespmem:s12+$0xFFFFFF00] =	vst v0;
	p0 =	slt.u32 s14, $0x24  }
0x48: {  	[tilespmem:s12+$0xF0] =	vst v0  }
0x49: {  	[tilespmem:s12+$0xE0] =	vst v0  }
0x4a: {  	[tilespmem:s12+$0xD0] =	vst v0  }
0x4b: {  	[tilespmem:s12+$0xC0] =	vst v0  }
0x4c: {  	[tilespmem:s12+$0xB0] =	vst v0  }
0x4d: {  	[tilespmem:s12+$0xA0] =	vst v0  }
0x4e: {  	[tilespmem:s12+$0x90] =	vst v0  }
0x4f: {  	[tilespmem:s12+$0x80] =	vst v0  }
0x50: {  	[tilespmem:s12+$0x70] =	vst v0  }
0x51: {  	[tilespmem:s12+$0x60] =	vst v0  }
0x52: {  	[tilespmem:s12+$0x50] =	vst v0  }
0x53: {  	[tilespmem:s12+$0x40] =	vst v0  }
0x54: {  	[tilespmem:s12+$0x30] =	vst v0  }
0x55: {  	[tilespmem:s12+$0x20] =	vst v0  }
0x56: {  	[tilespmem:s12+$0x10] =	vst v0  }
0x57: {  	[tilespmem:s12+$0x0] =	vst v0  }
0x58: {  	[tilespmem:s12+$0xFFFFFFF0] =	vst v0  }
0x59: {  	[tilespmem:s12+$0xFFFFFFE0] =	vst v0  }
0x5a: {  	[tilespmem:s12+$0xFFFFFFD0] =	vst v0  }
0x5b: {  	[tilespmem:s12+$0xFFFFFFC0] =	vst v0  }
0x5c: {  	[tilespmem:s12+$0xFFFFFFB0] =	vst v0  }
0x5d: {  	[tilespmem:s12+$0xFFFFFFA0] =	vst v0  }
0x5e: {  	[tilespmem:s12+$0xFFFFFF90] =	vst v0  }
0x5f: {  	[tilespmem:s12+$0xFFFFFF80] =	vst v0  }
0x60: {  	[tilespmem:s12+$0xFFFFFF70] =	vst v0  }
.Ltmp0:
0x61: {  	[tilespmem:s12+$0xFFFFFF60] =	vst v0;
	(pc) =	sbr.rel @p0 .LBB2_2-.Ltmp0, $4  }
0x62: {  	[tilespmem:s12+$0xFFFFFF50] =	vst v0  }
0x63: {  	[tilespmem:s12+$0xFFFFFF40] =	vst v0  }
0x64: {  	[tilespmem:s12+$0xFFFFFF30] =	vst v0  }
0x65: {  	[tilespmem:s12+$0xFFFFFF20] =	vst v0  }
0x66: {  	[tilespmem:s12+$0xFFFFFF10] =	vst v0  }
0x67: {  	[spmem:s5] =	stream.linear.scatter [tilespmem:s1], [sflag:$0xD], $0x1400, $0x38;
	[tilespmem:$0x1F080] =	vst v63  }
0x68: {  	_ =	swait.ge [sflag:s2], $0x1400  }
0x69: {  	[sflag:s2] =	ssyncset.done $0x0  }
0x6a: {  	s16 =	rddreg [dreg:$0xf];
	[sflag:s2] =	ssyncadd.s32 $0xFFFFEC00  }
0x6b: {  	[spmem:s16] =	stream.linear.scatter [tilespmem:s1], [sflag:$0xD], $0x1400, $0x38;
	[tilespmem:$0x1F080] =	vst v63  }
0x6c: {  	_ =	swait.ge [sflag:s2], $0x1400  }
0x6d: {  	[sflag:s2] =	ssyncset.done $0x0  }
0x6e: {  	s14 =	rddreg [dreg:$0x10];
	[sflag:s2] =	ssyncadd.s32 $0xFFFFEC00  }
0x6f: {  	[spmem:s14] =	stream.linear.scatter [tilespmem:s1], [sflag:$0xD], $0x1400, $0x38;
	[tilespmem:$0x1F080] =	vst v63  }
0x70: {  	_ =	swait.ge [sflag:s2], $0x1400  }
0x71: {  	[sflag:s2] =	ssyncset.done $0x0  }
0x72: {  	s16 =	rddreg [dreg:$0x11];
	[sflag:s2] =	ssyncadd.s32 $0xFFFFEC00  }
0x73: {  	[spmem:s16] =	stream.linear.scatter [tilespmem:s1], [sflag:$0xD], $0x1400, $0x38;
	[tilespmem:$0x1F080] =	vst v63  }
0x74: {  	_ =	swait.ge [sflag:s2], $0x1400  }
0x75: {  	[sflag:s2] =	ssyncset.done $0x0  }
0x76: {  	s14 =	rddreg [dreg:$0x12];
	[sflag:s2] =	ssyncadd.s32 $0xFFFFEC00  }
0x77: {  	[spmem:s14] =	stream.linear.scatter [tilespmem:s1], [sflag:$0xD], $0x1400, $0x38;
	[tilespmem:$0x1F080] =	vst v63  }
0x78: {  	_ =	swait.ge [sflag:s2], $0x1400  }
0x79: {  	[sflag:s2] =	ssyncset.done $0x0  }
0x7a: {  	s16 =	rddreg [dreg:$0x13];
	[sflag:s2] =	ssyncadd.s32 $0xFFFFEC00  }
0x7b: {  	[spmem:s16] =	stream.linear.scatter [tilespmem:s1], [sflag:$0xD], $0x1400, $0x38;
	[tilespmem:$0x1F080] =	vst v63  }
0x7c: {  	_ =	swait.ge [sflag:s2], $0x1400  }
0x7d: {  	[sflag:s2] =	ssyncset.done $0x0  }
0x7e: {  	s14 =	rddreg [dreg:$0x14];
	[sflag:s2] =	ssyncadd.s32 $0xFFFFEC00  }
0x7f: {  	[spmem:s14] =	stream.linear.scatter [tilespmem:s1], [sflag:$0xD], $0x1400, $0x38;
	[tilespmem:$0x1F080] =	vst v63  }
0x80: {  	_ =	swait.ge [sflag:s2], $0x1400  }
0x81: {  	[sflag:s2] =	ssyncset.done $0x0  }
0x82: {  	s16 =	rddreg [dreg:$0x15];
	[sflag:s2] =	ssyncadd.s32 $0xFFFFEC00  }
0x83: {  	[spmem:s16] =	stream.linear.scatter [tilespmem:s1], [sflag:$0xD], $0x1400, $0x38;
	[tilespmem:$0x1F080] =	vst v63  }
0x84: {  	_ =	swait.ge [sflag:s2], $0x1400  }
0x85: {  	[sflag:s2] =	ssyncset.done $0x0  }
0x86: {  	s14 =	rddreg [dreg:$0x16];
	[sflag:s2] =	ssyncadd.s32 $0xFFFFEC00  }
0x87: {  	[spmem:s14] =	stream.linear.scatter [tilespmem:s1], [sflag:$0xD], $0x1400, $0x38;
	[tilespmem:$0x1F080] =	vst v63  }
0x88: {  	_ =	swait.ge [sflag:s2], $0x1400  }
0x89: {  	[sflag:s2] =	ssyncset.done $0x0  }
0x8a: {  	s16 =	rddreg [dreg:$0x17];
	[sflag:s2] =	ssyncadd.s32 $0xFFFFEC00  }
0x8b: {  	[spmem:s16] =	stream.linear.scatter [tilespmem:s1], [sflag:$0xD], $0x1400, $0x38;
	[tilespmem:$0x1F080] =	vst v63  }
0x8c: {  	_ =	swait.ge [sflag:s2], $0x1400  }
0x8d: {  	[sflag:s2] =	ssyncset.done $0x0  }
0x8e: {  	s14 =	rddreg [dreg:$0x18];
	[sflag:s2] =	ssyncadd.s32 $0xFFFFEC00  }
0x8f: {  	[spmem:s14] =	stream.linear.scatter [tilespmem:s1], [sflag:$0xD], $0x1400, $0x38;
	[tilespmem:$0x1F080] =	vst v63  }
0x90: {  	_ =	swait.ge [sflag:s2], $0x1400  }
0x91: {  	[sflag:s2] =	ssyncset.done $0x0  }
0x92: {  	s16 =	rddreg [dreg:$0x19];
	[sflag:s2] =	ssyncadd.s32 $0xFFFFEC00  }
0x93: {  	[spmem:s16] =	stream.linear.scatter [tilespmem:s1], [sflag:$0xD], $0x1400, $0x38;
	[tilespmem:$0x1F080] =	vst v63  }
0x94: {  	_ =	swait.ge [sflag:s2], $0x1400  }
0x95: {  	[sflag:s2] =	ssyncset.done $0x0  }
0x96: {  	s14 =	rddreg [dreg:$0x1a];
	[sflag:s2] =	ssyncadd.s32 $0xFFFFEC00  }
0x97: {  	[spmem:s14] =	stream.linear.scatter [tilespmem:s1], [sflag:$0xD], $0x1400, $0x38;
	[tilespmem:$0x1F080] =	vst v63  }
0x98: {  	_ =	swait.ge [sflag:s2], $0x1400  }
0x99: {  	[sflag:s2] =	ssyncset.done $0x0  }
0x9a: {  	s16 =	rddreg [dreg:$0x1b];
	[sflag:s2] =	ssyncadd.s32 $0xFFFFEC00  }
0x9b: {  	[spmem:s16] =	stream.linear.scatter [tilespmem:s1], [sflag:$0xD], $0x1400, $0x38;
	[tilespmem:$0x1F080] =	vst v63  }
0x9c: {  	_ =	swait.ge [sflag:s2], $0x1400  }
0x9d: {  	[sflag:s2] =	ssyncset.done $0x0  }
0x9e: {  	s14 =	rddreg [dreg:$0x1c];
	[sflag:s2] =	ssyncadd.s32 $0xFFFFEC00  }
0x9f: {  	[spmem:s14] =	stream.linear.scatter [tilespmem:s1], [sflag:$0xD], $0x1400, $0x38;
	[tilespmem:$0x1F080] =	vst v63  }
0xa0: {  	_ =	swait.ge [sflag:s2], $0x1400  }
0xa1: {  	[sflag:s2] =	ssyncset.done $0x0  }
0xa2: {  	s16 =	rddreg [dreg:$0x4];
	[sflag:s2] =	ssyncadd.s32 $0xFFFFEC00  }
0xa3: {  	[spmem:s16] =	stream.linear.scatter [tilespmem:s1], [sflag:$0xD], $0xC80, $0x38;
	[tilespmem:$0x1F080] =	vst v63  }
0xa4: {  	_ =	swait.ge [sflag:s2], $0xC80  }
0xa5: {  	[sflag:s2] =	ssyncset.done $0x0  }
0xa6: {  	[sflag:s2] =	ssyncadd.s32 $0xFFFFF380  }
0xa7: {  	[bflag:$0x0] =	sbarrier.arrive $0xFFFF  }
0xa8: {  	s12 =	simm.s32 $0x0;
	s14 =	rddreg [dreg:$0x5]  }
0xa9: {  	[tilespmem:s12], [sflag:$0xD] =	stream.linear.gather [hbm4b:s14+s12], $0x2000, $0x38;
	[tilespmem:$0x1F080] =	vst v63  }
0xaa: {  	_ =	swait.ge [sflag:s2], $0x2000  }
0xab: {  	[sflag:s2] =	ssyncset.done $0x0  }
0xac: {  	s16 =	simm.s32 $0x2000;
	s14 =	rddreg [dreg:$0x6];
	[sflag:s2] =	ssyncadd.s32 $0xFFFFE000  }
0xad: {  	[tilespmem:s16], [sflag:$0xD] =	stream.linear.gather [hbm4b:s14+s12], $0x2000, $0x38;
	[tilespmem:$0x1F080] =	vst v63  }
0xae: {  	_ =	swait.ge [sflag:s2], $0x2000  }
0xaf: {  	[sflag:s2] =	ssyncset.done $0x0  }
0xb0: {  	[sflag:s2] =	ssyncadd.s32 $0xFFFFE000  }
0xb1: {  	[tilespmem:s1], [sflag:$0x1] =	stream.indirect.gather [hbm4b:s0+s7], $0x80, s12, s7, $0xb8;
	[tilespmem:$0x1F080] =	vst v63  }
0xb2: {  	s14 =	simm.s32 $0x80  }
0xb3: {  	[tilespmem:s9], [sflag:$0x2] =	stream.indirect.gather [hbm4b:s0+s7], $0x80, s14, s7, $0xb8;
	[tilespmem:$0x1F080] =	vst v63  }
0xb4: {  	s16 =	simm.s32 $0x100  }
0xb5: {  	[tilespmem:s11], [sflag:$0x3] =	stream.indirect.gather [hbm4b:s0+s7], $0x80, s16, s7, $0xb8;
	[tilespmem:$0x1F080] =	vst v63  }
0xb6: {  	s14 =	simm.s32 $0x180  }
0xb7: {  	[tilespmem:s13], [sflag:$0x4] =	stream.indirect.gather [hbm4b:s0+s7], $0x80, s14, s7, $0xb8;
	[tilespmem:$0x1F080] =	vst v63  }
0xb8: {  	s16 =	simm.s32 $0x200  }
0xb9: {  	[tilespmem:s15], [sflag:$0x5] =	stream.indirect.gather [hbm4b:s0+s7], $0x80, s16, s7, $0xb8;
	[tilespmem:$0x1F080] =	vst v63  }
0xba: {  	s14 =	simm.s32 $0x280  }
0xbb: {  	[tilespmem:s17], [sflag:$0x6] =	stream.indirect.gather [hbm4b:s0+s7], $0x80, s14, s7, $0xb8;
	[tilespmem:$0x1F080] =	vst v63  }
0xbc: {  	_ =	swait.ge [sflag:s18], $0x1400  }
0xbd: {  	[sflag:s18] =	ssyncset.done $0x0  }
0xbe: {  	s16 =	simm.s32 $0x2000;
	[sflag:s18] =	ssyncadd.s32 $0xFFFFEC00  }
0xbf: {  	[spmem:s3] =	stream.indirect.scatter.add.f32 [tilespmem:s1], [sflag:$0x7], $0x80, s16, s7, $0xb8;
	[tilespmem:$0x1F080] =	vst v63  }
0xc0: {  	_ =	swait.ge [sflag:s19], $0x1400  }
0xc1: {  	[sflag:s19] =	ssyncset.done $0x0  }
0xc2: {  	s14 =	simm.s32 $0x2080;
	[sflag:s19] =	ssyncadd.s32 $0xFFFFEC00  }
0xc3: {  	[spmem:s3] =	stream.indirect.scatter.add.f32 [tilespmem:s9], [sflag:$0x8], $0x80, s14, s7, $0xb8;
	[tilespmem:$0x1F080] =	vst v63  }
0xc4: {  	_ =	swait.ge [sflag:s20], $0x1400  }
0xc5: {  	[sflag:s20] =	ssyncset.done $0x0  }
0xc6: {  	s16 =	simm.s32 $0x2100;
	[sflag:s20] =	ssyncadd.s32 $0xFFFFEC00  }
0xc7: {  	[spmem:s3] =	stream.indirect.scatter.add.f32 [tilespmem:s11], [sflag:$0x9], $0x80, s16, s7, $0xb8;
	[tilespmem:$0x1F080] =	vst v63  }
0xc8: {  	_ =	swait.ge [sflag:s21], $0x1400  }
0xc9: {  	[sflag:s21] =	ssyncset.done $0x0  }
0xca: {  	s14 =	simm.s32 $0x2180;
	[sflag:s21] =	ssyncadd.s32 $0xFFFFEC00  }
0xcb: {  	[spmem:s3] =	stream.indirect.scatter.add.f32 [tilespmem:s13], [sflag:$0xA], $0x80, s14, s7, $0xb8;
	[tilespmem:$0x1F080] =	vst v63  }
0xcc: {  	_ =	swait.ge [sflag:s22], $0x1400  }
0xcd: {  	[sflag:s22] =	ssyncset.done $0x0  }
0xce: {  	s16 =	simm.s32 $0x2200;
	[sflag:s22] =	ssyncadd.s32 $0xFFFFEC00  }
0xcf: {  	[spmem:s3] =	stream.indirect.scatter.add.f32 [tilespmem:s15], [sflag:$0xB], $0x80, s16, s7, $0xb8;
	[tilespmem:$0x1F080] =	vst v63  }
0xd0: {  	_ =	swait.ge [sflag:s23], $0x1400  }
0xd1: {  	[sflag:s23] =	ssyncset.done $0x0  }
0xd2: {  	s14 =	simm.s32 $0x2280;
	[sflag:s23] =	ssyncadd.s32 $0xFFFFEC00  }
0xd3: {  	[spmem:s3] =	stream.indirect.scatter.add.f32 [tilespmem:s17], [sflag:$0xC], $0x80, s14, s7, $0xb8;
	[tilespmem:$0x1F080] =	vst v63  }
0xd4: {  	_ =	swait.ge [sflag:s24], $0x1400  }
0xd5: {  	[sflag:s24] =	ssyncset.done $0x0  }
0xd6: {  	s16 =	simm.s32 $0x300;
	[sflag:s24] =	ssyncadd.s32 $0xFFFFEC00  }
0xd7: {  	[tilespmem:s1], [sflag:$0x1] =	stream.indirect.gather [hbm4b:s0+s7], $0x80, s16, s7, $0xb8;
	[tilespmem:$0x1F080] =	vst v63  }
0xd8: {  	_ =	swait.ge [sflag:s25], $0x1400  }
0xd9: {  	[sflag:s25] =	ssyncset.done $0x0  }
0xda: {  	s14 =	simm.s32 $0x380;
	[sflag:s25] =	ssyncadd.s32 $0xFFFFEC00  }
0xdb: {  	[tilespmem:s9], [sflag:$0x2] =	stream.indirect.gather [hbm4b:s0+s7], $0x80, s14, s7, $0xb8;
	[tilespmem:$0x1F080] =	vst v63  }
0xdc: {  	_ =	swait.ge [sflag:s26], $0x1400  }
0xdd: {  	[sflag:s26] =	ssyncset.done $0x0  }
0xde: {  	s16 =	simm.s32 $0x400;
	[sflag:s26] =	ssyncadd.s32 $0xFFFFEC00  }
0xdf: {  	[tilespmem:s11], [sflag:$0x3] =	stream.indirect.gather [hbm4b:s0+s7], $0x80, s16, s7, $0xb8;
	[tilespmem:$0x1F080] =	vst v63  }
0xe0: {  	_ =	swait.ge [sflag:s28], $0x1400  }
0xe1: {  	[sflag:s28] =	ssyncset.done $0x0  }
0xe2: {  	s14 =	simm.s32 $0x480;
	[sflag:s28] =	ssyncadd.s32 $0xFFFFEC00  }
0xe3: {  	[tilespmem:s13], [sflag:$0x4] =	stream.indirect.gather [hbm4b:s0+s7], $0x80, s14, s7, $0xb8;
	[tilespmem:$0x1F080] =	vst v63  }
0xe4: {  	_ =	swait.ge [sflag:s29], $0x1400  }
0xe5: {  	[sflag:s29] =	ssyncset.done $0x0  }
0xe6: {  	s16 =	simm.s32 $0x500;
	[sflag:s29] =	ssyncadd.s32 $0xFFFFEC00  }
0xe7: {  	[tilespmem:s15], [sflag:$0x5] =	stream.indirect.gather [hbm4b:s0+s7], $0x80, s16, s7, $0xb8;
	[tilespmem:$0x1F080] =	vst v63  }
0xe8: {  	_ =	swait.ge [sflag:s30], $0x1400  }
0xe9: {  	[sflag:s30] =	ssyncset.done $0x0  }
0xea: {  	s12 =	simm.s32 $0xC00;
	s14 =	simm.s32 $0x580;
	[sflag:s30] =	ssyncadd.s32 $0xFFFFEC00  }
.LBB2_4:
0xeb: {  	[tilespmem:s17], [sflag:$0x6] =	stream.indirect.gather [hbm4b:s0+s7], $0x80, s14, s7, $0xb8;
	[tilespmem:$0x1F080] =	vst v63  }
0xec: {  	s14 =	smov.u32 s12  }
0xed: {  	p0 =	sne.s32 s12, $0x6000;
	s12 =	sadd.s32 $0xC00, s12;
	_ =	swait.ge [sflag:s18], $0x1400  }
0xee: {  	s14 =	sshra.s32 s14, $0x2;
	[sflag:s18] =	ssyncset.done $0x0  }
0xef: {  	s16 =	sadd.s32 $0x2000, s14;
	[sflag:s18] =	ssyncadd.s32 $0xFFFFEC00  }
0xf0: {  	[spmem:s3] =	stream.indirect.scatter.add.f32 [tilespmem:s1], [sflag:$0x7], $0x80, s16, s7, $0xb8;
	[tilespmem:$0x1F080] =	vst v63  }
0xf1: {  	_ =	swait.ge [sflag:s19], $0x1400  }
0xf2: {  	[sflag:s19] =	ssyncset.done $0x0  }
0xf3: {  	s16 =	sadd.s32 $0x2080, s14;
	[sflag:s19] =	ssyncadd.s32 $0xFFFFEC00  }
0xf4: {  	[spmem:s3] =	stream.indirect.scatter.add.f32 [tilespmem:s9], [sflag:$0x8], $0x80, s16, s7, $0xb8;
	[tilespmem:$0x1F080] =	vst v63  }
0xf5: {  	_ =	swait.ge [sflag:s20], $0x1400  }
0xf6: {  	[sflag:s20] =	ssyncset.done $0x0  }
0xf7: {  	s16 =	sadd.s32 $0x2100, s14;
	[sflag:s20] =	ssyncadd.s32 $0xFFFFEC00  }
0xf8: {  	[spmem:s3] =	stream.indirect.scatter.add.f32 [tilespmem:s11], [sflag:$0x9], $0x80, s16, s7, $0xb8;
	[tilespmem:$0x1F080] =	vst v63  }
0xf9: {  	_ =	swait.ge [sflag:s21], $0x1400  }
0xfa: {  	[sflag:s21] =	ssyncset.done $0x0  }
0xfb: {  	s16 =	sadd.s32 $0x2180, s14;
	[sflag:s21] =	ssyncadd.s32 $0xFFFFEC00  }
0xfc: {  	[spmem:s3] =	stream.indirect.scatter.add.f32 [tilespmem:s13], [sflag:$0xA], $0x80, s16, s7, $0xb8;
	[tilespmem:$0x1F080] =	vst v63  }
0xfd: {  	_ =	swait.ge [sflag:s22], $0x1400  }
0xfe: {  	[sflag:s22] =	ssyncset.done $0x0  }
0xff: {  	s16 =	sadd.s32 $0x2200, s14;
	[sflag:s22] =	ssyncadd.s32 $0xFFFFEC00  }
0x100: {  	[spmem:s3] =	stream.indirect.scatter.add.f32 [tilespmem:s15], [sflag:$0xB], $0x80, s16, s7, $0xb8;
	[tilespmem:$0x1F080] =	vst v63  }
0x101: {  	_ =	swait.ge [sflag:s23], $0x1400  }
0x102: {  	[sflag:s23] =	ssyncset.done $0x0  }
0x103: {  	s16 =	sadd.s32 $0x2280, s14;
	[sflag:s23] =	ssyncadd.s32 $0xFFFFEC00  }
0x104: {  	[spmem:s3] =	stream.indirect.scatter.add.f32 [tilespmem:s17], [sflag:$0xC], $0x80, s16, s7, $0xb8;
	[tilespmem:$0x1F080] =	vst v63  }
0x105: {  	_ =	swait.ge [sflag:s24], $0x1400  }
0x106: {  	[sflag:s24] =	ssyncset.done $0x0  }
0x107: {  	s16 =	sadd.s32 $0x300, s14;
	[sflag:s24] =	ssyncadd.s32 $0xFFFFEC00  }
0x108: {  	[tilespmem:s1], [sflag:$0x1] =	stream.indirect.gather [hbm4b:s0+s7], $0x80, s16, s7, $0xb8;
	[tilespmem:$0x1F080] =	vst v63  }
0x109: {  	_ =	swait.ge [sflag:s25], $0x1400  }
0x10a: {  	[sflag:s25] =	ssyncset.done $0x0  }
0x10b: {  	s16 =	sadd.s32 $0x380, s14;
	[sflag:s25] =	ssyncadd.s32 $0xFFFFEC00  }
0x10c: {  	[tilespmem:s9], [sflag:$0x2] =	stream.indirect.gather [hbm4b:s0+s7], $0x80, s16, s7, $0xb8;
	[tilespmem:$0x1F080] =	vst v63  }
0x10d: {  	_ =	swait.ge [sflag:s26], $0x1400  }
0x10e: {  	[sflag:s26] =	ssyncset.done $0x0  }
0x10f: {  	s16 =	sadd.s32 $0x400, s14;
	[sflag:s26] =	ssyncadd.s32 $0xFFFFEC00  }
0x110: {  	[tilespmem:s11], [sflag:$0x3] =	stream.indirect.gather [hbm4b:s0+s7], $0x80, s16, s7, $0xb8;
	[tilespmem:$0x1F080] =	vst v63  }
0x111: {  	_ =	swait.ge [sflag:s28], $0x1400  }
0x112: {  	[sflag:s28] =	ssyncset.done $0x0  }
0x113: {  	s16 =	sadd.s32 $0x480, s14;
	[sflag:s28] =	ssyncadd.s32 $0xFFFFEC00  }
0x114: {  	[tilespmem:s13], [sflag:$0x4] =	stream.indirect.gather [hbm4b:s0+s7], $0x80, s16, s7, $0xb8;
	[tilespmem:$0x1F080] =	vst v63  }
0x115: {  	_ =	swait.ge [sflag:s29], $0x1400  }
0x116: {  	[sflag:s29] =	ssyncset.done $0x0  }
.Ltmp1:
0x117: {  	s16 =	sadd.s32 $0x500, s14;
	[sflag:s29] =	ssyncadd.s32 $0xFFFFEC00;
	(pc) =	sbr.rel @p0 .LBB2_4-.Ltmp1, $4  }
0x118: {  	[tilespmem:s15], [sflag:$0x5] =	stream.indirect.gather [hbm4b:s0+s7], $0x80, s16, s7, $0xb8;
	[tilespmem:$0x1F080] =	vst v63  }
0x119: {  	_ =	swait.ge [sflag:s30], $0x1400  }
0x11a: {  	[sflag:s30] =	ssyncset.done $0x0  }
0x11b: {  	s14 =	sadd.s32 $0x580, s14;
	[sflag:s30] =	ssyncadd.s32 $0xFFFFEC00  }
0x11c: {  	[tilespmem:s17], [sflag:$0x6] =	stream.indirect.gather [hbm4b:s0+s7], $0x80, s14, s7, $0xb8;
	[tilespmem:$0x1F080] =	vst v63  }
0x11d: {  	_ =	swait.ge [sflag:s18], $0x1400  }
0x11e: {  	[sflag:s18] =	ssyncset.done $0x0  }
0x11f: {  	[sflag:s18] =	ssyncadd.s32 $0xFFFFEC00  }
0x120: {  	[spmem:s3] =	stream.indirect.scatter.add.f32 [tilespmem:s1], [sflag:$0x7], $0x80, s31, s7, $0xb8;
	[tilespmem:$0x1F080] =	vst v63  }
0x121: {  	_ =	swait.ge [sflag:s19], $0x1400  }
0x122: {  	[sflag:s19] =	ssyncset.done $0x0  }
0x123: {  	[sflag:s19] =	ssyncadd.s32 $0xFFFFEC00  }
0x124: {  	[spmem:s3] =	stream.indirect.scatter.add.f32 [tilespmem:s9], [sflag:$0x8], $0x80, s6, s7, $0xb8;
	[tilespmem:$0x1F080] =	vst v63  }
0x125: {  	_ =	swait.ge [sflag:s20], $0x1400  }
0x126: {  	[sflag:s20] =	ssyncset.done $0x0  }
0x127: {  	[sflag:s20] =	ssyncadd.s32 $0xFFFFEC00  }
0x128: {  	[spmem:s3] =	stream.indirect.scatter.add.f32 [tilespmem:s11], [sflag:$0x9], $0x80, s8, s7, $0xb8;
	[tilespmem:$0x1F080] =	vst v63  }
0x129: {  	_ =	swait.ge [sflag:s21], $0x1400  }
0x12a: {  	[sflag:s21] =	ssyncset.done $0x0  }
0x12b: {  	[sflag:s21] =	ssyncadd.s32 $0xFFFFEC00  }
0x12c: {  	[spmem:s3] =	stream.indirect.scatter.add.f32 [tilespmem:s13], [sflag:$0xA], $0x80, s10, s7, $0xb8;
	[tilespmem:$0x1F080] =	vst v63  }
0x12d: {  	_ =	swait.ge [sflag:s22], $0x1400  }
0x12e: {  	[sflag:s22] =	ssyncset.done $0x0  }
0x12f: {  	s12 =	simm.s32 $0x3D00;
	[sflag:s22] =	ssyncadd.s32 $0xFFFFEC00  }
0x130: {  	[spmem:s3] =	stream.indirect.scatter.add.f32 [tilespmem:s15], [sflag:$0xB], $0x80, s12, s7, $0xb8;
	[tilespmem:$0x1F080] =	vst v63  }
0x131: {  	_ =	swait.ge [sflag:s23], $0x1400  }
0x132: {  	[sflag:s23] =	ssyncset.done $0x0  }
0x133: {  	s14 =	simm.s32 $0x3D80;
	[sflag:s23] =	ssyncadd.s32 $0xFFFFEC00  }
0x134: {  	[spmem:s3] =	stream.indirect.scatter.add.f32 [tilespmem:s17], [sflag:$0xC], $0x80, s14, s7, $0xb8;
	[tilespmem:$0x1F080] =	vst v63  }
0x135: {  	_ =	swait.ge [sflag:s24], $0x1400  }
0x136: {  	[sflag:s24] =	ssyncset.done $0x0  }
0x137: {  	s16 =	simm.s32 $0x1E00;
	[sflag:s24] =	ssyncadd.s32 $0xFFFFEC00  }
0x138: {  	[tilespmem:s1], [sflag:$0x1] =	stream.indirect.gather [hbm4b:s0+s7], $0x80, s16, s7, $0xb8;
	[tilespmem:$0x1F080] =	vst v63  }
0x139: {  	_ =	swait.ge [sflag:s25], $0x1400  }
0x13a: {  	[sflag:s25] =	ssyncset.done $0x0  }
0x13b: {  	s14 =	simm.s32 $0x1E80;
	[sflag:s25] =	ssyncadd.s32 $0xFFFFEC00  }
0x13c: {  	[tilespmem:s9], [sflag:$0x2] =	stream.indirect.gather [hbm4b:s0+s7], $0x80, s14, s7, $0xb8;
	[tilespmem:$0x1F080] =	vst v63  }
0x13d: {  	_ =	swait.ge [sflag:s26], $0x1400  }
0x13e: {  	[sflag:s26] =	ssyncset.done $0x0  }
0x13f: {  	s16 =	simm.s32 $0x1F00;
	[sflag:s26] =	ssyncadd.s32 $0xFFFFEC00  }
0x140: {  	[tilespmem:s11], [sflag:$0x3] =	stream.indirect.gather [hbm4b:s0+s7], $0x80, s16, s7, $0xb8;
	[tilespmem:$0x1F080] =	vst v63  }
0x141: {  	_ =	swait.ge [sflag:s28], $0x1400  }
0x142: {  	[sflag:s28] =	ssyncset.done $0x0  }
0x143: {  	s14 =	simm.s32 $0x1F80;
	[sflag:s28] =	ssyncadd.s32 $0xFFFFEC00  }
0x144: {  	[tilespmem:s13], [sflag:$0x4] =	stream.indirect.gather [hbm4b:s0+s7], $0x80, s14, s7, $0xb8;
	[tilespmem:$0x1F080] =	vst v63  }
0x145: {  	_ =	swait.ge [sflag:s29], $0x1400  }
0x146: {  	[sflag:s29] =	ssyncset.done $0x0  }
0x147: {  	[sflag:s29] =	ssyncadd.s32 $0xFFFFEC00  }
0x148: {  	_ =	swait.ge [sflag:s30], $0x1400  }
0x149: {  	[sflag:s30] =	ssyncset.done $0x0  }
0x14a: {  	[sflag:s30] =	ssyncadd.s32 $0xFFFFEC00  }
0x14b: {  	_ =	swait.ge [sflag:s18], $0x1400  }
0x14c: {  	[sflag:s18] =	ssyncset.done $0x0  }
0x14d: {  	s16 =	simm.s32 $0x3E00;
	[sflag:s18] =	ssyncadd.s32 $0xFFFFEC00  }
0x14e: {  	[spmem:s3] =	stream.indirect.scatter.add.f32 [tilespmem:s1], [sflag:$0x7], $0x80, s16, s7, $0xb8;
	[tilespmem:$0x1F080] =	vst v63  }
0x14f: {  	_ =	swait.ge [sflag:s24], $0x1400  }
0x150: {  	[sflag:s24] =	ssyncset.done $0x0  }
0x151: {  	[sflag:s24] =	ssyncadd.s32 $0xFFFFEC00  }
0x152: {  	_ =	swait.ge [sflag:s19], $0x1400  }
0x153: {  	[sflag:s19] =	ssyncset.done $0x0  }
0x154: {  	s14 =	simm.s32 $0x3E80;
	[sflag:s19] =	ssyncadd.s32 $0xFFFFEC00  }
0x155: {  	[spmem:s3] =	stream.indirect.scatter.add.f32 [tilespmem:s9], [sflag:$0x8], $0x80, s14, s7, $0xb8;
	[tilespmem:$0x1F080] =	vst v63  }
0x156: {  	_ =	swait.ge [sflag:s25], $0x1400  }
0x157: {  	[sflag:s25] =	ssyncset.done $0x0  }
0x158: {  	[sflag:s25] =	ssyncadd.s32 $0xFFFFEC00  }
0x159: {  	_ =	swait.ge [sflag:s20], $0x1400  }
0x15a: {  	[sflag:s20] =	ssyncset.done $0x0  }
0x15b: {  	s16 =	simm.s32 $0x3F00;
	[sflag:s20] =	ssyncadd.s32 $0xFFFFEC00  }
0x15c: {  	[spmem:s3] =	stream.indirect.scatter.add.f32 [tilespmem:s11], [sflag:$0x9], $0x80, s16, s7, $0xb8;
	[tilespmem:$0x1F080] =	vst v63  }
0x15d: {  	_ =	swait.ge [sflag:s26], $0x1400  }
0x15e: {  	[sflag:s26] =	ssyncset.done $0x0  }
0x15f: {  	[sflag:s26] =	ssyncadd.s32 $0xFFFFEC00  }
0x160: {  	_ =	swait.ge [sflag:s21], $0x1400  }
0x161: {  	[sflag:s21] =	ssyncset.done $0x0  }
0x162: {  	s14 =	simm.s32 $0x3F80;
	[sflag:s21] =	ssyncadd.s32 $0xFFFFEC00  }
0x163: {  	[spmem:s3] =	stream.indirect.scatter.add.f32 [tilespmem:s13], [sflag:$0xA], $0x80, s14, s7, $0xb8;
	[tilespmem:$0x1F080] =	vst v63  }
0x164: {  	_ =	swait.ge [sflag:s28], $0x1400  }
0x165: {  	[sflag:s28] =	ssyncset.done $0x0  }
0x166: {  	s12 =	simm.s32 $0x0;
	s16 =	rddreg [dreg:$0x7];
	[sflag:s28] =	ssyncadd.s32 $0xFFFFEC00  }
0x167: {  	[tilespmem:s12], [sflag:$0xD] =	stream.linear.gather [hbm4b:s16+s12], $0x2000, $0x38;
	[tilespmem:$0x1F080] =	vst v63  }
0x168: {  	_ =	swait.ge [sflag:s2], $0x2000  }
0x169: {  	[sflag:s2] =	ssyncset.done $0x0  }
0x16a: {  	s16 =	simm.s32 $0x2000;
	s14 =	rddreg [dreg:$0x8];
	[sflag:s2] =	ssyncadd.s32 $0xFFFFE000  }
0x16b: {  	[tilespmem:s16], [sflag:$0xD] =	stream.linear.gather [hbm4b:s14+s12], $0x2000, $0x38;
	[tilespmem:$0x1F080] =	vst v63  }
0x16c: {  	_ =	swait.ge [sflag:s2], $0x2000  }
0x16d: {  	[sflag:s2] =	ssyncset.done $0x0  }
0x16e: {  	[sflag:s2] =	ssyncadd.s32 $0xFFFFE000  }
0x16f: {  	[tilespmem:s1], [sflag:$0x1] =	stream.indirect.gather [hbm4b:s0+s7], $0x80, s12, s7, $0xb8;
	[tilespmem:$0x1F080] =	vst v63  }
0x170: {  	s14 =	simm.s32 $0x80  }
0x171: {  	[tilespmem:s9], [sflag:$0x2] =	stream.indirect.gather [hbm4b:s0+s7], $0x80, s14, s7, $0xb8;
	[tilespmem:$0x1F080] =	vst v63  }
0x172: {  	s16 =	simm.s32 $0x100  }
0x173: {  	[tilespmem:s11], [sflag:$0x3] =	stream.indirect.gather [hbm4b:s0+s7], $0x80, s16, s7, $0xb8;
	[tilespmem:$0x1F080] =	vst v63  }
0x174: {  	s14 =	simm.s32 $0x180  }
0x175: {  	[tilespmem:s13], [sflag:$0x4] =	stream.indirect.gather [hbm4b:s0+s7], $0x80, s14, s7, $0xb8;
	[tilespmem:$0x1F080] =	vst v63  }
0x176: {  	s16 =	simm.s32 $0x200  }
0x177: {  	[tilespmem:s15], [sflag:$0x5] =	stream.indirect.gather [hbm4b:s0+s7], $0x80, s16, s7, $0xb8;
	[tilespmem:$0x1F080] =	vst v63  }
0x178: {  	s14 =	simm.s32 $0x280  }
0x179: {  	[tilespmem:s17], [sflag:$0x6] =	stream.indirect.gather [hbm4b:s0+s7], $0x80, s14, s7, $0xb8;
	[tilespmem:$0x1F080] =	vst v63  }
0x17a: {  	_ =	swait.ge [sflag:s18], $0x1400  }
0x17b: {  	[sflag:s18] =	ssyncset.done $0x0  }
0x17c: {  	s16 =	simm.s32 $0x2000;
	[sflag:s18] =	ssyncadd.s32 $0xFFFFEC00  }
0x17d: {  	[spmem:s3] =	stream.indirect.scatter.add.f32 [tilespmem:s1], [sflag:$0x7], $0x80, s16, s7, $0xb8;
	[tilespmem:$0x1F080] =	vst v63  }
0x17e: {  	_ =	swait.ge [sflag:s19], $0x1400  }
0x17f: {  	[sflag:s19] =	ssyncset.done $0x0  }
0x180: {  	s14 =	simm.s32 $0x2080;
	[sflag:s19] =	ssyncadd.s32 $0xFFFFEC00  }
0x181: {  	[spmem:s3] =	stream.indirect.scatter.add.f32 [tilespmem:s9], [sflag:$0x8], $0x80, s14, s7, $0xb8;
	[tilespmem:$0x1F080] =	vst v63  }
0x182: {  	_ =	swait.ge [sflag:s20], $0x1400  }
0x183: {  	[sflag:s20] =	ssyncset.done $0x0  }
0x184: {  	s16 =	simm.s32 $0x2100;
	[sflag:s20] =	ssyncadd.s32 $0xFFFFEC00  }
0x185: {  	[spmem:s3] =	stream.indirect.scatter.add.f32 [tilespmem:s11], [sflag:$0x9], $0x80, s16, s7, $0xb8;
	[tilespmem:$0x1F080] =	vst v63  }
0x186: {  	_ =	swait.ge [sflag:s21], $0x1400  }
0x187: {  	[sflag:s21] =	ssyncset.done $0x0  }
0x188: {  	s14 =	simm.s32 $0x2180;
	[sflag:s21] =	ssyncadd.s32 $0xFFFFEC00  }
0x189: {  	[spmem:s3] =	stream.indirect.scatter.add.f32 [tilespmem:s13], [sflag:$0xA], $0x80, s14, s7, $0xb8;
	[tilespmem:$0x1F080] =	vst v63  }
0x18a: {  	_ =	swait.ge [sflag:s22], $0x1400  }
0x18b: {  	[sflag:s22] =	ssyncset.done $0x0  }
0x18c: {  	s16 =	simm.s32 $0x2200;
	[sflag:s22] =	ssyncadd.s32 $0xFFFFEC00  }
0x18d: {  	[spmem:s3] =	stream.indirect.scatter.add.f32 [tilespmem:s15], [sflag:$0xB], $0x80, s16, s7, $0xb8;
	[tilespmem:$0x1F080] =	vst v63  }
0x18e: {  	_ =	swait.ge [sflag:s23], $0x1400  }
0x18f: {  	[sflag:s23] =	ssyncset.done $0x0  }
0x190: {  	s14 =	simm.s32 $0x2280;
	[sflag:s23] =	ssyncadd.s32 $0xFFFFEC00  }
0x191: {  	[spmem:s3] =	stream.indirect.scatter.add.f32 [tilespmem:s17], [sflag:$0xC], $0x80, s14, s7, $0xb8;
	[tilespmem:$0x1F080] =	vst v63  }
0x192: {  	_ =	swait.ge [sflag:s24], $0x1400  }
0x193: {  	[sflag:s24] =	ssyncset.done $0x0  }
0x194: {  	s16 =	simm.s32 $0x300;
	[sflag:s24] =	ssyncadd.s32 $0xFFFFEC00  }
0x195: {  	[tilespmem:s1], [sflag:$0x1] =	stream.indirect.gather [hbm4b:s0+s7], $0x80, s16, s7, $0xb8;
	[tilespmem:$0x1F080] =	vst v63  }
0x196: {  	_ =	swait.ge [sflag:s25], $0x1400  }
0x197: {  	[sflag:s25] =	ssyncset.done $0x0  }
0x198: {  	s14 =	simm.s32 $0x380;
	[sflag:s25] =	ssyncadd.s32 $0xFFFFEC00  }
0x199: {  	[tilespmem:s9], [sflag:$0x2] =	stream.indirect.gather [hbm4b:s0+s7], $0x80, s14, s7, $0xb8;
	[tilespmem:$0x1F080] =	vst v63  }
0x19a: {  	_ =	swait.ge [sflag:s26], $0x1400  }
0x19b: {  	[sflag:s26] =	ssyncset.done $0x0  }
0x19c: {  	s16 =	simm.s32 $0x400;
	[sflag:s26] =	ssyncadd.s32 $0xFFFFEC00  }
0x19d: {  	[tilespmem:s11], [sflag:$0x3] =	stream.indirect.gather [hbm4b:s0+s7], $0x80, s16, s7, $0xb8;
	[tilespmem:$0x1F080] =	vst v63  }
0x19e: {  	_ =	swait.ge [sflag:s28], $0x1400  }
0x19f: {  	[sflag:s28] =	ssyncset.done $0x0  }
0x1a0: {  	s14 =	simm.s32 $0x480;
	[sflag:s28] =	ssyncadd.s32 $0xFFFFEC00  }
0x1a1: {  	[tilespmem:s13], [sflag:$0x4] =	stream.indirect.gather [hbm4b:s0+s7], $0x80, s14, s7, $0xb8;
	[tilespmem:$0x1F080] =	vst v63  }
0x1a2: {  	_ =	swait.ge [sflag:s29], $0x1400  }
0x1a3: {  	[sflag:s29] =	ssyncset.done $0x0  }
0x1a4: {  	s16 =	simm.s32 $0x500;
	[sflag:s29] =	ssyncadd.s32 $0xFFFFEC00  }
0x1a5: {  	[tilespmem:s15], [sflag:$0x5] =	stream.indirect.gather [hbm4b:s0+s7], $0x80, s16, s7, $0xb8;
	[tilespmem:$0x1F080] =	vst v63  }
0x1a6: {  	_ =	swait.ge [sflag:s30], $0x1400  }
0x1a7: {  	[sflag:s30] =	ssyncset.done $0x0  }
0x1a8: {  	s12 =	simm.s32 $0xC00;
	s14 =	simm.s32 $0x580;
	[sflag:s30] =	ssyncadd.s32 $0xFFFFEC00  }
.LBB2_6:
0x1a9: {  	[tilespmem:s17], [sflag:$0x6] =	stream.indirect.gather [hbm4b:s0+s7], $0x80, s14, s7, $0xb8;
	[tilespmem:$0x1F080] =	vst v63  }
0x1aa: {  	s14 =	smov.u32 s12  }
0x1ab: {  	p0 =	sne.s32 s12, $0x6000;
	s12 =	sadd.s32 $0xC00, s12;
	_ =	swait.ge [sflag:s18], $0x1400  }
0x1ac: {  	s14 =	sshra.s32 s14, $0x2;
	[sflag:s18] =	ssyncset.done $0x0  }
0x1ad: {  	s16 =	sadd.s32 $0x2000, s14;
	[sflag:s18] =	ssyncadd.s32 $0xFFFFEC00  }
0x1ae: {  	[spmem:s3] =	stream.indirect.scatter.add.f32 [tilespmem:s1], [sflag:$0x7], $0x80, s16, s7, $0xb8;
	[tilespmem:$0x1F080] =	vst v63  }
0x1af: {  	_ =	swait.ge [sflag:s19], $0x1400  }
0x1b0: {  	[sflag:s19] =	ssyncset.done $0x0  }
0x1b1: {  	s16 =	sadd.s32 $0x2080, s14;
	[sflag:s19] =	ssyncadd.s32 $0xFFFFEC00  }
0x1b2: {  	[spmem:s3] =	stream.indirect.scatter.add.f32 [tilespmem:s9], [sflag:$0x8], $0x80, s16, s7, $0xb8;
	[tilespmem:$0x1F080] =	vst v63  }
0x1b3: {  	_ =	swait.ge [sflag:s20], $0x1400  }
0x1b4: {  	[sflag:s20] =	ssyncset.done $0x0  }
0x1b5: {  	s16 =	sadd.s32 $0x2100, s14;
	[sflag:s20] =	ssyncadd.s32 $0xFFFFEC00  }
0x1b6: {  	[spmem:s3] =	stream.indirect.scatter.add.f32 [tilespmem:s11], [sflag:$0x9], $0x80, s16, s7, $0xb8;
	[tilespmem:$0x1F080] =	vst v63  }
0x1b7: {  	_ =	swait.ge [sflag:s21], $0x1400  }
0x1b8: {  	[sflag:s21] =	ssyncset.done $0x0  }
0x1b9: {  	s16 =	sadd.s32 $0x2180, s14;
	[sflag:s21] =	ssyncadd.s32 $0xFFFFEC00  }
0x1ba: {  	[spmem:s3] =	stream.indirect.scatter.add.f32 [tilespmem:s13], [sflag:$0xA], $0x80, s16, s7, $0xb8;
	[tilespmem:$0x1F080] =	vst v63  }
0x1bb: {  	_ =	swait.ge [sflag:s22], $0x1400  }
0x1bc: {  	[sflag:s22] =	ssyncset.done $0x0  }
0x1bd: {  	s16 =	sadd.s32 $0x2200, s14;
	[sflag:s22] =	ssyncadd.s32 $0xFFFFEC00  }
0x1be: {  	[spmem:s3] =	stream.indirect.scatter.add.f32 [tilespmem:s15], [sflag:$0xB], $0x80, s16, s7, $0xb8;
	[tilespmem:$0x1F080] =	vst v63  }
0x1bf: {  	_ =	swait.ge [sflag:s23], $0x1400  }
0x1c0: {  	[sflag:s23] =	ssyncset.done $0x0  }
0x1c1: {  	s16 =	sadd.s32 $0x2280, s14;
	[sflag:s23] =	ssyncadd.s32 $0xFFFFEC00  }
0x1c2: {  	[spmem:s3] =	stream.indirect.scatter.add.f32 [tilespmem:s17], [sflag:$0xC], $0x80, s16, s7, $0xb8;
	[tilespmem:$0x1F080] =	vst v63  }
0x1c3: {  	_ =	swait.ge [sflag:s24], $0x1400  }
0x1c4: {  	[sflag:s24] =	ssyncset.done $0x0  }
0x1c5: {  	s16 =	sadd.s32 $0x300, s14;
	[sflag:s24] =	ssyncadd.s32 $0xFFFFEC00  }
0x1c6: {  	[tilespmem:s1], [sflag:$0x1] =	stream.indirect.gather [hbm4b:s0+s7], $0x80, s16, s7, $0xb8;
	[tilespmem:$0x1F080] =	vst v63  }
0x1c7: {  	_ =	swait.ge [sflag:s25], $0x1400  }
0x1c8: {  	[sflag:s25] =	ssyncset.done $0x0  }
0x1c9: {  	s16 =	sadd.s32 $0x380, s14;
	[sflag:s25] =	ssyncadd.s32 $0xFFFFEC00  }
0x1ca: {  	[tilespmem:s9], [sflag:$0x2] =	stream.indirect.gather [hbm4b:s0+s7], $0x80, s16, s7, $0xb8;
	[tilespmem:$0x1F080] =	vst v63  }
0x1cb: {  	_ =	swait.ge [sflag:s26], $0x1400  }
0x1cc: {  	[sflag:s26] =	ssyncset.done $0x0  }
0x1cd: {  	s16 =	sadd.s32 $0x400, s14;
	[sflag:s26] =	ssyncadd.s32 $0xFFFFEC00  }
0x1ce: {  	[tilespmem:s11], [sflag:$0x3] =	stream.indirect.gather [hbm4b:s0+s7], $0x80, s16, s7, $0xb8;
	[tilespmem:$0x1F080] =	vst v63  }
0x1cf: {  	_ =	swait.ge [sflag:s28], $0x1400  }
0x1d0: {  	[sflag:s28] =	ssyncset.done $0x0  }
0x1d1: {  	s16 =	sadd.s32 $0x480, s14;
	[sflag:s28] =	ssyncadd.s32 $0xFFFFEC00  }
0x1d2: {  	[tilespmem:s13], [sflag:$0x4] =	stream.indirect.gather [hbm4b:s0+s7], $0x80, s16, s7, $0xb8;
	[tilespmem:$0x1F080] =	vst v63  }
0x1d3: {  	_ =	swait.ge [sflag:s29], $0x1400  }
0x1d4: {  	[sflag:s29] =	ssyncset.done $0x0  }
.Ltmp2:
0x1d5: {  	s16 =	sadd.s32 $0x500, s14;
	[sflag:s29] =	ssyncadd.s32 $0xFFFFEC00;
	(pc) =	sbr.rel @p0 .LBB2_6-.Ltmp2, $4  }
0x1d6: {  	[tilespmem:s15], [sflag:$0x5] =	stream.indirect.gather [hbm4b:s0+s7], $0x80, s16, s7, $0xb8;
	[tilespmem:$0x1F080] =	vst v63  }
0x1d7: {  	_ =	swait.ge [sflag:s30], $0x1400  }
0x1d8: {  	[sflag:s30] =	ssyncset.done $0x0  }
0x1d9: {  	s14 =	sadd.s32 $0x580, s14;
	[sflag:s30] =	ssyncadd.s32 $0xFFFFEC00  }
0x1da: {  	[tilespmem:s17], [sflag:$0x6] =	stream.indirect.gather [hbm4b:s0+s7], $0x80, s14, s7, $0xb8;
	[tilespmem:$0x1F080] =	vst v63  }
0x1db: {  	_ =	swait.ge [sflag:s18], $0x1400  }
0x1dc: {  	[sflag:s18] =	ssyncset.done $0x0  }
0x1dd: {  	[sflag:s18] =	ssyncadd.s32 $0xFFFFEC00  }
0x1de: {  	[spmem:s3] =	stream.indirect.scatter.add.f32 [tilespmem:s1], [sflag:$0x7], $0x80, s31, s7, $0xb8;
	[tilespmem:$0x1F080] =	vst v63  }
0x1df: {  	_ =	swait.ge [sflag:s19], $0x1400  }
0x1e0: {  	[sflag:s19] =	ssyncset.done $0x0  }
0x1e1: {  	[sflag:s19] =	ssyncadd.s32 $0xFFFFEC00  }
0x1e2: {  	[spmem:s3] =	stream.indirect.scatter.add.f32 [tilespmem:s9], [sflag:$0x8], $0x80, s6, s7, $0xb8;
	[tilespmem:$0x1F080] =	vst v63  }
0x1e3: {  	_ =	swait.ge [sflag:s20], $0x1400  }
0x1e4: {  	[sflag:s20] =	ssyncset.done $0x0  }
0x1e5: {  	[sflag:s20] =	ssyncadd.s32 $0xFFFFEC00  }
0x1e6: {  	[spmem:s3] =	stream.indirect.scatter.add.f32 [tilespmem:s11], [sflag:$0x9], $0x80, s8, s7, $0xb8;
	[tilespmem:$0x1F080] =	vst v63  }
0x1e7: {  	_ =	swait.ge [sflag:s21], $0x1400  }
0x1e8: {  	[sflag:s21] =	ssyncset.done $0x0  }
0x1e9: {  	[sflag:s21] =	ssyncadd.s32 $0xFFFFEC00  }
0x1ea: {  	[spmem:s3] =	stream.indirect.scatter.add.f32 [tilespmem:s13], [sflag:$0xA], $0x80, s10, s7, $0xb8;
	[tilespmem:$0x1F080] =	vst v63  }
0x1eb: {  	_ =	swait.ge [sflag:s22], $0x1400  }
0x1ec: {  	[sflag:s22] =	ssyncset.done $0x0  }
0x1ed: {  	s12 =	simm.s32 $0x3D00;
	[sflag:s22] =	ssyncadd.s32 $0xFFFFEC00  }
0x1ee: {  	[spmem:s3] =	stream.indirect.scatter.add.f32 [tilespmem:s15], [sflag:$0xB], $0x80, s12, s7, $0xb8;
	[tilespmem:$0x1F080] =	vst v63  }
0x1ef: {  	_ =	swait.ge [sflag:s23], $0x1400  }
0x1f0: {  	[sflag:s23] =	ssyncset.done $0x0  }
0x1f1: {  	s14 =	simm.s32 $0x3D80;
	[sflag:s23] =	ssyncadd.s32 $0xFFFFEC00  }
0x1f2: {  	[spmem:s3] =	stream.indirect.scatter.add.f32 [tilespmem:s17], [sflag:$0xC], $0x80, s14, s7, $0xb8;
	[tilespmem:$0x1F080] =	vst v63  }
0x1f3: {  	_ =	swait.ge [sflag:s24], $0x1400  }
0x1f4: {  	[sflag:s24] =	ssyncset.done $0x0  }
0x1f5: {  	s16 =	simm.s32 $0x1E00;
	[sflag:s24] =	ssyncadd.s32 $0xFFFFEC00  }
0x1f6: {  	[tilespmem:s1], [sflag:$0x1] =	stream.indirect.gather [hbm4b:s0+s7], $0x80, s16, s7, $0xb8;
	[tilespmem:$0x1F080] =	vst v63  }
0x1f7: {  	_ =	swait.ge [sflag:s25], $0x1400  }
0x1f8: {  	[sflag:s25] =	ssyncset.done $0x0  }
0x1f9: {  	s14 =	simm.s32 $0x1E80;
	[sflag:s25] =	ssyncadd.s32 $0xFFFFEC00  }
0x1fa: {  	[tilespmem:s9], [sflag:$0x2] =	stream.indirect.gather [hbm4b:s0+s7], $0x80, s14, s7, $0xb8;
	[tilespmem:$0x1F080] =	vst v63  }
0x1fb: {  	_ =	swait.ge [sflag:s26], $0x1400  }
0x1fc: {  	[sflag:s26] =	ssyncset.done $0x0  }
0x1fd: {  	s16 =	simm.s32 $0x1F00;
	[sflag:s26] =	ssyncadd.s32 $0xFFFFEC00  }
0x1fe: {  	[tilespmem:s11], [sflag:$0x3] =	stream.indirect.gather [hbm4b:s0+s7], $0x80, s16, s7, $0xb8;
	[tilespmem:$0x1F080] =	vst v63  }
0x1ff: {  	_ =	swait.ge [sflag:s28], $0x1400  }
0x200: {  	[sflag:s28] =	ssyncset.done $0x0  }
0x201: {  	s14 =	simm.s32 $0x1F80;
	[sflag:s28] =	ssyncadd.s32 $0xFFFFEC00  }
0x202: {  	[tilespmem:s13], [sflag:$0x4] =	stream.indirect.gather [hbm4b:s0+s7], $0x80, s14, s7, $0xb8;
	[tilespmem:$0x1F080] =	vst v63  }
0x203: {  	_ =	swait.ge [sflag:s29], $0x1400  }
0x204: {  	[sflag:s29] =	ssyncset.done $0x0  }
0x205: {  	[sflag:s29] =	ssyncadd.s32 $0xFFFFEC00  }
0x206: {  	_ =	swait.ge [sflag:s30], $0x1400  }
0x207: {  	[sflag:s30] =	ssyncset.done $0x0  }
0x208: {  	[sflag:s30] =	ssyncadd.s32 $0xFFFFEC00  }
0x209: {  	_ =	swait.ge [sflag:s18], $0x1400  }
0x20a: {  	[sflag:s18] =	ssyncset.done $0x0  }
0x20b: {  	s16 =	simm.s32 $0x3E00;
	[sflag:s18] =	ssyncadd.s32 $0xFFFFEC00  }
0x20c: {  	[spmem:s3] =	stream.indirect.scatter.add.f32 [tilespmem:s1], [sflag:$0x7], $0x80, s16, s7, $0xb8;
	[tilespmem:$0x1F080] =	vst v63  }
0x20d: {  	_ =	swait.ge [sflag:s24], $0x1400  }
0x20e: {  	[sflag:s24] =	ssyncset.done $0x0  }
0x20f: {  	[sflag:s24] =	ssyncadd.s32 $0xFFFFEC00  }
0x210: {  	_ =	swait.ge [sflag:s19], $0x1400  }
0x211: {  	[sflag:s19] =	ssyncset.done $0x0  }
0x212: {  	s14 =	simm.s32 $0x3E80;
	[sflag:s19] =	ssyncadd.s32 $0xFFFFEC00  }
0x213: {  	[spmem:s3] =	stream.indirect.scatter.add.f32 [tilespmem:s9], [sflag:$0x8], $0x80, s14, s7, $0xb8;
	[tilespmem:$0x1F080] =	vst v63  }
0x214: {  	_ =	swait.ge [sflag:s25], $0x1400  }
0x215: {  	[sflag:s25] =	ssyncset.done $0x0  }
0x216: {  	[sflag:s25] =	ssyncadd.s32 $0xFFFFEC00  }
0x217: {  	_ =	swait.ge [sflag:s20], $0x1400  }
0x218: {  	[sflag:s20] =	ssyncset.done $0x0  }
0x219: {  	s16 =	simm.s32 $0x3F00;
	[sflag:s20] =	ssyncadd.s32 $0xFFFFEC00  }
0x21a: {  	[spmem:s3] =	stream.indirect.scatter.add.f32 [tilespmem:s11], [sflag:$0x9], $0x80, s16, s7, $0xb8;
	[tilespmem:$0x1F080] =	vst v63  }
0x21b: {  	_ =	swait.ge [sflag:s26], $0x1400  }
0x21c: {  	[sflag:s26] =	ssyncset.done $0x0  }
0x21d: {  	[sflag:s26] =	ssyncadd.s32 $0xFFFFEC00  }
0x21e: {  	_ =	swait.ge [sflag:s21], $0x1400  }
0x21f: {  	[sflag:s21] =	ssyncset.done $0x0  }
0x220: {  	s14 =	simm.s32 $0x3F80;
	[sflag:s21] =	ssyncadd.s32 $0xFFFFEC00  }
0x221: {  	[spmem:s3] =	stream.indirect.scatter.add.f32 [tilespmem:s13], [sflag:$0xA], $0x80, s14, s7, $0xb8;
	[tilespmem:$0x1F080] =	vst v63  }
0x222: {  	_ =	swait.ge [sflag:s28], $0x1400  }
0x223: {  	[sflag:s28] =	ssyncset.done $0x0  }
0x224: {  	s12 =	simm.s32 $0x0;
	s16 =	rddreg [dreg:$0x9];
	[sflag:s28] =	ssyncadd.s32 $0xFFFFEC00  }
0x225: {  	[tilespmem:s12], [sflag:$0xD] =	stream.linear.gather [hbm4b:s16+s12], $0x2000, $0x38;
	[tilespmem:$0x1F080] =	vst v63  }
0x226: {  	_ =	swait.ge [sflag:s2], $0x2000  }
0x227: {  	[sflag:s2] =	ssyncset.done $0x0  }
0x228: {  	s16 =	simm.s32 $0x2000;
	s14 =	rddreg [dreg:$0xa];
	[sflag:s2] =	ssyncadd.s32 $0xFFFFE000  }
0x229: {  	[tilespmem:s16], [sflag:$0xD] =	stream.linear.gather [hbm4b:s14+s12], $0x2000, $0x38;
	[tilespmem:$0x1F080] =	vst v63  }
0x22a: {  	_ =	swait.ge [sflag:s2], $0x2000  }
0x22b: {  	[sflag:s2] =	ssyncset.done $0x0  }
0x22c: {  	[sflag:s2] =	ssyncadd.s32 $0xFFFFE000  }
0x22d: {  	[tilespmem:s1], [sflag:$0x1] =	stream.indirect.gather [hbm4b:s0+s7], $0x80, s12, s7, $0xb8;
	[tilespmem:$0x1F080] =	vst v63  }
0x22e: {  	s14 =	simm.s32 $0x80  }
0x22f: {  	[tilespmem:s9], [sflag:$0x2] =	stream.indirect.gather [hbm4b:s0+s7], $0x80, s14, s7, $0xb8;
	[tilespmem:$0x1F080] =	vst v63  }
0x230: {  	s16 =	simm.s32 $0x100  }
0x231: {  	[tilespmem:s11], [sflag:$0x3] =	stream.indirect.gather [hbm4b:s0+s7], $0x80, s16, s7, $0xb8;
	[tilespmem:$0x1F080] =	vst v63  }
0x232: {  	s14 =	simm.s32 $0x180  }
0x233: {  	[tilespmem:s13], [sflag:$0x4] =	stream.indirect.gather [hbm4b:s0+s7], $0x80, s14, s7, $0xb8;
	[tilespmem:$0x1F080] =	vst v63  }
0x234: {  	s16 =	simm.s32 $0x200  }
0x235: {  	[tilespmem:s15], [sflag:$0x5] =	stream.indirect.gather [hbm4b:s0+s7], $0x80, s16, s7, $0xb8;
	[tilespmem:$0x1F080] =	vst v63  }
0x236: {  	s14 =	simm.s32 $0x280  }
0x237: {  	[tilespmem:s17], [sflag:$0x6] =	stream.indirect.gather [hbm4b:s0+s7], $0x80, s14, s7, $0xb8;
	[tilespmem:$0x1F080] =	vst v63  }
0x238: {  	_ =	swait.ge [sflag:s18], $0x1400  }
0x239: {  	[sflag:s18] =	ssyncset.done $0x0  }
0x23a: {  	s16 =	simm.s32 $0x2000;
	[sflag:s18] =	ssyncadd.s32 $0xFFFFEC00  }
0x23b: {  	[spmem:s3] =	stream.indirect.scatter.add.f32 [tilespmem:s1], [sflag:$0x7], $0x80, s16, s7, $0xb8;
	[tilespmem:$0x1F080] =	vst v63  }
0x23c: {  	_ =	swait.ge [sflag:s19], $0x1400  }
0x23d: {  	[sflag:s19] =	ssyncset.done $0x0  }
0x23e: {  	s14 =	simm.s32 $0x2080;
	[sflag:s19] =	ssyncadd.s32 $0xFFFFEC00  }
0x23f: {  	[spmem:s3] =	stream.indirect.scatter.add.f32 [tilespmem:s9], [sflag:$0x8], $0x80, s14, s7, $0xb8;
	[tilespmem:$0x1F080] =	vst v63  }
0x240: {  	_ =	swait.ge [sflag:s20], $0x1400  }
0x241: {  	[sflag:s20] =	ssyncset.done $0x0  }
0x242: {  	s16 =	simm.s32 $0x2100;
	[sflag:s20] =	ssyncadd.s32 $0xFFFFEC00  }
0x243: {  	[spmem:s3] =	stream.indirect.scatter.add.f32 [tilespmem:s11], [sflag:$0x9], $0x80, s16, s7, $0xb8;
	[tilespmem:$0x1F080] =	vst v63  }
0x244: {  	_ =	swait.ge [sflag:s21], $0x1400  }
0x245: {  	[sflag:s21] =	ssyncset.done $0x0  }
0x246: {  	s14 =	simm.s32 $0x2180;
	[sflag:s21] =	ssyncadd.s32 $0xFFFFEC00  }
0x247: {  	[spmem:s3] =	stream.indirect.scatter.add.f32 [tilespmem:s13], [sflag:$0xA], $0x80, s14, s7, $0xb8;
	[tilespmem:$0x1F080] =	vst v63  }
0x248: {  	_ =	swait.ge [sflag:s22], $0x1400  }
0x249: {  	[sflag:s22] =	ssyncset.done $0x0  }
0x24a: {  	s16 =	simm.s32 $0x2200;
	[sflag:s22] =	ssyncadd.s32 $0xFFFFEC00  }
0x24b: {  	[spmem:s3] =	stream.indirect.scatter.add.f32 [tilespmem:s15], [sflag:$0xB], $0x80, s16, s7, $0xb8;
	[tilespmem:$0x1F080] =	vst v63  }
0x24c: {  	_ =	swait.ge [sflag:s23], $0x1400  }
0x24d: {  	[sflag:s23] =	ssyncset.done $0x0  }
0x24e: {  	s14 =	simm.s32 $0x2280;
	[sflag:s23] =	ssyncadd.s32 $0xFFFFEC00  }
0x24f: {  	[spmem:s3] =	stream.indirect.scatter.add.f32 [tilespmem:s17], [sflag:$0xC], $0x80, s14, s7, $0xb8;
	[tilespmem:$0x1F080] =	vst v63  }
0x250: {  	_ =	swait.ge [sflag:s24], $0x1400  }
0x251: {  	[sflag:s24] =	ssyncset.done $0x0  }
0x252: {  	s16 =	simm.s32 $0x300;
	[sflag:s24] =	ssyncadd.s32 $0xFFFFEC00  }
0x253: {  	[tilespmem:s1], [sflag:$0x1] =	stream.indirect.gather [hbm4b:s0+s7], $0x80, s16, s7, $0xb8;
	[tilespmem:$0x1F080] =	vst v63  }
0x254: {  	_ =	swait.ge [sflag:s25], $0x1400  }
0x255: {  	[sflag:s25] =	ssyncset.done $0x0  }
0x256: {  	s14 =	simm.s32 $0x380;
	[sflag:s25] =	ssyncadd.s32 $0xFFFFEC00  }
0x257: {  	[tilespmem:s9], [sflag:$0x2] =	stream.indirect.gather [hbm4b:s0+s7], $0x80, s14, s7, $0xb8;
	[tilespmem:$0x1F080] =	vst v63  }
0x258: {  	_ =	swait.ge [sflag:s26], $0x1400  }
0x259: {  	[sflag:s26] =	ssyncset.done $0x0  }
0x25a: {  	s16 =	simm.s32 $0x400;
	[sflag:s26] =	ssyncadd.s32 $0xFFFFEC00  }
0x25b: {  	[tilespmem:s11], [sflag:$0x3] =	stream.indirect.gather [hbm4b:s0+s7], $0x80, s16, s7, $0xb8;
	[tilespmem:$0x1F080] =	vst v63  }
0x25c: {  	_ =	swait.ge [sflag:s28], $0x1400  }
0x25d: {  	[sflag:s28] =	ssyncset.done $0x0  }
0x25e: {  	s14 =	simm.s32 $0x480;
	[sflag:s28] =	ssyncadd.s32 $0xFFFFEC00  }
0x25f: {  	[tilespmem:s13], [sflag:$0x4] =	stream.indirect.gather [hbm4b:s0+s7], $0x80, s14, s7, $0xb8;
	[tilespmem:$0x1F080] =	vst v63  }
0x260: {  	_ =	swait.ge [sflag:s29], $0x1400  }
0x261: {  	[sflag:s29] =	ssyncset.done $0x0  }
0x262: {  	s16 =	simm.s32 $0x500;
	[sflag:s29] =	ssyncadd.s32 $0xFFFFEC00  }
0x263: {  	[tilespmem:s15], [sflag:$0x5] =	stream.indirect.gather [hbm4b:s0+s7], $0x80, s16, s7, $0xb8;
	[tilespmem:$0x1F080] =	vst v63  }
0x264: {  	_ =	swait.ge [sflag:s30], $0x1400  }
0x265: {  	[sflag:s30] =	ssyncset.done $0x0  }
0x266: {  	s12 =	simm.s32 $0xC00;
	s14 =	simm.s32 $0x580;
	[sflag:s30] =	ssyncadd.s32 $0xFFFFEC00  }
.LBB2_8:
0x267: {  	[tilespmem:s17], [sflag:$0x6] =	stream.indirect.gather [hbm4b:s0+s7], $0x80, s14, s7, $0xb8;
	[tilespmem:$0x1F080] =	vst v63  }
0x268: {  	s14 =	smov.u32 s12  }
0x269: {  	p0 =	sne.s32 s12, $0x6000;
	s12 =	sadd.s32 $0xC00, s12;
	_ =	swait.ge [sflag:s18], $0x1400  }
0x26a: {  	s14 =	sshra.s32 s14, $0x2;
	[sflag:s18] =	ssyncset.done $0x0  }
0x26b: {  	s16 =	sadd.s32 $0x2000, s14;
	[sflag:s18] =	ssyncadd.s32 $0xFFFFEC00  }
0x26c: {  	[spmem:s3] =	stream.indirect.scatter.add.f32 [tilespmem:s1], [sflag:$0x7], $0x80, s16, s7, $0xb8;
	[tilespmem:$0x1F080] =	vst v63  }
0x26d: {  	_ =	swait.ge [sflag:s19], $0x1400  }
0x26e: {  	[sflag:s19] =	ssyncset.done $0x0  }
0x26f: {  	s16 =	sadd.s32 $0x2080, s14;
	[sflag:s19] =	ssyncadd.s32 $0xFFFFEC00  }
0x270: {  	[spmem:s3] =	stream.indirect.scatter.add.f32 [tilespmem:s9], [sflag:$0x8], $0x80, s16, s7, $0xb8;
	[tilespmem:$0x1F080] =	vst v63  }
0x271: {  	_ =	swait.ge [sflag:s20], $0x1400  }
0x272: {  	[sflag:s20] =	ssyncset.done $0x0  }
0x273: {  	s16 =	sadd.s32 $0x2100, s14;
	[sflag:s20] =	ssyncadd.s32 $0xFFFFEC00  }
0x274: {  	[spmem:s3] =	stream.indirect.scatter.add.f32 [tilespmem:s11], [sflag:$0x9], $0x80, s16, s7, $0xb8;
	[tilespmem:$0x1F080] =	vst v63  }
0x275: {  	_ =	swait.ge [sflag:s21], $0x1400  }
0x276: {  	[sflag:s21] =	ssyncset.done $0x0  }
0x277: {  	s16 =	sadd.s32 $0x2180, s14;
	[sflag:s21] =	ssyncadd.s32 $0xFFFFEC00  }
0x278: {  	[spmem:s3] =	stream.indirect.scatter.add.f32 [tilespmem:s13], [sflag:$0xA], $0x80, s16, s7, $0xb8;
	[tilespmem:$0x1F080] =	vst v63  }
0x279: {  	_ =	swait.ge [sflag:s22], $0x1400  }
0x27a: {  	[sflag:s22] =	ssyncset.done $0x0  }
0x27b: {  	s16 =	sadd.s32 $0x2200, s14;
	[sflag:s22] =	ssyncadd.s32 $0xFFFFEC00  }
0x27c: {  	[spmem:s3] =	stream.indirect.scatter.add.f32 [tilespmem:s15], [sflag:$0xB], $0x80, s16, s7, $0xb8;
	[tilespmem:$0x1F080] =	vst v63  }
0x27d: {  	_ =	swait.ge [sflag:s23], $0x1400  }
0x27e: {  	[sflag:s23] =	ssyncset.done $0x0  }
0x27f: {  	s16 =	sadd.s32 $0x2280, s14;
	[sflag:s23] =	ssyncadd.s32 $0xFFFFEC00  }
0x280: {  	[spmem:s3] =	stream.indirect.scatter.add.f32 [tilespmem:s17], [sflag:$0xC], $0x80, s16, s7, $0xb8;
	[tilespmem:$0x1F080] =	vst v63  }
0x281: {  	_ =	swait.ge [sflag:s24], $0x1400  }
0x282: {  	[sflag:s24] =	ssyncset.done $0x0  }
0x283: {  	s16 =	sadd.s32 $0x300, s14;
	[sflag:s24] =	ssyncadd.s32 $0xFFFFEC00  }
0x284: {  	[tilespmem:s1], [sflag:$0x1] =	stream.indirect.gather [hbm4b:s0+s7], $0x80, s16, s7, $0xb8;
	[tilespmem:$0x1F080] =	vst v63  }
0x285: {  	_ =	swait.ge [sflag:s25], $0x1400  }
0x286: {  	[sflag:s25] =	ssyncset.done $0x0  }
0x287: {  	s16 =	sadd.s32 $0x380, s14;
	[sflag:s25] =	ssyncadd.s32 $0xFFFFEC00  }
0x288: {  	[tilespmem:s9], [sflag:$0x2] =	stream.indirect.gather [hbm4b:s0+s7], $0x80, s16, s7, $0xb8;
	[tilespmem:$0x1F080] =	vst v63  }
0x289: {  	_ =	swait.ge [sflag:s26], $0x1400  }
0x28a: {  	[sflag:s26] =	ssyncset.done $0x0  }
0x28b: {  	s16 =	sadd.s32 $0x400, s14;
	[sflag:s26] =	ssyncadd.s32 $0xFFFFEC00  }
0x28c: {  	[tilespmem:s11], [sflag:$0x3] =	stream.indirect.gather [hbm4b:s0+s7], $0x80, s16, s7, $0xb8;
	[tilespmem:$0x1F080] =	vst v63  }
0x28d: {  	_ =	swait.ge [sflag:s28], $0x1400  }
0x28e: {  	[sflag:s28] =	ssyncset.done $0x0  }
0x28f: {  	s16 =	sadd.s32 $0x480, s14;
	[sflag:s28] =	ssyncadd.s32 $0xFFFFEC00  }
0x290: {  	[tilespmem:s13], [sflag:$0x4] =	stream.indirect.gather [hbm4b:s0+s7], $0x80, s16, s7, $0xb8;
	[tilespmem:$0x1F080] =	vst v63  }
0x291: {  	_ =	swait.ge [sflag:s29], $0x1400  }
0x292: {  	[sflag:s29] =	ssyncset.done $0x0  }
.Ltmp3:
0x293: {  	s16 =	sadd.s32 $0x500, s14;
	[sflag:s29] =	ssyncadd.s32 $0xFFFFEC00;
	(pc) =	sbr.rel @p0 .LBB2_8-.Ltmp3, $4  }
0x294: {  	[tilespmem:s15], [sflag:$0x5] =	stream.indirect.gather [hbm4b:s0+s7], $0x80, s16, s7, $0xb8;
	[tilespmem:$0x1F080] =	vst v63  }
0x295: {  	_ =	swait.ge [sflag:s30], $0x1400  }
0x296: {  	[sflag:s30] =	ssyncset.done $0x0  }
0x297: {  	s14 =	sadd.s32 $0x580, s14;
	[sflag:s30] =	ssyncadd.s32 $0xFFFFEC00  }
0x298: {  	[tilespmem:s17], [sflag:$0x6] =	stream.indirect.gather [hbm4b:s0+s7], $0x80, s14, s7, $0xb8;
	[tilespmem:$0x1F080] =	vst v63  }
0x299: {  	_ =	swait.ge [sflag:s18], $0x1400  }
0x29a: {  	[sflag:s18] =	ssyncset.done $0x0  }
0x29b: {  	[sflag:s18] =	ssyncadd.s32 $0xFFFFEC00  }
0x29c: {  	[spmem:s3] =	stream.indirect.scatter.add.f32 [tilespmem:s1], [sflag:$0x7], $0x80, s31, s7, $0xb8;
	[tilespmem:$0x1F080] =	vst v63  }
0x29d: {  	_ =	swait.ge [sflag:s19], $0x1400  }
0x29e: {  	[sflag:s19] =	ssyncset.done $0x0  }
0x29f: {  	[sflag:s19] =	ssyncadd.s32 $0xFFFFEC00  }
0x2a0: {  	[spmem:s3] =	stream.indirect.scatter.add.f32 [tilespmem:s9], [sflag:$0x8], $0x80, s6, s7, $0xb8;
	[tilespmem:$0x1F080] =	vst v63  }
0x2a1: {  	_ =	swait.ge [sflag:s20], $0x1400  }
0x2a2: {  	[sflag:s20] =	ssyncset.done $0x0  }
0x2a3: {  	[sflag:s20] =	ssyncadd.s32 $0xFFFFEC00  }
0x2a4: {  	[spmem:s3] =	stream.indirect.scatter.add.f32 [tilespmem:s11], [sflag:$0x9], $0x80, s8, s7, $0xb8;
	[tilespmem:$0x1F080] =	vst v63  }
0x2a5: {  	_ =	swait.ge [sflag:s21], $0x1400  }
0x2a6: {  	[sflag:s21] =	ssyncset.done $0x0  }
0x2a7: {  	[sflag:s21] =	ssyncadd.s32 $0xFFFFEC00  }
0x2a8: {  	[spmem:s3] =	stream.indirect.scatter.add.f32 [tilespmem:s13], [sflag:$0xA], $0x80, s10, s7, $0xb8;
	[tilespmem:$0x1F080] =	vst v63  }
0x2a9: {  	_ =	swait.ge [sflag:s22], $0x1400  }
0x2aa: {  	[sflag:s22] =	ssyncset.done $0x0  }
0x2ab: {  	s12 =	simm.s32 $0x3D00;
	[sflag:s22] =	ssyncadd.s32 $0xFFFFEC00  }
0x2ac: {  	[spmem:s3] =	stream.indirect.scatter.add.f32 [tilespmem:s15], [sflag:$0xB], $0x80, s12, s7, $0xb8;
	[tilespmem:$0x1F080] =	vst v63  }
0x2ad: {  	_ =	swait.ge [sflag:s23], $0x1400  }
0x2ae: {  	[sflag:s23] =	ssyncset.done $0x0  }
0x2af: {  	s14 =	simm.s32 $0x3D80;
	[sflag:s23] =	ssyncadd.s32 $0xFFFFEC00  }
0x2b0: {  	[spmem:s3] =	stream.indirect.scatter.add.f32 [tilespmem:s17], [sflag:$0xC], $0x80, s14, s7, $0xb8;
	[tilespmem:$0x1F080] =	vst v63  }
0x2b1: {  	_ =	swait.ge [sflag:s24], $0x1400  }
0x2b2: {  	[sflag:s24] =	ssyncset.done $0x0  }
0x2b3: {  	s16 =	simm.s32 $0x1E00;
	[sflag:s24] =	ssyncadd.s32 $0xFFFFEC00  }
0x2b4: {  	[tilespmem:s1], [sflag:$0x1] =	stream.indirect.gather [hbm4b:s0+s7], $0x80, s16, s7, $0xb8;
	[tilespmem:$0x1F080] =	vst v63  }
0x2b5: {  	_ =	swait.ge [sflag:s25], $0x1400  }
0x2b6: {  	[sflag:s25] =	ssyncset.done $0x0  }
0x2b7: {  	s14 =	simm.s32 $0x1E80;
	[sflag:s25] =	ssyncadd.s32 $0xFFFFEC00  }
0x2b8: {  	[tilespmem:s9], [sflag:$0x2] =	stream.indirect.gather [hbm4b:s0+s7], $0x80, s14, s7, $0xb8;
	[tilespmem:$0x1F080] =	vst v63  }
0x2b9: {  	_ =	swait.ge [sflag:s26], $0x1400  }
0x2ba: {  	[sflag:s26] =	ssyncset.done $0x0  }
0x2bb: {  	s16 =	simm.s32 $0x1F00;
	[sflag:s26] =	ssyncadd.s32 $0xFFFFEC00  }
0x2bc: {  	[tilespmem:s11], [sflag:$0x3] =	stream.indirect.gather [hbm4b:s0+s7], $0x80, s16, s7, $0xb8;
	[tilespmem:$0x1F080] =	vst v63  }
0x2bd: {  	_ =	swait.ge [sflag:s28], $0x1400  }
0x2be: {  	[sflag:s28] =	ssyncset.done $0x0  }
0x2bf: {  	s14 =	simm.s32 $0x1F80;
	[sflag:s28] =	ssyncadd.s32 $0xFFFFEC00  }
0x2c0: {  	[tilespmem:s13], [sflag:$0x4] =	stream.indirect.gather [hbm4b:s0+s7], $0x80, s14, s7, $0xb8;
	[tilespmem:$0x1F080] =	vst v63  }
0x2c1: {  	_ =	swait.ge [sflag:s29], $0x1400  }
0x2c2: {  	[sflag:s29] =	ssyncset.done $0x0  }
0x2c3: {  	[sflag:s29] =	ssyncadd.s32 $0xFFFFEC00  }
0x2c4: {  	_ =	swait.ge [sflag:s30], $0x1400  }
0x2c5: {  	[sflag:s30] =	ssyncset.done $0x0  }
0x2c6: {  	[sflag:s30] =	ssyncadd.s32 $0xFFFFEC00  }
0x2c7: {  	_ =	swait.ge [sflag:s18], $0x1400  }
0x2c8: {  	[sflag:s18] =	ssyncset.done $0x0  }
0x2c9: {  	s16 =	simm.s32 $0x3E00;
	[sflag:s18] =	ssyncadd.s32 $0xFFFFEC00  }
0x2ca: {  	[spmem:s3] =	stream.indirect.scatter.add.f32 [tilespmem:s1], [sflag:$0x7], $0x80, s16, s7, $0xb8;
	[tilespmem:$0x1F080] =	vst v63  }
0x2cb: {  	_ =	swait.ge [sflag:s24], $0x1400  }
0x2cc: {  	[sflag:s24] =	ssyncset.done $0x0  }
0x2cd: {  	[sflag:s24] =	ssyncadd.s32 $0xFFFFEC00  }
0x2ce: {  	_ =	swait.ge [sflag:s19], $0x1400  }
0x2cf: {  	[sflag:s19] =	ssyncset.done $0x0  }
0x2d0: {  	s14 =	simm.s32 $0x3E80;
	[sflag:s19] =	ssyncadd.s32 $0xFFFFEC00  }
0x2d1: {  	[spmem:s3] =	stream.indirect.scatter.add.f32 [tilespmem:s9], [sflag:$0x8], $0x80, s14, s7, $0xb8;
	[tilespmem:$0x1F080] =	vst v63  }
0x2d2: {  	_ =	swait.ge [sflag:s25], $0x1400  }
0x2d3: {  	[sflag:s25] =	ssyncset.done $0x0  }
0x2d4: {  	[sflag:s25] =	ssyncadd.s32 $0xFFFFEC00  }
0x2d5: {  	_ =	swait.ge [sflag:s20], $0x1400  }
0x2d6: {  	[sflag:s20] =	ssyncset.done $0x0  }
0x2d7: {  	s16 =	simm.s32 $0x3F00;
	[sflag:s20] =	ssyncadd.s32 $0xFFFFEC00  }
0x2d8: {  	[spmem:s3] =	stream.indirect.scatter.add.f32 [tilespmem:s11], [sflag:$0x9], $0x80, s16, s7, $0xb8;
	[tilespmem:$0x1F080] =	vst v63  }
0x2d9: {  	_ =	swait.ge [sflag:s26], $0x1400  }
0x2da: {  	[sflag:s26] =	ssyncset.done $0x0  }
0x2db: {  	[sflag:s26] =	ssyncadd.s32 $0xFFFFEC00  }
0x2dc: {  	_ =	swait.ge [sflag:s21], $0x1400  }
0x2dd: {  	[sflag:s21] =	ssyncset.done $0x0  }
0x2de: {  	s14 =	simm.s32 $0x3F80;
	[sflag:s21] =	ssyncadd.s32 $0xFFFFEC00  }
0x2df: {  	[spmem:s3] =	stream.indirect.scatter.add.f32 [tilespmem:s13], [sflag:$0xA], $0x80, s14, s7, $0xb8;
	[tilespmem:$0x1F080] =	vst v63  }
0x2e0: {  	_ =	swait.ge [sflag:s28], $0x1400  }
0x2e1: {  	[sflag:s28] =	ssyncset.done $0x0  }
0x2e2: {  	s12 =	simm.s32 $0x0;
	s16 =	rddreg [dreg:$0xb];
	[sflag:s28] =	ssyncadd.s32 $0xFFFFEC00  }
0x2e3: {  	[tilespmem:s12], [sflag:$0xD] =	stream.linear.gather [hbm4b:s16+s12], $0x1D00, $0x38;
	[tilespmem:$0x1F080] =	vst v63  }
0x2e4: {  	_ =	swait.ge [sflag:s2], $0x1D00  }
0x2e5: {  	[sflag:s2] =	ssyncset.done $0x0  }
0x2e6: {  	s16 =	simm.s32 $0x2000;
	s14 =	rddreg [dreg:$0xc];
	[sflag:s2] =	ssyncadd.s32 $0xFFFFE300  }
0x2e7: {  	[tilespmem:s16], [sflag:$0xD] =	stream.linear.gather [hbm4b:s14+s12], $0x1D00, $0x38;
	[tilespmem:$0x1F080] =	vst v63  }
0x2e8: {  	_ =	swait.ge [sflag:s2], $0x1D00  }
0x2e9: {  	[sflag:s2] =	ssyncset.done $0x0  }
0x2ea: {  	[sflag:s2] =	ssyncadd.s32 $0xFFFFE300  }
0x2eb: {  	[tilespmem:s1], [sflag:$0x1] =	stream.indirect.gather [hbm4b:s0+s7], $0x80, s12, s7, $0xb8;
	[tilespmem:$0x1F080] =	vst v63  }
0x2ec: {  	s14 =	simm.s32 $0x80  }
0x2ed: {  	[tilespmem:s9], [sflag:$0x2] =	stream.indirect.gather [hbm4b:s0+s7], $0x80, s14, s7, $0xb8;
	[tilespmem:$0x1F080] =	vst v63  }
0x2ee: {  	s16 =	simm.s32 $0x100  }
0x2ef: {  	[tilespmem:s11], [sflag:$0x3] =	stream.indirect.gather [hbm4b:s0+s7], $0x80, s16, s7, $0xb8;
	[tilespmem:$0x1F080] =	vst v63  }
0x2f0: {  	s14 =	simm.s32 $0x180  }
0x2f1: {  	[tilespmem:s13], [sflag:$0x4] =	stream.indirect.gather [hbm4b:s0+s7], $0x80, s14, s7, $0xb8;
	[tilespmem:$0x1F080] =	vst v63  }
0x2f2: {  	s16 =	simm.s32 $0x200  }
0x2f3: {  	[tilespmem:s15], [sflag:$0x5] =	stream.indirect.gather [hbm4b:s0+s7], $0x80, s16, s7, $0xb8;
	[tilespmem:$0x1F080] =	vst v63  }
0x2f4: {  	s14 =	simm.s32 $0x280  }
0x2f5: {  	[tilespmem:s17], [sflag:$0x6] =	stream.indirect.gather [hbm4b:s0+s7], $0x80, s14, s7, $0xb8;
	[tilespmem:$0x1F080] =	vst v63  }
0x2f6: {  	_ =	swait.ge [sflag:s18], $0x1400  }
0x2f7: {  	[sflag:s18] =	ssyncset.done $0x0  }
0x2f8: {  	s16 =	simm.s32 $0x2000;
	[sflag:s18] =	ssyncadd.s32 $0xFFFFEC00  }
0x2f9: {  	[spmem:s3] =	stream.indirect.scatter.add.f32 [tilespmem:s1], [sflag:$0x7], $0x80, s16, s7, $0xb8;
	[tilespmem:$0x1F080] =	vst v63  }
0x2fa: {  	_ =	swait.ge [sflag:s19], $0x1400  }
0x2fb: {  	[sflag:s19] =	ssyncset.done $0x0  }
0x2fc: {  	s14 =	simm.s32 $0x2080;
	[sflag:s19] =	ssyncadd.s32 $0xFFFFEC00  }
0x2fd: {  	[spmem:s3] =	stream.indirect.scatter.add.f32 [tilespmem:s9], [sflag:$0x8], $0x80, s14, s7, $0xb8;
	[tilespmem:$0x1F080] =	vst v63  }
0x2fe: {  	_ =	swait.ge [sflag:s20], $0x1400  }
0x2ff: {  	[sflag:s20] =	ssyncset.done $0x0  }
0x300: {  	s16 =	simm.s32 $0x2100;
	[sflag:s20] =	ssyncadd.s32 $0xFFFFEC00  }
0x301: {  	[spmem:s3] =	stream.indirect.scatter.add.f32 [tilespmem:s11], [sflag:$0x9], $0x80, s16, s7, $0xb8;
	[tilespmem:$0x1F080] =	vst v63  }
0x302: {  	_ =	swait.ge [sflag:s21], $0x1400  }
0x303: {  	[sflag:s21] =	ssyncset.done $0x0  }
0x304: {  	s14 =	simm.s32 $0x2180;
	[sflag:s21] =	ssyncadd.s32 $0xFFFFEC00  }
0x305: {  	[spmem:s3] =	stream.indirect.scatter.add.f32 [tilespmem:s13], [sflag:$0xA], $0x80, s14, s7, $0xb8;
	[tilespmem:$0x1F080] =	vst v63  }
0x306: {  	_ =	swait.ge [sflag:s22], $0x1400  }
0x307: {  	[sflag:s22] =	ssyncset.done $0x0  }
0x308: {  	s16 =	simm.s32 $0x2200;
	[sflag:s22] =	ssyncadd.s32 $0xFFFFEC00  }
0x309: {  	[spmem:s3] =	stream.indirect.scatter.add.f32 [tilespmem:s15], [sflag:$0xB], $0x80, s16, s7, $0xb8;
	[tilespmem:$0x1F080] =	vst v63  }
0x30a: {  	_ =	swait.ge [sflag:s23], $0x1400  }
0x30b: {  	[sflag:s23] =	ssyncset.done $0x0  }
0x30c: {  	s14 =	simm.s32 $0x2280;
	[sflag:s23] =	ssyncadd.s32 $0xFFFFEC00  }
0x30d: {  	[spmem:s3] =	stream.indirect.scatter.add.f32 [tilespmem:s17], [sflag:$0xC], $0x80, s14, s7, $0xb8;
	[tilespmem:$0x1F080] =	vst v63  }
0x30e: {  	_ =	swait.ge [sflag:s24], $0x1400  }
0x30f: {  	[sflag:s24] =	ssyncset.done $0x0  }
0x310: {  	s16 =	simm.s32 $0x300;
	[sflag:s24] =	ssyncadd.s32 $0xFFFFEC00  }
0x311: {  	[tilespmem:s1], [sflag:$0x1] =	stream.indirect.gather [hbm4b:s0+s7], $0x80, s16, s7, $0xb8;
	[tilespmem:$0x1F080] =	vst v63  }
0x312: {  	_ =	swait.ge [sflag:s25], $0x1400  }
0x313: {  	[sflag:s25] =	ssyncset.done $0x0  }
0x314: {  	s14 =	simm.s32 $0x380;
	[sflag:s25] =	ssyncadd.s32 $0xFFFFEC00  }
0x315: {  	[tilespmem:s9], [sflag:$0x2] =	stream.indirect.gather [hbm4b:s0+s7], $0x80, s14, s7, $0xb8;
	[tilespmem:$0x1F080] =	vst v63  }
0x316: {  	_ =	swait.ge [sflag:s26], $0x1400  }
0x317: {  	[sflag:s26] =	ssyncset.done $0x0  }
0x318: {  	s16 =	simm.s32 $0x400;
	[sflag:s26] =	ssyncadd.s32 $0xFFFFEC00  }
0x319: {  	[tilespmem:s11], [sflag:$0x3] =	stream.indirect.gather [hbm4b:s0+s7], $0x80, s16, s7, $0xb8;
	[tilespmem:$0x1F080] =	vst v63  }
0x31a: {  	_ =	swait.ge [sflag:s28], $0x1400  }
0x31b: {  	[sflag:s28] =	ssyncset.done $0x0  }
0x31c: {  	s14 =	simm.s32 $0x480;
	[sflag:s28] =	ssyncadd.s32 $0xFFFFEC00  }
0x31d: {  	[tilespmem:s13], [sflag:$0x4] =	stream.indirect.gather [hbm4b:s0+s7], $0x80, s14, s7, $0xb8;
	[tilespmem:$0x1F080] =	vst v63  }
0x31e: {  	_ =	swait.ge [sflag:s29], $0x1400  }
0x31f: {  	[sflag:s29] =	ssyncset.done $0x0  }
0x320: {  	s16 =	simm.s32 $0x500;
	[sflag:s29] =	ssyncadd.s32 $0xFFFFEC00  }
0x321: {  	[tilespmem:s15], [sflag:$0x5] =	stream.indirect.gather [hbm4b:s0+s7], $0x80, s16, s7, $0xb8;
	[tilespmem:$0x1F080] =	vst v63  }
0x322: {  	_ =	swait.ge [sflag:s30], $0x1400  }
0x323: {  	[sflag:s30] =	ssyncset.done $0x0  }
0x324: {  	s12 =	simm.s32 $0xC00;
	s14 =	simm.s32 $0x580;
	[sflag:s30] =	ssyncadd.s32 $0xFFFFEC00  }
.LBB2_10:
0x325: {  	[tilespmem:s17], [sflag:$0x6] =	stream.indirect.gather [hbm4b:s0+s7], $0x80, s14, s7, $0xb8;
	[tilespmem:$0x1F080] =	vst v63  }
0x326: {  	s14 =	smov.u32 s12  }
0x327: {  	p0 =	sne.s32 s12, $0x5400;
	s12 =	sadd.s32 $0xC00, s12;
	_ =	swait.ge [sflag:s18], $0x1400  }
0x328: {  	s14 =	sshra.s32 s14, $0x2;
	[sflag:s18] =	ssyncset.done $0x0  }
0x329: {  	s16 =	sadd.s32 $0x2000, s14;
	[sflag:s18] =	ssyncadd.s32 $0xFFFFEC00  }
0x32a: {  	[spmem:s3] =	stream.indirect.scatter.add.f32 [tilespmem:s1], [sflag:$0x7], $0x80, s16, s7, $0xb8;
	[tilespmem:$0x1F080] =	vst v63  }
0x32b: {  	_ =	swait.ge [sflag:s19], $0x1400  }
0x32c: {  	[sflag:s19] =	ssyncset.done $0x0  }
0x32d: {  	s16 =	sadd.s32 $0x2080, s14;
	[sflag:s19] =	ssyncadd.s32 $0xFFFFEC00  }
0x32e: {  	[spmem:s3] =	stream.indirect.scatter.add.f32 [tilespmem:s9], [sflag:$0x8], $0x80, s16, s7, $0xb8;
	[tilespmem:$0x1F080] =	vst v63  }
0x32f: {  	_ =	swait.ge [sflag:s20], $0x1400  }
0x330: {  	[sflag:s20] =	ssyncset.done $0x0  }
0x331: {  	s16 =	sadd.s32 $0x2100, s14;
	[sflag:s20] =	ssyncadd.s32 $0xFFFFEC00  }
0x332: {  	[spmem:s3] =	stream.indirect.scatter.add.f32 [tilespmem:s11], [sflag:$0x9], $0x80, s16, s7, $0xb8;
	[tilespmem:$0x1F080] =	vst v63  }
0x333: {  	_ =	swait.ge [sflag:s21], $0x1400  }
0x334: {  	[sflag:s21] =	ssyncset.done $0x0  }
0x335: {  	s16 =	sadd.s32 $0x2180, s14;
	[sflag:s21] =	ssyncadd.s32 $0xFFFFEC00  }
0x336: {  	[spmem:s3] =	stream.indirect.scatter.add.f32 [tilespmem:s13], [sflag:$0xA], $0x80, s16, s7, $0xb8;
	[tilespmem:$0x1F080] =	vst v63  }
0x337: {  	_ =	swait.ge [sflag:s22], $0x1400  }
0x338: {  	[sflag:s22] =	ssyncset.done $0x0  }
0x339: {  	s16 =	sadd.s32 $0x2200, s14;
	[sflag:s22] =	ssyncadd.s32 $0xFFFFEC00  }
0x33a: {  	[spmem:s3] =	stream.indirect.scatter.add.f32 [tilespmem:s15], [sflag:$0xB], $0x80, s16, s7, $0xb8;
	[tilespmem:$0x1F080] =	vst v63  }
0x33b: {  	_ =	swait.ge [sflag:s23], $0x1400  }
0x33c: {  	[sflag:s23] =	ssyncset.done $0x0  }
0x33d: {  	s16 =	sadd.s32 $0x2280, s14;
	[sflag:s23] =	ssyncadd.s32 $0xFFFFEC00  }
0x33e: {  	[spmem:s3] =	stream.indirect.scatter.add.f32 [tilespmem:s17], [sflag:$0xC], $0x80, s16, s7, $0xb8;
	[tilespmem:$0x1F080] =	vst v63  }
0x33f: {  	_ =	swait.ge [sflag:s24], $0x1400  }
0x340: {  	[sflag:s24] =	ssyncset.done $0x0  }
0x341: {  	s16 =	sadd.s32 $0x300, s14;
	[sflag:s24] =	ssyncadd.s32 $0xFFFFEC00  }
0x342: {  	[tilespmem:s1], [sflag:$0x1] =	stream.indirect.gather [hbm4b:s0+s7], $0x80, s16, s7, $0xb8;
	[tilespmem:$0x1F080] =	vst v63  }
0x343: {  	_ =	swait.ge [sflag:s25], $0x1400  }
0x344: {  	[sflag:s25] =	ssyncset.done $0x0  }
0x345: {  	s16 =	sadd.s32 $0x380, s14;
	[sflag:s25] =	ssyncadd.s32 $0xFFFFEC00  }
0x346: {  	[tilespmem:s9], [sflag:$0x2] =	stream.indirect.gather [hbm4b:s0+s7], $0x80, s16, s7, $0xb8;
	[tilespmem:$0x1F080] =	vst v63  }
0x347: {  	_ =	swait.ge [sflag:s26], $0x1400  }
0x348: {  	[sflag:s26] =	ssyncset.done $0x0  }
0x349: {  	s16 =	sadd.s32 $0x400, s14;
	[sflag:s26] =	ssyncadd.s32 $0xFFFFEC00  }
0x34a: {  	[tilespmem:s11], [sflag:$0x3] =	stream.indirect.gather [hbm4b:s0+s7], $0x80, s16, s7, $0xb8;
	[tilespmem:$0x1F080] =	vst v63  }
0x34b: {  	_ =	swait.ge [sflag:s28], $0x1400  }
0x34c: {  	[sflag:s28] =	ssyncset.done $0x0  }
0x34d: {  	s16 =	sadd.s32 $0x480, s14;
	[sflag:s28] =	ssyncadd.s32 $0xFFFFEC00  }
0x34e: {  	[tilespmem:s13], [sflag:$0x4] =	stream.indirect.gather [hbm4b:s0+s7], $0x80, s16, s7, $0xb8;
	[tilespmem:$0x1F080] =	vst v63  }
0x34f: {  	_ =	swait.ge [sflag:s29], $0x1400  }
0x350: {  	[sflag:s29] =	ssyncset.done $0x0  }
.Ltmp4:
0x351: {  	s16 =	sadd.s32 $0x500, s14;
	[sflag:s29] =	ssyncadd.s32 $0xFFFFEC00;
	(pc) =	sbr.rel @p0 .LBB2_10-.Ltmp4, $4  }
0x352: {  	[tilespmem:s15], [sflag:$0x5] =	stream.indirect.gather [hbm4b:s0+s7], $0x80, s16, s7, $0xb8;
	[tilespmem:$0x1F080] =	vst v63  }
0x353: {  	_ =	swait.ge [sflag:s30], $0x1400  }
0x354: {  	[sflag:s30] =	ssyncset.done $0x0  }
0x355: {  	s14 =	sadd.s32 $0x580, s14;
	[sflag:s30] =	ssyncadd.s32 $0xFFFFEC00  }
0x356: {  	[tilespmem:s17], [sflag:$0x6] =	stream.indirect.gather [hbm4b:s0+s7], $0x80, s14, s7, $0xb8;
	[tilespmem:$0x1F080] =	vst v63  }
0x357: {  	_ =	swait.ge [sflag:s18], $0x1400  }
0x358: {  	[sflag:s18] =	ssyncset.done $0x0  }
0x359: {  	s12 =	simm.s32 $0x3800;
	[sflag:s18] =	ssyncadd.s32 $0xFFFFEC00  }
0x35a: {  	[spmem:s3] =	stream.indirect.scatter.add.f32 [tilespmem:s1], [sflag:$0x7], $0x80, s12, s7, $0xb8;
	[tilespmem:$0x1F080] =	vst v63  }
0x35b: {  	_ =	swait.ge [sflag:s19], $0x1400  }
0x35c: {  	[sflag:s19] =	ssyncset.done $0x0  }
0x35d: {  	s16 =	simm.s32 $0x3880;
	[sflag:s19] =	ssyncadd.s32 $0xFFFFEC00  }
0x35e: {  	[spmem:s3] =	stream.indirect.scatter.add.f32 [tilespmem:s9], [sflag:$0x8], $0x80, s16, s7, $0xb8;
	[tilespmem:$0x1F080] =	vst v63  }
0x35f: {  	_ =	swait.ge [sflag:s20], $0x1400  }
0x360: {  	[sflag:s20] =	ssyncset.done $0x0  }
0x361: {  	s14 =	simm.s32 $0x3900;
	[sflag:s20] =	ssyncadd.s32 $0xFFFFEC00  }
0x362: {  	[spmem:s3] =	stream.indirect.scatter.add.f32 [tilespmem:s11], [sflag:$0x9], $0x80, s14, s7, $0xb8;
	[tilespmem:$0x1F080] =	vst v63  }
0x363: {  	_ =	swait.ge [sflag:s21], $0x1400  }
0x364: {  	[sflag:s21] =	ssyncset.done $0x0  }
0x365: {  	s16 =	simm.s32 $0x3980;
	[sflag:s21] =	ssyncadd.s32 $0xFFFFEC00  }
0x366: {  	[spmem:s3] =	stream.indirect.scatter.add.f32 [tilespmem:s13], [sflag:$0xA], $0x80, s16, s7, $0xb8;
	[tilespmem:$0x1F080] =	vst v63  }
0x367: {  	_ =	swait.ge [sflag:s22], $0x1400  }
0x368: {  	[sflag:s22] =	ssyncset.done $0x0  }
0x369: {  	s14 =	simm.s32 $0x3A00;
	[sflag:s22] =	ssyncadd.s32 $0xFFFFEC00  }
0x36a: {  	[spmem:s3] =	stream.indirect.scatter.add.f32 [tilespmem:s15], [sflag:$0xB], $0x80, s14, s7, $0xb8;
	[tilespmem:$0x1F080] =	vst v63  }
0x36b: {  	_ =	swait.ge [sflag:s23], $0x1400  }
0x36c: {  	[sflag:s23] =	ssyncset.done $0x0  }
0x36d: {  	s16 =	simm.s32 $0x3A80;
	[sflag:s23] =	ssyncadd.s32 $0xFFFFEC00  }
0x36e: {  	[spmem:s3] =	stream.indirect.scatter.add.f32 [tilespmem:s17], [sflag:$0xC], $0x80, s16, s7, $0xb8;
	[tilespmem:$0x1F080] =	vst v63  }
0x36f: {  	_ =	swait.ge [sflag:s24], $0x1400  }
0x370: {  	[sflag:s24] =	ssyncset.done $0x0  }
0x371: {  	s14 =	simm.s32 $0x1B00;
	[sflag:s24] =	ssyncadd.s32 $0xFFFFEC00  }
0x372: {  	[tilespmem:s1], [sflag:$0x1] =	stream.indirect.gather [hbm4b:s0+s7], $0x80, s14, s7, $0xb8;
	[tilespmem:$0x1F080] =	vst v63  }
0x373: {  	_ =	swait.ge [sflag:s25], $0x1400  }
0x374: {  	[sflag:s25] =	ssyncset.done $0x0  }
0x375: {  	s16 =	simm.s32 $0x1B80;
	[sflag:s25] =	ssyncadd.s32 $0xFFFFEC00  }
0x376: {  	[tilespmem:s9], [sflag:$0x2] =	stream.indirect.gather [hbm4b:s0+s7], $0x80, s16, s7, $0xb8;
	[tilespmem:$0x1F080] =	vst v63  }
0x377: {  	_ =	swait.ge [sflag:s26], $0x1400  }
0x378: {  	[sflag:s26] =	ssyncset.done $0x0  }
0x379: {  	s14 =	simm.s32 $0x1C00;
	[sflag:s26] =	ssyncadd.s32 $0xFFFFEC00  }
0x37a: {  	[tilespmem:s11], [sflag:$0x3] =	stream.indirect.gather [hbm4b:s0+s7], $0x80, s14, s7, $0xb8;
	[tilespmem:$0x1F080] =	vst v63  }
0x37b: {  	_ =	swait.ge [sflag:s28], $0x1400  }
0x37c: {  	[sflag:s28] =	ssyncset.done $0x0  }
0x37d: {  	s16 =	simm.s32 $0x1C80;
	[sflag:s28] =	ssyncadd.s32 $0xFFFFEC00  }
0x37e: {  	[tilespmem:s13], [sflag:$0x4] =	stream.indirect.gather [hbm4b:s0+s7], $0x80, s16, s7, $0xb8;
	[tilespmem:$0x1F080] =	vst v63  }
0x37f: {  	_ =	swait.ge [sflag:s29], $0x1400  }
0x380: {  	[sflag:s29] =	ssyncset.done $0x0  }
0x381: {  	[sflag:s29] =	ssyncadd.s32 $0xFFFFEC00  }
0x382: {  	_ =	swait.ge [sflag:s30], $0x1400  }
0x383: {  	[sflag:s30] =	ssyncset.done $0x0  }
0x384: {  	[sflag:s30] =	ssyncadd.s32 $0xFFFFEC00  }
0x385: {  	_ =	swait.ge [sflag:s18], $0x1400  }
0x386: {  	[sflag:s18] =	ssyncset.done $0x0  }
0x387: {  	[sflag:s18] =	ssyncadd.s32 $0xFFFFEC00  }
0x388: {  	[spmem:s3] =	stream.indirect.scatter.add.f32 [tilespmem:s1], [sflag:$0x7], $0x80, s31, s7, $0xb8;
	[tilespmem:$0x1F080] =	vst v63  }
0x389: {  	_ =	swait.ge [sflag:s24], $0x1400  }
0x38a: {  	[sflag:s24] =	ssyncset.done $0x0  }
0x38b: {  	[sflag:s24] =	ssyncadd.s32 $0xFFFFEC00  }
0x38c: {  	_ =	swait.ge [sflag:s19], $0x1400  }
0x38d: {  	[sflag:s19] =	ssyncset.done $0x0  }
0x38e: {  	[sflag:s19] =	ssyncadd.s32 $0xFFFFEC00  }
0x38f: {  	[spmem:s3] =	stream.indirect.scatter.add.f32 [tilespmem:s9], [sflag:$0x8], $0x80, s6, s7, $0xb8;
	[tilespmem:$0x1F080] =	vst v63  }
0x390: {  	_ =	swait.ge [sflag:s25], $0x1400  }
0x391: {  	[sflag:s25] =	ssyncset.done $0x0  }
0x392: {  	[sflag:s25] =	ssyncadd.s32 $0xFFFFEC00  }
0x393: {  	_ =	swait.ge [sflag:s20], $0x1400  }
0x394: {  	[sflag:s20] =	ssyncset.done $0x0  }
0x395: {  	[sflag:s20] =	ssyncadd.s32 $0xFFFFEC00  }
0x396: {  	[spmem:s3] =	stream.indirect.scatter.add.f32 [tilespmem:s11], [sflag:$0x9], $0x80, s8, s7, $0xb8;
	[tilespmem:$0x1F080] =	vst v63  }
0x397: {  	_ =	swait.ge [sflag:s26], $0x1400  }
0x398: {  	[sflag:s26] =	ssyncset.done $0x0  }
0x399: {  	[sflag:s26] =	ssyncadd.s32 $0xFFFFEC00  }
0x39a: {  	_ =	swait.ge [sflag:s21], $0x1400  }
0x39b: {  	[sflag:s21] =	ssyncset.done $0x0  }
0x39c: {  	[sflag:s21] =	ssyncadd.s32 $0xFFFFEC00  }
0x39d: {  	[spmem:s3] =	stream.indirect.scatter.add.f32 [tilespmem:s13], [sflag:$0xA], $0x80, s10, s7, $0xb8;
	[tilespmem:$0x1F080] =	vst v63  }
0x39e: {  	_ =	swait.ge [sflag:s28], $0x1400  }
0x39f: {  	[sflag:s28] =	ssyncset.done $0x0  }
0x3a0: {  	s14 =	stileid.u32;
	[sflag:s28] =	ssyncadd.s32 $0xFFFFEC00  }
0x3a1: {  	s12 =	sshll.u32 s14, $0x6;
	[bflag:$0x0] =	sbarrier.arrive $0xFFFF  }
0x3a2: {  	s14 =	sshrl.u32 s5, $0x3;
	s12 =	sor.u32 $0x1C0D, s12;
	s16 =	rddreg [dreg:$0xd]  }
0x3a3: {  	[hbm:s16], [sflag:s12] =	dma.local [spmem:s14], $0x2710  }
0x3a4: {  	_ =	swait.ge [sflag:s2], $0x2710  }
0x3a5: {  	s4 =	sadd.s32 $0x1, s4;
	s16 =	rddreg [dreg:$0xe]  }
0x3a6: {  	p0 =	sne.s32 s4, s16  }
.Ltmp5:
0x3a7: {  	_ = 	snop;
	(pc) =	sbr.rel @p0 .LBB2_1-.Ltmp5, $3  }
0x3a8: {  	_ =	sdelay $0x1  }
0x3a9: {  	[sflag:s2] =	ssyncset.done $0x0  }
0x3aa: {  	[sflag:s2] =	ssyncadd.s32 $0xFFFFD8F0  }
0x3ab: {  	_ =	sfence.sel $0x180000  }
0x3ac: {  	[bflag:$0x0] =	sbarrier.arrive $0xFFFF  }
0x3ad: {  	_ =	strace $0x9000004A  }
0x3ae: {  	s0 =	stileid.u32;
	[bflag:$0x2] =	sbarrier.arrive $0xFFFF  }
0x3af: {  	p0 =	sne.s32 s0, $0x0;
	s0 =	rddreg [dreg:$0x3]  }
0x3b0: {  	s0 =	sadd.s32 @!p0 $0x100000, s0  }
0x3b1: {  	[sflag:s0] =	ssyncadd.tile.s32 @!p0 $0x1;
	_ =	shalt  }
.Lfunc_end2:
_tile_overlayer_lowered:
.L_overlay_start_2:
0x3b2: {  	(tag) =	ssettag $0x2  }
0x3b3: {  	s0 =	rddreg [dreg:$0x0];
	s2 =	stileid.u32  }
0x3b4: {  	s1 =	rddreg [dreg:$0x1];
	p0 =	sne.s32 s2, $0x0  }
0x3b5: {  	s3 =	rddreg [dreg:$0x2];
	[bflag:$0x3] =	sbarrier.arrive $0xFFFF;
	s2 =	simm.s32 @!p0 $0x1C0D  }
0x3b6: {  	[timem:s3], [sflag:s2] =	dma.local @!p0 [hbm:s0], s1  }
0x3b7: {  	s0 =	simm.s32 @!p0 $0xD  }
0x3b8: {  	_ =	swait.ge @!p0 [sflag:s0], s1  }
0x3b9: {  	s1 =	ssub.s32 @!p0 $0x0, s1;
	[sflag:s0] =	ssyncset.done @!p0 $0x0  }
0x3ba: {  	[sflag:s0] =	ssyncadd.s32 @!p0 s1  }
0x3bb: {  	[bflag:$0x3] =	sbarrier.arrive $0xFFFF  }
0x3bc: {  	_ =	shalt  }

</sc_bundles>
